<compile_context>
chip_gen: v7x
topology: tpu7x:2x2x1
jax: 0.10.2.dev20260603
libtpu: 0.0.44.dev20260713+nightly
codegen_flags: <defaults>
</compile_context>

<pallas_src>
import dataclasses
import functools

import jax
import jax.numpy as jnp
from jax import lax
from jax.experimental import pallas as pl
from jax.experimental.pallas import tpu as pltpu
from jax.experimental.pallas import tpu_sc as plsc

N_NODES = 100000
N_DIH = 3200000
N_TYPES = 26
N_GRAPHS = 64
N_DEGS = 3
R_TAB = N_TYPES ** 4

NC, NS, L = 2, 16, 16
NW = NC * NS
W_PER_TILE = N_DIH // NW
B = 800
N_CHUNKS = W_PER_TILE // B
NV = B // L

PREP_CB = 8192
R_PAD = 458752


def _prep_body(th_ref, k_ref, kc_ref, ks_ref, ksum_ref):
    th = th_ref[...]
    k = k_ref[...]
    kc_ref[...] = k * jnp.cos(th)
    ks_ref[...] = k * jnp.sin(th)
    ksum_ref[...] = jnp.sum(k, axis=0, keepdims=True)


_prep = pl.pallas_call(
    _prep_body,
    grid=(R_PAD // PREP_CB,),
    in_specs=[
        pl.BlockSpec((N_DEGS, PREP_CB), lambda i: (0, i)),
        pl.BlockSpec((N_DEGS, PREP_CB), lambda i: (0, i)),
    ],
    out_specs=[
        pl.BlockSpec((N_DEGS, PREP_CB), lambda i: (0, i)),
        pl.BlockSpec((N_DEGS, PREP_CB), lambda i: (0, i)),
        pl.BlockSpec((1, PREP_CB), lambda i: (0, i)),
    ],
    out_shape=[
        jax.ShapeDtypeStruct((N_DEGS, R_PAD), jnp.float32),
        jax.ShapeDtypeStruct((N_DEGS, R_PAD), jnp.float32),
        jax.ShapeDtypeStruct((1, R_PAD), jnp.float32),
    ],
)


def _final_body(p_ref, o_ref):
    o_ref[...] = jnp.sum(p_ref[...], axis=0, keepdims=True)


_final = pl.pallas_call(
    _final_body,
    out_shape=jax.ShapeDtypeStruct((1, N_GRAPHS), jnp.float32),
)


def _rsqrt(x):
    i = plsc.bitcast(x, jnp.int32)
    i = jnp.int32(0x5F3759DF) - (i >> 1)
    y = plsc.bitcast(i, jnp.float32)
    hx = x * jnp.float32(0.5)
    for _ in range(3):
        y = y * (jnp.float32(1.5) - hx * y * y)
    return y


def _splat_i32(val):
    return jnp.full((L,), val, jnp.int32)


def _sc_body(m0, m1, m2, m3, mb, nodes, ptab, out,
             ia, gba, fxa, nba,
             ib, gbb, fxb, nbb,
             pbuf, acc, spn, sem_lin, sem_nod, sem_par):
    cid = lax.axis_index("c")
    sid = lax.axis_index("s")
    wid = sid * NC + cid
    base0 = wid * W_PER_TILE

    ring_a = dict(idx=ia, gb=gba, fx=fxa, nb=nba)
    ring_b = dict(idx=ib, gb=gbb, fx=fxb, nb=nbb)
    cols = [_splat_i32(v) for v in range(8)]

    @pl.when(sid == 0)
    def _stage():
        pltpu.sync_copy(nodes, spn)

    plsc.subcore_barrier()

    for r in range(L):
        for cb in range(N_GRAPHS // L):
            acc[r, pl.ds(cb * L, L)] = jnp.zeros((L,), jnp.float32)

    lane = lax.iota(jnp.int32, L)


    def fire_linear(ci, ring):
        base = base0 + ci * B
        for d, src in enumerate((m0, m1, m2, m3)):
            pltpu.async_copy(src.at[pl.ds(base, B)],
                             ring["idx"].at[pl.ds(d * B, B)], sem_lin)
        pltpu.async_copy(mb.at[pl.ds(base, B)], ring["gb"], sem_lin)

    def wait_linear(ring):
        for d, src in enumerate((m0, m1, m2, m3)):
            pltpu.make_async_copy(src.at[pl.ds(0, B)],
                                  ring["idx"].at[pl.ds(d * B, B)],
                                  sem_lin).wait()
        pltpu.make_async_copy(mb.at[pl.ds(0, B)], ring["gb"], sem_lin).wait()

    def fire_nodes(ring):
        pltpu.async_copy(spn.at[ring["idx"]], ring["nb"], sem_nod)

    def wait_nodes(ring):
        pltpu.make_async_copy(spn.at[pl.ds(0, 4 * B)], ring["nb"],
                              sem_nod).wait()

    def pass1(ring):
        nb = ring["nb"]
        fidx = ring["fx"]

        @pl.loop(0, NV)
        def _p1(v):
            rows = lane + v * L
            t0 = plsc.load_gather(nb, [rows, cols[3]])
            t1 = plsc.load_gather(nb, [rows + B, cols[3]])
            t2 = plsc.load_gather(nb, [rows + 2 * B, cols[3]])
            t3 = plsc.load_gather(nb, [rows + 3 * B, cols[3]])
            f = ((t0 * jnp.float32(N_TYPES) + t1) * jnp.float32(N_TYPES)
                 + t2) * jnp.float32(N_TYPES) + t3
            f = jnp.minimum(jnp.maximum(f, jnp.float32(0.0)),
                            jnp.float32(R_TAB - 1))
            fidx[pl.ds(v * L, L)] = f.astype(jnp.int32)

    def pass2(ring, v0, nv):
        nb = ring["nb"]
        gbuf = ring["gb"]

        @pl.loop(v0, v0 + nv)
        def _p2(v):
            rows = lane + v * L
            r1 = rows + B
            r2 = rows + 2 * B
            r3 = rows + 3 * B
            p0x = plsc.load_gather(nb, [rows, cols[0]])
            p0y = plsc.load_gather(nb, [rows, cols[1]])
            p0z = plsc.load_gather(nb, [rows, cols[2]])
            p1x = plsc.load_gather(nb, [r1, cols[0]])
            p1y = plsc.load_gather(nb, [r1, cols[1]])
            p1z = plsc.load_gather(nb, [r1, cols[2]])
            p2x = plsc.load_gather(nb, [r2, cols[0]])
            p2y = plsc.load_gather(nb, [r2, cols[1]])
            p2z = plsc.load_gather(nb, [r2, cols[2]])
            p3x = plsc.load_gather(nb, [r3, cols[0]])
            p3y = plsc.load_gather(nb, [r3, cols[1]])
            p3z = plsc.load_gather(nb, [r3, cols[2]])

            b1x, b1y, b1z = p1x - p0x, p1y - p0y, p1z - p0z
            b2x, b2y, b2z = p2x - p1x, p2y - p1y, p2z - p1z
            b3x, b3y, b3z = p3x - p2x, p3y - p2y, p3z - p2z

            n1x = b1y * b2z - b1z * b2y
            n1y = b1z * b2x - b1x * b2z
            n1z = b1x * b2y - b1y * b2x
            n2x = b2y * b3z - b2z * b3y
            n2y = b2z * b3x - b2x * b3z
            n2z = b2x * b3y - b2y * b3x
            mx = n1y * b2z - n1z * b2y
            my = n1z * b2x - n1x * b2z
            mz = n1x * b2y - n1y * b2x

            x = n1x * n2x + n1y * n2y + n1z * n2z
            yp = mx * n2x + my * n2y + mz * n2z
            s2 = jnp.maximum(b2x * b2x + b2y * b2y + b2z * b2z,
                             jnp.float32(1e-30))
            y = yp * _rsqrt(s2)
            r2 = x * x + y * y
            w = _rsqrt(jnp.maximum(r2, jnp.float32(1e-30)))
            dgn = r2 < jnp.float32(1e-30)
            c = jnp.where(dgn, jnp.float32(1.0), x * w)
            s = jnp.where(dgn, jnp.float32(0.0), y * w)

            c2 = jnp.float32(2.0) * c * c - jnp.float32(1.0)
            s2t = jnp.float32(2.0) * s * c
            c3 = jnp.float32(2.0) * c * c2 - c
            s3 = jnp.float32(2.0) * c * s2t - s

            kc1 = plsc.load_gather(pbuf, [rows, cols[0]])
            kc2 = plsc.load_gather(pbuf, [rows, cols[1]])
            kc3 = plsc.load_gather(pbuf, [rows, cols[2]])
            ks1 = plsc.load_gather(pbuf, [rows, cols[3]])
            ks2 = plsc.load_gather(pbuf, [rows, cols[4]])
            ks3 = plsc.load_gather(pbuf, [rows, cols[5]])
            ksm = plsc.load_gather(pbuf, [rows, cols[6]])

            V = ksm - (kc1 * c + kc2 * c2 + kc3 * c3
                       + ks1 * s + ks2 * s2t + ks3 * s3)

            g = gbuf[pl.ds(v * L, L)]
            plsc.addupdate_scatter(acc, [lane, g], V)

    H = B // 2
    HV = NV // 2

    def step(ci, cur, nxt, fire_next_nodes, fire_next2_linear):
        wait_nodes(cur)
        pass1(cur)
        pltpu.async_copy(ptab.at[cur["fx"]], pbuf, sem_par)
        if fire_next_nodes:
            wait_linear(nxt)
            fire_nodes(nxt)
        pltpu.make_async_copy(ptab.at[pl.ds(0, B)], pbuf, sem_par).wait()
        pass2(cur, 0, NV)
        if fire_next2_linear:
            fire_linear(ci + 2, cur)

    fire_linear(0, ring_a)
    wait_linear(ring_a)
    fire_nodes(ring_a)
    fire_linear(1, ring_b)

    @pl.loop(0, (N_CHUNKS - 3) // 2)
    def _pair(j):
        step(2 * j, ring_a, ring_b, True, True)
        step(2 * j + 1, ring_b, ring_a, True, True)

    step(N_CHUNKS - 3, ring_a, ring_b, True, True)
    step(N_CHUNKS - 2, ring_b, ring_a, True, False)
    step(N_CHUNKS - 1, ring_a, ring_b, False, False)

    pltpu.sync_copy(acc, out.at[wid])


@functools.cache
def _make_sc_kernel():
    mesh = plsc.VectorSubcoreMesh(core_axis_name="c", subcore_axis_name="s")
    cp = pltpu.CompilerParams(use_tc_tiling_on_sc=False,
                              needs_layout_passes=False)
    ring = [
        pltpu.VMEM((4 * B,), jnp.int32),
        pltpu.VMEM((B,), jnp.int32),
        pltpu.VMEM((B,), jnp.int32),
        pltpu.VMEM((4 * B, 8), jnp.float32),
    ]
    return pl.kernel(
        _sc_body,
        mesh=mesh,
        out_type=jax.ShapeDtypeStruct((NW, L, N_GRAPHS), jnp.float32),
        scratch_types=ring + ring + [
            pltpu.VMEM((B, 8), jnp.float32),
            pltpu.VMEM((L, N_GRAPHS), jnp.float32),
            pltpu.VMEM_SHARED((N_NODES, 8), jnp.float32),
            pltpu.SemaphoreType.DMA,
            pltpu.SemaphoreType.DMA,
            pltpu.SemaphoreType.DMA,
        ],
        compiler_params=cp,
    )


def kernel(pos, mapping, mapping_batch, atom_types, thetas, ks):
    f32 = jnp.float32
    th = jnp.pad(thetas.reshape(R_TAB, N_DEGS).T.astype(f32),
                 ((0, 0), (0, R_PAD - R_TAB)))
    kk = jnp.pad(ks.reshape(R_TAB, N_DEGS).T.astype(f32),
                 ((0, 0), (0, R_PAD - R_TAB)))
    kc, ksn, ksum = _prep(th, kk)
    ptab = jnp.concatenate(
        [kc[:, :R_TAB].T, ksn[:, :R_TAB].T, ksum[:1, :R_TAB].T,
         jnp.zeros((R_TAB, 1), f32)], axis=1)

    nodes = jnp.concatenate(
        [pos.astype(f32), atom_types.astype(f32)[:, None],
         jnp.zeros((N_NODES, 4), f32)], axis=1)

    mapping = mapping.astype(jnp.int32)
    m0, m1, m2, m3 = mapping[0], mapping[1], mapping[2], mapping[3]
    mb = mapping_batch.astype(jnp.int32)

    partials = _make_sc_kernel()(m0, m1, m2, m3, mb, nodes, ptab)
    y = _final(partials.reshape(NW * L, N_GRAPHS))
    return y[0]

# --- scband reference (transcript-rebuilt; emitter-appended) ---
"""Pipeline reference for scband-dihedral-19559281066776 (READ-ONLY COPY).

The authoritative reference and input builder live on the scoring server;
editing this copy changes nothing except your own understanding.
"""

import jax, jax.numpy as jnp
import numpy as np

N_NODES = 100000
N_DIH = 3200000
N_TYPES = 26
N_GRAPHS = 64
N_DEGS = 3


def compute_dihedrals(pos, mapping):
    p0 = pos[mapping[0]]
    p1 = pos[mapping[1]]
    p2 = pos[mapping[2]]
    p3 = pos[mapping[3]]
    b1 = p1 - p0
    b2 = p2 - p1
    b3 = p3 - p2
    n1 = jnp.cross(b1, b2)
    n2 = jnp.cross(b2, b3)
    b2n = b2 / (jnp.linalg.norm(b2, axis=-1, keepdims=True) + 1e-12)
    m1 = jnp.cross(n1, b2n)
    x = jnp.sum(n1 * n2, axis=-1)
    y = jnp.sum(m1 * n2, axis=-1)
    return jnp.arctan2(y, x)


def setup_inputs(seed: int = 0) -> dict:
    key = jax.random.key(seed)
    k1, k2, k3, k4, k5, k6 = jax.random.split(key, 6)
    pos = jax.random.normal(k1, (N_NODES, 3), dtype=jnp.float32)
    mapping = jax.random.randint(k2, (4, N_DIH), 0, N_NODES, dtype=jnp.int64 if jax.config.jax_enable_x64 else jnp.int32)
    mapping_batch = jnp.sort(jax.random.randint(k3, (N_DIH,), 0, N_GRAPHS))
    atom_types = jax.random.randint(k4, (N_NODES,), 0, N_TYPES)
    thetas = jax.random.normal(k5, (N_TYPES, N_TYPES, N_TYPES, N_TYPES, N_DEGS), dtype=jnp.float32) * 0.1
    ks = jax.random.uniform(k6, (N_TYPES, N_TYPES, N_TYPES, N_TYPES, N_DEGS), dtype=jnp.float32)
    return {"pos": pos, "mapping": mapping, "mapping_batch": mapping_batch, "atom_types": atom_types, "thetas": thetas, "ks": ks}


def reference(pos, mapping, mapping_batch, atom_types, thetas, ks):
    # interaction types: atom type of each of the 4 atoms in every dihedral tuple
    it0 = atom_types[mapping[0]]
    it1 = atom_types[mapping[1]]
    it2 = atom_types[mapping[2]]
    it3 = atom_types[mapping[3]]
    # features: dihedral angles, flattened [E]
    theta = compute_dihedrals(pos, mapping)
    # gather per-interaction-type parameters: [E, n_degs]
    theta0s = thetas[it0, it1, it2, it3]
    k = ks[it0, it1, it2, it3]
    # Dihedral.compute: V = sum_n k_n * (1 - cos(n*theta - theta0_n)), n = 1..N_DEGS
    n = jnp.arange(1, N_DEGS + 1, dtype=theta.dtype)
    V = jnp.sum(k * (1.0 - jnp.cos(n[None, :] * theta[:, None] - theta0s)), axis=-1)
    # scatter-sum per graph in batch
    y = jax.ops.segment_sum(V, mapping_batch, num_segments=N_GRAPHS)
    return y

if __name__ == "__main__":
    import jax
    _d = setup_inputs()
    print(jax.jit(kernel)(*tuple(_d.values())))

</pallas_src>

<mosaic_0001>
#map = affine_map<(d0, d1) -> (0)>
#map1 = affine_map<(d0, d1) -> (0, 0)>
#map2 = affine_map<(d0, d1) -> (0, 0, 0)>
module attributes {stable_mosaic.version = 14 : i64} {
  func.func @_sc_body(%arg0: i32, %arg1: i32, %arg2: memref<3200000xi32, #tpu.memory_space<hbm>>, %arg3: memref<3200000xi32, #tpu.memory_space<hbm>>, %arg4: memref<3200000xi32, #tpu.memory_space<hbm>>, %arg5: memref<3200000xi32, #tpu.memory_space<hbm>>, %arg6: memref<3200000xi32, #tpu.memory_space<hbm>>, %arg7: memref<100000x8xf32, #tpu.memory_space<hbm>>, %arg8: memref<456976x8xf32, #tpu.memory_space<hbm>>, %arg9: memref<32x16x64xf32, #tpu.memory_space<hbm>>, %arg10: memref<3200xi32, #tpu.memory_space<vmem>>, %arg11: memref<800xi32, #tpu.memory_space<vmem>>, %arg12: memref<800xi32, #tpu.memory_space<vmem>>, %arg13: memref<3200x8xf32, #tpu.memory_space<vmem>>, %arg14: memref<3200xi32, #tpu.memory_space<vmem>>, %arg15: memref<800xi32, #tpu.memory_space<vmem>>, %arg16: memref<800xi32, #tpu.memory_space<vmem>>, %arg17: memref<3200x8xf32, #tpu.memory_space<vmem>>, %arg18: memref<800x8xf32, #tpu.memory_space<vmem>>, %arg19: memref<16x64xf32, #tpu.memory_space<vmem>>, %arg20: memref<100000x8xf32, #tpu.memory_space<vmem_shared>>, %arg21: memref<!tpu.dma_semaphore, #tpu.memory_space<semaphore_mem>>, %arg22: memref<!tpu.dma_semaphore, #tpu.memory_space<semaphore_mem>>, %arg23: memref<!tpu.dma_semaphore, #tpu.memory_space<semaphore_mem>>) attributes {dimension_semantics = [#tpu.dimension_semantics<core_parallel>, #tpu.dimension_semantics<subcore_parallel>], iteration_bounds = array<i64: 2, 16>, scalar_prefetch = 0 : i64, scratch_operands = 14 : i64, tpu.core_type = #tpu.core_type<sc_vector_subcore>, window_params = [{transform_indices = #map}, {transform_indices = #map}, {transform_indices = #map}, {transform_indices = #map}, {transform_indices = #map}, {transform_indices = #map1}, {transform_indices = #map1}, {transform_indices = #map2}]} {
    %mul3A = arith.constant 2 : i32
    %mul3A_0 = arith.muli %arg1, %mul3A : i32
    %add3A = arith.addi %mul3A_0, %arg0 : i32
    %mul3A_1 = arith.constant 100000 : i32
    %mul3A_2 = arith.muli %add3A, %mul3A_1 : i32
    %broadcast_in_dim3A = arith.constant 0 : i32
    %broadcast_in_dim3A_3 = vector.broadcast %broadcast_in_dim3A : i32 to vector<16xi32>
    %broadcast_in_dim3A_4 = arith.constant 1 : i32
    %broadcast_in_dim3A_5 = vector.broadcast %broadcast_in_dim3A_4 : i32 to vector<16xi32>
    %broadcast_in_dim3A_6 = arith.constant 2 : i32
    %broadcast_in_dim3A_7 = vector.broadcast %broadcast_in_dim3A_6 : i32 to vector<16xi32>
    %broadcast_in_dim3A_8 = arith.constant 3 : i32
    %broadcast_in_dim3A_9 = vector.broadcast %broadcast_in_dim3A_8 : i32 to vector<16xi32>
    %broadcast_in_dim3A_10 = arith.constant 4 : i32
    %broadcast_in_dim3A_11 = vector.broadcast %broadcast_in_dim3A_10 : i32 to vector<16xi32>
    %broadcast_in_dim3A_12 = arith.constant 5 : i32
    %broadcast_in_dim3A_13 = vector.broadcast %broadcast_in_dim3A_12 : i32 to vector<16xi32>
    %broadcast_in_dim3A_14 = arith.constant 6 : i32
    %broadcast_in_dim3A_15 = vector.broadcast %broadcast_in_dim3A_14 : i32 to vector<16xi32>
    %broadcast_in_dim3A_16 = arith.constant 7 : i32
    %broadcast_in_dim3A_17 = vector.broadcast %broadcast_in_dim3A_16 : i32 to vector<16xi32>
    %eq3A = arith.constant 0 : i32
    %eq3A_18 = arith.cmpi eq, %arg1, %eq3A : i32
    %convert_element_type3A = arith.extui %eq3A_18 : i1 to i32
    %cond3A = arith.constant 0 : i32
    %cond3A_19 = arith.cmpi ne, %convert_element_type3A, %cond3A : i32
    scf.if %cond3A_19 {
      "tpu.region"() ({
        %run_scoped3A = tpu.sem_alloc : memref<!tpu.dma_semaphore, #tpu.memory_space<semaphore_mem>>
        tpu.enqueue_dma source(%arg7 : memref<100000x8xf32, #tpu.memory_space<hbm>>) target(%arg20 : memref<100000x8xf32, #tpu.memory_space<vmem_shared>>) target_semaphore(%run_scoped3A : memref<!tpu.dma_semaphore, #tpu.memory_space<semaphore_mem>>)
        tpu.wait_dma2 semaphore(%run_scoped3A : memref<!tpu.dma_semaphore, #tpu.memory_space<semaphore_mem>>) src(%arg7 : memref<100000x8xf32, #tpu.memory_space<hbm>>) dst(%arg20 : memref<100000x8xf32, #tpu.memory_space<vmem_shared>>)
        tpu.yield
      }) : () -> ()
    } else {
    }
    %barrier3A = arith.constant 0 : index
    tpu.barrier barrier_id(%barrier3A)
    %broadcast_in_dim3A_20 = arith.constant 0.000000e+00 : f32
    %broadcast_in_dim3A_21 = vector.broadcast %broadcast_in_dim3A_20 : f32 to vector<16xf32>
    %swap3A = arith.constant 0 : i32
    %swap3A_22 = arith.index_cast %swap3A : i32 to index
    %swap3A_23 = arith.constant 0 : index
    %swap3A_24 = tpu.vector_load %arg19[%swap3A_22, %swap3A_23] {strides = array<i32>} : memref<16x64xf32, #tpu.memory_space<vmem>>, vector<16xf32>,
    tpu.vector_store %arg19[%swap3A_22, %swap3A_23], %broadcast_in_dim3A_21 {strides = array<i32>} : memref<16x64xf32, #tpu.memory_space<vmem>>, vector<16xf32>,
    %broadcast_in_dim3A_25 = arith.constant 0.000000e+00 : f32
    %broadcast_in_dim3A_26 = vector.broadcast %broadcast_in_dim3A_25 : f32 to vector<16xf32>
    %swap3A_27 = arith.constant 0 : i32
    %swap3A_28 = arith.index_cast %swap3A_27 : i32 to index
    %swap3A_29 = arith.constant 16 : index
    %swap3A_30 = tpu.vector_load %arg19[%swap3A_28, %swap3A_29] {strides = array<i32>} : memref<16x64xf32, #tpu.memory_space<vmem>>, vector<16xf32>,
    tpu.vector_store %arg19[%swap3A_28, %swap3A_29], %broadcast_in_dim3A_26 {strides = array<i32>} : memref<16x64xf32, #tpu.memory_space<vmem>>, vector<16xf32>,
    %broadcast_in_dim3A_31 = arith.constant 0.000000e+00 : f32
    %broadcast_in_dim3A_32 = vector.broadcast %broadcast_in_dim3A_31 : f32 to vector<16xf32>
    %swap3A_33 = arith.constant 0 : i32
    %swap3A_34 = arith.index_cast %swap3A_33 : i32 to index
    %swap3A_35 = arith.constant 32 : index
    %swap3A_36 = tpu.vector_load %arg19[%swap3A_34, %swap3A_35] {strides = array<i32>} : memref<16x64xf32, #tpu.memory_space<vmem>>, vector<16xf32>,
    tpu.vector_store %arg19[%swap3A_34, %swap3A_35], %broadcast_in_dim3A_32 {strides = array<i32>} : memref<16x64xf32, #tpu.memory_space<vmem>>, vector<16xf32>,
    %broadcast_in_dim3A_37 = arith.constant 0.000000e+00 : f32
    %broadcast_in_dim3A_38 = vector.broadcast %broadcast_in_dim3A_37 : f32 to vector<16xf32>
    %swap3A_39 = arith.constant 0 : i32
    %swap3A_40 = arith.index_cast %swap3A_39 : i32 to index
    %swap3A_41 = arith.constant 48 : index
    %swap3A_42 = tpu.vector_load %arg19[%swap3A_40, %swap3A_41] {strides = array<i32>} : memref<16x64xf32, #tpu.memory_space<vmem>>, vector<16xf32>,
    tpu.vector_store %arg19[%swap3A_40, %swap3A_41], %broadcast_in_dim3A_38 {strides = array<i32>} : memref<16x64xf32, #tpu.memory_space<vmem>>, vector<16xf32>,
    %broadcast_in_dim3A_43 = arith.constant 0.000000e+00 : f32
    %broadcast_in_dim3A_44 = vector.broadcast %broadcast_in_dim3A_43 : f32 to vector<16xf32>
    %swap3A_45 = arith.constant 1 : i32
    %swap3A_46 = arith.index_cast %swap3A_45 : i32 to index
    %swap3A_47 = arith.constant 0 : index
    %swap3A_48 = tpu.vector_load %arg19[%swap3A_46, %swap3A_47] {strides = array<i32>} : memref<16x64xf32, #tpu.memory_space<vmem>>, vector<16xf32>,
    tpu.vector_store %arg19[%swap3A_46, %swap3A_47], %broadcast_in_dim3A_44 {strides = array<i32>} : memref<16x64xf32, #tpu.memory_space<vmem>>, vector<16xf32>,
    %broadcast_in_dim3A_49 = arith.constant 0.000000e+00 : f32
    %broadcast_in_dim3A_50 = vector.broadcast %broadcast_in_dim3A_49 : f32 to vector<16xf32>
    %swap3A_51 = arith.constant 1 : i32
    %swap3A_52 = arith.index_cast %swap3A_51 : i32 to index
    %swap3A_53 = arith.constant 16 : index
    %swap3A_54 = tpu.vector_load %arg19[%swap3A_52, %swap3A_53] {strides = array<i32>} : memref<16x64xf32, #tpu.memory_space<vmem>>, vector<16xf32>,
    tpu.vector_store %arg19[%swap3A_52, %swap3A_53], %broadcast_in_dim3A_50 {strides = array<i32>} : memref<16x64xf32, #tpu.memory_space<vmem>>, vector<16xf32>,
    %broadcast_in_dim3A_55 = arith.constant 0.000000e+00 : f32
    %broadcast_in_dim3A_56 = vector.broadcast %broadcast_in_dim3A_55 : f32 to vector<16xf32>
    %swap3A_57 = arith.constant 1 : i32
    %swap3A_58 = arith.index_cast %swap3A_57 : i32 to index
    %swap3A_59 = arith.constant 32 : index
    %swap3A_60 = tpu.vector_load %arg19[%swap3A_58, %swap3A_59] {strides = array<i32>} : memref<16x64xf32, #tpu.memory_space<vmem>>, vector<16xf32>,
    tpu.vector_store %arg19[%swap3A_58, %swap3A_59], %broadcast_in_dim3A_56 {strides = array<i32>} : memref<16x64xf32, #tpu.memory_space<vmem>>, vector<16xf32>,
    %broadcast_in_dim3A_61 = arith.constant 0.000000e+00 : f32
    %broadcast_in_dim3A_62 = vector.broadcast %broadcast_in_dim3A_61 : f32 to vector<16xf32>
    %swap3A_63 = arith.constant 1 : i32
    %swap3A_64 = arith.index_cast %swap3A_63 : i32 to index
    %swap3A_65 = arith.constant 48 : index
    %swap3A_66 = tpu.vector_load %arg19[%swap3A_64, %swap3A_65] {strides = array<i32>} : memref<16x64xf32, #tpu.memory_space<vmem>>, vector<16xf32>,
    tpu.vector_store %arg19[%swap3A_64, %swap3A_65], %broadcast_in_dim3A_62 {strides = array<i32>} : memref<16x64xf32, #tpu.memory_space<vmem>>, vector<16xf32>,
    %broadcast_in_dim3A_67 = arith.constant 0.000000e+00 : f32
    %broadcast_in_dim3A_68 = vector.broadcast %broadcast_in_dim3A_67 : f32 to vector<16xf32>
    %swap3A_69 = arith.constant 2 : i32
    %swap3A_70 = arith.index_cast %swap3A_69 : i32 to index
    %swap3A_71 = arith.constant 0 : index
    %swap3A_72 = tpu.vector_load %arg19[%swap3A_70, %swap3A_71] {strides = array<i32>} : memref<16x64xf32, #tpu.memory_space<vmem>>, vector<16xf32>,
    tpu.vector_store %arg19[%swap3A_70, %swap3A_71], %broadcast_in_dim3A_68 {strides = array<i32>} : memref<16x64xf32, #tpu.memory_space<vmem>>, vector<16xf32>,
    %broadcast_in_dim3A_73 = arith.constant 0.000000e+00 : f32
    %broadcast_in_dim3A_74 = vector.broadcast %broadcast_in_dim3A_73 : f32 to vector<16xf32>
    %swap3A_75 = arith.constant 2 : i32
    %swap3A_76 = arith.index_cast %swap3A_75 : i32 to index
    %swap3A_77 = arith.constant 16 : index
    %swap3A_78 = tpu.vector_load %arg19[%swap3A_76, %swap3A_77] {strides = array<i32>} : memref<16x64xf32, #tpu.memory_space<vmem>>, vector<16xf32>,
    tpu.vector_store %arg19[%swap3A_76, %swap3A_77], %broadcast_in_dim3A_74 {strides = array<i32>} : memref<16x64xf32, #tpu.memory_space<vmem>>, vector<16xf32>,
    %broadcast_in_dim3A_79 = arith.constant 0.000000e+00 : f32
    %broadcast_in_dim3A_80 = vector.broadcast %broadcast_in_dim3A_79 : f32 to vector<16xf32>
    %swap3A_81 = arith.constant 2 : i32
    %swap3A_82 = arith.index_cast %swap3A_81 : i32 to index
    %swap3A_83 = arith.constant 32 : index
    %swap3A_84 = tpu.vector_load %arg19[%swap3A_82, %swap3A_83] {strides = array<i32>} : memref<16x64xf32, #tpu.memory_space<vmem>>, vector<16xf32>,
    tpu.vector_store %arg19[%swap3A_82, %swap3A_83], %broadcast_in_dim3A_80 {strides = array<i32>} : memref<16x64xf32, #tpu.memory_space<vmem>>, vector<16xf32>,
    %broadcast_in_dim3A_85 = arith.constant 0.000000e+00 : f32
    %broadcast_in_dim3A_86 = vector.broadcast %broadcast_in_dim3A_85 : f32 to vector<16xf32>
    %swap3A_87 = arith.constant 2 : i32
    %swap3A_88 = arith.index_cast %swap3A_87 : i32 to index
    %swap3A_89 = arith.constant 48 : index
    %swap3A_90 = tpu.vector_load %arg19[%swap3A_88, %swap3A_89] {strides = array<i32>} : memref<16x64xf32, #tpu.memory_space<vmem>>, vector<16xf32>,
    tpu.vector_store %arg19[%swap3A_88, %swap3A_89], %broadcast_in_dim3A_86 {strides = array<i32>} : memref<16x64xf32, #tpu.memory_space<vmem>>, vector<16xf32>,
    %broadcast_in_dim3A_91 = arith.constant 0.000000e+00 : f32
    %broadcast_in_dim3A_92 = vector.broadcast %broadcast_in_dim3A_91 : f32 to vector<16xf32>
    %swap3A_93 = arith.constant 3 : i32
    %swap3A_94 = arith.index_cast %swap3A_93 : i32 to index
    %swap3A_95 = arith.constant 0 : index
    %swap3A_96 = tpu.vector_load %arg19[%swap3A_94, %swap3A_95] {strides = array<i32>} : memref<16x64xf32, #tpu.memory_space<vmem>>, vector<16xf32>,
    tpu.vector_store %arg19[%swap3A_94, %swap3A_95], %broadcast_in_dim3A_92 {strides = array<i32>} : memref<16x64xf32, #tpu.memory_space<vmem>>, vector<16xf32>,
    %broadcast_in_dim3A_97 = arith.constant 0.000000e+00 : f32
    %broadcast_in_dim3A_98 = vector.broadcast %broadcast_in_dim3A_97 : f32 to vector<16xf32>
    %swap3A_99 = arith.constant 3 : i32
    %swap3A_100 = arith.index_cast %swap3A_99 : i32 to index
    %swap3A_101 = arith.constant 16 : index
    %swap3A_102 = tpu.vector_load %arg19[%swap3A_100, %swap3A_101] {strides = array<i32>} : memref<16x64xf32, #tpu.memory_space<vmem>>, vector<16xf32>,
    tpu.vector_store %arg19[%swap3A_100, %swap3A_101], %broadcast_in_dim3A_98 {strides = array<i32>} : memref<16x64xf32, #tpu.memory_space<vmem>>, vector<16xf32>,
    %broadcast_in_dim3A_103 = arith.constant 0.000000e+00 : f32
    %broadcast_in_dim3A_104 = vector.broadcast %broadcast_in_dim3A_103 : f32 to vector<16xf32>
    %swap3A_105 = arith.constant 3 : i32
    %swap3A_106 = arith.index_cast %swap3A_105 : i32 to index
    %swap3A_107 = arith.constant 32 : index
    %swap3A_108 = tpu.vector_load %arg19[%swap3A_106, %swap3A_107] {strides = array<i32>} : memref<16x64xf32, #tpu.memory_space<vmem>>, vector<16xf32>,
    tpu.vector_store %arg19[%swap3A_106, %swap3A_107], %broadcast_in_dim3A_104 {strides = array<i32>} : memref<16x64xf32, #tpu.memory_space<vmem>>, vector<16xf32>,
    %broadcast_in_dim3A_109 = arith.constant 0.000000e+00 : f32
    %broadcast_in_dim3A_110 = vector.broadcast %broadcast_in_dim3A_109 : f32 to vector<16xf32>
    %swap3A_111 = arith.constant 3 : i32
    %swap3A_112 = arith.index_cast %swap3A_111 : i32 to index
    %swap3A_113 = arith.constant 48 : index
    %swap3A_114 = tpu.vector_load %arg19[%swap3A_112, %swap3A_113] {strides = array<i32>} : memref<16x64xf32, #tpu.memory_space<vmem>>, vector<16xf32>,
    tpu.vector_store %arg19[%swap3A_112, %swap3A_113], %broadcast_in_dim3A_110 {strides = array<i32>} : memref<16x64xf32, #tpu.memory_space<vmem>>, vector<16xf32>,
    %broadcast_in_dim3A_115 = arith.constant 0.000000e+00 : f32
    %broadcast_in_dim3A_116 = vector.broadcast %broadcast_in_dim3A_115 : f32 to vector<16xf32>
    %swap3A_117 = arith.constant 4 : i32
    %swap3A_118 = arith.index_cast %swap3A_117 : i32 to index
    %swap3A_119 = arith.constant 0 : index
    %swap3A_120 = tpu.vector_load %arg19[%swap3A_118, %swap3A_119] {strides = array<i32>} : memref<16x64xf32, #tpu.memory_space<vmem>>, vector<16xf32>,
    tpu.vector_store %arg19[%swap3A_118, %swap3A_119], %broadcast_in_dim3A_116 {strides = array<i32>} : memref<16x64xf32, #tpu.memory_space<vmem>>, vector<16xf32>,
    %broadcast_in_dim3A_121 = arith.constant 0.000000e+00 : f32
    %broadcast_in_dim3A_122 = vector.broadcast %broadcast_in_dim3A_121 : f32 to vector<16xf32>
    %swap3A_123 = arith.constant 4 : i32
    %swap3A_124 = arith.index_cast %swap3A_123 : i32 to index
    %swap3A_125 = arith.constant 16 : index
    %swap3A_126 = tpu.vector_load %arg19[%swap3A_124, %swap3A_125] {strides = array<i32>} : memref<16x64xf32, #tpu.memory_space<vmem>>, vector<16xf32>,
    tpu.vector_store %arg19[%swap3A_124, %swap3A_125], %broadcast_in_dim3A_122 {strides = array<i32>} : memref<16x64xf32, #tpu.memory_space<vmem>>, vector<16xf32>,
    %broadcast_in_dim3A_127 = arith.constant 0.000000e+00 : f32
    %broadcast_in_dim3A_128 = vector.broadcast %broadcast_in_dim3A_127 : f32 to vector<16xf32>
    %swap3A_129 = arith.constant 4 : i32
    %swap3A_130 = arith.index_cast %swap3A_129 : i32 to index
    %swap3A_131 = arith.constant 32 : index
    %swap3A_132 = tpu.vector_load %arg19[%swap3A_130, %swap3A_131] {strides = array<i32>} : memref<16x64xf32, #tpu.memory_space<vmem>>, vector<16xf32>,
    tpu.vector_store %arg19[%swap3A_130, %swap3A_131], %broadcast_in_dim3A_128 {strides = array<i32>} : memref<16x64xf32, #tpu.memory_space<vmem>>, vector<16xf32>,
    %broadcast_in_dim3A_133 = arith.constant 0.000000e+00 : f32
    %broadcast_in_dim3A_134 = vector.broadcast %broadcast_in_dim3A_133 : f32 to vector<16xf32>
    %swap3A_135 = arith.constant 4 : i32
    %swap3A_136 = arith.index_cast %swap3A_135 : i32 to index
    %swap3A_137 = arith.constant 48 : index
    %swap3A_138 = tpu.vector_load %arg19[%swap3A_136, %swap3A_137] {strides = array<i32>} : memref<16x64xf32, #tpu.memory_space<vmem>>, vector<16xf32>,
    tpu.vector_store %arg19[%swap3A_136, %swap3A_137], %broadcast_in_dim3A_134 {strides = array<i32>} : memref<16x64xf32, #tpu.memory_space<vmem>>, vector<16xf32>,
    %broadcast_in_dim3A_139 = arith.constant 0.000000e+00 : f32
    %broadcast_in_dim3A_140 = vector.broadcast %broadcast_in_dim3A_139 : f32 to vector<16xf32>
    %swap3A_141 = arith.constant 5 : i32
    %swap3A_142 = arith.index_cast %swap3A_141 : i32 to index
    %swap3A_143 = arith.constant 0 : index
    %swap3A_144 = tpu.vector_load %arg19[%swap3A_142, %swap3A_143] {strides = array<i32>} : memref<16x64xf32, #tpu.memory_space<vmem>>, vector<16xf32>,
    tpu.vector_store %arg19[%swap3A_142, %swap3A_143], %broadcast_in_dim3A_140 {strides = array<i32>} : memref<16x64xf32, #tpu.memory_space<vmem>>, vector<16xf32>,
    %broadcast_in_dim3A_145 = arith.constant 0.000000e+00 : f32
    %broadcast_in_dim3A_146 = vector.broadcast %broadcast_in_dim3A_145 : f32 to vector<16xf32>
    %swap3A_147 = arith.constant 5 : i32
    %swap3A_148 = arith.index_cast %swap3A_147 : i32 to index
    %swap3A_149 = arith.constant 16 : index
    %swap3A_150 = tpu.vector_load %arg19[%swap3A_148, %swap3A_149] {strides = array<i32>} : memref<16x64xf32, #tpu.memory_space<vmem>>, vector<16xf32>,
    tpu.vector_store %arg19[%swap3A_148, %swap3A_149], %broadcast_in_dim3A_146 {strides = array<i32>} : memref<16x64xf32, #tpu.memory_space<vmem>>, vector<16xf32>,
    %broadcast_in_dim3A_151 = arith.constant 0.000000e+00 : f32
    %broadcast_in_dim3A_152 = vector.broadcast %broadcast_in_dim3A_151 : f32 to vector<16xf32>
    %swap3A_153 = arith.constant 5 : i32
    %swap3A_154 = arith.index_cast %swap3A_153 : i32 to index
    %swap3A_155 = arith.constant 32 : index
    %swap3A_156 = tpu.vector_load %arg19[%swap3A_154, %swap3A_155] {strides = array<i32>} : memref<16x64xf32, #tpu.memory_space<vmem>>, vector<16xf32>,
    tpu.vector_store %arg19[%swap3A_154, %swap3A_155], %broadcast_in_dim3A_152 {strides = array<i32>} : memref<16x64xf32, #tpu.memory_space<vmem>>, vector<16xf32>,
    %broadcast_in_dim3A_157 = arith.constant 0.000000e+00 : f32
    %broadcast_in_dim3A_158 = vector.broadcast %broadcast_in_dim3A_157 : f32 to vector<16xf32>
    %swap3A_159 = arith.constant 5 : i32
    %swap3A_160 = arith.index_cast %swap3A_159 : i32 to index
    %swap3A_161 = arith.constant 48 : index
    %swap3A_162 = tpu.vector_load %arg19[%swap3A_160, %swap3A_161] {strides = array<i32>} : memref<16x64xf32, #tpu.memory_space<vmem>>, vector<16xf32>,
    tpu.vector_store %arg19[%swap3A_160, %swap3A_161], %broadcast_in_dim3A_158 {strides = array<i32>} : memref<16x64xf32, #tpu.memory_space<vmem>>, vector<16xf32>,
    %broadcast_in_dim3A_163 = arith.constant 0.000000e+00 : f32
    %broadcast_in_dim3A_164 = vector.broadcast %broadcast_in_dim3A_163 : f32 to vector<16xf32>
    %swap3A_165 = arith.constant 6 : i32
    %swap3A_166 = arith.index_cast %swap3A_165 : i32 to index
    %swap3A_167 = arith.constant 0 : index
    %swap3A_168 = tpu.vector_load %arg19[%swap3A_166, %swap3A_167] {strides = array<i32>} : memref<16x64xf32, #tpu.memory_space<vmem>>, vector<16xf32>,
    tpu.vector_store %arg19[%swap3A_166, %swap3A_167], %broadcast_in_dim3A_164 {strides = array<i32>} : memref<16x64xf32, #tpu.memory_space<vmem>>, vector<16xf32>,
    %broadcast_in_dim3A_169 = arith.constant 0.000000e+00 : f32
    %broadcast_in_dim3A_170 = vector.broadcast %broadcast_in_dim3A_169 : f32 to vector<16xf32>
    %swap3A_171 = arith.constant 6 : i32
    %swap3A_172 = arith.index_cast %swap3A_171 : i32 to index
    %swap3A_173 = arith.constant 16 : index
    %swap3A_174 = tpu.vector_load %arg19[%swap3A_172, %swap3A_173] {strides = array<i32>} : memref<16x64xf32, #tpu.memory_space<vmem>>, vector<16xf32>,
    tpu.vector_store %arg19[%swap3A_172, %swap3A_173], %broadcast_in_dim3A_170 {strides = array<i32>} : memref<16x64xf32, #tpu.memory_space<vmem>>, vector<16xf32>,
    %broadcast_in_dim3A_175 = arith.constant 0.000000e+00 : f32
    %broadcast_in_dim3A_176 = vector.broadcast %broadcast_in_dim3A_175 : f32 to vector<16xf32>
    %swap3A_177 = arith.constant 6 : i32
    %swap3A_178 = arith.index_cast %swap3A_177 : i32 to index
    %swap3A_179 = arith.constant 32 : index
    %swap3A_180 = tpu.vector_load %arg19[%swap3A_178, %swap3A_179] {strides = array<i32>} : memref<16x64xf32, #tpu.memory_space<vmem>>, vector<16xf32>,
    tpu.vector_store %arg19[%swap3A_178, %swap3A_179], %broadcast_in_dim3A_176 {strides = array<i32>} : memref<16x64xf32, #tpu.memory_space<vmem>>, vector<16xf32>,
    %broadcast_in_dim3A_181 = arith.constant 0.000000e+00 : f32
    %broadcast_in_dim3A_182 = vector.broadcast %broadcast_in_dim3A_181 : f32 to vector<16xf32>
    %swap3A_183 = arith.constant 6 : i32
    %swap3A_184 = arith.index_cast %swap3A_183 : i32 to index
    %swap3A_185 = arith.constant 48 : index
    %swap3A_186 = tpu.vector_load %arg19[%swap3A_184, %swap3A_185] {strides = array<i32>} : memref<16x64xf32, #tpu.memory_space<vmem>>, vector<16xf32>,
    tpu.vector_store %arg19[%swap3A_184, %swap3A_185], %broadcast_in_dim3A_182 {strides = array<i32>} : memref<16x64xf32, #tpu.memory_space<vmem>>, vector<16xf32>,
    %broadcast_in_dim3A_187 = arith.constant 0.000000e+00 : f32
    %broadcast_in_dim3A_188 = vector.broadcast %broadcast_in_dim3A_187 : f32 to vector<16xf32>
    %swap3A_189 = arith.constant 7 : i32
    %swap3A_190 = arith.index_cast %swap3A_189 : i32 to index
    %swap3A_191 = arith.constant 0 : index
    %swap3A_192 = tpu.vector_load %arg19[%swap3A_190, %swap3A_191] {strides = array<i32>} : memref<16x64xf32, #tpu.memory_space<vmem>>, vector<16xf32>,
    tpu.vector_store %arg19[%swap3A_190, %swap3A_191], %broadcast_in_dim3A_188 {strides = array<i32>} : memref<16x64xf32, #tpu.memory_space<vmem>>, vector<16xf32>,
    %broadcast_in_dim3A_193 = arith.constant 0.000000e+00 : f32
    %broadcast_in_dim3A_194 = vector.broadcast %broadcast_in_dim3A_193 : f32 to vector<16xf32>
    %swap3A_195 = arith.constant 7 : i32
    %swap3A_196 = arith.index_cast %swap3A_195 : i32 to index
    %swap3A_197 = arith.constant 16 : index
    %swap3A_198 = tpu.vector_load %arg19[%swap3A_196, %swap3A_197] {strides = array<i32>} : memref<16x64xf32, #tpu.memory_space<vmem>>, vector<16xf32>,
    tpu.vector_store %arg19[%swap3A_196, %swap3A_197], %broadcast_in_dim3A_194 {strides = array<i32>} : memref<16x64xf32, #tpu.memory_space<vmem>>, vector<16xf32>,
    %broadcast_in_dim3A_199 = arith.constant 0.000000e+00 : f32
    %broadcast_in_dim3A_200 = vector.broadcast %broadcast_in_dim3A_199 : f32 to vector<16xf32>
    %swap3A_201 = arith.constant 7 : i32
    %swap3A_202 = arith.index_cast %swap3A_201 : i32 to index
    %swap3A_203 = arith.constant 32 : index
    %swap3A_204 = tpu.vector_load %arg19[%swap3A_202, %swap3A_203] {strides = array<i32>} : memref<16x64xf32, #tpu.memory_space<vmem>>, vector<16xf32>,
    tpu.vector_store %arg19[%swap3A_202, %swap3A_203], %broadcast_in_dim3A_200 {strides = array<i32>} : memref<16x64xf32, #tpu.memory_space<vmem>>, vector<16xf32>,
    %broadcast_in_dim3A_205 = arith.constant 0.000000e+00 : f32
    %broadcast_in_dim3A_206 = vector.broadcast %broadcast_in_dim3A_205 : f32 to vector<16xf32>
    %swap3A_207 = arith.constant 7 : i32
    %swap3A_208 = arith.index_cast %swap3A_207 : i32 to index
    %swap3A_209 = arith.constant 48 : index
    %swap3A_210 = tpu.vector_load %arg19[%swap3A_208, %swap3A_209] {strides = array<i32>} : memref<16x64xf32, #tpu.memory_space<vmem>>, vector<16xf32>,
    tpu.vector_store %arg19[%swap3A_208, %swap3A_209], %broadcast_in_dim3A_206 {strides = array<i32>} : memref<16x64xf32, #tpu.memory_space<vmem>>, vector<16xf32>,
    %broadcast_in_dim3A_211 = arith.constant 0.000000e+00 : f32
    %broadcast_in_dim3A_212 = vector.broadcast %broadcast_in_dim3A_211 : f32 to vector<16xf32>
    %swap3A_213 = arith.constant 8 : i32
    %swap3A_214 = arith.index_cast %swap3A_213 : i32 to index
    %swap3A_215 = arith.constant 0 : index
    %swap3A_216 = tpu.vector_load %arg19[%swap3A_214, %swap3A_215] {strides = array<i32>} : memref<16x64xf32, #tpu.memory_space<vmem>>, vector<16xf32>,
    tpu.vector_store %arg19[%swap3A_214, %swap3A_215], %broadcast_in_dim3A_212 {strides = array<i32>} : memref<16x64xf32, #tpu.memory_space<vmem>>, vector<16xf32>,
    %broadcast_in_dim3A_217 = arith.constant 0.000000e+00 : f32
    %broadcast_in_dim3A_218 = vector.broadcast %broadcast_in_dim3A_217 : f32 to vector<16xf32>
    %swap3A_219 = arith.constant 8 : i32
    %swap3A_220 = arith.index_cast %swap3A_219 : i32 to index
    %swap3A_221 = arith.constant 16 : index
    %swap3A_222 = tpu.vector_load %arg19[%swap3A_220, %swap3A_221] {strides = array<i32>} : memref<16x64xf32, #tpu.memory_space<vmem>>, vector<16xf32>,
    tpu.vector_store %arg19[%swap3A_220, %swap3A_221], %broadcast_in_dim3A_218 {strides = array<i32>} : memref<16x64xf32, #tpu.memory_space<vmem>>, vector<16xf32>,
    %broadcast_in_dim3A_223 = arith.constant 0.000000e+00 : f32
    %broadcast_in_dim3A_224 = vector.broadcast %broadcast_in_dim3A_223 : f32 to vector<16xf32>
    %swap3A_225 = arith.constant 8 : i32
    %swap3A_226 = arith.index_cast %swap3A_225 : i32 to index
    %swap3A_227 = arith.constant 32 : index
    %swap3A_228 = tpu.vector_load %arg19[%swap3A_226, %swap3A_227] {strides = array<i32>} : memref<16x64xf32, #tpu.memory_space<vmem>>, vector<16xf32>,
    tpu.vector_store %arg19[%swap3A_226, %swap3A_227], %broadcast_in_dim3A_224 {strides = array<i32>} : memref<16x64xf32, #tpu.memory_space<vmem>>, vector<16xf32>,
    %broadcast_in_dim3A_229 = arith.constant 0.000000e+00 : f32
    %broadcast_in_dim3A_230 = vector.broadcast %broadcast_in_dim3A_229 : f32 to vector<16xf32>
    %swap3A_231 = arith.constant 8 : i32
    %swap3A_232 = arith.index_cast %swap3A_231 : i32 to index
    %swap3A_233 = arith.constant 48 : index
    %swap3A_234 = tpu.vector_load %arg19[%swap3A_232, %swap3A_233] {strides = array<i32>} : memref<16x64xf32, #tpu.memory_space<vmem>>, vector<16xf32>,
    tpu.vector_store %arg19[%swap3A_232, %swap3A_233], %broadcast_in_dim3A_230 {strides = array<i32>} : memref<16x64xf32, #tpu.memory_space<vmem>>, vector<16xf32>,
    %broadcast_in_dim3A_235 = arith.constant 0.000000e+00 : f32
    %broadcast_in_dim3A_236 = vector.broadcast %broadcast_in_dim3A_235 : f32 to vector<16xf32>
    %swap3A_237 = arith.constant 9 : i32
    %swap3A_238 = arith.index_cast %swap3A_237 : i32 to index
    %swap3A_239 = arith.constant 0 : index
    %swap3A_240 = tpu.vector_load %arg19[%swap3A_238, %swap3A_239] {strides = array<i32>} : memref<16x64xf32, #tpu.memory_space<vmem>>, vector<16xf32>,
    tpu.vector_store %arg19[%swap3A_238, %swap3A_239], %broadcast_in_dim3A_236 {strides = array<i32>} : memref<16x64xf32, #tpu.memory_space<vmem>>, vector<16xf32>,
    %broadcast_in_dim3A_241 = arith.constant 0.000000e+00 : f32
    %broadcast_in_dim3A_242 = vector.broadcast %broadcast_in_dim3A_241 : f32 to vector<16xf32>
    %swap3A_243 = arith.constant 9 : i32
    %swap3A_244 = arith.index_cast %swap3A_243 : i32 to index
    %swap3A_245 = arith.constant 16 : index
    %swap3A_246 = tpu.vector_load %arg19[%swap3A_244, %swap3A_245] {strides = array<i32>} : memref<16x64xf32, #tpu.memory_space<vmem>>, vector<16xf32>,
    tpu.vector_store %arg19[%swap3A_244, %swap3A_245], %broadcast_in_dim3A_242 {strides = array<i32>} : memref<16x64xf32, #tpu.memory_space<vmem>>, vector<16xf32>,
    %broadcast_in_dim3A_247 = arith.constant 0.000000e+00 : f32
    %broadcast_in_dim3A_248 = vector.broadcast %broadcast_in_dim3A_247 : f32 to vector<16xf32>
    %swap3A_249 = arith.constant 9 : i32
    %swap3A_250 = arith.index_cast %swap3A_249 : i32 to index
    %swap3A_251 = arith.constant 32 : index
    %swap3A_252 = tpu.vector_load %arg19[%swap3A_250, %swap3A_251] {strides = array<i32>} : memref<16x64xf32, #tpu.memory_space<vmem>>, vector<16xf32>,
    tpu.vector_store %arg19[%swap3A_250, %swap3A_251], %broadcast_in_dim3A_248 {strides = array<i32>} : memref<16x64xf32, #tpu.memory_space<vmem>>, vector<16xf32>,
    %broadcast_in_dim3A_253 = arith.constant 0.000000e+00 : f32
    %broadcast_in_dim3A_254 = vector.broadcast %broadcast_in_dim3A_253 : f32 to vector<16xf32>
    %swap3A_255 = arith.constant 9 : i32
    %swap3A_256 = arith.index_cast %swap3A_255 : i32 to index
    %swap3A_257 = arith.constant 48 : index
    %swap3A_258 = tpu.vector_load %arg19[%swap3A_256, %swap3A_257] {strides = array<i32>} : memref<16x64xf32, #tpu.memory_space<vmem>>, vector<16xf32>,
    tpu.vector_store %arg19[%swap3A_256, %swap3A_257], %broadcast_in_dim3A_254 {strides = array<i32>} : memref<16x64xf32, #tpu.memory_space<vmem>>, vector<16xf32>,
    %broadcast_in_dim3A_259 = arith.constant 0.000000e+00 : f32
    %broadcast_in_dim3A_260 = vector.broadcast %broadcast_in_dim3A_259 : f32 to vector<16xf32>
    %swap3A_261 = arith.constant 10 : i32
    %swap3A_262 = arith.index_cast %swap3A_261 : i32 to index
    %swap3A_263 = arith.constant 0 : index
    %swap3A_264 = tpu.vector_load %arg19[%swap3A_262, %swap3A_263] {strides = array<i32>} : memref<16x64xf32, #tpu.memory_space<vmem>>, vector<16xf32>,
    tpu.vector_store %arg19[%swap3A_262, %swap3A_263], %broadcast_in_dim3A_260 {strides = array<i32>} : memref<16x64xf32, #tpu.memory_space<vmem>>, vector<16xf32>,
    %broadcast_in_dim3A_265 = arith.constant 0.000000e+00 : f32
    %broadcast_in_dim3A_266 = vector.broadcast %broadcast_in_dim3A_265 : f32 to vector<16xf32>
    %swap3A_267 = arith.constant 10 : i32
    %swap3A_268 = arith.index_cast %swap3A_267 : i32 to index
    %swap3A_269 = arith.constant 16 : index
    %swap3A_270 = tpu.vector_load %arg19[%swap3A_268, %swap3A_269] {strides = array<i32>} : memref<16x64xf32, #tpu.memory_space<vmem>>, vector<16xf32>,
    tpu.vector_store %arg19[%swap3A_268, %swap3A_269], %broadcast_in_dim3A_266 {strides = array<i32>} : memref<16x64xf32, #tpu.memory_space<vmem>>, vector<16xf32>,
    %broadcast_in_dim3A_271 = arith.constant 0.000000e+00 : f32
    %broadcast_in_dim3A_272 = vector.broadcast %broadcast_in_dim3A_271 : f32 to vector<16xf32>
    %swap3A_273 = arith.constant 10 : i32
    %swap3A_274 = arith.index_cast %swap3A_273 : i32 to index
    %swap3A_275 = arith.constant 32 : index
    %swap3A_276 = tpu.vector_load %arg19[%swap3A_274, %swap3A_275] {strides = array<i32>} : memref<16x64xf32, #tpu.memory_space<vmem>>, vector<16xf32>,
    tpu.vector_store %arg19[%swap3A_274, %swap3A_275], %broadcast_in_dim3A_272 {strides = array<i32>} : memref<16x64xf32, #tpu.memory_space<vmem>>, vector<16xf32>,
    %broadcast_in_dim3A_277 = arith.constant 0.000000e+00 : f32
    %broadcast_in_dim3A_278 = vector.broadcast %broadcast_in_dim3A_277 : f32 to vector<16xf32>
    %swap3A_279 = arith.constant 10 : i32
    %swap3A_280 = arith.index_cast %swap3A_279 : i32 to index
    %swap3A_281 = arith.constant 48 : index
    %swap3A_282 = tpu.vector_load %arg19[%swap3A_280, %swap3A_281] {strides = array<i32>} : memref<16x64xf32, #tpu.memory_space<vmem>>, vector<16xf32>,
    tpu.vector_store %arg19[%swap3A_280, %swap3A_281], %broadcast_in_dim3A_278 {strides = array<i32>} : memref<16x64xf32, #tpu.memory_space<vmem>>, vector<16xf32>,
    %broadcast_in_dim3A_283 = arith.constant 0.000000e+00 : f32
    %broadcast_in_dim3A_284 = vector.broadcast %broadcast_in_dim3A_283 : f32 to vector<16xf32>
    %swap3A_285 = arith.constant 11 : i32
    %swap3A_286 = arith.index_cast %swap3A_285 : i32 to index
    %swap3A_287 = arith.constant 0 : index
    %swap3A_288 = tpu.vector_load %arg19[%swap3A_286, %swap3A_287] {strides = array<i32>} : memref<16x64xf32, #tpu.memory_space<vmem>>, vector<16xf32>,
    tpu.vector_store %arg19[%swap3A_286, %swap3A_287], %broadcast_in_dim3A_284 {strides = array<i32>} : memref<16x64xf32, #tpu.memory_space<vmem>>, vector<16xf32>,
    %broadcast_in_dim3A_289 = arith.constant 0.000000e+00 : f32
    %broadcast_in_dim3A_290 = vector.broadcast %broadcast_in_dim3A_289 : f32 to vector<16xf32>
    %swap3A_291 = arith.constant 11 : i32
    %swap3A_292 = arith.index_cast %swap3A_291 : i32 to index
    %swap3A_293 = arith.constant 16 : index
    %swap3A_294 = tpu.vector_load %arg19[%swap3A_292, %swap3A_293] {strides = array<i32>} : memref<16x64xf32, #tpu.memory_space<vmem>>, vector<16xf32>,
    tpu.vector_store %arg19[%swap3A_292, %swap3A_293], %broadcast_in_dim3A_290 {strides = array<i32>} : memref<16x64xf32, #tpu.memory_space<vmem>>, vector<16xf32>,
    %broadcast_in_dim3A_295 = arith.constant 0.000000e+00 : f32
    %broadcast_in_dim3A_296 = vector.broadcast %broadcast_in_dim3A_295 : f32 to vector<16xf32>
    %swap3A_297 = arith.constant 11 : i32
    %swap3A_298 = arith.index_cast %swap3A_297 : i32 to index
    %swap3A_299 = arith.constant 32 : index
    %swap3A_300 = tpu.vector_load %arg19[%swap3A_298, %swap3A_299] {strides = array<i32>} : memref<16x64xf32, #tpu.memory_space<vmem>>, vector<16xf32>,
    tpu.vector_store %arg19[%swap3A_298, %swap3A_299], %broadcast_in_dim3A_296 {strides = array<i32>} : memref<16x64xf32, #tpu.memory_space<vmem>>, vector<16xf32>,
    %broadcast_in_dim3A_301 = arith.constant 0.000000e+00 : f32
    %broadcast_in_dim3A_302 = vector.broadcast %broadcast_in_dim3A_301 : f32 to vector<16xf32>
    %swap3A_303 = arith.constant 11 : i32
    %swap3A_304 = arith.index_cast %swap3A_303 : i32 to index
    %swap3A_305 = arith.constant 48 : index
    %swap3A_306 = tpu.vector_load %arg19[%swap3A_304, %swap3A_305] {strides = array<i32>} : memref<16x64xf32, #tpu.memory_space<vmem>>, vector<16xf32>,
    tpu.vector_store %arg19[%swap3A_304, %swap3A_305], %broadcast_in_dim3A_302 {strides = array<i32>} : memref<16x64xf32, #tpu.memory_space<vmem>>, vector<16xf32>,
    %broadcast_in_dim3A_307 = arith.constant 0.000000e+00 : f32
    %broadcast_in_dim3A_308 = vector.broadcast %broadcast_in_dim3A_307 : f32 to vector<16xf32>
    %swap3A_309 = arith.constant 12 : i32
    %swap3A_310 = arith.index_cast %swap3A_309 : i32 to index
    %swap3A_311 = arith.constant 0 : index
    %swap3A_312 = tpu.vector_load %arg19[%swap3A_310, %swap3A_311] {strides = array<i32>} : memref<16x64xf32, #tpu.memory_space<vmem>>, vector<16xf32>,
    tpu.vector_store %arg19[%swap3A_310, %swap3A_311], %broadcast_in_dim3A_308 {strides = array<i32>} : memref<16x64xf32, #tpu.memory_space<vmem>>, vector<16xf32>,
    %broadcast_in_dim3A_313 = arith.constant 0.000000e+00 : f32
    %broadcast_in_dim3A_314 = vector.broadcast %broadcast_in_dim3A_313 : f32 to vector<16xf32>
    %swap3A_315 = arith.constant 12 : i32
    %swap3A_316 = arith.index_cast %swap3A_315 : i32 to index
    %swap3A_317 = arith.constant 16 : index
    %swap3A_318 = tpu.vector_load %arg19[%swap3A_316, %swap3A_317] {strides = array<i32>} : memref<16x64xf32, #tpu.memory_space<vmem>>, vector<16xf32>,
    tpu.vector_store %arg19[%swap3A_316, %swap3A_317], %broadcast_in_dim3A_314 {strides = array<i32>} : memref<16x64xf32, #tpu.memory_space<vmem>>, vector<16xf32>,
    %broadcast_in_dim3A_319 = arith.constant 0.000000e+00 : f32
    %broadcast_in_dim3A_320 = vector.broadcast %broadcast_in_dim3A_319 : f32 to vector<16xf32>
    %swap3A_321 = arith.constant 12 : i32
    %swap3A_322 = arith.index_cast %swap3A_321 : i32 to index
    %swap3A_323 = arith.constant 32 : index
    %swap3A_324 = tpu.vector_load %arg19[%swap3A_322, %swap3A_323] {strides = array<i32>} : memref<16x64xf32, #tpu.memory_space<vmem>>, vector<16xf32>,
    tpu.vector_store %arg19[%swap3A_322, %swap3A_323], %broadcast_in_dim3A_320 {strides = array<i32>} : memref<16x64xf32, #tpu.memory_space<vmem>>, vector<16xf32>,
    %broadcast_in_dim3A_325 = arith.constant 0.000000e+00 : f32
    %broadcast_in_dim3A_326 = vector.broadcast %broadcast_in_dim3A_325 : f32 to vector<16xf32>
    %swap3A_327 = arith.constant 12 : i32
    %swap3A_328 = arith.index_cast %swap3A_327 : i32 to index
    %swap3A_329 = arith.constant 48 : index
    %swap3A_330 = tpu.vector_load %arg19[%swap3A_328, %swap3A_329] {strides = array<i32>} : memref<16x64xf32, #tpu.memory_space<vmem>>, vector<16xf32>,
    tpu.vector_store %arg19[%swap3A_328, %swap3A_329], %broadcast_in_dim3A_326 {strides = array<i32>} : memref<16x64xf32, #tpu.memory_space<vmem>>, vector<16xf32>,
    %broadcast_in_dim3A_331 = arith.constant 0.000000e+00 : f32
    %broadcast_in_dim3A_332 = vector.broadcast %broadcast_in_dim3A_331 : f32 to vector<16xf32>
    %swap3A_333 = arith.constant 13 : i32
    %swap3A_334 = arith.index_cast %swap3A_333 : i32 to index
    %swap3A_335 = arith.constant 0 : index
    %swap3A_336 = tpu.vector_load %arg19[%swap3A_334, %swap3A_335] {strides = array<i32>} : memref<16x64xf32, #tpu.memory_space<vmem>>, vector<16xf32>,
    tpu.vector_store %arg19[%swap3A_334, %swap3A_335], %broadcast_in_dim3A_332 {strides = array<i32>} : memref<16x64xf32, #tpu.memory_space<vmem>>, vector<16xf32>,
    %broadcast_in_dim3A_337 = arith.constant 0.000000e+00 : f32
    %broadcast_in_dim3A_338 = vector.broadcast %broadcast_in_dim3A_337 : f32 to vector<16xf32>
    %swap3A_339 = arith.constant 13 : i32
    %swap3A_340 = arith.index_cast %swap3A_339 : i32 to index
    %swap3A_341 = arith.constant 16 : index
    %swap3A_342 = tpu.vector_load %arg19[%swap3A_340, %swap3A_341] {strides = array<i32>} : memref<16x64xf32, #tpu.memory_space<vmem>>, vector<16xf32>,
    tpu.vector_store %arg19[%swap3A_340, %swap3A_341], %broadcast_in_dim3A_338 {strides = array<i32>} : memref<16x64xf32, #tpu.memory_space<vmem>>, vector<16xf32>,
    %broadcast_in_dim3A_343 = arith.constant 0.000000e+00 : f32
    %broadcast_in_dim3A_344 = vector.broadcast %broadcast_in_dim3A_343 : f32 to vector<16xf32>
    %swap3A_345 = arith.constant 13 : i32
    %swap3A_346 = arith.index_cast %swap3A_345 : i32 to index
    %swap3A_347 = arith.constant 32 : index
    %swap3A_348 = tpu.vector_load %arg19[%swap3A_346, %swap3A_347] {strides = array<i32>} : memref<16x64xf32, #tpu.memory_space<vmem>>, vector<16xf32>,
    tpu.vector_store %arg19[%swap3A_346, %swap3A_347], %broadcast_in_dim3A_344 {strides = array<i32>} : memref<16x64xf32, #tpu.memory_space<vmem>>, vector<16xf32>,
    %broadcast_in_dim3A_349 = arith.constant 0.000000e+00 : f32
    %broadcast_in_dim3A_350 = vector.broadcast %broadcast_in_dim3A_349 : f32 to vector<16xf32>
    %swap3A_351 = arith.constant 13 : i32
    %swap3A_352 = arith.index_cast %swap3A_351 : i32 to index
    %swap3A_353 = arith.constant 48 : index
    %swap3A_354 = tpu.vector_load %arg19[%swap3A_352, %swap3A_353] {strides = array<i32>} : memref<16x64xf32, #tpu.memory_space<vmem>>, vector<16xf32>,
    tpu.vector_store %arg19[%swap3A_352, %swap3A_353], %broadcast_in_dim3A_350 {strides = array<i32>} : memref<16x64xf32, #tpu.memory_space<vmem>>, vector<16xf32>,
    %broadcast_in_dim3A_355 = arith.constant 0.000000e+00 : f32
    %broadcast_in_dim3A_356 = vector.broadcast %broadcast_in_dim3A_355 : f32 to vector<16xf32>
    %swap3A_357 = arith.constant 14 : i32
    %swap3A_358 = arith.index_cast %swap3A_357 : i32 to index
    %swap3A_359 = arith.constant 0 : index
    %swap3A_360 = tpu.vector_load %arg19[%swap3A_358, %swap3A_359] {strides = array<i32>} : memref<16x64xf32, #tpu.memory_space<vmem>>, vector<16xf32>,
    tpu.vector_store %arg19[%swap3A_358, %swap3A_359], %broadcast_in_dim3A_356 {strides = array<i32>} : memref<16x64xf32, #tpu.memory_space<vmem>>, vector<16xf32>,
    %broadcast_in_dim3A_361 = arith.constant 0.000000e+00 : f32
    %broadcast_in_dim3A_362 = vector.broadcast %broadcast_in_dim3A_361 : f32 to vector<16xf32>
    %swap3A_363 = arith.constant 14 : i32
    %swap3A_364 = arith.index_cast %swap3A_363 : i32 to index
    %swap3A_365 = arith.constant 16 : index
    %swap3A_366 = tpu.vector_load %arg19[%swap3A_364, %swap3A_365] {strides = array<i32>} : memref<16x64xf32, #tpu.memory_space<vmem>>, vector<16xf32>,
    tpu.vector_store %arg19[%swap3A_364, %swap3A_365], %broadcast_in_dim3A_362 {strides = array<i32>} : memref<16x64xf32, #tpu.memory_space<vmem>>, vector<16xf32>,
    %broadcast_in_dim3A_367 = arith.constant 0.000000e+00 : f32
    %broadcast_in_dim3A_368 = vector.broadcast %broadcast_in_dim3A_367 : f32 to vector<16xf32>
    %swap3A_369 = arith.constant 14 : i32
    %swap3A_370 = arith.index_cast %swap3A_369 : i32 to index
    %swap3A_371 = arith.constant 32 : index
    %swap3A_372 = tpu.vector_load %arg19[%swap3A_370, %swap3A_371] {strides = array<i32>} : memref<16x64xf32, #tpu.memory_space<vmem>>, vector<16xf32>,
    tpu.vector_store %arg19[%swap3A_370, %swap3A_371], %broadcast_in_dim3A_368 {strides = array<i32>} : memref<16x64xf32, #tpu.memory_space<vmem>>, vector<16xf32>,
    %broadcast_in_dim3A_373 = arith.constant 0.000000e+00 : f32
    %broadcast_in_dim3A_374 = vector.broadcast %broadcast_in_dim3A_373 : f32 to vector<16xf32>
    %swap3A_375 = arith.constant 14 : i32
    %swap3A_376 = arith.index_cast %swap3A_375 : i32 to index
    %swap3A_377 = arith.constant 48 : index
    %swap3A_378 = tpu.vector_load %arg19[%swap3A_376, %swap3A_377] {strides = array<i32>} : memref<16x64xf32, #tpu.memory_space<vmem>>, vector<16xf32>,
    tpu.vector_store %arg19[%swap3A_376, %swap3A_377], %broadcast_in_dim3A_374 {strides = array<i32>} : memref<16x64xf32, #tpu.memory_space<vmem>>, vector<16xf32>,
    %broadcast_in_dim3A_379 = arith.constant 0.000000e+00 : f32
    %broadcast_in_dim3A_380 = vector.broadcast %broadcast_in_dim3A_379 : f32 to vector<16xf32>
    %swap3A_381 = arith.constant 15 : i32
    %swap3A_382 = arith.index_cast %swap3A_381 : i32 to index
    %swap3A_383 = arith.constant 0 : index
    %swap3A_384 = tpu.vector_load %arg19[%swap3A_382, %swap3A_383] {strides = array<i32>} : memref<16x64xf32, #tpu.memory_space<vmem>>, vector<16xf32>,
    tpu.vector_store %arg19[%swap3A_382, %swap3A_383], %broadcast_in_dim3A_380 {strides = array<i32>} : memref<16x64xf32, #tpu.memory_space<vmem>>, vector<16xf32>,
    %broadcast_in_dim3A_385 = arith.constant 0.000000e+00 : f32
    %broadcast_in_dim3A_386 = vector.broadcast %broadcast_in_dim3A_385 : f32 to vector<16xf32>
    %swap3A_387 = arith.constant 15 : i32
    %swap3A_388 = arith.index_cast %swap3A_387 : i32 to index
    %swap3A_389 = arith.constant 16 : index
    %swap3A_390 = tpu.vector_load %arg19[%swap3A_388, %swap3A_389] {strides = array<i32>} : memref<16x64xf32, #tpu.memory_space<vmem>>, vector<16xf32>,
    tpu.vector_store %arg19[%swap3A_388, %swap3A_389], %broadcast_in_dim3A_386 {strides = array<i32>} : memref<16x64xf32, #tpu.memory_space<vmem>>, vector<16xf32>,
    %broadcast_in_dim3A_391 = arith.constant 0.000000e+00 : f32
    %broadcast_in_dim3A_392 = vector.broadcast %broadcast_in_dim3A_391 : f32 to vector<16xf32>
    %swap3A_393 = arith.constant 15 : i32
    %swap3A_394 = arith.index_cast %swap3A_393 : i32 to index
    %swap3A_395 = arith.constant 32 : index
    %swap3A_396 = tpu.vector_load %arg19[%swap3A_394, %swap3A_395] {strides = array<i32>} : memref<16x64xf32, #tpu.memory_space<vmem>>, vector<16xf32>,
    tpu.vector_store %arg19[%swap3A_394, %swap3A_395], %broadcast_in_dim3A_392 {strides = array<i32>} : memref<16x64xf32, #tpu.memory_space<vmem>>, vector<16xf32>,
    %broadcast_in_dim3A_397 = arith.constant 0.000000e+00 : f32
    %broadcast_in_dim3A_398 = vector.broadcast %broadcast_in_dim3A_397 : f32 to vector<16xf32>
    %swap3A_399 = arith.constant 15 : i32
    %swap3A_400 = arith.index_cast %swap3A_399 : i32 to index
    %swap3A_401 = arith.constant 48 : index
    %swap3A_402 = tpu.vector_load %arg19[%swap3A_400, %swap3A_401] {strides = array<i32>} : memref<16x64xf32, #tpu.memory_space<vmem>>, vector<16xf32>,
    tpu.vector_store %arg19[%swap3A_400, %swap3A_401], %broadcast_in_dim3A_398 {strides = array<i32>} : memref<16x64xf32, #tpu.memory_space<vmem>>, vector<16xf32>,
    %iota3A = tpu.iota {dimensions = array<i32: 0>} : vector<16xi32>
    %add3A_403 = arith.constant 0 : i32
    %add3A_404 = arith.addi %mul3A_2, %add3A_403 : i32
    %dma_start3A = arith.constant 0 : i32
    %dma_start3A_405 = tpu.memref_slice %arg10[%dma_start3A] : memref<3200xi32, #tpu.memory_space<vmem>> -> memref<800xi32, #tpu.memory_space<vmem>>
    %dma_start3A_406 = tpu.memref_slice %arg2[%add3A_404] : memref<3200000xi32, #tpu.memory_space<hbm>> -> memref<800xi32, #tpu.memory_space<hbm>>
    %dma_start3A_407 = arith.constant 0 : i32
    %dma_start3A_408 = tpu.memref_slice %arg10[%dma_start3A_407] : memref<3200xi32, #tpu.memory_space<vmem>> -> memref<800xi32, #tpu.memory_space<vmem>>
    %dma_start3A_409 = tpu.memref_slice %arg2[%add3A_404] : memref<3200000xi32, #tpu.memory_space<hbm>> -> memref<800xi32, #tpu.memory_space<hbm>>
    tpu.enqueue_dma source(%dma_start3A_409 : memref<800xi32, #tpu.memory_space<hbm>>) target(%dma_start3A_408 : memref<800xi32, #tpu.memory_space<vmem>>) target_semaphore(%arg21 : memref<!tpu.dma_semaphore, #tpu.memory_space<semaphore_mem>>)
    %dma_start3A_410 = arith.constant 800 : i32
    %dma_start3A_411 = tpu.memref_slice %arg10[%dma_start3A_410] : memref<3200xi32, #tpu.memory_space<vmem>> -> memref<800xi32, #tpu.memory_space<vmem>>
    %dma_start3A_412 = tpu.memref_slice %arg3[%add3A_404] : memref<3200000xi32, #tpu.memory_space<hbm>> -> memref<800xi32, #tpu.memory_space<hbm>>
    %dma_start3A_413 = arith.constant 800 : i32
    %dma_start3A_414 = tpu.memref_slice %arg10[%dma_start3A_413] : memref<3200xi32, #tpu.memory_space<vmem>> -> memref<800xi32, #tpu.memory_space<vmem>>
    %dma_start3A_415 = tpu.memref_slice %arg3[%add3A_404] : memref<3200000xi32, #tpu.memory_space<hbm>> -> memref<800xi32, #tpu.memory_space<hbm>>
    tpu.enqueue_dma source(%dma_start3A_415 : memref<800xi32, #tpu.memory_space<hbm>>) target(%dma_start3A_414 : memref<800xi32, #tpu.memory_space<vmem>>) target_semaphore(%arg21 : memref<!tpu.dma_semaphore, #tpu.memory_space<semaphore_mem>>)
    %dma_start3A_416 = arith.constant 1600 : i32
    %dma_start3A_417 = tpu.memref_slice %arg10[%dma_start3A_416] : memref<3200xi32, #tpu.memory_space<vmem>> -> memref<800xi32, #tpu.memory_space<vmem>>
    %dma_start3A_418 = tpu.memref_slice %arg4[%add3A_404] : memref<3200000xi32, #tpu.memory_space<hbm>> -> memref<800xi32, #tpu.memory_space<hbm>>
    %dma_start3A_419 = arith.constant 1600 : i32
    %dma_start3A_420 = tpu.memref_slice %arg10[%dma_start3A_419] : memref<3200xi32, #tpu.memory_space<vmem>> -> memref<800xi32, #tpu.memory_space<vmem>>
    %dma_start3A_421 = tpu.memref_slice %arg4[%add3A_404] : memref<3200000xi32, #tpu.memory_space<hbm>> -> memref<800xi32, #tpu.memory_space<hbm>>
    tpu.enqueue_dma source(%dma_start3A_421 : memref<800xi32, #tpu.memory_space<hbm>>) target(%dma_start3A_420 : memref<800xi32, #tpu.memory_space<vmem>>) target_semaphore(%arg21 : memref<!tpu.dma_semaphore, #tpu.memory_space<semaphore_mem>>)
    %dma_start3A_422 = arith.constant 2400 : i32
    %dma_start3A_423 = tpu.memref_slice %arg10[%dma_start3A_422] : memref<3200xi32, #tpu.memory_space<vmem>> -> memref<800xi32, #tpu.memory_space<vmem>>
    %dma_start3A_424 = tpu.memref_slice %arg5[%add3A_404] : memref<3200000xi32, #tpu.memory_space<hbm>> -> memref<800xi32, #tpu.memory_space<hbm>>
    %dma_start3A_425 = arith.constant 2400 : i32
    %dma_start3A_426 = tpu.memref_slice %arg10[%dma_start3A_425] : memref<3200xi32, #tpu.memory_space<vmem>> -> memref<800xi32, #tpu.memory_space<vmem>>
    %dma_start3A_427 = tpu.memref_slice %arg5[%add3A_404] : memref<3200000xi32, #tpu.memory_space<hbm>> -> memref<800xi32, #tpu.memory_space<hbm>>
    tpu.enqueue_dma source(%dma_start3A_427 : memref<800xi32, #tpu.memory_space<hbm>>) target(%dma_start3A_426 : memref<800xi32, #tpu.memory_space<vmem>>) target_semaphore(%arg21 : memref<!tpu.dma_semaphore, #tpu.memory_space<semaphore_mem>>)
    %dma_start3A_428 = tpu.memref_slice %arg6[%add3A_404] : memref<3200000xi32, #tpu.memory_space<hbm>> -> memref<800xi32, #tpu.memory_space<hbm>>
    %dma_start3A_429 = tpu.memref_slice %arg6[%add3A_404] : memref<3200000xi32, #tpu.memory_space<hbm>> -> memref<800xi32, #tpu.memory_space<hbm>>
    tpu.enqueue_dma source(%dma_start3A_429 : memref<800xi32, #tpu.memory_space<hbm>>) target(%arg11 : memref<800xi32, #tpu.memory_space<vmem>>) target_semaphore(%arg21 : memref<!tpu.dma_semaphore, #tpu.memory_space<semaphore_mem>>)
    %dma_wait3A = arith.constant 0 : i32
    %dma_wait3A_430 = tpu.memref_slice %arg10[%dma_wait3A] : memref<3200xi32, #tpu.memory_space<vmem>> -> memref<800xi32, #tpu.memory_space<vmem>>
    %dma_wait3A_431 = arith.constant 0 : i32
    %dma_wait3A_432 = tpu.memref_slice %arg2[%dma_wait3A_431] : memref<3200000xi32, #tpu.memory_space<hbm>> -> memref<800xi32, #tpu.memory_space<hbm>>
    %dma_wait3A_433 = arith.constant 0 : i32
    %dma_wait3A_434 = tpu.memref_slice %arg10[%dma_wait3A_433] : memref<3200xi32, #tpu.memory_space<vmem>> -> memref<800xi32, #tpu.memory_space<vmem>>
    %dma_wait3A_435 = arith.constant 0 : i32
    %dma_wait3A_436 = tpu.memref_slice %arg2[%dma_wait3A_435] : memref<3200000xi32, #tpu.memory_space<hbm>> -> memref<800xi32, #tpu.memory_space<hbm>>
    tpu.wait_dma2 semaphore(%arg21 : memref<!tpu.dma_semaphore, #tpu.memory_space<semaphore_mem>>) src(%dma_wait3A_436 : memref<800xi32, #tpu.memory_space<hbm>>) dst(%dma_wait3A_434 : memref<800xi32, #tpu.memory_space<vmem>>)
    %dma_wait3A_437 = arith.constant 800 : i32
    %dma_wait3A_438 = tpu.memref_slice %arg10[%dma_wait3A_437] : memref<3200xi32, #tpu.memory_space<vmem>> -> memref<800xi32, #tpu.memory_space<vmem>>
    %dma_wait3A_439 = arith.constant 0 : i32
    %dma_wait3A_440 = tpu.memref_slice %arg3[%dma_wait3A_439] : memref<3200000xi32, #tpu.memory_space<hbm>> -> memref<800xi32, #tpu.memory_space<hbm>>
    %dma_wait3A_441 = arith.constant 800 : i32
    %dma_wait3A_442 = tpu.memref_slice %arg10[%dma_wait3A_441] : memref<3200xi32, #tpu.memory_space<vmem>> -> memref<800xi32, #tpu.memory_space<vmem>>
    %dma_wait3A_443 = arith.constant 0 : i32
    %dma_wait3A_444 = tpu.memref_slice %arg3[%dma_wait3A_443] : memref<3200000xi32, #tpu.memory_space<hbm>> -> memref<800xi32, #tpu.memory_space<hbm>>
    tpu.wait_dma2 semaphore(%arg21 : memref<!tpu.dma_semaphore, #tpu.memory_space<semaphore_mem>>) src(%dma_wait3A_444 : memref<800xi32, #tpu.memory_space<hbm>>) dst(%dma_wait3A_442 : memref<800xi32, #tpu.memory_space<vmem>>)
    %dma_wait3A_445 = arith.constant 1600 : i32
    %dma_wait3A_446 = tpu.memref_slice %arg10[%dma_wait3A_445] : memref<3200xi32, #tpu.memory_space<vmem>> -> memref<800xi32, #tpu.memory_space<vmem>>
    %dma_wait3A_447 = arith.constant 0 : i32
    %dma_wait3A_448 = tpu.memref_slice %arg4[%dma_wait3A_447] : memref<3200000xi32, #tpu.memory_space<hbm>> -> memref<800xi32, #tpu.memory_space<hbm>>
    %dma_wait3A_449 = arith.constant 1600 : i32
    %dma_wait3A_450 = tpu.memref_slice %arg10[%dma_wait3A_449] : memref<3200xi32, #tpu.memory_space<vmem>> -> memref<800xi32, #tpu.memory_space<vmem>>
    %dma_wait3A_451 = arith.constant 0 : i32
    %dma_wait3A_452 = tpu.memref_slice %arg4[%dma_wait3A_451] : memref<3200000xi32, #tpu.memory_space<hbm>> -> memref<800xi32, #tpu.memory_space<hbm>>
    tpu.wait_dma2 semaphore(%arg21 : memref<!tpu.dma_semaphore, #tpu.memory_space<semaphore_mem>>) src(%dma_wait3A_452 : memref<800xi32, #tpu.memory_space<hbm>>) dst(%dma_wait3A_450 : memref<800xi32, #tpu.memory_space<vmem>>)
    %dma_wait3A_453 = arith.constant 2400 : i32
    %dma_wait3A_454 = tpu.memref_slice %arg10[%dma_wait3A_453] : memref<3200xi32, #tpu.memory_space<vmem>> -> memref<800xi32, #tpu.memory_space<vmem>>
    %dma_wait3A_455 = arith.constant 0 : i32
    %dma_wait3A_456 = tpu.memref_slice %arg5[%dma_wait3A_455] : memref<3200000xi32, #tpu.memory_space<hbm>> -> memref<800xi32, #tpu.memory_space<hbm>>
    %dma_wait3A_457 = arith.constant 2400 : i32
    %dma_wait3A_458 = tpu.memref_slice %arg10[%dma_wait3A_457] : memref<3200xi32, #tpu.memory_space<vmem>> -> memref<800xi32, #tpu.memory_space<vmem>>
    %dma_wait3A_459 = arith.constant 0 : i32
    %dma_wait3A_460 = tpu.memref_slice %arg5[%dma_wait3A_459] : memref<3200000xi32, #tpu.memory_space<hbm>> -> memref<800xi32, #tpu.memory_space<hbm>>
    tpu.wait_dma2 semaphore(%arg21 : memref<!tpu.dma_semaphore, #tpu.memory_space<semaphore_mem>>) src(%dma_wait3A_460 : memref<800xi32, #tpu.memory_space<hbm>>) dst(%dma_wait3A_458 : memref<800xi32, #tpu.memory_space<vmem>>)
    %dma_wait3A_461 = arith.constant 0 : i32
    %dma_wait3A_462 = tpu.memref_slice %arg6[%dma_wait3A_461] : memref<3200000xi32, #tpu.memory_space<hbm>> -> memref<800xi32, #tpu.memory_space<hbm>>
    %dma_wait3A_463 = arith.constant 0 : i32
    %dma_wait3A_464 = tpu.memref_slice %arg6[%dma_wait3A_463] : memref<3200000xi32, #tpu.memory_space<hbm>> -> memref<800xi32, #tpu.memory_space<hbm>>
    tpu.wait_dma2 semaphore(%arg21 : memref<!tpu.dma_semaphore, #tpu.memory_space<semaphore_mem>>) src(%dma_wait3A_464 : memref<800xi32, #tpu.memory_space<hbm>>) dst(%arg11 : memref<800xi32, #tpu.memory_space<vmem>>)
    %dma_start3A_465 = arith.constant 0 : i32
    %dma_start3A_466 = arith.constant 0 : i32
    %dma_start3A_467 = tpu.memref_slice %arg20[%dma_start3A_465, %dma_start3A_466] : memref<100000x8xf32, #tpu.memory_space<vmem_shared>> -> memref<100000x8xf32, #tpu.memory_space<vmem_shared>>
    tpu.enqueue_indirect_dma source(%dma_start3A_467 : memref<100000x8xf32, #tpu.memory_space<vmem_shared>>) target(%arg13 : memref<3200x8xf32, #tpu.memory_space<vmem>>) offsets(%arg10 : memref<3200xi32, #tpu.memory_space<vmem>>) semaphore(%arg22 : memref<!tpu.dma_semaphore, #tpu.memory_space<semaphore_mem>>)
    %add3A_468 = arith.constant 800 : i32
    %add3A_469 = arith.addi %mul3A_2, %add3A_468 : i32
    %dma_start3A_470 = arith.constant 0 : i32
    %dma_start3A_471 = tpu.memref_slice %arg14[%dma_start3A_470] : memref<3200xi32, #tpu.memory_space<vmem>> -> memref<800xi32, #tpu.memory_space<vmem>>
    %dma_start3A_472 = tpu.memref_slice %arg2[%add3A_469] : memref<3200000xi32, #tpu.memory_space<hbm>> -> memref<800xi32, #tpu.memory_space<hbm>>
    %dma_start3A_473 = arith.constant 0 : i32
    %dma_start3A_474 = tpu.memref_slice %arg14[%dma_start3A_473] : memref<3200xi32, #tpu.memory_space<vmem>> -> memref<800xi32, #tpu.memory_space<vmem>>
    %dma_start3A_475 = tpu.memref_slice %arg2[%add3A_469] : memref<3200000xi32, #tpu.memory_space<hbm>> -> memref<800xi32, #tpu.memory_space<hbm>>
    tpu.enqueue_dma source(%dma_start3A_475 : memref<800xi32, #tpu.memory_space<hbm>>) target(%dma_start3A_474 : memref<800xi32, #tpu.memory_space<vmem>>) target_semaphore(%arg21 : memref<!tpu.dma_semaphore, #tpu.memory_space<semaphore_mem>>)
    %dma_start3A_476 = arith.constant 800 : i32
    %dma_start3A_477 = tpu.memref_slice %arg14[%dma_start3A_476] : memref<3200xi32, #tpu.memory_space<vmem>> -> memref<800xi32, #tpu.memory_space<vmem>>
    %dma_start3A_478 = tpu.memref_slice %arg3[%add3A_469] : memref<3200000xi32, #tpu.memory_space<hbm>> -> memref<800xi32, #tpu.memory_space<hbm>>
    %dma_start3A_479 = arith.constant 800 : i32
    %dma_start3A_480 = tpu.memref_slice %arg14[%dma_start3A_479] : memref<3200xi32, #tpu.memory_space<vmem>> -> memref<800xi32, #tpu.memory_space<vmem>>
    %dma_start3A_481 = tpu.memref_slice %arg3[%add3A_469] : memref<3200000xi32, #tpu.memory_space<hbm>> -> memref<800xi32, #tpu.memory_space<hbm>>
    tpu.enqueue_dma source(%dma_start3A_481 : memref<800xi32, #tpu.memory_space<hbm>>) target(%dma_start3A_480 : memref<800xi32, #tpu.memory_space<vmem>>) target_semaphore(%arg21 : memref<!tpu.dma_semaphore, #tpu.memory_space<semaphore_mem>>)
    %dma_start3A_482 = arith.constant 1600 : i32
    %dma_start3A_483 = tpu.memref_slice %arg14[%dma_start3A_482] : memref<3200xi32, #tpu.memory_space<vmem>> -> memref<800xi32, #tpu.memory_space<vmem>>
    %dma_start3A_484 = tpu.memref_slice %arg4[%add3A_469] : memref<3200000xi32, #tpu.memory_space<hbm>> -> memref<800xi32, #tpu.memory_space<hbm>>
    %dma_start3A_485 = arith.constant 1600 : i32
    %dma_start3A_486 = tpu.memref_slice %arg14[%dma_start3A_485] : memref<3200xi32, #tpu.memory_space<vmem>> -> memref<800xi32, #tpu.memory_space<vmem>>
    %dma_start3A_487 = tpu.memref_slice %arg4[%add3A_469] : memref<3200000xi32, #tpu.memory_space<hbm>> -> memref<800xi32, #tpu.memory_space<hbm>>
    tpu.enqueue_dma source(%dma_start3A_487 : memref<800xi32, #tpu.memory_space<hbm>>) target(%dma_start3A_486 : memref<800xi32, #tpu.memory_space<vmem>>) target_semaphore(%arg21 : memref<!tpu.dma_semaphore, #tpu.memory_space<semaphore_mem>>)
    %dma_start3A_488 = arith.constant 2400 : i32
    %dma_start3A_489 = tpu.memref_slice %arg14[%dma_start3A_488] : memref<3200xi32, #tpu.memory_space<vmem>> -> memref<800xi32, #tpu.memory_space<vmem>>
    %dma_start3A_490 = tpu.memref_slice %arg5[%add3A_469] : memref<3200000xi32, #tpu.memory_space<hbm>> -> memref<800xi32, #tpu.memory_space<hbm>>
    %dma_start3A_491 = arith.constant 2400 : i32
    %dma_start3A_492 = tpu.memref_slice %arg14[%dma_start3A_491] : memref<3200xi32, #tpu.memory_space<vmem>> -> memref<800xi32, #tpu.memory_space<vmem>>
    %dma_start3A_493 = tpu.memref_slice %arg5[%add3A_469] : memref<3200000xi32, #tpu.memory_space<hbm>> -> memref<800xi32, #tpu.memory_space<hbm>>
    tpu.enqueue_dma source(%dma_start3A_493 : memref<800xi32, #tpu.memory_space<hbm>>) target(%dma_start3A_492 : memref<800xi32, #tpu.memory_space<vmem>>) target_semaphore(%arg21 : memref<!tpu.dma_semaphore, #tpu.memory_space<semaphore_mem>>)
    %dma_start3A_494 = tpu.memref_slice %arg6[%add3A_469] : memref<3200000xi32, #tpu.memory_space<hbm>> -> memref<800xi32, #tpu.memory_space<hbm>>
    %dma_start3A_495 = tpu.memref_slice %arg6[%add3A_469] : memref<3200000xi32, #tpu.memory_space<hbm>> -> memref<800xi32, #tpu.memory_space<hbm>>
    tpu.enqueue_dma source(%dma_start3A_495 : memref<800xi32, #tpu.memory_space<hbm>>) target(%arg15 : memref<800xi32, #tpu.memory_space<vmem>>) target_semaphore(%arg21 : memref<!tpu.dma_semaphore, #tpu.memory_space<semaphore_mem>>)
    %scan3A = arith.constant 0 : i32
    %scan3A_496 = arith.constant 61 : i32
    %scan3A_497 = arith.addi %scan3A, %scan3A_496 : i32
    %scan3A_498 = arith.constant 1 : i32
    scf.for %scan3A_681 = %scan3A to %scan3A_497 step %scan3A_498  : i32 {
      %mul3A_682 = arith.constant 1 : i32
      %mul3A_683 = arith.muli %scan3A_681, %mul3A_682 : i32
      %add3A_684 = arith.constant 0 : i32
      %add3A_685 = arith.addi %add3A_684, %mul3A_683 : i32
      %mul3A_686 = arith.constant 2 : i32
      %mul3A_687 = arith.muli %mul3A_686, %add3A_685 : i32
      %dma_wait3A_688 = arith.constant 0 : i32
      %dma_wait3A_689 = arith.constant 0 : i32
      %dma_wait3A_690 = tpu.memref_slice %arg20[%dma_wait3A_688, %dma_wait3A_689] : memref<100000x8xf32, #tpu.memory_space<vmem_shared>> -> memref<3200x8xf32, #tpu.memory_space<vmem_shared>>
      %dma_wait3A_691 = arith.constant 0 : i32
      %dma_wait3A_692 = arith.constant 0 : i32
      %dma_wait3A_693 = tpu.memref_slice %arg20[%dma_wait3A_691, %dma_wait3A_692] : memref<100000x8xf32, #tpu.memory_space<vmem_shared>> -> memref<3200x8xf32, #tpu.memory_space<vmem_shared>>
      tpu.wait_dma2 semaphore(%arg22 : memref<!tpu.dma_semaphore, #tpu.memory_space<semaphore_mem>>) src(%dma_wait3A_693 : memref<3200x8xf32, #tpu.memory_space<vmem_shared>>) dst(%arg13 : memref<3200x8xf32, #tpu.memory_space<vmem>>)
      %scan3A_694 = arith.constant 0 : i32
      %scan3A_695 = arith.constant 50 : i32
      %scan3A_696 = arith.addi %scan3A_694, %scan3A_695 : i32
      %scan3A_697 = arith.constant 1 : i32
      scf.for %scan3A_882 = %scan3A_694 to %scan3A_696 step %scan3A_697  : i32 {
        %mul3A_883 = arith.constant 1 : i32
        %mul3A_884 = arith.muli %scan3A_882, %mul3A_883 : i32
        %add3A_885 = arith.constant 0 : i32
        %add3A_886 = arith.addi %add3A_885, %mul3A_884 : i32
        %mul3A_887 = arith.constant 16 : i32
        %mul3A_888 = arith.muli %add3A_886, %mul3A_887 : i32
        %add3A_889 = vector.broadcast %mul3A_888 : i32 to vector<16xi32>
        %add3A_890 = arith.addi %iota3A, %add3A_889 : vector<16xi32>
        %gather3A = tpu.vector_load_idx %arg13[%add3A_890, %broadcast_in_dim3A_9] : memref<3200x8xf32, #tpu.memory_space<vmem>>[vector<16xi32>, vector<16xi32>], vector<16xf32>,
        %add3A_891 = arith.constant 800 : i32
        %add3A_892 = vector.broadcast %add3A_891 : i32 to vector<16xi32>
        %add3A_893 = arith.addi %add3A_890, %add3A_892 : vector<16xi32>
        %gather3A_894 = tpu.vector_load_idx %arg13[%add3A_893, %broadcast_in_dim3A_9] : memref<3200x8xf32, #tpu.memory_space<vmem>>[vector<16xi32>, vector<16xi32>], vector<16xf32>,
        %add3A_895 = arith.constant 1600 : i32
        %add3A_896 = vector.broadcast %add3A_895 : i32 to vector<16xi32>
        %add3A_897 = arith.addi %add3A_890, %add3A_896 : vector<16xi32>
        %gather3A_898 = tpu.vector_load_idx %arg13[%add3A_897, %broadcast_in_dim3A_9] : memref<3200x8xf32, #tpu.memory_space<vmem>>[vector<16xi32>, vector<16xi32>], vector<16xf32>,
        %add3A_899 = arith.constant 2400 : i32
        %add3A_900 = vector.broadcast %add3A_899 : i32 to vector<16xi32>
        %add3A_901 = arith.addi %add3A_890, %add3A_900 : vector<16xi32>
        %gather3A_902 = tpu.vector_load_idx %arg13[%add3A_901, %broadcast_in_dim3A_9] : memref<3200x8xf32, #tpu.memory_space<vmem>>[vector<16xi32>, vector<16xi32>], vector<16xf32>,
        %mul3A_903 = arith.constant 2.600000e+01 : f32
        %mul3A_904 = vector.broadcast %mul3A_903 : f32 to vector<16xf32>
        %mul3A_905 = arith.mulf %gather3A, %mul3A_904 : vector<16xf32>
        %add3A_906 = arith.addf %mul3A_905, %gather3A_894 : vector<16xf32>
        %mul3A_907 = arith.constant 2.600000e+01 : f32
        %mul3A_908 = vector.broadcast %mul3A_907 : f32 to vector<16xf32>
        %mul3A_909 = arith.mulf %add3A_906, %mul3A_908 : vector<16xf32>
        %add3A_910 = arith.addf %mul3A_909, %gather3A_898 : vector<16xf32>
        %mul3A_911 = arith.constant 2.600000e+01 : f32
        %mul3A_912 = vector.broadcast %mul3A_911 : f32 to vector<16xf32>
        %mul3A_913 = arith.mulf %add3A_910, %mul3A_912 : vector<16xf32>
        %add3A_914 = arith.addf %mul3A_913, %gather3A_902 : vector<16xf32>
        %max3A = arith.constant 0.000000e+00 : f32
        %max3A_915 = vector.broadcast %max3A : f32 to vector<16xf32>
        %max3A_916 = arith.maximumf %add3A_914, %max3A_915 : vector<16xf32>
        %min3A = arith.constant 4.569750e+05 : f32
        %min3A_917 = vector.broadcast %min3A : f32 to vector<16xf32>
        %min3A_918 = arith.minimumf %max3A_916, %min3A_917 : vector<16xf32>
        %convert_element_type3A_919 = arith.fptosi %min3A_918 : vector<16xf32> to vector<16xi32>
        %mul3A_920 = arith.constant 16 : i32
        %mul3A_921 = arith.muli %add3A_886, %mul3A_920 : i32
        %swap3A_922 = arith.index_cast %mul3A_921 : i32 to index
        %swap3A_923 = tpu.vector_load %arg12[%swap3A_922] {strides = array<i32>} : memref<800xi32, #tpu.memory_space<vmem>>, vector<16xi32>,
        tpu.vector_store %arg12[%swap3A_922], %convert_element_type3A_919 {strides = array<i32>} : memref<800xi32, #tpu.memory_space<vmem>>, vector<16xi32>,
      }
      %scan3A_698 = arith.constant 50 : i32
      %dma_start3A_699 = arith.constant 0 : i32
      %dma_start3A_700 = arith.constant 0 : i32
      %dma_start3A_701 = tpu.memref_slice %arg8[%dma_start3A_699, %dma_start3A_700] : memref<456976x8xf32, #tpu.memory_space<hbm>> -> memref<456976x8xf32, #tpu.memory_space<hbm>>
      tpu.enqueue_indirect_dma source(%dma_start3A_701 : memref<456976x8xf32, #tpu.memory_space<hbm>>) target(%arg18 : memref<800x8xf32, #tpu.memory_space<vmem>>) offsets(%arg12 : memref<800xi32, #tpu.memory_space<vmem>>) semaphore(%arg23 : memref<!tpu.dma_semaphore, #tpu.memory_space<semaphore_mem>>)
      %dma_wait3A_702 = arith.constant 0 : i32
      %dma_wait3A_703 = tpu.memref_slice %arg14[%dma_wait3A_702] : memref<3200xi32, #tpu.memory_space<vmem>> -> memref<800xi32, #tpu.memory_space<vmem>>
      %dma_wait3A_704 = arith.constant 0 : i32
      %dma_wait3A_705 = tpu.memref_slice %arg2[%dma_wait3A_704] : memref<3200000xi32, #tpu.memory_space<hbm>> -> memref<800xi32, #tpu.memory_space<hbm>>
      %dma_wait3A_706 = arith.constant 0 : i32
      %dma_wait3A_707 = tpu.memref_slice %arg14[%dma_wait3A_706] : memref<3200xi32, #tpu.memory_space<vmem>> -> memref<800xi32, #tpu.memory_space<vmem>>
      %dma_wait3A_708 = arith.constant 0 : i32
      %dma_wait3A_709 = tpu.memref_slice %arg2[%dma_wait3A_708] : memref<3200000xi32, #tpu.memory_space<hbm>> -> memref<800xi32, #tpu.memory_space<hbm>>
      tpu.wait_dma2 semaphore(%arg21 : memref<!tpu.dma_semaphore, #tpu.memory_space<semaphore_mem>>) src(%dma_wait3A_709 : memref<800xi32, #tpu.memory_space<hbm>>) dst(%dma_wait3A_707 : memref<800xi32, #tpu.memory_space<vmem>>)
      %dma_wait3A_710 = arith.constant 800 : i32
      %dma_wait3A_711 = tpu.memref_slice %arg14[%dma_wait3A_710] : memref<3200xi32, #tpu.memory_space<vmem>> -> memref<800xi32, #tpu.memory_space<vmem>>
      %dma_wait3A_712 = arith.constant 0 : i32
      %dma_wait3A_713 = tpu.memref_slice %arg3[%dma_wait3A_712] : memref<3200000xi32, #tpu.memory_space<hbm>> -> memref<800xi32, #tpu.memory_space<hbm>>
      %dma_wait3A_714 = arith.constant 800 : i32
      %dma_wait3A_715 = tpu.memref_slice %arg14[%dma_wait3A_714] : memref<3200xi32, #tpu.memory_space<vmem>> -> memref<800xi32, #tpu.memory_space<vmem>>
      %dma_wait3A_716 = arith.constant 0 : i32
      %dma_wait3A_717 = tpu.memref_slice %arg3[%dma_wait3A_716] : memref<3200000xi32, #tpu.memory_space<hbm>> -> memref<800xi32, #tpu.memory_space<hbm>>
      tpu.wait_dma2 semaphore(%arg21 : memref<!tpu.dma_semaphore, #tpu.memory_space<semaphore_mem>>) src(%dma_wait3A_717 : memref<800xi32, #tpu.memory_space<hbm>>) dst(%dma_wait3A_715 : memref<800xi32, #tpu.memory_space<vmem>>)
      %dma_wait3A_718 = arith.constant 1600 : i32
      %dma_wait3A_719 = tpu.memref_slice %arg14[%dma_wait3A_718] : memref<3200xi32, #tpu.memory_space<vmem>> -> memref<800xi32, #tpu.memory_space<vmem>>
      %dma_wait3A_720 = arith.constant 0 : i32
      %dma_wait3A_721 = tpu.memref_slice %arg4[%dma_wait3A_720] : memref<3200000xi32, #tpu.memory_space<hbm>> -> memref<800xi32, #tpu.memory_space<hbm>>
      %dma_wait3A_722 = arith.constant 1600 : i32
      %dma_wait3A_723 = tpu.memref_slice %arg14[%dma_wait3A_722] : memref<3200xi32, #tpu.memory_space<vmem>> -> memref<800xi32, #tpu.memory_space<vmem>>
      %dma_wait3A_724 = arith.constant 0 : i32
      %dma_wait3A_725 = tpu.memref_slice %arg4[%dma_wait3A_724] : memref<3200000xi32, #tpu.memory_space<hbm>> -> memref<800xi32, #tpu.memory_space<hbm>>
      tpu.wait_dma2 semaphore(%arg21 : memref<!tpu.dma_semaphore, #tpu.memory_space<semaphore_mem>>) src(%dma_wait3A_725 : memref<800xi32, #tpu.memory_space<hbm>>) dst(%dma_wait3A_723 : memref<800xi32, #tpu.memory_space<vmem>>)
      %dma_wait3A_726 = arith.constant 2400 : i32
      %dma_wait3A_727 = tpu.memref_slice %arg14[%dma_wait3A_726] : memref<3200xi32, #tpu.memory_space<vmem>> -> memref<800xi32, #tpu.memory_space<vmem>>
      %dma_wait3A_728 = arith.constant 0 : i32
      %dma_wait3A_729 = tpu.memref_slice %arg5[%dma_wait3A_728] : memref<3200000xi32, #tpu.memory_space<hbm>> -> memref<800xi32, #tpu.memory_space<hbm>>
      %dma_wait3A_730 = arith.constant 2400 : i32
      %dma_wait3A_731 = tpu.memref_slice %arg14[%dma_wait3A_730] : memref<3200xi32, #tpu.memory_space<vmem>> -> memref<800xi32, #tpu.memory_space<vmem>>
      %dma_wait3A_732 = arith.constant 0 : i32
      %dma_wait3A_733 = tpu.memref_slice %arg5[%dma_wait3A_732] : memref<3200000xi32, #tpu.memory_space<hbm>> -> memref<800xi32, #tpu.memory_space<hbm>>
      tpu.wait_dma2 semaphore(%arg21 : memref<!tpu.dma_semaphore, #tpu.memory_space<semaphore_mem>>) src(%dma_wait3A_733 : memref<800xi32, #tpu.memory_space<hbm>>) dst(%dma_wait3A_731 : memref<800xi32, #tpu.memory_space<vmem>>)
      %dma_wait3A_734 = arith.constant 0 : i32
      %dma_wait3A_735 = tpu.memref_slice %arg6[%dma_wait3A_734] : memref<3200000xi32, #tpu.memory_space<hbm>> -> memref<800xi32, #tpu.memory_space<hbm>>
      %dma_wait3A_736 = arith.constant 0 : i32
      %dma_wait3A_737 = tpu.memref_slice %arg6[%dma_wait3A_736] : memref<3200000xi32, #tpu.memory_space<hbm>> -> memref<800xi32, #tpu.memory_space<hbm>>
      tpu.wait_dma2 semaphore(%arg21 : memref<!tpu.dma_semaphore, #tpu.memory_space<semaphore_mem>>) src(%dma_wait3A_737 : memref<800xi32, #tpu.memory_space<hbm>>) dst(%arg15 : memref<800xi32, #tpu.memory_space<vmem>>)
      %dma_start3A_738 = arith.constant 0 : i32
      %dma_start3A_739 = arith.constant 0 : i32
      %dma_start3A_740 = tpu.memref_slice %arg20[%dma_start3A_738, %dma_start3A_739] : memref<100000x8xf32, #tpu.memory_space<vmem_shared>> -> memref<100000x8xf32, #tpu.memory_space<vmem_shared>>
      tpu.enqueue_indirect_dma source(%dma_start3A_740 : memref<100000x8xf32, #tpu.memory_space<vmem_shared>>) target(%arg17 : memref<3200x8xf32, #tpu.memory_space<vmem>>) offsets(%arg14 : memref<3200xi32, #tpu.memory_space<vmem>>) semaphore(%arg22 : memref<!tpu.dma_semaphore, #tpu.memory_space<semaphore_mem>>)
      %dma_wait3A_741 = arith.constant 0 : i32
      %dma_wait3A_742 = arith.constant 0 : i32
      %dma_wait3A_743 = tpu.memref_slice %arg8[%dma_wait3A_741, %dma_wait3A_742] : memref<456976x8xf32, #tpu.memory_space<hbm>> -> memref<800x8xf32, #tpu.memory_space<hbm>>
      %dma_wait3A_744 = arith.constant 0 : i32
      %dma_wait3A_745 = arith.constant 0 : i32
      %dma_wait3A_746 = tpu.memref_slice %arg8[%dma_wait3A_744, %dma_wait3A_745] : memref<456976x8xf32, #tpu.memory_space<hbm>> -> memref<800x8xf32, #tpu.memory_space<hbm>>
      tpu.wait_dma2 semaphore(%arg23 : memref<!tpu.dma_semaphore, #tpu.memory_space<semaphore_mem>>) src(%dma_wait3A_746 : memref<800x8xf32, #tpu.memory_space<hbm>>) dst(%arg18 : memref<800x8xf32, #tpu.memory_space<vmem>>)
      %scan3A_747 = arith.constant 0 : i32
      %scan3A_748 = arith.constant 50 : i32
      %scan3A_749 = arith.addi %scan3A_747, %scan3A_748 : i32
      %scan3A_750 = arith.constant 1 : i32
      scf.for %scan3A_882 = %scan3A_747 to %scan3A_749 step %scan3A_750  : i32 {
        %mul3A_883 = arith.constant 1 : i32
        %mul3A_884 = arith.muli %scan3A_882, %mul3A_883 : i32
        %add3A_885 = arith.constant 0 : i32
        %add3A_886 = arith.addi %add3A_885, %mul3A_884 : i32
        %mul3A_887 = arith.constant 16 : i32
        %mul3A_888 = arith.muli %add3A_886, %mul3A_887 : i32
        %add3A_889 = vector.broadcast %mul3A_888 : i32 to vector<16xi32>
        %add3A_890 = arith.addi %iota3A, %add3A_889 : vector<16xi32>
        %add3A_891 = arith.constant 800 : i32
        %add3A_892 = vector.broadcast %add3A_891 : i32 to vector<16xi32>
        %add3A_893 = arith.addi %add3A_890, %add3A_892 : vector<16xi32>
        %add3A_894 = arith.constant 1600 : i32
        %add3A_895 = vector.broadcast %add3A_894 : i32 to vector<16xi32>
        %add3A_896 = arith.addi %add3A_890, %add3A_895 : vector<16xi32>
        %add3A_897 = arith.constant 2400 : i32
        %add3A_898 = vector.broadcast %add3A_897 : i32 to vector<16xi32>
        %add3A_899 = arith.addi %add3A_890, %add3A_898 : vector<16xi32>
        %gather3A = tpu.vector_load_idx %arg13[%add3A_890, %broadcast_in_dim3A_3] : memref<3200x8xf32, #tpu.memory_space<vmem>>[vector<16xi32>, vector<16xi32>], vector<16xf32>,
        %gather3A_900 = tpu.vector_load_idx %arg13[%add3A_890, %broadcast_in_dim3A_5] : memref<3200x8xf32, #tpu.memory_space<vmem>>[vector<16xi32>, vector<16xi32>], vector<16xf32>,
        %gather3A_901 = tpu.vector_load_idx %arg13[%add3A_890, %broadcast_in_dim3A_7] : memref<3200x8xf32, #tpu.memory_space<vmem>>[vector<16xi32>, vector<16xi32>], vector<16xf32>,
        %gather3A_902 = tpu.vector_load_idx %arg13[%add3A_893, %broadcast_in_dim3A_3] : memref<3200x8xf32, #tpu.memory_space<vmem>>[vector<16xi32>, vector<16xi32>], vector<16xf32>,
        %gather3A_903 = tpu.vector_load_idx %arg13[%add3A_893, %broadcast_in_dim3A_5] : memref<3200x8xf32, #tpu.memory_space<vmem>>[vector<16xi32>, vector<16xi32>], vector<16xf32>,
        %gather3A_904 = tpu.vector_load_idx %arg13[%add3A_893, %broadcast_in_dim3A_7] : memref<3200x8xf32, #tpu.memory_space<vmem>>[vector<16xi32>, vector<16xi32>], vector<16xf32>,
        %gather3A_905 = tpu.vector_load_idx %arg13[%add3A_896, %broadcast_in_dim3A_3] : memref<3200x8xf32, #tpu.memory_space<vmem>>[vector<16xi32>, vector<16xi32>], vector<16xf32>,
        %gather3A_906 = tpu.vector_load_idx %arg13[%add3A_896, %broadcast_in_dim3A_5] : memref<3200x8xf32, #tpu.memory_space<vmem>>[vector<16xi32>, vector<16xi32>], vector<16xf32>,
        %gather3A_907 = tpu.vector_load_idx %arg13[%add3A_896, %broadcast_in_dim3A_7] : memref<3200x8xf32, #tpu.memory_space<vmem>>[vector<16xi32>, vector<16xi32>], vector<16xf32>,
        %gather3A_908 = tpu.vector_load_idx %arg13[%add3A_899, %broadcast_in_dim3A_3] : memref<3200x8xf32, #tpu.memory_space<vmem>>[vector<16xi32>, vector<16xi32>], vector<16xf32>,
        %gather3A_909 = tpu.vector_load_idx %arg13[%add3A_899, %broadcast_in_dim3A_5] : memref<3200x8xf32, #tpu.memory_space<vmem>>[vector<16xi32>, vector<16xi32>], vector<16xf32>,
        %gather3A_910 = tpu.vector_load_idx %arg13[%add3A_899, %broadcast_in_dim3A_7] : memref<3200x8xf32, #tpu.memory_space<vmem>>[vector<16xi32>, vector<16xi32>], vector<16xf32>,
        %sub3A = arith.subf %gather3A_902, %gather3A : vector<16xf32>
        %sub3A_911 = arith.subf %gather3A_903, %gather3A_900 : vector<16xf32>
        %sub3A_912 = arith.subf %gather3A_904, %gather3A_901 : vector<16xf32>
        %sub3A_913 = arith.subf %gather3A_905, %gather3A_902 : vector<16xf32>
        %sub3A_914 = arith.subf %gather3A_906, %gather3A_903 : vector<16xf32>
        %sub3A_915 = arith.subf %gather3A_907, %gather3A_904 : vector<16xf32>
        %sub3A_916 = arith.subf %gather3A_908, %gather3A_905 : vector<16xf32>
        %sub3A_917 = arith.subf %gather3A_909, %gather3A_906 : vector<16xf32>
        %sub3A_918 = arith.subf %gather3A_910, %gather3A_907 : vector<16xf32>
        %mul3A_919 = arith.mulf %sub3A_911, %sub3A_915 : vector<16xf32>
        %mul3A_920 = arith.mulf %sub3A_912, %sub3A_914 : vector<16xf32>
        %sub3A_921 = arith.subf %mul3A_919, %mul3A_920 : vector<16xf32>
        %mul3A_922 = arith.mulf %sub3A_912, %sub3A_913 : vector<16xf32>
        %mul3A_923 = arith.mulf %sub3A, %sub3A_915 : vector<16xf32>
        %sub3A_924 = arith.subf %mul3A_922, %mul3A_923 : vector<16xf32>
        %mul3A_925 = arith.mulf %sub3A, %sub3A_914 : vector<16xf32>
        %mul3A_926 = arith.mulf %sub3A_911, %sub3A_913 : vector<16xf32>
        %sub3A_927 = arith.subf %mul3A_925, %mul3A_926 : vector<16xf32>
        %mul3A_928 = arith.mulf %sub3A_914, %sub3A_918 : vector<16xf32>
        %mul3A_929 = arith.mulf %sub3A_915, %sub3A_917 : vector<16xf32>
        %sub3A_930 = arith.subf %mul3A_928, %mul3A_929 : vector<16xf32>
        %mul3A_931 = arith.mulf %sub3A_915, %sub3A_916 : vector<16xf32>
        %mul3A_932 = arith.mulf %sub3A_913, %sub3A_918 : vector<16xf32>
        %sub3A_933 = arith.subf %mul3A_931, %mul3A_932 : vector<16xf32>
        %mul3A_934 = arith.mulf %sub3A_913, %sub3A_917 : vector<16xf32>
        %mul3A_935 = arith.mulf %sub3A_914, %sub3A_916 : vector<16xf32>
        %sub3A_936 = arith.subf %mul3A_934, %mul3A_935 : vector<16xf32>
        %mul3A_937 = arith.mulf %sub3A_924, %sub3A_915 : vector<16xf32>
        %mul3A_938 = arith.mulf %sub3A_927, %sub3A_914 : vector<16xf32>
        %sub3A_939 = arith.subf %mul3A_937, %mul3A_938 : vector<16xf32>
        %mul3A_940 = arith.mulf %sub3A_927, %sub3A_913 : vector<16xf32>
        %mul3A_941 = arith.mulf %sub3A_921, %sub3A_915 : vector<16xf32>
        %sub3A_942 = arith.subf %mul3A_940, %mul3A_941 : vector<16xf32>
        %mul3A_943 = arith.mulf %sub3A_921, %sub3A_914 : vector<16xf32>
        %mul3A_944 = arith.mulf %sub3A_924, %sub3A_913 : vector<16xf32>
        %sub3A_945 = arith.subf %mul3A_943, %mul3A_944 : vector<16xf32>
        %mul3A_946 = arith.mulf %sub3A_921, %sub3A_930 : vector<16xf32>
        %mul3A_947 = arith.mulf %sub3A_924, %sub3A_933 : vector<16xf32>
        %add3A_948 = arith.addf %mul3A_946, %mul3A_947 : vector<16xf32>
        %mul3A_949 = arith.mulf %sub3A_927, %sub3A_936 : vector<16xf32>
        %add3A_950 = arith.addf %add3A_948, %mul3A_949 : vector<16xf32>
        %mul3A_951 = arith.mulf %sub3A_939, %sub3A_930 : vector<16xf32>
        %mul3A_952 = arith.mulf %sub3A_942, %sub3A_933 : vector<16xf32>
        %add3A_953 = arith.addf %mul3A_951, %mul3A_952 : vector<16xf32>
        %mul3A_954 = arith.mulf %sub3A_945, %sub3A_936 : vector<16xf32>
        %add3A_955 = arith.addf %add3A_953, %mul3A_954 : vector<16xf32>
        %mul3A_956 = arith.mulf %sub3A_913, %sub3A_913 : vector<16xf32>
        %mul3A_957 = arith.mulf %sub3A_914, %sub3A_914 : vector<16xf32>
        %add3A_958 = arith.addf %mul3A_956, %mul3A_957 : vector<16xf32>
        %mul3A_959 = arith.mulf %sub3A_915, %sub3A_915 : vector<16xf32>
        %add3A_960 = arith.addf %add3A_958, %mul3A_959 : vector<16xf32>
        %max3A = arith.constant 1.000000e-30 : f32
        %max3A_961 = vector.broadcast %max3A : f32 to vector<16xf32>
        %max3A_962 = arith.maximumf %add3A_960, %max3A_961 : vector<16xf32>
        %bitcast3A = vector.bitcast %max3A_962 : vector<16xf32> to vector<16xi32>
        %shift_right_arithmetic3A = arith.constant 1 : i32
        %shift_right_arithmetic3A_963 = vector.broadcast %shift_right_arithmetic3A : i32 to vector<16xi32>
        %shift_right_arithmetic3A_964 = arith.shrsi %bitcast3A, %shift_right_arithmetic3A_963 : vector<16xi32>
        %sub3A_965 = arith.constant 1597463007 : i32
        %sub3A_966 = vector.broadcast %sub3A_965 : i32 to vector<16xi32>
        %sub3A_967 = arith.subi %sub3A_966, %shift_right_arithmetic3A_964 : vector<16xi32>
        %bitcast3A_968 = vector.bitcast %sub3A_967 : vector<16xi32> to vector<16xf32>
        %mul3A_969 = arith.constant 5.000000e-01 : f32
        %mul3A_970 = vector.broadcast %mul3A_969 : f32 to vector<16xf32>
        %mul3A_971 = arith.mulf %max3A_962, %mul3A_970 : vector<16xf32>
        %mul3A_972 = arith.mulf %mul3A_971, %bitcast3A_968 : vector<16xf32>
        %mul3A_973 = arith.mulf %mul3A_972, %bitcast3A_968 : vector<16xf32>
        %sub3A_974 = arith.constant 1.500000e+00 : f32
        %sub3A_975 = vector.broadcast %sub3A_974 : f32 to vector<16xf32>
        %sub3A_976 = arith.subf %sub3A_975, %mul3A_973 : vector<16xf32>
        %mul3A_977 = arith.mulf %bitcast3A_968, %sub3A_976 : vector<16xf32>
        %mul3A_978 = arith.mulf %mul3A_971, %mul3A_977 : vector<16xf32>
        %mul3A_979 = arith.mulf %mul3A_978, %mul3A_977 : vector<16xf32>
        %sub3A_980 = arith.constant 1.500000e+00 : f32
        %sub3A_981 = vector.broadcast %sub3A_980 : f32 to vector<16xf32>
        %sub3A_982 = arith.subf %sub3A_981, %mul3A_979 : vector<16xf32>
        %mul3A_983 = arith.mulf %mul3A_977, %sub3A_982 : vector<16xf32>
        %mul3A_984 = arith.mulf %mul3A_971, %mul3A_983 : vector<16xf32>
        %mul3A_985 = arith.mulf %mul3A_984, %mul3A_983 : vector<16xf32>
        %sub3A_986 = arith.constant 1.500000e+00 : f32
        %sub3A_987 = vector.broadcast %sub3A_986 : f32 to vector<16xf32>
        %sub3A_988 = arith.subf %sub3A_987, %mul3A_985 : vector<16xf32>
        %mul3A_989 = arith.mulf %mul3A_983, %sub3A_988 : vector<16xf32>
        %mul3A_990 = arith.mulf %add3A_955, %mul3A_989 : vector<16xf32>
        %mul3A_991 = arith.mulf %add3A_950, %add3A_950 : vector<16xf32>
        %mul3A_992 = arith.mulf %mul3A_990, %mul3A_990 : vector<16xf32>
        %add3A_993 = arith.addf %mul3A_991, %mul3A_992 : vector<16xf32>
        %max3A_994 = arith.constant 1.000000e-30 : f32
        %max3A_995 = vector.broadcast %max3A_994 : f32 to vector<16xf32>
        %max3A_996 = arith.maximumf %add3A_993, %max3A_995 : vector<16xf32>
        %bitcast3A_997 = vector.bitcast %max3A_996 : vector<16xf32> to vector<16xi32>
        %shift_right_arithmetic3A_998 = arith.constant 1 : i32
        %shift_right_arithmetic3A_999 = vector.broadcast %shift_right_arithmetic3A_998 : i32 to vector<16xi32>
        %shift_right_arithmetic3A_1000 = arith.shrsi %bitcast3A_997, %shift_right_arithmetic3A_999 : vector<16xi32>
        %sub3A_1001 = arith.constant 1597463007 : i32
        %sub3A_1002 = vector.broadcast %sub3A_1001 : i32 to vector<16xi32>
        %sub3A_1003 = arith.subi %sub3A_1002, %shift_right_arithmetic3A_1000 : vector<16xi32>
        %bitcast3A_1004 = vector.bitcast %sub3A_1003 : vector<16xi32> to vector<16xf32>
        %mul3A_1005 = arith.constant 5.000000e-01 : f32
        %mul3A_1006 = vector.broadcast %mul3A_1005 : f32 to vector<16xf32>
        %mul3A_1007 = arith.mulf %max3A_996, %mul3A_1006 : vector<16xf32>
        %mul3A_1008 = arith.mulf %mul3A_1007, %bitcast3A_1004 : vector<16xf32>
        %mul3A_1009 = arith.mulf %mul3A_1008, %bitcast3A_1004 : vector<16xf32>
        %sub3A_1010 = arith.constant 1.500000e+00 : f32
        %sub3A_1011 = vector.broadcast %sub3A_1010 : f32 to vector<16xf32>
        %sub3A_1012 = arith.subf %sub3A_1011, %mul3A_1009 : vector<16xf32>
        %mul3A_1013 = arith.mulf %bitcast3A_1004, %sub3A_1012 : vector<16xf32>
        %mul3A_1014 = arith.mulf %mul3A_1007, %mul3A_1013 : vector<16xf32>
        %mul3A_1015 = arith.mulf %mul3A_1014, %mul3A_1013 : vector<16xf32>
        %sub3A_1016 = arith.constant 1.500000e+00 : f32
        %sub3A_1017 = vector.broadcast %sub3A_1016 : f32 to vector<16xf32>
        %sub3A_1018 = arith.subf %sub3A_1017, %mul3A_1015 : vector<16xf32>
        %mul3A_1019 = arith.mulf %mul3A_1013, %sub3A_1018 : vector<16xf32>
        %mul3A_1020 = arith.mulf %mul3A_1007, %mul3A_1019 : vector<16xf32>
        %mul3A_1021 = arith.mulf %mul3A_1020, %mul3A_1019 : vector<16xf32>
        %sub3A_1022 = arith.constant 1.500000e+00 : f32
        %sub3A_1023 = vector.broadcast %sub3A_1022 : f32 to vector<16xf32>
        %sub3A_1024 = arith.subf %sub3A_1023, %mul3A_1021 : vector<16xf32>
        %mul3A_1025 = arith.mulf %mul3A_1019, %sub3A_1024 : vector<16xf32>
        %lt3A = arith.constant 1.000000e-30 : f32
        %lt3A_1026 = vector.broadcast %lt3A : f32 to vector<16xf32>
        %lt3A_1027 = arith.cmpf olt, %add3A_993, %lt3A_1026 : vector<16xf32>
        %mul3A_1028 = arith.mulf %add3A_950, %mul3A_1025 : vector<16xf32>
        %jit3A = arith.constant 1.000000e+00 : f32
        %broadcast_in_dim3A_1029 = vector.broadcast %jit3A : f32 to vector<16xf32>
        %select_n3A = arith.select %lt3A_1027, %broadcast_in_dim3A_1029, %mul3A_1028 : vector<16xi1>, vector<16xf32>
        %mul3A_1030 = arith.mulf %mul3A_990, %mul3A_1025 : vector<16xf32>
        %jit3A_1031 = arith.constant 0.000000e+00 : f32
        %broadcast_in_dim3A_1032 = vector.broadcast %jit3A_1031 : f32 to vector<16xf32>
        %select_n3A_1033 = arith.select %lt3A_1027, %broadcast_in_dim3A_1032, %mul3A_1030 : vector<16xi1>, vector<16xf32>
        %mul3A_1034 = arith.constant 2.000000e+00 : f32
        %mul3A_1035 = vector.broadcast %mul3A_1034 : f32 to vector<16xf32>
        %mul3A_1036 = arith.mulf %mul3A_1035, %select_n3A : vector<16xf32>
        %mul3A_1037 = arith.mulf %mul3A_1036, %select_n3A : vector<16xf32>
        %sub3A_1038 = arith.constant 1.000000e+00 : f32
        %sub3A_1039 = vector.broadcast %sub3A_1038 : f32 to vector<16xf32>
        %sub3A_1040 = arith.subf %mul3A_1037, %sub3A_1039 : vector<16xf32>
        %mul3A_1041 = arith.constant 2.000000e+00 : f32
        %mul3A_1042 = vector.broadcast %mul3A_1041 : f32 to vector<16xf32>
        %mul3A_1043 = arith.mulf %mul3A_1042, %select_n3A_1033 : vector<16xf32>
        %mul3A_1044 = arith.mulf %mul3A_1043, %select_n3A : vector<16xf32>
        %mul3A_1045 = arith.constant 2.000000e+00 : f32
        %mul3A_1046 = vector.broadcast %mul3A_1045 : f32 to vector<16xf32>
        %mul3A_1047 = arith.mulf %mul3A_1046, %select_n3A : vector<16xf32>
        %mul3A_1048 = arith.mulf %mul3A_1047, %sub3A_1040 : vector<16xf32>
        %sub3A_1049 = arith.subf %mul3A_1048, %select_n3A : vector<16xf32>
        %mul3A_1050 = arith.constant 2.000000e+00 : f32
        %mul3A_1051 = vector.broadcast %mul3A_1050 : f32 to vector<16xf32>
        %mul3A_1052 = arith.mulf %mul3A_1051, %select_n3A : vector<16xf32>
        %mul3A_1053 = arith.mulf %mul3A_1052, %mul3A_1044 : vector<16xf32>
        %sub3A_1054 = arith.subf %mul3A_1053, %select_n3A_1033 : vector<16xf32>
        %gather3A_1055 = tpu.vector_load_idx %arg18[%add3A_890, %broadcast_in_dim3A_3] : memref<800x8xf32, #tpu.memory_space<vmem>>[vector<16xi32>, vector<16xi32>], vector<16xf32>,
        %gather3A_1056 = tpu.vector_load_idx %arg18[%add3A_890, %broadcast_in_dim3A_5] : memref<800x8xf32, #tpu.memory_space<vmem>>[vector<16xi32>, vector<16xi32>], vector<16xf32>,
        %gather3A_1057 = tpu.vector_load_idx %arg18[%add3A_890, %broadcast_in_dim3A_7] : memref<800x8xf32, #tpu.memory_space<vmem>>[vector<16xi32>, vector<16xi32>], vector<16xf32>,
        %gather3A_1058 = tpu.vector_load_idx %arg18[%add3A_890, %broadcast_in_dim3A_9] : memref<800x8xf32, #tpu.memory_space<vmem>>[vector<16xi32>, vector<16xi32>], vector<16xf32>,
        %gather3A_1059 = tpu.vector_load_idx %arg18[%add3A_890, %broadcast_in_dim3A_11] : memref<800x8xf32, #tpu.memory_space<vmem>>[vector<16xi32>, vector<16xi32>], vector<16xf32>,
        %gather3A_1060 = tpu.vector_load_idx %arg18[%add3A_890, %broadcast_in_dim3A_13] : memref<800x8xf32, #tpu.memory_space<vmem>>[vector<16xi32>, vector<16xi32>], vector<16xf32>,
        %gather3A_1061 = tpu.vector_load_idx %arg18[%add3A_890, %broadcast_in_dim3A_15] : memref<800x8xf32, #tpu.memory_space<vmem>>[vector<16xi32>, vector<16xi32>], vector<16xf32>,
        %mul3A_1062 = arith.mulf %gather3A_1055, %select_n3A : vector<16xf32>
        %mul3A_1063 = arith.mulf %gather3A_1056, %sub3A_1040 : vector<16xf32>
        %add3A_1064 = arith.addf %mul3A_1062, %mul3A_1063 : vector<16xf32>
        %mul3A_1065 = arith.mulf %gather3A_1057, %sub3A_1049 : vector<16xf32>
        %add3A_1066 = arith.addf %add3A_1064, %mul3A_1065 : vector<16xf32>
        %mul3A_1067 = arith.mulf %gather3A_1058, %select_n3A_1033 : vector<16xf32>
        %add3A_1068 = arith.addf %add3A_1066, %mul3A_1067 : vector<16xf32>
        %mul3A_1069 = arith.mulf %gather3A_1059, %mul3A_1044 : vector<16xf32>
        %add3A_1070 = arith.addf %add3A_1068, %mul3A_1069 : vector<16xf32>
        %mul3A_1071 = arith.mulf %gather3A_1060, %sub3A_1054 : vector<16xf32>
        %add3A_1072 = arith.addf %add3A_1070, %mul3A_1071 : vector<16xf32>
        %sub3A_1073 = arith.subf %gather3A_1061, %add3A_1072 : vector<16xf32>
        %mul3A_1074 = arith.constant 16 : i32
        %mul3A_1075 = arith.muli %add3A_886, %mul3A_1074 : i32
        %get3A = arith.index_cast %mul3A_1075 : i32 to index
        %get3A_1076 = tpu.vector_load %arg11[%get3A] {strides = array<i32>} : memref<800xi32, #tpu.memory_space<vmem>>, vector<16xi32>,
        tpu.vector_store_idx %arg19[%iota3A, %get3A_1076], %sub3A_1073 {add = true} : memref<16x64xf32, #tpu.memory_space<vmem>>[vector<16xi32>, vector<16xi32>], vector<16xf32>,
      }
      %scan3A_751 = arith.constant 50 : i32
      %add3A_752 = arith.constant 2 : i32
      %add3A_753 = arith.addi %mul3A_687, %add3A_752 : i32
      %mul3A_754 = arith.constant 800 : i32
      %mul3A_755 = arith.muli %add3A_753, %mul3A_754 : i32
      %add3A_756 = arith.addi %mul3A_2, %mul3A_755 : i32
      %dma_start3A_757 = arith.constant 0 : i32
      %dma_start3A_758 = tpu.memref_slice %arg10[%dma_start3A_757] : memref<3200xi32, #tpu.memory_space<vmem>> -> memref<800xi32, #tpu.memory_space<vmem>>
      %dma_start3A_759 = tpu.memref_slice %arg2[%add3A_756] : memref<3200000xi32, #tpu.memory_space<hbm>> -> memref<800xi32, #tpu.memory_space<hbm>>
      %dma_start3A_760 = arith.constant 0 : i32
      %dma_start3A_761 = tpu.memref_slice %arg10[%dma_start3A_760] : memref<3200xi32, #tpu.memory_space<vmem>> -> memref<800xi32, #tpu.memory_space<vmem>>
      %dma_start3A_762 = tpu.memref_slice %arg2[%add3A_756] : memref<3200000xi32, #tpu.memory_space<hbm>> -> memref<800xi32, #tpu.memory_space<hbm>>
      tpu.enqueue_dma source(%dma_start3A_762 : memref<800xi32, #tpu.memory_space<hbm>>) target(%dma_start3A_761 : memref<800xi32, #tpu.memory_space<vmem>>) target_semaphore(%arg21 : memref<!tpu.dma_semaphore, #tpu.memory_space<semaphore_mem>>)
      %dma_start3A_763 = arith.constant 800 : i32
      %dma_start3A_764 = tpu.memref_slice %arg10[%dma_start3A_763] : memref<3200xi32, #tpu.memory_space<vmem>> -> memref<800xi32, #tpu.memory_space<vmem>>
      %dma_start3A_765 = tpu.memref_slice %arg3[%add3A_756] : memref<3200000xi32, #tpu.memory_space<hbm>> -> memref<800xi32, #tpu.memory_space<hbm>>
      %dma_start3A_766 = arith.constant 800 : i32
      %dma_start3A_767 = tpu.memref_slice %arg10[%dma_start3A_766] : memref<3200xi32, #tpu.memory_space<vmem>> -> memref<800xi32, #tpu.memory_space<vmem>>
      %dma_start3A_768 = tpu.memref_slice %arg3[%add3A_756] : memref<3200000xi32, #tpu.memory_space<hbm>> -> memref<800xi32, #tpu.memory_space<hbm>>
      tpu.enqueue_dma source(%dma_start3A_768 : memref<800xi32, #tpu.memory_space<hbm>>) target(%dma_start3A_767 : memref<800xi32, #tpu.memory_space<vmem>>) target_semaphore(%arg21 : memref<!tpu.dma_semaphore, #tpu.memory_space<semaphore_mem>>)
      %dma_start3A_769 = arith.constant 1600 : i32
      %dma_start3A_770 = tpu.memref_slice %arg10[%dma_start3A_769] : memref<3200xi32, #tpu.memory_space<vmem>> -> memref<800xi32, #tpu.memory_space<vmem>>
      %dma_start3A_771 = tpu.memref_slice %arg4[%add3A_756] : memref<3200000xi32, #tpu.memory_space<hbm>> -> memref<800xi32, #tpu.memory_space<hbm>>
      %dma_start3A_772 = arith.constant 1600 : i32
      %dma_start3A_773 = tpu.memref_slice %arg10[%dma_start3A_772] : memref<3200xi32, #tpu.memory_space<vmem>> -> memref<800xi32, #tpu.memory_space<vmem>>
      %dma_start3A_774 = tpu.memref_slice %arg4[%add3A_756] : memref<3200000xi32, #tpu.memory_space<hbm>> -> memref<800xi32, #tpu.memory_space<hbm>>
      tpu.enqueue_dma source(%dma_start3A_774 : memref<800xi32, #tpu.memory_space<hbm>>) target(%dma_start3A_773 : memref<800xi32, #tpu.memory_space<vmem>>) target_semaphore(%arg21 : memref<!tpu.dma_semaphore, #tpu.memory_space<semaphore_mem>>)
      %dma_start3A_775 = arith.constant 2400 : i32
      %dma_start3A_776 = tpu.memref_slice %arg10[%dma_start3A_775] : memref<3200xi32, #tpu.memory_space<vmem>> -> memref<800xi32, #tpu.memory_space<vmem>>
      %dma_start3A_777 = tpu.memref_slice %arg5[%add3A_756] : memref<3200000xi32, #tpu.memory_space<hbm>> -> memref<800xi32, #tpu.memory_space<hbm>>
      %dma_start3A_778 = arith.constant 2400 : i32
      %dma_start3A_779 = tpu.memref_slice %arg10[%dma_start3A_778] : memref<3200xi32, #tpu.memory_space<vmem>> -> memref<800xi32, #tpu.memory_space<vmem>>
      %dma_start3A_780 = tpu.memref_slice %arg5[%add3A_756] : memref<3200000xi32, #tpu.memory_space<hbm>> -> memref<800xi32, #tpu.memory_space<hbm>>
      tpu.enqueue_dma source(%dma_start3A_780 : memref<800xi32, #tpu.memory_space<hbm>>) target(%dma_start3A_779 : memref<800xi32, #tpu.memory_space<vmem>>) target_semaphore(%arg21 : memref<!tpu.dma_semaphore, #tpu.memory_space<semaphore_mem>>)
      %dma_start3A_781 = tpu.memref_slice %arg6[%add3A_756] : memref<3200000xi32, #tpu.memory_space<hbm>> -> memref<800xi32, #tpu.memory_space<hbm>>
      %dma_start3A_782 = tpu.memref_slice %arg6[%add3A_756] : memref<3200000xi32, #tpu.memory_space<hbm>> -> memref<800xi32, #tpu.memory_space<hbm>>
      tpu.enqueue_dma source(%dma_start3A_782 : memref<800xi32, #tpu.memory_space<hbm>>) target(%arg11 : memref<800xi32, #tpu.memory_space<vmem>>) target_semaphore(%arg21 : memref<!tpu.dma_semaphore, #tpu.memory_space<semaphore_mem>>)
      %mul3A_783 = arith.constant 2 : i32
      %mul3A_784 = arith.muli %mul3A_783, %add3A_685 : i32
      %add3A_785 = arith.constant 1 : i32
      %add3A_786 = arith.addi %mul3A_784, %add3A_785 : i32
      %dma_wait3A_787 = arith.constant 0 : i32
      %dma_wait3A_788 = arith.constant 0 : i32
      %dma_wait3A_789 = tpu.memref_slice %arg20[%dma_wait3A_787, %dma_wait3A_788] : memref<100000x8xf32, #tpu.memory_space<vmem_shared>> -> memref<3200x8xf32, #tpu.memory_space<vmem_shared>>
      %dma_wait3A_790 = arith.constant 0 : i32
      %dma_wait3A_791 = arith.constant 0 : i32
      %dma_wait3A_792 = tpu.memref_slice %arg20[%dma_wait3A_790, %dma_wait3A_791] : memref<100000x8xf32, #tpu.memory_space<vmem_shared>> -> memref<3200x8xf32, #tpu.memory_space<vmem_shared>>
      tpu.wait_dma2 semaphore(%arg22 : memref<!tpu.dma_semaphore, #tpu.memory_space<semaphore_mem>>) src(%dma_wait3A_792 : memref<3200x8xf32, #tpu.memory_space<vmem_shared>>) dst(%arg17 : memref<3200x8xf32, #tpu.memory_space<vmem>>)
      %scan3A_793 = arith.constant 0 : i32
      %scan3A_794 = arith.constant 50 : i32
      %scan3A_795 = arith.addi %scan3A_793, %scan3A_794 : i32
      %scan3A_796 = arith.constant 1 : i32
      scf.for %scan3A_882 = %scan3A_793 to %scan3A_795 step %scan3A_796  : i32 {
        %mul3A_883 = arith.constant 1 : i32
        %mul3A_884 = arith.muli %scan3A_882, %mul3A_883 : i32
        %add3A_885 = arith.constant 0 : i32
        %add3A_886 = arith.addi %add3A_885, %mul3A_884 : i32
        %mul3A_887 = arith.constant 16 : i32
        %mul3A_888 = arith.muli %add3A_886, %mul3A_887 : i32
        %add3A_889 = vector.broadcast %mul3A_888 : i32 to vector<16xi32>
        %add3A_890 = arith.addi %iota3A, %add3A_889 : vector<16xi32>
        %gather3A = tpu.vector_load_idx %arg17[%add3A_890, %broadcast_in_dim3A_9] : memref<3200x8xf32, #tpu.memory_space<vmem>>[vector<16xi32>, vector<16xi32>], vector<16xf32>,
        %add3A_891 = arith.constant 800 : i32
        %add3A_892 = vector.broadcast %add3A_891 : i32 to vector<16xi32>
        %add3A_893 = arith.addi %add3A_890, %add3A_892 : vector<16xi32>
        %gather3A_894 = tpu.vector_load_idx %arg17[%add3A_893, %broadcast_in_dim3A_9] : memref<3200x8xf32, #tpu.memory_space<vmem>>[vector<16xi32>, vector<16xi32>], vector<16xf32>,
        %add3A_895 = arith.constant 1600 : i32
        %add3A_896 = vector.broadcast %add3A_895 : i32 to vector<16xi32>
        %add3A_897 = arith.addi %add3A_890, %add3A_896 : vector<16xi32>
        %gather3A_898 = tpu.vector_load_idx %arg17[%add3A_897, %broadcast_in_dim3A_9] : memref<3200x8xf32, #tpu.memory_space<vmem>>[vector<16xi32>, vector<16xi32>], vector<16xf32>,
        %add3A_899 = arith.constant 2400 : i32
        %add3A_900 = vector.broadcast %add3A_899 : i32 to vector<16xi32>
        %add3A_901 = arith.addi %add3A_890, %add3A_900 : vector<16xi32>
        %gather3A_902 = tpu.vector_load_idx %arg17[%add3A_901, %broadcast_in_dim3A_9] : memref<3200x8xf32, #tpu.memory_space<vmem>>[vector<16xi32>, vector<16xi32>], vector<16xf32>,
        %mul3A_903 = arith.constant 2.600000e+01 : f32
        %mul3A_904 = vector.broadcast %mul3A_903 : f32 to vector<16xf32>
        %mul3A_905 = arith.mulf %gather3A, %mul3A_904 : vector<16xf32>
        %add3A_906 = arith.addf %mul3A_905, %gather3A_894 : vector<16xf32>
        %mul3A_907 = arith.constant 2.600000e+01 : f32
        %mul3A_908 = vector.broadcast %mul3A_907 : f32 to vector<16xf32>
        %mul3A_909 = arith.mulf %add3A_906, %mul3A_908 : vector<16xf32>
        %add3A_910 = arith.addf %mul3A_909, %gather3A_898 : vector<16xf32>
        %mul3A_911 = arith.constant 2.600000e+01 : f32
        %mul3A_912 = vector.broadcast %mul3A_911 : f32 to vector<16xf32>
        %mul3A_913 = arith.mulf %add3A_910, %mul3A_912 : vector<16xf32>
        %add3A_914 = arith.addf %mul3A_913, %gather3A_902 : vector<16xf32>
        %max3A = arith.constant 0.000000e+00 : f32
        %max3A_915 = vector.broadcast %max3A : f32 to vector<16xf32>
        %max3A_916 = arith.maximumf %add3A_914, %max3A_915 : vector<16xf32>
        %min3A = arith.constant 4.569750e+05 : f32
        %min3A_917 = vector.broadcast %min3A : f32 to vector<16xf32>
        %min3A_918 = arith.minimumf %max3A_916, %min3A_917 : vector<16xf32>
        %convert_element_type3A_919 = arith.fptosi %min3A_918 : vector<16xf32> to vector<16xi32>
        %mul3A_920 = arith.constant 16 : i32
        %mul3A_921 = arith.muli %add3A_886, %mul3A_920 : i32
        %swap3A_922 = arith.index_cast %mul3A_921 : i32 to index
        %swap3A_923 = tpu.vector_load %arg16[%swap3A_922] {strides = array<i32>} : memref<800xi32, #tpu.memory_space<vmem>>, vector<16xi32>,
        tpu.vector_store %arg16[%swap3A_922], %convert_element_type3A_919 {strides = array<i32>} : memref<800xi32, #tpu.memory_space<vmem>>, vector<16xi32>,
      }
      %scan3A_797 = arith.constant 50 : i32
      %dma_start3A_798 = arith.constant 0 : i32
      %dma_start3A_799 = arith.constant 0 : i32
      %dma_start3A_800 = tpu.memref_slice %arg8[%dma_start3A_798, %dma_start3A_799] : memref<456976x8xf32, #tpu.memory_space<hbm>> -> memref<456976x8xf32, #tpu.memory_space<hbm>>
      tpu.enqueue_indirect_dma source(%dma_start3A_800 : memref<456976x8xf32, #tpu.memory_space<hbm>>) target(%arg18 : memref<800x8xf32, #tpu.memory_space<vmem>>) offsets(%arg16 : memref<800xi32, #tpu.memory_space<vmem>>) semaphore(%arg23 : memref<!tpu.dma_semaphore, #tpu.memory_space<semaphore_mem>>)
      %dma_wait3A_801 = arith.constant 0 : i32
      %dma_wait3A_802 = tpu.memref_slice %arg10[%dma_wait3A_801] : memref<3200xi32, #tpu.memory_space<vmem>> -> memref<800xi32, #tpu.memory_space<vmem>>
      %dma_wait3A_803 = arith.constant 0 : i32
      %dma_wait3A_804 = tpu.memref_slice %arg2[%dma_wait3A_803] : memref<3200000xi32, #tpu.memory_space<hbm>> -> memref<800xi32, #tpu.memory_space<hbm>>
      %dma_wait3A_805 = arith.constant 0 : i32
      %dma_wait3A_806 = tpu.memref_slice %arg10[%dma_wait3A_805] : memref<3200xi32, #tpu.memory_space<vmem>> -> memref<800xi32, #tpu.memory_space<vmem>>
      %dma_wait3A_807 = arith.constant 0 : i32
      %dma_wait3A_808 = tpu.memref_slice %arg2[%dma_wait3A_807] : memref<3200000xi32, #tpu.memory_space<hbm>> -> memref<800xi32, #tpu.memory_space<hbm>>
      tpu.wait_dma2 semaphore(%arg21 : memref<!tpu.dma_semaphore, #tpu.memory_space<semaphore_mem>>) src(%dma_wait3A_808 : memref<800xi32, #tpu.memory_space<hbm>>) dst(%dma_wait3A_806 : memref<800xi32, #tpu.memory_space<vmem>>)
      %dma_wait3A_809 = arith.constant 800 : i32
      %dma_wait3A_810 = tpu.memref_slice %arg10[%dma_wait3A_809] : memref<3200xi32, #tpu.memory_space<vmem>> -> memref<800xi32, #tpu.memory_space<vmem>>
      %dma_wait3A_811 = arith.constant 0 : i32
      %dma_wait3A_812 = tpu.memref_slice %arg3[%dma_wait3A_811] : memref<3200000xi32, #tpu.memory_space<hbm>> -> memref<800xi32, #tpu.memory_space<hbm>>
      %dma_wait3A_813 = arith.constant 800 : i32
      %dma_wait3A_814 = tpu.memref_slice %arg10[%dma_wait3A_813] : memref<3200xi32, #tpu.memory_space<vmem>> -> memref<800xi32, #tpu.memory_space<vmem>>
      %dma_wait3A_815 = arith.constant 0 : i32
      %dma_wait3A_816 = tpu.memref_slice %arg3[%dma_wait3A_815] : memref<3200000xi32, #tpu.memory_space<hbm>> -> memref<800xi32, #tpu.memory_space<hbm>>
      tpu.wait_dma2 semaphore(%arg21 : memref<!tpu.dma_semaphore, #tpu.memory_space<semaphore_mem>>) src(%dma_wait3A_816 : memref<800xi32, #tpu.memory_space<hbm>>) dst(%dma_wait3A_814 : memref<800xi32, #tpu.memory_space<vmem>>)
      %dma_wait3A_817 = arith.constant 1600 : i32
      %dma_wait3A_818 = tpu.memref_slice %arg10[%dma_wait3A_817] : memref<3200xi32, #tpu.memory_space<vmem>> -> memref<800xi32, #tpu.memory_space<vmem>>
      %dma_wait3A_819 = arith.constant 0 : i32
      %dma_wait3A_820 = tpu.memref_slice %arg4[%dma_wait3A_819] : memref<3200000xi32, #tpu.memory_space<hbm>> -> memref<800xi32, #tpu.memory_space<hbm>>
      %dma_wait3A_821 = arith.constant 1600 : i32
      %dma_wait3A_822 = tpu.memref_slice %arg10[%dma_wait3A_821] : memref<3200xi32, #tpu.memory_space<vmem>> -> memref<800xi32, #tpu.memory_space<vmem>>
      %dma_wait3A_823 = arith.constant 0 : i32
      %dma_wait3A_824 = tpu.memref_slice %arg4[%dma_wait3A_823] : memref<3200000xi32, #tpu.memory_space<hbm>> -> memref<800xi32, #tpu.memory_space<hbm>>
      tpu.wait_dma2 semaphore(%arg21 : memref<!tpu.dma_semaphore, #tpu.memory_space<semaphore_mem>>) src(%dma_wait3A_824 : memref<800xi32, #tpu.memory_space<hbm>>) dst(%dma_wait3A_822 : memref<800xi32, #tpu.memory_space<vmem>>)
      %dma_wait3A_825 = arith.constant 2400 : i32
      %dma_wait3A_826 = tpu.memref_slice %arg10[%dma_wait3A_825] : memref<3200xi32, #tpu.memory_space<vmem>> -> memref<800xi32, #tpu.memory_space<vmem>>
      %dma_wait3A_827 = arith.constant 0 : i32
      %dma_wait3A_828 = tpu.memref_slice %arg5[%dma_wait3A_827] : memref<3200000xi32, #tpu.memory_space<hbm>> -> memref<800xi32, #tpu.memory_space<hbm>>
      %dma_wait3A_829 = arith.constant 2400 : i32
      %dma_wait3A_830 = tpu.memref_slice %arg10[%dma_wait3A_829] : memref<3200xi32, #tpu.memory_space<vmem>> -> memref<800xi32, #tpu.memory_space<vmem>>
      %dma_wait3A_831 = arith.constant 0 : i32
      %dma_wait3A_832 = tpu.memref_slice %arg5[%dma_wait3A_831] : memref<3200000xi32, #tpu.memory_space<hbm>> -> memref<800xi32, #tpu.memory_space<hbm>>
      tpu.wait_dma2 semaphore(%arg21 : memref<!tpu.dma_semaphore, #tpu.memory_space<semaphore_mem>>) src(%dma_wait3A_832 : memref<800xi32, #tpu.memory_space<hbm>>) dst(%dma_wait3A_830 : memref<800xi32, #tpu.memory_space<vmem>>)
      %dma_wait3A_833 = arith.constant 0 : i32
      %dma_wait3A_834 = tpu.memref_slice %arg6[%dma_wait3A_833] : memref<3200000xi32, #tpu.memory_space<hbm>> -> memref<800xi32, #tpu.memory_space<hbm>>
      %dma_wait3A_835 = arith.constant 0 : i32
      %dma_wait3A_836 = tpu.memref_slice %arg6[%dma_wait3A_835] : memref<3200000xi32, #tpu.memory_space<hbm>> -> memref<800xi32, #tpu.memory_space<hbm>>
      tpu.wait_dma2 semaphore(%arg21 : memref<!tpu.dma_semaphore, #tpu.memory_space<semaphore_mem>>) src(%dma_wait3A_836 : memref<800xi32, #tpu.memory_space<hbm>>) dst(%arg11 : memref<800xi32, #tpu.memory_space<vmem>>)
      %dma_start3A_837 = arith.constant 0 : i32
      %dma_start3A_838 = arith.constant 0 : i32
      %dma_start3A_839 = tpu.memref_slice %arg20[%dma_start3A_837, %dma_start3A_838] : memref<100000x8xf32, #tpu.memory_space<vmem_shared>> -> memref<100000x8xf32, #tpu.memory_space<vmem_shared>>
      tpu.enqueue_indirect_dma source(%dma_start3A_839 : memref<100000x8xf32, #tpu.memory_space<vmem_shared>>) target(%arg13 : memref<3200x8xf32, #tpu.memory_space<vmem>>) offsets(%arg10 : memref<3200xi32, #tpu.memory_space<vmem>>) semaphore(%arg22 : memref<!tpu.dma_semaphore, #tpu.memory_space<semaphore_mem>>)
      %dma_wait3A_840 = arith.constant 0 : i32
      %dma_wait3A_841 = arith.constant 0 : i32
      %dma_wait3A_842 = tpu.memref_slice %arg8[%dma_wait3A_840, %dma_wait3A_841] : memref<456976x8xf32, #tpu.memory_space<hbm>> -> memref<800x8xf32, #tpu.memory_space<hbm>>
      %dma_wait3A_843 = arith.constant 0 : i32
      %dma_wait3A_844 = arith.constant 0 : i32
      %dma_wait3A_845 = tpu.memref_slice %arg8[%dma_wait3A_843, %dma_wait3A_844] : memref<456976x8xf32, #tpu.memory_space<hbm>> -> memref<800x8xf32, #tpu.memory_space<hbm>>
      tpu.wait_dma2 semaphore(%arg23 : memref<!tpu.dma_semaphore, #tpu.memory_space<semaphore_mem>>) src(%dma_wait3A_845 : memref<800x8xf32, #tpu.memory_space<hbm>>) dst(%arg18 : memref<800x8xf32, #tpu.memory_space<vmem>>)
      %scan3A_846 = arith.constant 0 : i32
      %scan3A_847 = arith.constant 50 : i32
      %scan3A_848 = arith.addi %scan3A_846, %scan3A_847 : i32
      %scan3A_849 = arith.constant 1 : i32
      scf.for %scan3A_882 = %scan3A_846 to %scan3A_848 step %scan3A_849  : i32 {
        %mul3A_883 = arith.constant 1 : i32
        %mul3A_884 = arith.muli %scan3A_882, %mul3A_883 : i32
        %add3A_885 = arith.constant 0 : i32
        %add3A_886 = arith.addi %add3A_885, %mul3A_884 : i32
        %mul3A_887 = arith.constant 16 : i32
        %mul3A_888 = arith.muli %add3A_886, %mul3A_887 : i32
        %add3A_889 = vector.broadcast %mul3A_888 : i32 to vector<16xi32>
        %add3A_890 = arith.addi %iota3A, %add3A_889 : vector<16xi32>
        %add3A_891 = arith.constant 800 : i32
        %add3A_892 = vector.broadcast %add3A_891 : i32 to vector<16xi32>
        %add3A_893 = arith.addi %add3A_890, %add3A_892 : vector<16xi32>
        %add3A_894 = arith.constant 1600 : i32
        %add3A_895 = vector.broadcast %add3A_894 : i32 to vector<16xi32>
        %add3A_896 = arith.addi %add3A_890, %add3A_895 : vector<16xi32>
        %add3A_897 = arith.constant 2400 : i32
        %add3A_898 = vector.broadcast %add3A_897 : i32 to vector<16xi32>
        %add3A_899 = arith.addi %add3A_890, %add3A_898 : vector<16xi32>
        %gather3A = tpu.vector_load_idx %arg17[%add3A_890, %broadcast_in_dim3A_3] : memref<3200x8xf32, #tpu.memory_space<vmem>>[vector<16xi32>, vector<16xi32>], vector<16xf32>,
        %gather3A_900 = tpu.vector_load_idx %arg17[%add3A_890, %broadcast_in_dim3A_5] : memref<3200x8xf32, #tpu.memory_space<vmem>>[vector<16xi32>, vector<16xi32>], vector<16xf32>,
        %gather3A_901 = tpu.vector_load_idx %arg17[%add3A_890, %broadcast_in_dim3A_7] : memref<3200x8xf32, #tpu.memory_space<vmem>>[vector<16xi32>, vector<16xi32>], vector<16xf32>,
        %gather3A_902 = tpu.vector_load_idx %arg17[%add3A_893, %broadcast_in_dim3A_3] : memref<3200x8xf32, #tpu.memory_space<vmem>>[vector<16xi32>, vector<16xi32>], vector<16xf32>,
        %gather3A_903 = tpu.vector_load_idx %arg17[%add3A_893, %broadcast_in_dim3A_5] : memref<3200x8xf32, #tpu.memory_space<vmem>>[vector<16xi32>, vector<16xi32>], vector<16xf32>,
        %gather3A_904 = tpu.vector_load_idx %arg17[%add3A_893, %broadcast_in_dim3A_7] : memref<3200x8xf32, #tpu.memory_space<vmem>>[vector<16xi32>, vector<16xi32>], vector<16xf32>,
        %gather3A_905 = tpu.vector_load_idx %arg17[%add3A_896, %broadcast_in_dim3A_3] : memref<3200x8xf32, #tpu.memory_space<vmem>>[vector<16xi32>, vector<16xi32>], vector<16xf32>,
        %gather3A_906 = tpu.vector_load_idx %arg17[%add3A_896, %broadcast_in_dim3A_5] : memref<3200x8xf32, #tpu.memory_space<vmem>>[vector<16xi32>, vector<16xi32>], vector<16xf32>,
        %gather3A_907 = tpu.vector_load_idx %arg17[%add3A_896, %broadcast_in_dim3A_7] : memref<3200x8xf32, #tpu.memory_space<vmem>>[vector<16xi32>, vector<16xi32>], vector<16xf32>,
        %gather3A_908 = tpu.vector_load_idx %arg17[%add3A_899, %broadcast_in_dim3A_3] : memref<3200x8xf32, #tpu.memory_space<vmem>>[vector<16xi32>, vector<16xi32>], vector<16xf32>,
        %gather3A_909 = tpu.vector_load_idx %arg17[%add3A_899, %broadcast_in_dim3A_5] : memref<3200x8xf32, #tpu.memory_space<vmem>>[vector<16xi32>, vector<16xi32>], vector<16xf32>,
        %gather3A_910 = tpu.vector_load_idx %arg17[%add3A_899, %broadcast_in_dim3A_7] : memref<3200x8xf32, #tpu.memory_space<vmem>>[vector<16xi32>, vector<16xi32>], vector<16xf32>,
        %sub3A = arith.subf %gather3A_902, %gather3A : vector<16xf32>
        %sub3A_911 = arith.subf %gather3A_903, %gather3A_900 : vector<16xf32>
        %sub3A_912 = arith.subf %gather3A_904, %gather3A_901 : vector<16xf32>
        %sub3A_913 = arith.subf %gather3A_905, %gather3A_902 : vector<16xf32>
        %sub3A_914 = arith.subf %gather3A_906, %gather3A_903 : vector<16xf32>
        %sub3A_915 = arith.subf %gather3A_907, %gather3A_904 : vector<16xf32>
        %sub3A_916 = arith.subf %gather3A_908, %gather3A_905 : vector<16xf32>
        %sub3A_917 = arith.subf %gather3A_909, %gather3A_906 : vector<16xf32>
        %sub3A_918 = arith.subf %gather3A_910, %gather3A_907 : vector<16xf32>
        %mul3A_919 = arith.mulf %sub3A_911, %sub3A_915 : vector<16xf32>
        %mul3A_920 = arith.mulf %sub3A_912, %sub3A_914 : vector<16xf32>
        %sub3A_921 = arith.subf %mul3A_919, %mul3A_920 : vector<16xf32>
        %mul3A_922 = arith.mulf %sub3A_912, %sub3A_913 : vector<16xf32>
        %mul3A_923 = arith.mulf %sub3A, %sub3A_915 : vector<16xf32>
        %sub3A_924 = arith.subf %mul3A_922, %mul3A_923 : vector<16xf32>
        %mul3A_925 = arith.mulf %sub3A, %sub3A_914 : vector<16xf32>
        %mul3A_926 = arith.mulf %sub3A_911, %sub3A_913 : vector<16xf32>
        %sub3A_927 = arith.subf %mul3A_925, %mul3A_926 : vector<16xf32>
        %mul3A_928 = arith.mulf %sub3A_914, %sub3A_918 : vector<16xf32>
        %mul3A_929 = arith.mulf %sub3A_915, %sub3A_917 : vector<16xf32>
        %sub3A_930 = arith.subf %mul3A_928, %mul3A_929 : vector<16xf32>
        %mul3A_931 = arith.mulf %sub3A_915, %sub3A_916 : vector<16xf32>
        %mul3A_932 = arith.mulf %sub3A_913, %sub3A_918 : vector<16xf32>
        %sub3A_933 = arith.subf %mul3A_931, %mul3A_932 : vector<16xf32>
        %mul3A_934 = arith.mulf %sub3A_913, %sub3A_917 : vector<16xf32>
        %mul3A_935 = arith.mulf %sub3A_914, %sub3A_916 : vector<16xf32>
        %sub3A_936 = arith.subf %mul3A_934, %mul3A_935 : vector<16xf32>
        %mul3A_937 = arith.mulf %sub3A_924, %sub3A_915 : vector<16xf32>
        %mul3A_938 = arith.mulf %sub3A_927, %sub3A_914 : vector<16xf32>
        %sub3A_939 = arith.subf %mul3A_937, %mul3A_938 : vector<16xf32>
        %mul3A_940 = arith.mulf %sub3A_927, %sub3A_913 : vector<16xf32>
        %mul3A_941 = arith.mulf %sub3A_921, %sub3A_915 : vector<16xf32>
        %sub3A_942 = arith.subf %mul3A_940, %mul3A_941 : vector<16xf32>
        %mul3A_943 = arith.mulf %sub3A_921, %sub3A_914 : vector<16xf32>
        %mul3A_944 = arith.mulf %sub3A_924, %sub3A_913 : vector<16xf32>
        %sub3A_945 = arith.subf %mul3A_943, %mul3A_944 : vector<16xf32>
        %mul3A_946 = arith.mulf %sub3A_921, %sub3A_930 : vector<16xf32>
        %mul3A_947 = arith.mulf %sub3A_924, %sub3A_933 : vector<16xf32>
        %add3A_948 = arith.addf %mul3A_946, %mul3A_947 : vector<16xf32>
        %mul3A_949 = arith.mulf %sub3A_927, %sub3A_936 : vector<16xf32>
        %add3A_950 = arith.addf %add3A_948, %mul3A_949 : vector<16xf32>
        %mul3A_951 = arith.mulf %sub3A_939, %sub3A_930 : vector<16xf32>
        %mul3A_952 = arith.mulf %sub3A_942, %sub3A_933 : vector<16xf32>
        %add3A_953 = arith.addf %mul3A_951, %mul3A_952 : vector<16xf32>
        %mul3A_954 = arith.mulf %sub3A_945, %sub3A_936 : vector<16xf32>
        %add3A_955 = arith.addf %add3A_953, %mul3A_954 : vector<16xf32>
        %mul3A_956 = arith.mulf %sub3A_913, %sub3A_913 : vector<16xf32>
        %mul3A_957 = arith.mulf %sub3A_914, %sub3A_914 : vector<16xf32>
        %add3A_958 = arith.addf %mul3A_956, %mul3A_957 : vector<16xf32>
        %mul3A_959 = arith.mulf %sub3A_915, %sub3A_915 : vector<16xf32>
        %add3A_960 = arith.addf %add3A_958, %mul3A_959 : vector<16xf32>
        %max3A = arith.constant 1.000000e-30 : f32
        %max3A_961 = vector.broadcast %max3A : f32 to vector<16xf32>
        %max3A_962 = arith.maximumf %add3A_960, %max3A_961 : vector<16xf32>
        %bitcast3A = vector.bitcast %max3A_962 : vector<16xf32> to vector<16xi32>
        %shift_right_arithmetic3A = arith.constant 1 : i32
        %shift_right_arithmetic3A_963 = vector.broadcast %shift_right_arithmetic3A : i32 to vector<16xi32>
        %shift_right_arithmetic3A_964 = arith.shrsi %bitcast3A, %shift_right_arithmetic3A_963 : vector<16xi32>
        %sub3A_965 = arith.constant 1597463007 : i32
        %sub3A_966 = vector.broadcast %sub3A_965 : i32 to vector<16xi32>
        %sub3A_967 = arith.subi %sub3A_966, %shift_right_arithmetic3A_964 : vector<16xi32>
        %bitcast3A_968 = vector.bitcast %sub3A_967 : vector<16xi32> to vector<16xf32>
        %mul3A_969 = arith.constant 5.000000e-01 : f32
        %mul3A_970 = vector.broadcast %mul3A_969 : f32 to vector<16xf32>
        %mul3A_971 = arith.mulf %max3A_962, %mul3A_970 : vector<16xf32>
        %mul3A_972 = arith.mulf %mul3A_971, %bitcast3A_968 : vector<16xf32>
        %mul3A_973 = arith.mulf %mul3A_972, %bitcast3A_968 : vector<16xf32>
        %sub3A_974 = arith.constant 1.500000e+00 : f32
        %sub3A_975 = vector.broadcast %sub3A_974 : f32 to vector<16xf32>
        %sub3A_976 = arith.subf %sub3A_975, %mul3A_973 : vector<16xf32>
        %mul3A_977 = arith.mulf %bitcast3A_968, %sub3A_976 : vector<16xf32>
        %mul3A_978 = arith.mulf %mul3A_971, %mul3A_977 : vector<16xf32>
        %mul3A_979 = arith.mulf %mul3A_978, %mul3A_977 : vector<16xf32>
        %sub3A_980 = arith.constant 1.500000e+00 : f32
        %sub3A_981 = vector.broadcast %sub3A_980 : f32 to vector<16xf32>
        %sub3A_982 = arith.subf %sub3A_981, %mul3A_979 : vector<16xf32>
        %mul3A_983 = arith.mulf %mul3A_977, %sub3A_982 : vector<16xf32>
        %mul3A_984 = arith.mulf %mul3A_971, %mul3A_983 : vector<16xf32>
        %mul3A_985 = arith.mulf %mul3A_984, %mul3A_983 : vector<16xf32>
        %sub3A_986 = arith.constant 1.500000e+00 : f32
        %sub3A_987 = vector.broadcast %sub3A_986 : f32 to vector<16xf32>
        %sub3A_988 = arith.subf %sub3A_987, %mul3A_985 : vector<16xf32>
        %mul3A_989 = arith.mulf %mul3A_983, %sub3A_988 : vector<16xf32>
        %mul3A_990 = arith.mulf %add3A_955, %mul3A_989 : vector<16xf32>
        %mul3A_991 = arith.mulf %add3A_950, %add3A_950 : vector<16xf32>
        %mul3A_992 = arith.mulf %mul3A_990, %mul3A_990 : vector<16xf32>
        %add3A_993 = arith.addf %mul3A_991, %mul3A_992 : vector<16xf32>
        %max3A_994 = arith.constant 1.000000e-30 : f32
        %max3A_995 = vector.broadcast %max3A_994 : f32 to vector<16xf32>
        %max3A_996 = arith.maximumf %add3A_993, %max3A_995 : vector<16xf32>
        %bitcast3A_997 = vector.bitcast %max3A_996 : vector<16xf32> to vector<16xi32>
        %shift_right_arithmetic3A_998 = arith.constant 1 : i32
        %shift_right_arithmetic3A_999 = vector.broadcast %shift_right_arithmetic3A_998 : i32 to vector<16xi32>
        %shift_right_arithmetic3A_1000 = arith.shrsi %bitcast3A_997, %shift_right_arithmetic3A_999 : vector<16xi32>
        %sub3A_1001 = arith.constant 1597463007 : i32
        %sub3A_1002 = vector.broadcast %sub3A_1001 : i32 to vector<16xi32>
        %sub3A_1003 = arith.subi %sub3A_1002, %shift_right_arithmetic3A_1000 : vector<16xi32>
        %bitcast3A_1004 = vector.bitcast %sub3A_1003 : vector<16xi32> to vector<16xf32>
        %mul3A_1005 = arith.constant 5.000000e-01 : f32
        %mul3A_1006 = vector.broadcast %mul3A_1005 : f32 to vector<16xf32>
        %mul3A_1007 = arith.mulf %max3A_996, %mul3A_1006 : vector<16xf32>
        %mul3A_1008 = arith.mulf %mul3A_1007, %bitcast3A_1004 : vector<16xf32>
        %mul3A_1009 = arith.mulf %mul3A_1008, %bitcast3A_1004 : vector<16xf32>
        %sub3A_1010 = arith.constant 1.500000e+00 : f32
        %sub3A_1011 = vector.broadcast %sub3A_1010 : f32 to vector<16xf32>
        %sub3A_1012 = arith.subf %sub3A_1011, %mul3A_1009 : vector<16xf32>
        %mul3A_1013 = arith.mulf %bitcast3A_1004, %sub3A_1012 : vector<16xf32>
        %mul3A_1014 = arith.mulf %mul3A_1007, %mul3A_1013 : vector<16xf32>
        %mul3A_1015 = arith.mulf %mul3A_1014, %mul3A_1013 : vector<16xf32>
        %sub3A_1016 = arith.constant 1.500000e+00 : f32
        %sub3A_1017 = vector.broadcast %sub3A_1016 : f32 to vector<16xf32>
        %sub3A_1018 = arith.subf %sub3A_1017, %mul3A_1015 : vector<16xf32>
        %mul3A_1019 = arith.mulf %mul3A_1013, %sub3A_1018 : vector<16xf32>
        %mul3A_1020 = arith.mulf %mul3A_1007, %mul3A_1019 : vector<16xf32>
        %mul3A_1021 = arith.mulf %mul3A_1020, %mul3A_1019 : vector<16xf32>
        %sub3A_1022 = arith.constant 1.500000e+00 : f32
        %sub3A_1023 = vector.broadcast %sub3A_1022 : f32 to vector<16xf32>
        %sub3A_1024 = arith.subf %sub3A_1023, %mul3A_1021 : vector<16xf32>
        %mul3A_1025 = arith.mulf %mul3A_1019, %sub3A_1024 : vector<16xf32>
        %lt3A = arith.constant 1.000000e-30 : f32
        %lt3A_1026 = vector.broadcast %lt3A : f32 to vector<16xf32>
        %lt3A_1027 = arith.cmpf olt, %add3A_993, %lt3A_1026 : vector<16xf32>
        %mul3A_1028 = arith.mulf %add3A_950, %mul3A_1025 : vector<16xf32>
        %jit3A = arith.constant 1.000000e+00 : f32
        %broadcast_in_dim3A_1029 = vector.broadcast %jit3A : f32 to vector<16xf32>
        %select_n3A = arith.select %lt3A_1027, %broadcast_in_dim3A_1029, %mul3A_1028 : vector<16xi1>, vector<16xf32>
        %mul3A_1030 = arith.mulf %mul3A_990, %mul3A_1025 : vector<16xf32>
        %jit3A_1031 = arith.constant 0.000000e+00 : f32
        %broadcast_in_dim3A_1032 = vector.broadcast %jit3A_1031 : f32 to vector<16xf32>
        %select_n3A_1033 = arith.select %lt3A_1027, %broadcast_in_dim3A_1032, %mul3A_1030 : vector<16xi1>, vector<16xf32>
        %mul3A_1034 = arith.constant 2.000000e+00 : f32
        %mul3A_1035 = vector.broadcast %mul3A_1034 : f32 to vector<16xf32>
        %mul3A_1036 = arith.mulf %mul3A_1035, %select_n3A : vector<16xf32>
        %mul3A_1037 = arith.mulf %mul3A_1036, %select_n3A : vector<16xf32>
        %sub3A_1038 = arith.constant 1.000000e+00 : f32
        %sub3A_1039 = vector.broadcast %sub3A_1038 : f32 to vector<16xf32>
        %sub3A_1040 = arith.subf %mul3A_1037, %sub3A_1039 : vector<16xf32>
        %mul3A_1041 = arith.constant 2.000000e+00 : f32
        %mul3A_1042 = vector.broadcast %mul3A_1041 : f32 to vector<16xf32>
        %mul3A_1043 = arith.mulf %mul3A_1042, %select_n3A_1033 : vector<16xf32>
        %mul3A_1044 = arith.mulf %mul3A_1043, %select_n3A : vector<16xf32>
        %mul3A_1045 = arith.constant 2.000000e+00 : f32
        %mul3A_1046 = vector.broadcast %mul3A_1045 : f32 to vector<16xf32>
        %mul3A_1047 = arith.mulf %mul3A_1046, %select_n3A : vector<16xf32>
        %mul3A_1048 = arith.mulf %mul3A_1047, %sub3A_1040 : vector<16xf32>
        %sub3A_1049 = arith.subf %mul3A_1048, %select_n3A : vector<16xf32>
        %mul3A_1050 = arith.constant 2.000000e+00 : f32
        %mul3A_1051 = vector.broadcast %mul3A_1050 : f32 to vector<16xf32>
        %mul3A_1052 = arith.mulf %mul3A_1051, %select_n3A : vector<16xf32>
        %mul3A_1053 = arith.mulf %mul3A_1052, %mul3A_1044 : vector<16xf32>
        %sub3A_1054 = arith.subf %mul3A_1053, %select_n3A_1033 : vector<16xf32>
        %gather3A_1055 = tpu.vector_load_idx %arg18[%add3A_890, %broadcast_in_dim3A_3] : memref<800x8xf32, #tpu.memory_space<vmem>>[vector<16xi32>, vector<16xi32>], vector<16xf32>,
        %gather3A_1056 = tpu.vector_load_idx %arg18[%add3A_890, %broadcast_in_dim3A_5] : memref<800x8xf32, #tpu.memory_space<vmem>>[vector<16xi32>, vector<16xi32>], vector<16xf32>,
        %gather3A_1057 = tpu.vector_load_idx %arg18[%add3A_890, %broadcast_in_dim3A_7] : memref<800x8xf32, #tpu.memory_space<vmem>>[vector<16xi32>, vector<16xi32>], vector<16xf32>,
        %gather3A_1058 = tpu.vector_load_idx %arg18[%add3A_890, %broadcast_in_dim3A_9] : memref<800x8xf32, #tpu.memory_space<vmem>>[vector<16xi32>, vector<16xi32>], vector<16xf32>,
        %gather3A_1059 = tpu.vector_load_idx %arg18[%add3A_890, %broadcast_in_dim3A_11] : memref<800x8xf32, #tpu.memory_space<vmem>>[vector<16xi32>, vector<16xi32>], vector<16xf32>,
        %gather3A_1060 = tpu.vector_load_idx %arg18[%add3A_890, %broadcast_in_dim3A_13] : memref<800x8xf32, #tpu.memory_space<vmem>>[vector<16xi32>, vector<16xi32>], vector<16xf32>,
        %gather3A_1061 = tpu.vector_load_idx %arg18[%add3A_890, %broadcast_in_dim3A_15] : memref<800x8xf32, #tpu.memory_space<vmem>>[vector<16xi32>, vector<16xi32>], vector<16xf32>,
        %mul3A_1062 = arith.mulf %gather3A_1055, %select_n3A : vector<16xf32>
        %mul3A_1063 = arith.mulf %gather3A_1056, %sub3A_1040 : vector<16xf32>
        %add3A_1064 = arith.addf %mul3A_1062, %mul3A_1063 : vector<16xf32>
        %mul3A_1065 = arith.mulf %gather3A_1057, %sub3A_1049 : vector<16xf32>
        %add3A_1066 = arith.addf %add3A_1064, %mul3A_1065 : vector<16xf32>
        %mul3A_1067 = arith.mulf %gather3A_1058, %select_n3A_1033 : vector<16xf32>
        %add3A_1068 = arith.addf %add3A_1066, %mul3A_1067 : vector<16xf32>
        %mul3A_1069 = arith.mulf %gather3A_1059, %mul3A_1044 : vector<16xf32>
        %add3A_1070 = arith.addf %add3A_1068, %mul3A_1069 : vector<16xf32>
        %mul3A_1071 = arith.mulf %gather3A_1060, %sub3A_1054 : vector<16xf32>
        %add3A_1072 = arith.addf %add3A_1070, %mul3A_1071 : vector<16xf32>
        %sub3A_1073 = arith.subf %gather3A_1061, %add3A_1072 : vector<16xf32>
        %mul3A_1074 = arith.constant 16 : i32
        %mul3A_1075 = arith.muli %add3A_886, %mul3A_1074 : i32
        %get3A = arith.index_cast %mul3A_1075 : i32 to index
        %get3A_1076 = tpu.vector_load %arg15[%get3A] {strides = array<i32>} : memref<800xi32, #tpu.memory_space<vmem>>, vector<16xi32>,
        tpu.vector_store_idx %arg19[%iota3A, %get3A_1076], %sub3A_1073 {add = true} : memref<16x64xf32, #tpu.memory_space<vmem>>[vector<16xi32>, vector<16xi32>], vector<16xf32>,
      }
      %scan3A_850 = arith.constant 50 : i32
      %add3A_851 = arith.constant 2 : i32
      %add3A_852 = arith.addi %add3A_786, %add3A_851 : i32
      %mul3A_853 = arith.constant 800 : i32
      %mul3A_854 = arith.muli %add3A_852, %mul3A_853 : i32
      %add3A_855 = arith.addi %mul3A_2, %mul3A_854 : i32
      %dma_start3A_856 = arith.constant 0 : i32
      %dma_start3A_857 = tpu.memref_slice %arg14[%dma_start3A_856] : memref<3200xi32, #tpu.memory_space<vmem>> -> memref<800xi32, #tpu.memory_space<vmem>>
      %dma_start3A_858 = tpu.memref_slice %arg2[%add3A_855] : memref<3200000xi32, #tpu.memory_space<hbm>> -> memref<800xi32, #tpu.memory_space<hbm>>
      %dma_start3A_859 = arith.constant 0 : i32
      %dma_start3A_860 = tpu.memref_slice %arg14[%dma_start3A_859] : memref<3200xi32, #tpu.memory_space<vmem>> -> memref<800xi32, #tpu.memory_space<vmem>>
      %dma_start3A_861 = tpu.memref_slice %arg2[%add3A_855] : memref<3200000xi32, #tpu.memory_space<hbm>> -> memref<800xi32, #tpu.memory_space<hbm>>
      tpu.enqueue_dma source(%dma_start3A_861 : memref<800xi32, #tpu.memory_space<hbm>>) target(%dma_start3A_860 : memref<800xi32, #tpu.memory_space<vmem>>) target_semaphore(%arg21 : memref<!tpu.dma_semaphore, #tpu.memory_space<semaphore_mem>>)
      %dma_start3A_862 = arith.constant 800 : i32
      %dma_start3A_863 = tpu.memref_slice %arg14[%dma_start3A_862] : memref<3200xi32, #tpu.memory_space<vmem>> -> memref<800xi32, #tpu.memory_space<vmem>>
      %dma_start3A_864 = tpu.memref_slice %arg3[%add3A_855] : memref<3200000xi32, #tpu.memory_space<hbm>> -> memref<800xi32, #tpu.memory_space<hbm>>
      %dma_start3A_865 = arith.constant 800 : i32
      %dma_start3A_866 = tpu.memref_slice %arg14[%dma_start3A_865] : memref<3200xi32, #tpu.memory_space<vmem>> -> memref<800xi32, #tpu.memory_space<vmem>>
      %dma_start3A_867 = tpu.memref_slice %arg3[%add3A_855] : memref<3200000xi32, #tpu.memory_space<hbm>> -> memref<800xi32, #tpu.memory_space<hbm>>
      tpu.enqueue_dma source(%dma_start3A_867 : memref<800xi32, #tpu.memory_space<hbm>>) target(%dma_start3A_866 : memref<800xi32, #tpu.memory_space<vmem>>) target_semaphore(%arg21 : memref<!tpu.dma_semaphore, #tpu.memory_space<semaphore_mem>>)
      %dma_start3A_868 = arith.constant 1600 : i32
      %dma_start3A_869 = tpu.memref_slice %arg14[%dma_start3A_868] : memref<3200xi32, #tpu.memory_space<vmem>> -> memref<800xi32, #tpu.memory_space<vmem>>
      %dma_start3A_870 = tpu.memref_slice %arg4[%add3A_855] : memref<3200000xi32, #tpu.memory_space<hbm>> -> memref<800xi32, #tpu.memory_space<hbm>>
      %dma_start3A_871 = arith.constant 1600 : i32
      %dma_start3A_872 = tpu.memref_slice %arg14[%dma_start3A_871] : memref<3200xi32, #tpu.memory_space<vmem>> -> memref<800xi32, #tpu.memory_space<vmem>>
      %dma_start3A_873 = tpu.memref_slice %arg4[%add3A_855] : memref<3200000xi32, #tpu.memory_space<hbm>> -> memref<800xi32, #tpu.memory_space<hbm>>
      tpu.enqueue_dma source(%dma_start3A_873 : memref<800xi32, #tpu.memory_space<hbm>>) target(%dma_start3A_872 : memref<800xi32, #tpu.memory_space<vmem>>) target_semaphore(%arg21 : memref<!tpu.dma_semaphore, #tpu.memory_space<semaphore_mem>>)
      %dma_start3A_874 = arith.constant 2400 : i32
      %dma_start3A_875 = tpu.memref_slice %arg14[%dma_start3A_874] : memref<3200xi32, #tpu.memory_space<vmem>> -> memref<800xi32, #tpu.memory_space<vmem>>
      %dma_start3A_876 = tpu.memref_slice %arg5[%add3A_855] : memref<3200000xi32, #tpu.memory_space<hbm>> -> memref<800xi32, #tpu.memory_space<hbm>>
      %dma_start3A_877 = arith.constant 2400 : i32
      %dma_start3A_878 = tpu.memref_slice %arg14[%dma_start3A_877] : memref<3200xi32, #tpu.memory_space<vmem>> -> memref<800xi32, #tpu.memory_space<vmem>>
      %dma_start3A_879 = tpu.memref_slice %arg5[%add3A_855] : memref<3200000xi32, #tpu.memory_space<hbm>> -> memref<800xi32, #tpu.memory_space<hbm>>
      tpu.enqueue_dma source(%dma_start3A_879 : memref<800xi32, #tpu.memory_space<hbm>>) target(%dma_start3A_878 : memref<800xi32, #tpu.memory_space<vmem>>) target_semaphore(%arg21 : memref<!tpu.dma_semaphore, #tpu.memory_space<semaphore_mem>>)
      %dma_start3A_880 = tpu.memref_slice %arg6[%add3A_855] : memref<3200000xi32, #tpu.memory_space<hbm>> -> memref<800xi32, #tpu.memory_space<hbm>>
      %dma_start3A_881 = tpu.memref_slice %arg6[%add3A_855] : memref<3200000xi32, #tpu.memory_space<hbm>> -> memref<800xi32, #tpu.memory_space<hbm>>
      tpu.enqueue_dma source(%dma_start3A_881 : memref<800xi32, #tpu.memory_space<hbm>>) target(%arg15 : memref<800xi32, #tpu.memory_space<vmem>>) target_semaphore(%arg21 : memref<!tpu.dma_semaphore, #tpu.memory_space<semaphore_mem>>)
    }
    %scan3A_499 = arith.constant 61 : i32
    %dma_wait3A_500 = arith.constant 0 : i32
    %dma_wait3A_501 = arith.constant 0 : i32
    %dma_wait3A_502 = tpu.memref_slice %arg20[%dma_wait3A_500, %dma_wait3A_501] : memref<100000x8xf32, #tpu.memory_space<vmem_shared>> -> memref<3200x8xf32, #tpu.memory_space<vmem_shared>>
    %dma_wait3A_503 = arith.constant 0 : i32
    %dma_wait3A_504 = arith.constant 0 : i32
    %dma_wait3A_505 = tpu.memref_slice %arg20[%dma_wait3A_503, %dma_wait3A_504] : memref<100000x8xf32, #tpu.memory_space<vmem_shared>> -> memref<3200x8xf32, #tpu.memory_space<vmem_shared>>
    tpu.wait_dma2 semaphore(%arg22 : memref<!tpu.dma_semaphore, #tpu.memory_space<semaphore_mem>>) src(%dma_wait3A_505 : memref<3200x8xf32, #tpu.memory_space<vmem_shared>>) dst(%arg13 : memref<3200x8xf32, #tpu.memory_space<vmem>>)
    %scan3A_506 = arith.constant 0 : i32
    %scan3A_507 = arith.constant 50 : i32
    %scan3A_508 = arith.addi %scan3A_506, %scan3A_507 : i32
    %scan3A_509 = arith.constant 1 : i32
    scf.for %scan3A_681 = %scan3A_506 to %scan3A_508 step %scan3A_509  : i32 {
      %mul3A_682 = arith.constant 1 : i32
      %mul3A_683 = arith.muli %scan3A_681, %mul3A_682 : i32
      %add3A_684 = arith.constant 0 : i32
      %add3A_685 = arith.addi %add3A_684, %mul3A_683 : i32
      %mul3A_686 = arith.constant 16 : i32
      %mul3A_687 = arith.muli %add3A_685, %mul3A_686 : i32
      %add3A_688 = vector.broadcast %mul3A_687 : i32 to vector<16xi32>
      %add3A_689 = arith.addi %iota3A, %add3A_688 : vector<16xi32>
      %gather3A = tpu.vector_load_idx %arg13[%add3A_689, %broadcast_in_dim3A_9] : memref<3200x8xf32, #tpu.memory_space<vmem>>[vector<16xi32>, vector<16xi32>], vector<16xf32>,
      %add3A_690 = arith.constant 800 : i32
      %add3A_691 = vector.broadcast %add3A_690 : i32 to vector<16xi32>
      %add3A_692 = arith.addi %add3A_689, %add3A_691 : vector<16xi32>
      %gather3A_693 = tpu.vector_load_idx %arg13[%add3A_692, %broadcast_in_dim3A_9] : memref<3200x8xf32, #tpu.memory_space<vmem>>[vector<16xi32>, vector<16xi32>], vector<16xf32>,
      %add3A_694 = arith.constant 1600 : i32
      %add3A_695 = vector.broadcast %add3A_694 : i32 to vector<16xi32>
      %add3A_696 = arith.addi %add3A_689, %add3A_695 : vector<16xi32>
      %gather3A_697 = tpu.vector_load_idx %arg13[%add3A_696, %broadcast_in_dim3A_9] : memref<3200x8xf32, #tpu.memory_space<vmem>>[vector<16xi32>, vector<16xi32>], vector<16xf32>,
      %add3A_698 = arith.constant 2400 : i32
      %add3A_699 = vector.broadcast %add3A_698 : i32 to vector<16xi32>
      %add3A_700 = arith.addi %add3A_689, %add3A_699 : vector<16xi32>
      %gather3A_701 = tpu.vector_load_idx %arg13[%add3A_700, %broadcast_in_dim3A_9] : memref<3200x8xf32, #tpu.memory_space<vmem>>[vector<16xi32>, vector<16xi32>], vector<16xf32>,
      %mul3A_702 = arith.constant 2.600000e+01 : f32
      %mul3A_703 = vector.broadcast %mul3A_702 : f32 to vector<16xf32>
      %mul3A_704 = arith.mulf %gather3A, %mul3A_703 : vector<16xf32>
      %add3A_705 = arith.addf %mul3A_704, %gather3A_693 : vector<16xf32>
      %mul3A_706 = arith.constant 2.600000e+01 : f32
      %mul3A_707 = vector.broadcast %mul3A_706 : f32 to vector<16xf32>
      %mul3A_708 = arith.mulf %add3A_705, %mul3A_707 : vector<16xf32>
      %add3A_709 = arith.addf %mul3A_708, %gather3A_697 : vector<16xf32>
      %mul3A_710 = arith.constant 2.600000e+01 : f32
      %mul3A_711 = vector.broadcast %mul3A_710 : f32 to vector<16xf32>
      %mul3A_712 = arith.mulf %add3A_709, %mul3A_711 : vector<16xf32>
      %add3A_713 = arith.addf %mul3A_712, %gather3A_701 : vector<16xf32>
      %max3A = arith.constant 0.000000e+00 : f32
      %max3A_714 = vector.broadcast %max3A : f32 to vector<16xf32>
      %max3A_715 = arith.maximumf %add3A_713, %max3A_714 : vector<16xf32>
      %min3A = arith.constant 4.569750e+05 : f32
      %min3A_716 = vector.broadcast %min3A : f32 to vector<16xf32>
      %min3A_717 = arith.minimumf %max3A_715, %min3A_716 : vector<16xf32>
      %convert_element_type3A_718 = arith.fptosi %min3A_717 : vector<16xf32> to vector<16xi32>
      %mul3A_719 = arith.constant 16 : i32
      %mul3A_720 = arith.muli %add3A_685, %mul3A_719 : i32
      %swap3A_721 = arith.index_cast %mul3A_720 : i32 to index
      %swap3A_722 = tpu.vector_load %arg12[%swap3A_721] {strides = array<i32>} : memref<800xi32, #tpu.memory_space<vmem>>, vector<16xi32>,
      tpu.vector_store %arg12[%swap3A_721], %convert_element_type3A_718 {strides = array<i32>} : memref<800xi32, #tpu.memory_space<vmem>>, vector<16xi32>,
    }
    %scan3A_510 = arith.constant 50 : i32
    %dma_start3A_511 = arith.constant 0 : i32
    %dma_start3A_512 = arith.constant 0 : i32
    %dma_start3A_513 = tpu.memref_slice %arg8[%dma_start3A_511, %dma_start3A_512] : memref<456976x8xf32, #tpu.memory_space<hbm>> -> memref<456976x8xf32, #tpu.memory_space<hbm>>
    tpu.enqueue_indirect_dma source(%dma_start3A_513 : memref<456976x8xf32, #tpu.memory_space<hbm>>) target(%arg18 : memref<800x8xf32, #tpu.memory_space<vmem>>) offsets(%arg12 : memref<800xi32, #tpu.memory_space<vmem>>) semaphore(%arg23 : memref<!tpu.dma_semaphore, #tpu.memory_space<semaphore_mem>>)
    %dma_wait3A_514 = arith.constant 0 : i32
    %dma_wait3A_515 = tpu.memref_slice %arg14[%dma_wait3A_514] : memref<3200xi32, #tpu.memory_space<vmem>> -> memref<800xi32, #tpu.memory_space<vmem>>
    %dma_wait3A_516 = arith.constant 0 : i32
    %dma_wait3A_517 = tpu.memref_slice %arg2[%dma_wait3A_516] : memref<3200000xi32, #tpu.memory_space<hbm>> -> memref<800xi32, #tpu.memory_space<hbm>>
    %dma_wait3A_518 = arith.constant 0 : i32
    %dma_wait3A_519 = tpu.memref_slice %arg14[%dma_wait3A_518] : memref<3200xi32, #tpu.memory_space<vmem>> -> memref<800xi32, #tpu.memory_space<vmem>>
    %dma_wait3A_520 = arith.constant 0 : i32
    %dma_wait3A_521 = tpu.memref_slice %arg2[%dma_wait3A_520] : memref<3200000xi32, #tpu.memory_space<hbm>> -> memref<800xi32, #tpu.memory_space<hbm>>
    tpu.wait_dma2 semaphore(%arg21 : memref<!tpu.dma_semaphore, #tpu.memory_space<semaphore_mem>>) src(%dma_wait3A_521 : memref<800xi32, #tpu.memory_space<hbm>>) dst(%dma_wait3A_519 : memref<800xi32, #tpu.memory_space<vmem>>)
    %dma_wait3A_522 = arith.constant 800 : i32
    %dma_wait3A_523 = tpu.memref_slice %arg14[%dma_wait3A_522] : memref<3200xi32, #tpu.memory_space<vmem>> -> memref<800xi32, #tpu.memory_space<vmem>>
    %dma_wait3A_524 = arith.constant 0 : i32
    %dma_wait3A_525 = tpu.memref_slice %arg3[%dma_wait3A_524] : memref<3200000xi32, #tpu.memory_space<hbm>> -> memref<800xi32, #tpu.memory_space<hbm>>
    %dma_wait3A_526 = arith.constant 800 : i32
    %dma_wait3A_527 = tpu.memref_slice %arg14[%dma_wait3A_526] : memref<3200xi32, #tpu.memory_space<vmem>> -> memref<800xi32, #tpu.memory_space<vmem>>
    %dma_wait3A_528 = arith.constant 0 : i32
    %dma_wait3A_529 = tpu.memref_slice %arg3[%dma_wait3A_528] : memref<3200000xi32, #tpu.memory_space<hbm>> -> memref<800xi32, #tpu.memory_space<hbm>>
    tpu.wait_dma2 semaphore(%arg21 : memref<!tpu.dma_semaphore, #tpu.memory_space<semaphore_mem>>) src(%dma_wait3A_529 : memref<800xi32, #tpu.memory_space<hbm>>) dst(%dma_wait3A_527 : memref<800xi32, #tpu.memory_space<vmem>>)
    %dma_wait3A_530 = arith.constant 1600 : i32
    %dma_wait3A_531 = tpu.memref_slice %arg14[%dma_wait3A_530] : memref<3200xi32, #tpu.memory_space<vmem>> -> memref<800xi32, #tpu.memory_space<vmem>>
    %dma_wait3A_532 = arith.constant 0 : i32
    %dma_wait3A_533 = tpu.memref_slice %arg4[%dma_wait3A_532] : memref<3200000xi32, #tpu.memory_space<hbm>> -> memref<800xi32, #tpu.memory_space<hbm>>
    %dma_wait3A_534 = arith.constant 1600 : i32
    %dma_wait3A_535 = tpu.memref_slice %arg14[%dma_wait3A_534] : memref<3200xi32, #tpu.memory_space<vmem>> -> memref<800xi32, #tpu.memory_space<vmem>>
    %dma_wait3A_536 = arith.constant 0 : i32
    %dma_wait3A_537 = tpu.memref_slice %arg4[%dma_wait3A_536] : memref<3200000xi32, #tpu.memory_space<hbm>> -> memref<800xi32, #tpu.memory_space<hbm>>
    tpu.wait_dma2 semaphore(%arg21 : memref<!tpu.dma_semaphore, #tpu.memory_space<semaphore_mem>>) src(%dma_wait3A_537 : memref<800xi32, #tpu.memory_space<hbm>>) dst(%dma_wait3A_535 : memref<800xi32, #tpu.memory_space<vmem>>)
    %dma_wait3A_538 = arith.constant 2400 : i32
    %dma_wait3A_539 = tpu.memref_slice %arg14[%dma_wait3A_538] : memref<3200xi32, #tpu.memory_space<vmem>> -> memref<800xi32, #tpu.memory_space<vmem>>
    %dma_wait3A_540 = arith.constant 0 : i32
    %dma_wait3A_541 = tpu.memref_slice %arg5[%dma_wait3A_540] : memref<3200000xi32, #tpu.memory_space<hbm>> -> memref<800xi32, #tpu.memory_space<hbm>>
    %dma_wait3A_542 = arith.constant 2400 : i32
    %dma_wait3A_543 = tpu.memref_slice %arg14[%dma_wait3A_542] : memref<3200xi32, #tpu.memory_space<vmem>> -> memref<800xi32, #tpu.memory_space<vmem>>
    %dma_wait3A_544 = arith.constant 0 : i32
    %dma_wait3A_545 = tpu.memref_slice %arg5[%dma_wait3A_544] : memref<3200000xi32, #tpu.memory_space<hbm>> -> memref<800xi32, #tpu.memory_space<hbm>>
    tpu.wait_dma2 semaphore(%arg21 : memref<!tpu.dma_semaphore, #tpu.memory_space<semaphore_mem>>) src(%dma_wait3A_545 : memref<800xi32, #tpu.memory_space<hbm>>) dst(%dma_wait3A_543 : memref<800xi32, #tpu.memory_space<vmem>>)
    %dma_wait3A_546 = arith.constant 0 : i32
    %dma_wait3A_547 = tpu.memref_slice %arg6[%dma_wait3A_546] : memref<3200000xi32, #tpu.memory_space<hbm>> -> memref<800xi32, #tpu.memory_space<hbm>>
    %dma_wait3A_548 = arith.constant 0 : i32
    %dma_wait3A_549 = tpu.memref_slice %arg6[%dma_wait3A_548] : memref<3200000xi32, #tpu.memory_space<hbm>> -> memref<800xi32, #tpu.memory_space<hbm>>
    tpu.wait_dma2 semaphore(%arg21 : memref<!tpu.dma_semaphore, #tpu.memory_space<semaphore_mem>>) src(%dma_wait3A_549 : memref<800xi32, #tpu.memory_space<hbm>>) dst(%arg15 : memref<800xi32, #tpu.memory_space<vmem>>)
    %dma_start3A_550 = arith.constant 0 : i32
    %dma_start3A_551 = arith.constant 0 : i32
    %dma_start3A_552 = tpu.memref_slice %arg20[%dma_start3A_550, %dma_start3A_551] : memref<100000x8xf32, #tpu.memory_space<vmem_shared>> -> memref<100000x8xf32, #tpu.memory_space<vmem_shared>>
    tpu.enqueue_indirect_dma source(%dma_start3A_552 : memref<100000x8xf32, #tpu.memory_space<vmem_shared>>) target(%arg17 : memref<3200x8xf32, #tpu.memory_space<vmem>>) offsets(%arg14 : memref<3200xi32, #tpu.memory_space<vmem>>) semaphore(%arg22 : memref<!tpu.dma_semaphore, #tpu.memory_space<semaphore_mem>>)
    %dma_wait3A_553 = arith.constant 0 : i32
    %dma_wait3A_554 = arith.constant 0 : i32
    %dma_wait3A_555 = tpu.memref_slice %arg8[%dma_wait3A_553, %dma_wait3A_554] : memref<456976x8xf32, #tpu.memory_space<hbm>> -> memref<800x8xf32, #tpu.memory_space<hbm>>
    %dma_wait3A_556 = arith.constant 0 : i32
    %dma_wait3A_557 = arith.constant 0 : i32
    %dma_wait3A_558 = tpu.memref_slice %arg8[%dma_wait3A_556, %dma_wait3A_557] : memref<456976x8xf32, #tpu.memory_space<hbm>> -> memref<800x8xf32, #tpu.memory_space<hbm>>
    tpu.wait_dma2 semaphore(%arg23 : memref<!tpu.dma_semaphore, #tpu.memory_space<semaphore_mem>>) src(%dma_wait3A_558 : memref<800x8xf32, #tpu.memory_space<hbm>>) dst(%arg18 : memref<800x8xf32, #tpu.memory_space<vmem>>)
    %scan3A_559 = arith.constant 0 : i32
    %scan3A_560 = arith.constant 50 : i32
    %scan3A_561 = arith.addi %scan3A_559, %scan3A_560 : i32
    %scan3A_562 = arith.constant 1 : i32
    scf.for %scan3A_681 = %scan3A_559 to %scan3A_561 step %scan3A_562  : i32 {
      %mul3A_682 = arith.constant 1 : i32
      %mul3A_683 = arith.muli %scan3A_681, %mul3A_682 : i32
      %add3A_684 = arith.constant 0 : i32
      %add3A_685 = arith.addi %add3A_684, %mul3A_683 : i32
      %mul3A_686 = arith.constant 16 : i32
      %mul3A_687 = arith.muli %add3A_685, %mul3A_686 : i32
      %add3A_688 = vector.broadcast %mul3A_687 : i32 to vector<16xi32>
      %add3A_689 = arith.addi %iota3A, %add3A_688 : vector<16xi32>
      %add3A_690 = arith.constant 800 : i32
      %add3A_691 = vector.broadcast %add3A_690 : i32 to vector<16xi32>
      %add3A_692 = arith.addi %add3A_689, %add3A_691 : vector<16xi32>
      %add3A_693 = arith.constant 1600 : i32
      %add3A_694 = vector.broadcast %add3A_693 : i32 to vector<16xi32>
      %add3A_695 = arith.addi %add3A_689, %add3A_694 : vector<16xi32>
      %add3A_696 = arith.constant 2400 : i32
      %add3A_697 = vector.broadcast %add3A_696 : i32 to vector<16xi32>
      %add3A_698 = arith.addi %add3A_689, %add3A_697 : vector<16xi32>
      %gather3A = tpu.vector_load_idx %arg13[%add3A_689, %broadcast_in_dim3A_3] : memref<3200x8xf32, #tpu.memory_space<vmem>>[vector<16xi32>, vector<16xi32>], vector<16xf32>,
      %gather3A_699 = tpu.vector_load_idx %arg13[%add3A_689, %broadcast_in_dim3A_5] : memref<3200x8xf32, #tpu.memory_space<vmem>>[vector<16xi32>, vector<16xi32>], vector<16xf32>,
      %gather3A_700 = tpu.vector_load_idx %arg13[%add3A_689, %broadcast_in_dim3A_7] : memref<3200x8xf32, #tpu.memory_space<vmem>>[vector<16xi32>, vector<16xi32>], vector<16xf32>,
      %gather3A_701 = tpu.vector_load_idx %arg13[%add3A_692, %broadcast_in_dim3A_3] : memref<3200x8xf32, #tpu.memory_space<vmem>>[vector<16xi32>, vector<16xi32>], vector<16xf32>,
      %gather3A_702 = tpu.vector_load_idx %arg13[%add3A_692, %broadcast_in_dim3A_5] : memref<3200x8xf32, #tpu.memory_space<vmem>>[vector<16xi32>, vector<16xi32>], vector<16xf32>,
      %gather3A_703 = tpu.vector_load_idx %arg13[%add3A_692, %broadcast_in_dim3A_7] : memref<3200x8xf32, #tpu.memory_space<vmem>>[vector<16xi32>, vector<16xi32>], vector<16xf32>,
      %gather3A_704 = tpu.vector_load_idx %arg13[%add3A_695, %broadcast_in_dim3A_3] : memref<3200x8xf32, #tpu.memory_space<vmem>>[vector<16xi32>, vector<16xi32>], vector<16xf32>,
      %gather3A_705 = tpu.vector_load_idx %arg13[%add3A_695, %broadcast_in_dim3A_5] : memref<3200x8xf32, #tpu.memory_space<vmem>>[vector<16xi32>, vector<16xi32>], vector<16xf32>,
      %gather3A_706 = tpu.vector_load_idx %arg13[%add3A_695, %broadcast_in_dim3A_7] : memref<3200x8xf32, #tpu.memory_space<vmem>>[vector<16xi32>, vector<16xi32>], vector<16xf32>,
      %gather3A_707 = tpu.vector_load_idx %arg13[%add3A_698, %broadcast_in_dim3A_3] : memref<3200x8xf32, #tpu.memory_space<vmem>>[vector<16xi32>, vector<16xi32>], vector<16xf32>,
      %gather3A_708 = tpu.vector_load_idx %arg13[%add3A_698, %broadcast_in_dim3A_5] : memref<3200x8xf32, #tpu.memory_space<vmem>>[vector<16xi32>, vector<16xi32>], vector<16xf32>,
      %gather3A_709 = tpu.vector_load_idx %arg13[%add3A_698, %broadcast_in_dim3A_7] : memref<3200x8xf32, #tpu.memory_space<vmem>>[vector<16xi32>, vector<16xi32>], vector<16xf32>,
      %sub3A = arith.subf %gather3A_701, %gather3A : vector<16xf32>
      %sub3A_710 = arith.subf %gather3A_702, %gather3A_699 : vector<16xf32>
      %sub3A_711 = arith.subf %gather3A_703, %gather3A_700 : vector<16xf32>
      %sub3A_712 = arith.subf %gather3A_704, %gather3A_701 : vector<16xf32>
      %sub3A_713 = arith.subf %gather3A_705, %gather3A_702 : vector<16xf32>
      %sub3A_714 = arith.subf %gather3A_706, %gather3A_703 : vector<16xf32>
      %sub3A_715 = arith.subf %gather3A_707, %gather3A_704 : vector<16xf32>
      %sub3A_716 = arith.subf %gather3A_708, %gather3A_705 : vector<16xf32>
      %sub3A_717 = arith.subf %gather3A_709, %gather3A_706 : vector<16xf32>
      %mul3A_718 = arith.mulf %sub3A_710, %sub3A_714 : vector<16xf32>
      %mul3A_719 = arith.mulf %sub3A_711, %sub3A_713 : vector<16xf32>
      %sub3A_720 = arith.subf %mul3A_718, %mul3A_719 : vector<16xf32>
      %mul3A_721 = arith.mulf %sub3A_711, %sub3A_712 : vector<16xf32>
      %mul3A_722 = arith.mulf %sub3A, %sub3A_714 : vector<16xf32>
      %sub3A_723 = arith.subf %mul3A_721, %mul3A_722 : vector<16xf32>
      %mul3A_724 = arith.mulf %sub3A, %sub3A_713 : vector<16xf32>
      %mul3A_725 = arith.mulf %sub3A_710, %sub3A_712 : vector<16xf32>
      %sub3A_726 = arith.subf %mul3A_724, %mul3A_725 : vector<16xf32>
      %mul3A_727 = arith.mulf %sub3A_713, %sub3A_717 : vector<16xf32>
      %mul3A_728 = arith.mulf %sub3A_714, %sub3A_716 : vector<16xf32>
      %sub3A_729 = arith.subf %mul3A_727, %mul3A_728 : vector<16xf32>
      %mul3A_730 = arith.mulf %sub3A_714, %sub3A_715 : vector<16xf32>
      %mul3A_731 = arith.mulf %sub3A_712, %sub3A_717 : vector<16xf32>
      %sub3A_732 = arith.subf %mul3A_730, %mul3A_731 : vector<16xf32>
      %mul3A_733 = arith.mulf %sub3A_712, %sub3A_716 : vector<16xf32>
      %mul3A_734 = arith.mulf %sub3A_713, %sub3A_715 : vector<16xf32>
      %sub3A_735 = arith.subf %mul3A_733, %mul3A_734 : vector<16xf32>
      %mul3A_736 = arith.mulf %sub3A_723, %sub3A_714 : vector<16xf32>
      %mul3A_737 = arith.mulf %sub3A_726, %sub3A_713 : vector<16xf32>
      %sub3A_738 = arith.subf %mul3A_736, %mul3A_737 : vector<16xf32>
      %mul3A_739 = arith.mulf %sub3A_726, %sub3A_712 : vector<16xf32>
      %mul3A_740 = arith.mulf %sub3A_720, %sub3A_714 : vector<16xf32>
      %sub3A_741 = arith.subf %mul3A_739, %mul3A_740 : vector<16xf32>
      %mul3A_742 = arith.mulf %sub3A_720, %sub3A_713 : vector<16xf32>
      %mul3A_743 = arith.mulf %sub3A_723, %sub3A_712 : vector<16xf32>
      %sub3A_744 = arith.subf %mul3A_742, %mul3A_743 : vector<16xf32>
      %mul3A_745 = arith.mulf %sub3A_720, %sub3A_729 : vector<16xf32>
      %mul3A_746 = arith.mulf %sub3A_723, %sub3A_732 : vector<16xf32>
      %add3A_747 = arith.addf %mul3A_745, %mul3A_746 : vector<16xf32>
      %mul3A_748 = arith.mulf %sub3A_726, %sub3A_735 : vector<16xf32>
      %add3A_749 = arith.addf %add3A_747, %mul3A_748 : vector<16xf32>
      %mul3A_750 = arith.mulf %sub3A_738, %sub3A_729 : vector<16xf32>
      %mul3A_751 = arith.mulf %sub3A_741, %sub3A_732 : vector<16xf32>
      %add3A_752 = arith.addf %mul3A_750, %mul3A_751 : vector<16xf32>
      %mul3A_753 = arith.mulf %sub3A_744, %sub3A_735 : vector<16xf32>
      %add3A_754 = arith.addf %add3A_752, %mul3A_753 : vector<16xf32>
      %mul3A_755 = arith.mulf %sub3A_712, %sub3A_712 : vector<16xf32>
      %mul3A_756 = arith.mulf %sub3A_713, %sub3A_713 : vector<16xf32>
      %add3A_757 = arith.addf %mul3A_755, %mul3A_756 : vector<16xf32>
      %mul3A_758 = arith.mulf %sub3A_714, %sub3A_714 : vector<16xf32>
      %add3A_759 = arith.addf %add3A_757, %mul3A_758 : vector<16xf32>
      %max3A = arith.constant 1.000000e-30 : f32
      %max3A_760 = vector.broadcast %max3A : f32 to vector<16xf32>
      %max3A_761 = arith.maximumf %add3A_759, %max3A_760 : vector<16xf32>
      %bitcast3A = vector.bitcast %max3A_761 : vector<16xf32> to vector<16xi32>
      %shift_right_arithmetic3A = arith.constant 1 : i32
      %shift_right_arithmetic3A_762 = vector.broadcast %shift_right_arithmetic3A : i32 to vector<16xi32>
      %shift_right_arithmetic3A_763 = arith.shrsi %bitcast3A, %shift_right_arithmetic3A_762 : vector<16xi32>
      %sub3A_764 = arith.constant 1597463007 : i32
      %sub3A_765 = vector.broadcast %sub3A_764 : i32 to vector<16xi32>
      %sub3A_766 = arith.subi %sub3A_765, %shift_right_arithmetic3A_763 : vector<16xi32>
      %bitcast3A_767 = vector.bitcast %sub3A_766 : vector<16xi32> to vector<16xf32>
      %mul3A_768 = arith.constant 5.000000e-01 : f32
      %mul3A_769 = vector.broadcast %mul3A_768 : f32 to vector<16xf32>
      %mul3A_770 = arith.mulf %max3A_761, %mul3A_769 : vector<16xf32>
      %mul3A_771 = arith.mulf %mul3A_770, %bitcast3A_767 : vector<16xf32>
      %mul3A_772 = arith.mulf %mul3A_771, %bitcast3A_767 : vector<16xf32>
      %sub3A_773 = arith.constant 1.500000e+00 : f32
      %sub3A_774 = vector.broadcast %sub3A_773 : f32 to vector<16xf32>
      %sub3A_775 = arith.subf %sub3A_774, %mul3A_772 : vector<16xf32>
      %mul3A_776 = arith.mulf %bitcast3A_767, %sub3A_775 : vector<16xf32>
      %mul3A_777 = arith.mulf %mul3A_770, %mul3A_776 : vector<16xf32>
      %mul3A_778 = arith.mulf %mul3A_777, %mul3A_776 : vector<16xf32>
      %sub3A_779 = arith.constant 1.500000e+00 : f32
      %sub3A_780 = vector.broadcast %sub3A_779 : f32 to vector<16xf32>
      %sub3A_781 = arith.subf %sub3A_780, %mul3A_778 : vector<16xf32>
      %mul3A_782 = arith.mulf %mul3A_776, %sub3A_781 : vector<16xf32>
      %mul3A_783 = arith.mulf %mul3A_770, %mul3A_782 : vector<16xf32>
      %mul3A_784 = arith.mulf %mul3A_783, %mul3A_782 : vector<16xf32>
      %sub3A_785 = arith.constant 1.500000e+00 : f32
      %sub3A_786 = vector.broadcast %sub3A_785 : f32 to vector<16xf32>
      %sub3A_787 = arith.subf %sub3A_786, %mul3A_784 : vector<16xf32>
      %mul3A_788 = arith.mulf %mul3A_782, %sub3A_787 : vector<16xf32>
      %mul3A_789 = arith.mulf %add3A_754, %mul3A_788 : vector<16xf32>
      %mul3A_790 = arith.mulf %add3A_749, %add3A_749 : vector<16xf32>
      %mul3A_791 = arith.mulf %mul3A_789, %mul3A_789 : vector<16xf32>
      %add3A_792 = arith.addf %mul3A_790, %mul3A_791 : vector<16xf32>
      %max3A_793 = arith.constant 1.000000e-30 : f32
      %max3A_794 = vector.broadcast %max3A_793 : f32 to vector<16xf32>
      %max3A_795 = arith.maximumf %add3A_792, %max3A_794 : vector<16xf32>
      %bitcast3A_796 = vector.bitcast %max3A_795 : vector<16xf32> to vector<16xi32>
      %shift_right_arithmetic3A_797 = arith.constant 1 : i32
      %shift_right_arithmetic3A_798 = vector.broadcast %shift_right_arithmetic3A_797 : i32 to vector<16xi32>
      %shift_right_arithmetic3A_799 = arith.shrsi %bitcast3A_796, %shift_right_arithmetic3A_798 : vector<16xi32>
      %sub3A_800 = arith.constant 1597463007 : i32
      %sub3A_801 = vector.broadcast %sub3A_800 : i32 to vector<16xi32>
      %sub3A_802 = arith.subi %sub3A_801, %shift_right_arithmetic3A_799 : vector<16xi32>
      %bitcast3A_803 = vector.bitcast %sub3A_802 : vector<16xi32> to vector<16xf32>
      %mul3A_804 = arith.constant 5.000000e-01 : f32
      %mul3A_805 = vector.broadcast %mul3A_804 : f32 to vector<16xf32>
      %mul3A_806 = arith.mulf %max3A_795, %mul3A_805 : vector<16xf32>
      %mul3A_807 = arith.mulf %mul3A_806, %bitcast3A_803 : vector<16xf32>
      %mul3A_808 = arith.mulf %mul3A_807, %bitcast3A_803 : vector<16xf32>
      %sub3A_809 = arith.constant 1.500000e+00 : f32
      %sub3A_810 = vector.broadcast %sub3A_809 : f32 to vector<16xf32>
      %sub3A_811 = arith.subf %sub3A_810, %mul3A_808 : vector<16xf32>
      %mul3A_812 = arith.mulf %bitcast3A_803, %sub3A_811 : vector<16xf32>
      %mul3A_813 = arith.mulf %mul3A_806, %mul3A_812 : vector<16xf32>
      %mul3A_814 = arith.mulf %mul3A_813, %mul3A_812 : vector<16xf32>
      %sub3A_815 = arith.constant 1.500000e+00 : f32
      %sub3A_816 = vector.broadcast %sub3A_815 : f32 to vector<16xf32>
      %sub3A_817 = arith.subf %sub3A_816, %mul3A_814 : vector<16xf32>
      %mul3A_818 = arith.mulf %mul3A_812, %sub3A_817 : vector<16xf32>
      %mul3A_819 = arith.mulf %mul3A_806, %mul3A_818 : vector<16xf32>
      %mul3A_820 = arith.mulf %mul3A_819, %mul3A_818 : vector<16xf32>
      %sub3A_821 = arith.constant 1.500000e+00 : f32
      %sub3A_822 = vector.broadcast %sub3A_821 : f32 to vector<16xf32>
      %sub3A_823 = arith.subf %sub3A_822, %mul3A_820 : vector<16xf32>
      %mul3A_824 = arith.mulf %mul3A_818, %sub3A_823 : vector<16xf32>
      %lt3A = arith.constant 1.000000e-30 : f32
      %lt3A_825 = vector.broadcast %lt3A : f32 to vector<16xf32>
      %lt3A_826 = arith.cmpf olt, %add3A_792, %lt3A_825 : vector<16xf32>
      %mul3A_827 = arith.mulf %add3A_749, %mul3A_824 : vector<16xf32>
      %jit3A = arith.constant 1.000000e+00 : f32
      %broadcast_in_dim3A_828 = vector.broadcast %jit3A : f32 to vector<16xf32>
      %select_n3A = arith.select %lt3A_826, %broadcast_in_dim3A_828, %mul3A_827 : vector<16xi1>, vector<16xf32>
      %mul3A_829 = arith.mulf %mul3A_789, %mul3A_824 : vector<16xf32>
      %jit3A_830 = arith.constant 0.000000e+00 : f32
      %broadcast_in_dim3A_831 = vector.broadcast %jit3A_830 : f32 to vector<16xf32>
      %select_n3A_832 = arith.select %lt3A_826, %broadcast_in_dim3A_831, %mul3A_829 : vector<16xi1>, vector<16xf32>
      %mul3A_833 = arith.constant 2.000000e+00 : f32
      %mul3A_834 = vector.broadcast %mul3A_833 : f32 to vector<16xf32>
      %mul3A_835 = arith.mulf %mul3A_834, %select_n3A : vector<16xf32>
      %mul3A_836 = arith.mulf %mul3A_835, %select_n3A : vector<16xf32>
      %sub3A_837 = arith.constant 1.000000e+00 : f32
      %sub3A_838 = vector.broadcast %sub3A_837 : f32 to vector<16xf32>
      %sub3A_839 = arith.subf %mul3A_836, %sub3A_838 : vector<16xf32>
      %mul3A_840 = arith.constant 2.000000e+00 : f32
      %mul3A_841 = vector.broadcast %mul3A_840 : f32 to vector<16xf32>
      %mul3A_842 = arith.mulf %mul3A_841, %select_n3A_832 : vector<16xf32>
      %mul3A_843 = arith.mulf %mul3A_842, %select_n3A : vector<16xf32>
      %mul3A_844 = arith.constant 2.000000e+00 : f32
      %mul3A_845 = vector.broadcast %mul3A_844 : f32 to vector<16xf32>
      %mul3A_846 = arith.mulf %mul3A_845, %select_n3A : vector<16xf32>
      %mul3A_847 = arith.mulf %mul3A_846, %sub3A_839 : vector<16xf32>
      %sub3A_848 = arith.subf %mul3A_847, %select_n3A : vector<16xf32>
      %mul3A_849 = arith.constant 2.000000e+00 : f32
      %mul3A_850 = vector.broadcast %mul3A_849 : f32 to vector<16xf32>
      %mul3A_851 = arith.mulf %mul3A_850, %select_n3A : vector<16xf32>
      %mul3A_852 = arith.mulf %mul3A_851, %mul3A_843 : vector<16xf32>
      %sub3A_853 = arith.subf %mul3A_852, %select_n3A_832 : vector<16xf32>
      %gather3A_854 = tpu.vector_load_idx %arg18[%add3A_689, %broadcast_in_dim3A_3] : memref<800x8xf32, #tpu.memory_space<vmem>>[vector<16xi32>, vector<16xi32>], vector<16xf32>,
      %gather3A_855 = tpu.vector_load_idx %arg18[%add3A_689, %broadcast_in_dim3A_5] : memref<800x8xf32, #tpu.memory_space<vmem>>[vector<16xi32>, vector<16xi32>], vector<16xf32>,
      %gather3A_856 = tpu.vector_load_idx %arg18[%add3A_689, %broadcast_in_dim3A_7] : memref<800x8xf32, #tpu.memory_space<vmem>>[vector<16xi32>, vector<16xi32>], vector<16xf32>,
      %gather3A_857 = tpu.vector_load_idx %arg18[%add3A_689, %broadcast_in_dim3A_9] : memref<800x8xf32, #tpu.memory_space<vmem>>[vector<16xi32>, vector<16xi32>], vector<16xf32>,
      %gather3A_858 = tpu.vector_load_idx %arg18[%add3A_689, %broadcast_in_dim3A_11] : memref<800x8xf32, #tpu.memory_space<vmem>>[vector<16xi32>, vector<16xi32>], vector<16xf32>,
      %gather3A_859 = tpu.vector_load_idx %arg18[%add3A_689, %broadcast_in_dim3A_13] : memref<800x8xf32, #tpu.memory_space<vmem>>[vector<16xi32>, vector<16xi32>], vector<16xf32>,
      %gather3A_860 = tpu.vector_load_idx %arg18[%add3A_689, %broadcast_in_dim3A_15] : memref<800x8xf32, #tpu.memory_space<vmem>>[vector<16xi32>, vector<16xi32>], vector<16xf32>,
      %mul3A_861 = arith.mulf %gather3A_854, %select_n3A : vector<16xf32>
      %mul3A_862 = arith.mulf %gather3A_855, %sub3A_839 : vector<16xf32>
      %add3A_863 = arith.addf %mul3A_861, %mul3A_862 : vector<16xf32>
      %mul3A_864 = arith.mulf %gather3A_856, %sub3A_848 : vector<16xf32>
      %add3A_865 = arith.addf %add3A_863, %mul3A_864 : vector<16xf32>
      %mul3A_866 = arith.mulf %gather3A_857, %select_n3A_832 : vector<16xf32>
      %add3A_867 = arith.addf %add3A_865, %mul3A_866 : vector<16xf32>
      %mul3A_868 = arith.mulf %gather3A_858, %mul3A_843 : vector<16xf32>
      %add3A_869 = arith.addf %add3A_867, %mul3A_868 : vector<16xf32>
      %mul3A_870 = arith.mulf %gather3A_859, %sub3A_853 : vector<16xf32>
      %add3A_871 = arith.addf %add3A_869, %mul3A_870 : vector<16xf32>
      %sub3A_872 = arith.subf %gather3A_860, %add3A_871 : vector<16xf32>
      %mul3A_873 = arith.constant 16 : i32
      %mul3A_874 = arith.muli %add3A_685, %mul3A_873 : i32
      %get3A = arith.index_cast %mul3A_874 : i32 to index
      %get3A_875 = tpu.vector_load %arg11[%get3A] {strides = array<i32>} : memref<800xi32, #tpu.memory_space<vmem>>, vector<16xi32>,
      tpu.vector_store_idx %arg19[%iota3A, %get3A_875], %sub3A_872 {add = true} : memref<16x64xf32, #tpu.memory_space<vmem>>[vector<16xi32>, vector<16xi32>], vector<16xf32>,
    }
    %scan3A_563 = arith.constant 50 : i32
    %add3A_564 = arith.constant 99200 : i32
    %add3A_565 = arith.addi %mul3A_2, %add3A_564 : i32
    %dma_start3A_566 = arith.constant 0 : i32
    %dma_start3A_567 = tpu.memref_slice %arg10[%dma_start3A_566] : memref<3200xi32, #tpu.memory_space<vmem>> -> memref<800xi32, #tpu.memory_space<vmem>>
    %dma_start3A_568 = tpu.memref_slice %arg2[%add3A_565] : memref<3200000xi32, #tpu.memory_space<hbm>> -> memref<800xi32, #tpu.memory_space<hbm>>
    %dma_start3A_569 = arith.constant 0 : i32
    %dma_start3A_570 = tpu.memref_slice %arg10[%dma_start3A_569] : memref<3200xi32, #tpu.memory_space<vmem>> -> memref<800xi32, #tpu.memory_space<vmem>>
    %dma_start3A_571 = tpu.memref_slice %arg2[%add3A_565] : memref<3200000xi32, #tpu.memory_space<hbm>> -> memref<800xi32, #tpu.memory_space<hbm>>
    tpu.enqueue_dma source(%dma_start3A_571 : memref<800xi32, #tpu.memory_space<hbm>>) target(%dma_start3A_570 : memref<800xi32, #tpu.memory_space<vmem>>) target_semaphore(%arg21 : memref<!tpu.dma_semaphore, #tpu.memory_space<semaphore_mem>>)
    %dma_start3A_572 = arith.constant 800 : i32
    %dma_start3A_573 = tpu.memref_slice %arg10[%dma_start3A_572] : memref<3200xi32, #tpu.memory_space<vmem>> -> memref<800xi32, #tpu.memory_space<vmem>>
    %dma_start3A_574 = tpu.memref_slice %arg3[%add3A_565] : memref<3200000xi32, #tpu.memory_space<hbm>> -> memref<800xi32, #tpu.memory_space<hbm>>
    %dma_start3A_575 = arith.constant 800 : i32
    %dma_start3A_576 = tpu.memref_slice %arg10[%dma_start3A_575] : memref<3200xi32, #tpu.memory_space<vmem>> -> memref<800xi32, #tpu.memory_space<vmem>>
    %dma_start3A_577 = tpu.memref_slice %arg3[%add3A_565] : memref<3200000xi32, #tpu.memory_space<hbm>> -> memref<800xi32, #tpu.memory_space<hbm>>
    tpu.enqueue_dma source(%dma_start3A_577 : memref<800xi32, #tpu.memory_space<hbm>>) target(%dma_start3A_576 : memref<800xi32, #tpu.memory_space<vmem>>) target_semaphore(%arg21 : memref<!tpu.dma_semaphore, #tpu.memory_space<semaphore_mem>>)
    %dma_start3A_578 = arith.constant 1600 : i32
    %dma_start3A_579 = tpu.memref_slice %arg10[%dma_start3A_578] : memref<3200xi32, #tpu.memory_space<vmem>> -> memref<800xi32, #tpu.memory_space<vmem>>
    %dma_start3A_580 = tpu.memref_slice %arg4[%add3A_565] : memref<3200000xi32, #tpu.memory_space<hbm>> -> memref<800xi32, #tpu.memory_space<hbm>>
    %dma_start3A_581 = arith.constant 1600 : i32
    %dma_start3A_582 = tpu.memref_slice %arg10[%dma_start3A_581] : memref<3200xi32, #tpu.memory_space<vmem>> -> memref<800xi32, #tpu.memory_space<vmem>>
    %dma_start3A_583 = tpu.memref_slice %arg4[%add3A_565] : memref<3200000xi32, #tpu.memory_space<hbm>> -> memref<800xi32, #tpu.memory_space<hbm>>
    tpu.enqueue_dma source(%dma_start3A_583 : memref<800xi32, #tpu.memory_space<hbm>>) target(%dma_start3A_582 : memref<800xi32, #tpu.memory_space<vmem>>) target_semaphore(%arg21 : memref<!tpu.dma_semaphore, #tpu.memory_space<semaphore_mem>>)
    %dma_start3A_584 = arith.constant 2400 : i32
    %dma_start3A_585 = tpu.memref_slice %arg10[%dma_start3A_584] : memref<3200xi32, #tpu.memory_space<vmem>> -> memref<800xi32, #tpu.memory_space<vmem>>
    %dma_start3A_586 = tpu.memref_slice %arg5[%add3A_565] : memref<3200000xi32, #tpu.memory_space<hbm>> -> memref<800xi32, #tpu.memory_space<hbm>>
    %dma_start3A_587 = arith.constant 2400 : i32
    %dma_start3A_588 = tpu.memref_slice %arg10[%dma_start3A_587] : memref<3200xi32, #tpu.memory_space<vmem>> -> memref<800xi32, #tpu.memory_space<vmem>>
    %dma_start3A_589 = tpu.memref_slice %arg5[%add3A_565] : memref<3200000xi32, #tpu.memory_space<hbm>> -> memref<800xi32, #tpu.memory_space<hbm>>
    tpu.enqueue_dma source(%dma_start3A_589 : memref<800xi32, #tpu.memory_space<hbm>>) target(%dma_start3A_588 : memref<800xi32, #tpu.memory_space<vmem>>) target_semaphore(%arg21 : memref<!tpu.dma_semaphore, #tpu.memory_space<semaphore_mem>>)
    %dma_start3A_590 = tpu.memref_slice %arg6[%add3A_565] : memref<3200000xi32, #tpu.memory_space<hbm>> -> memref<800xi32, #tpu.memory_space<hbm>>
    %dma_start3A_591 = tpu.memref_slice %arg6[%add3A_565] : memref<3200000xi32, #tpu.memory_space<hbm>> -> memref<800xi32, #tpu.memory_space<hbm>>
    tpu.enqueue_dma source(%dma_start3A_591 : memref<800xi32, #tpu.memory_space<hbm>>) target(%arg11 : memref<800xi32, #tpu.memory_space<vmem>>) target_semaphore(%arg21 : memref<!tpu.dma_semaphore, #tpu.memory_space<semaphore_mem>>)
    %dma_wait3A_592 = arith.constant 0 : i32
    %dma_wait3A_593 = arith.constant 0 : i32
    %dma_wait3A_594 = tpu.memref_slice %arg20[%dma_wait3A_592, %dma_wait3A_593] : memref<100000x8xf32, #tpu.memory_space<vmem_shared>> -> memref<3200x8xf32, #tpu.memory_space<vmem_shared>>
    %dma_wait3A_595 = arith.constant 0 : i32
    %dma_wait3A_596 = arith.constant 0 : i32
    %dma_wait3A_597 = tpu.memref_slice %arg20[%dma_wait3A_595, %dma_wait3A_596] : memref<100000x8xf32, #tpu.memory_space<vmem_shared>> -> memref<3200x8xf32, #tpu.memory_space<vmem_shared>>
    tpu.wait_dma2 semaphore(%arg22 : memref<!tpu.dma_semaphore, #tpu.memory_space<semaphore_mem>>) src(%dma_wait3A_597 : memref<3200x8xf32, #tpu.memory_space<vmem_shared>>) dst(%arg17 : memref<3200x8xf32, #tpu.memory_space<vmem>>)
    %scan3A_598 = arith.constant 0 : i32
    %scan3A_599 = arith.constant 50 : i32
    %scan3A_600 = arith.addi %scan3A_598, %scan3A_599 : i32
    %scan3A_601 = arith.constant 1 : i32
    scf.for %scan3A_681 = %scan3A_598 to %scan3A_600 step %scan3A_601  : i32 {
      %mul3A_682 = arith.constant 1 : i32
      %mul3A_683 = arith.muli %scan3A_681, %mul3A_682 : i32
      %add3A_684 = arith.constant 0 : i32
      %add3A_685 = arith.addi %add3A_684, %mul3A_683 : i32
      %mul3A_686 = arith.constant 16 : i32
      %mul3A_687 = arith.muli %add3A_685, %mul3A_686 : i32
      %add3A_688 = vector.broadcast %mul3A_687 : i32 to vector<16xi32>
      %add3A_689 = arith.addi %iota3A, %add3A_688 : vector<16xi32>
      %gather3A = tpu.vector_load_idx %arg17[%add3A_689, %broadcast_in_dim3A_9] : memref<3200x8xf32, #tpu.memory_space<vmem>>[vector<16xi32>, vector<16xi32>], vector<16xf32>,
      %add3A_690 = arith.constant 800 : i32
      %add3A_691 = vector.broadcast %add3A_690 : i32 to vector<16xi32>
      %add3A_692 = arith.addi %add3A_689, %add3A_691 : vector<16xi32>
      %gather3A_693 = tpu.vector_load_idx %arg17[%add3A_692, %broadcast_in_dim3A_9] : memref<3200x8xf32, #tpu.memory_space<vmem>>[vector<16xi32>, vector<16xi32>], vector<16xf32>,
      %add3A_694 = arith.constant 1600 : i32
      %add3A_695 = vector.broadcast %add3A_694 : i32 to vector<16xi32>
      %add3A_696 = arith.addi %add3A_689, %add3A_695 : vector<16xi32>
      %gather3A_697 = tpu.vector_load_idx %arg17[%add3A_696, %broadcast_in_dim3A_9] : memref<3200x8xf32, #tpu.memory_space<vmem>>[vector<16xi32>, vector<16xi32>], vector<16xf32>,
      %add3A_698 = arith.constant 2400 : i32
      %add3A_699 = vector.broadcast %add3A_698 : i32 to vector<16xi32>
      %add3A_700 = arith.addi %add3A_689, %add3A_699 : vector<16xi32>
      %gather3A_701 = tpu.vector_load_idx %arg17[%add3A_700, %broadcast_in_dim3A_9] : memref<3200x8xf32, #tpu.memory_space<vmem>>[vector<16xi32>, vector<16xi32>], vector<16xf32>,
      %mul3A_702 = arith.constant 2.600000e+01 : f32
      %mul3A_703 = vector.broadcast %mul3A_702 : f32 to vector<16xf32>
      %mul3A_704 = arith.mulf %gather3A, %mul3A_703 : vector<16xf32>
      %add3A_705 = arith.addf %mul3A_704, %gather3A_693 : vector<16xf32>
      %mul3A_706 = arith.constant 2.600000e+01 : f32
      %mul3A_707 = vector.broadcast %mul3A_706 : f32 to vector<16xf32>
      %mul3A_708 = arith.mulf %add3A_705, %mul3A_707 : vector<16xf32>
      %add3A_709 = arith.addf %mul3A_708, %gather3A_697 : vector<16xf32>
      %mul3A_710 = arith.constant 2.600000e+01 : f32
      %mul3A_711 = vector.broadcast %mul3A_710 : f32 to vector<16xf32>
      %mul3A_712 = arith.mulf %add3A_709, %mul3A_711 : vector<16xf32>
      %add3A_713 = arith.addf %mul3A_712, %gather3A_701 : vector<16xf32>
      %max3A = arith.constant 0.000000e+00 : f32
      %max3A_714 = vector.broadcast %max3A : f32 to vector<16xf32>
      %max3A_715 = arith.maximumf %add3A_713, %max3A_714 : vector<16xf32>
      %min3A = arith.constant 4.569750e+05 : f32
      %min3A_716 = vector.broadcast %min3A : f32 to vector<16xf32>
      %min3A_717 = arith.minimumf %max3A_715, %min3A_716 : vector<16xf32>
      %convert_element_type3A_718 = arith.fptosi %min3A_717 : vector<16xf32> to vector<16xi32>
      %mul3A_719 = arith.constant 16 : i32
      %mul3A_720 = arith.muli %add3A_685, %mul3A_719 : i32
      %swap3A_721 = arith.index_cast %mul3A_720 : i32 to index
      %swap3A_722 = tpu.vector_load %arg16[%swap3A_721] {strides = array<i32>} : memref<800xi32, #tpu.memory_space<vmem>>, vector<16xi32>,
      tpu.vector_store %arg16[%swap3A_721], %convert_element_type3A_718 {strides = array<i32>} : memref<800xi32, #tpu.memory_space<vmem>>, vector<16xi32>,
    }
    %scan3A_602 = arith.constant 50 : i32
    %dma_start3A_603 = arith.constant 0 : i32
    %dma_start3A_604 = arith.constant 0 : i32
    %dma_start3A_605 = tpu.memref_slice %arg8[%dma_start3A_603, %dma_start3A_604] : memref<456976x8xf32, #tpu.memory_space<hbm>> -> memref<456976x8xf32, #tpu.memory_space<hbm>>
    tpu.enqueue_indirect_dma source(%dma_start3A_605 : memref<456976x8xf32, #tpu.memory_space<hbm>>) target(%arg18 : memref<800x8xf32, #tpu.memory_space<vmem>>) offsets(%arg16 : memref<800xi32, #tpu.memory_space<vmem>>) semaphore(%arg23 : memref<!tpu.dma_semaphore, #tpu.memory_space<semaphore_mem>>)
    %dma_wait3A_606 = arith.constant 0 : i32
    %dma_wait3A_607 = tpu.memref_slice %arg10[%dma_wait3A_606] : memref<3200xi32, #tpu.memory_space<vmem>> -> memref<800xi32, #tpu.memory_space<vmem>>
    %dma_wait3A_608 = arith.constant 0 : i32
    %dma_wait3A_609 = tpu.memref_slice %arg2[%dma_wait3A_608] : memref<3200000xi32, #tpu.memory_space<hbm>> -> memref<800xi32, #tpu.memory_space<hbm>>
    %dma_wait3A_610 = arith.constant 0 : i32
    %dma_wait3A_611 = tpu.memref_slice %arg10[%dma_wait3A_610] : memref<3200xi32, #tpu.memory_space<vmem>> -> memref<800xi32, #tpu.memory_space<vmem>>
    %dma_wait3A_612 = arith.constant 0 : i32
    %dma_wait3A_613 = tpu.memref_slice %arg2[%dma_wait3A_612] : memref<3200000xi32, #tpu.memory_space<hbm>> -> memref<800xi32, #tpu.memory_space<hbm>>
    tpu.wait_dma2 semaphore(%arg21 : memref<!tpu.dma_semaphore, #tpu.memory_space<semaphore_mem>>) src(%dma_wait3A_613 : memref<800xi32, #tpu.memory_space<hbm>>) dst(%dma_wait3A_611 : memref<800xi32, #tpu.memory_space<vmem>>)
    %dma_wait3A_614 = arith.constant 800 : i32
    %dma_wait3A_615 = tpu.memref_slice %arg10[%dma_wait3A_614] : memref<3200xi32, #tpu.memory_space<vmem>> -> memref<800xi32, #tpu.memory_space<vmem>>
    %dma_wait3A_616 = arith.constant 0 : i32
    %dma_wait3A_617 = tpu.memref_slice %arg3[%dma_wait3A_616] : memref<3200000xi32, #tpu.memory_space<hbm>> -> memref<800xi32, #tpu.memory_space<hbm>>
    %dma_wait3A_618 = arith.constant 800 : i32
    %dma_wait3A_619 = tpu.memref_slice %arg10[%dma_wait3A_618] : memref<3200xi32, #tpu.memory_space<vmem>> -> memref<800xi32, #tpu.memory_space<vmem>>
    %dma_wait3A_620 = arith.constant 0 : i32
    %dma_wait3A_621 = tpu.memref_slice %arg3[%dma_wait3A_620] : memref<3200000xi32, #tpu.memory_space<hbm>> -> memref<800xi32, #tpu.memory_space<hbm>>
    tpu.wait_dma2 semaphore(%arg21 : memref<!tpu.dma_semaphore, #tpu.memory_space<semaphore_mem>>) src(%dma_wait3A_621 : memref<800xi32, #tpu.memory_space<hbm>>) dst(%dma_wait3A_619 : memref<800xi32, #tpu.memory_space<vmem>>)
    %dma_wait3A_622 = arith.constant 1600 : i32
    %dma_wait3A_623 = tpu.memref_slice %arg10[%dma_wait3A_622] : memref<3200xi32, #tpu.memory_space<vmem>> -> memref<800xi32, #tpu.memory_space<vmem>>
    %dma_wait3A_624 = arith.constant 0 : i32
    %dma_wait3A_625 = tpu.memref_slice %arg4[%dma_wait3A_624] : memref<3200000xi32, #tpu.memory_space<hbm>> -> memref<800xi32, #tpu.memory_space<hbm>>
    %dma_wait3A_626 = arith.constant 1600 : i32
    %dma_wait3A_627 = tpu.memref_slice %arg10[%dma_wait3A_626] : memref<3200xi32, #tpu.memory_space<vmem>> -> memref<800xi32, #tpu.memory_space<vmem>>
    %dma_wait3A_628 = arith.constant 0 : i32
    %dma_wait3A_629 = tpu.memref_slice %arg4[%dma_wait3A_628] : memref<3200000xi32, #tpu.memory_space<hbm>> -> memref<800xi32, #tpu.memory_space<hbm>>
    tpu.wait_dma2 semaphore(%arg21 : memref<!tpu.dma_semaphore, #tpu.memory_space<semaphore_mem>>) src(%dma_wait3A_629 : memref<800xi32, #tpu.memory_space<hbm>>) dst(%dma_wait3A_627 : memref<800xi32, #tpu.memory_space<vmem>>)
    %dma_wait3A_630 = arith.constant 2400 : i32
    %dma_wait3A_631 = tpu.memref_slice %arg10[%dma_wait3A_630] : memref<3200xi32, #tpu.memory_space<vmem>> -> memref<800xi32, #tpu.memory_space<vmem>>
    %dma_wait3A_632 = arith.constant 0 : i32
    %dma_wait3A_633 = tpu.memref_slice %arg5[%dma_wait3A_632] : memref<3200000xi32, #tpu.memory_space<hbm>> -> memref<800xi32, #tpu.memory_space<hbm>>
    %dma_wait3A_634 = arith.constant 2400 : i32
    %dma_wait3A_635 = tpu.memref_slice %arg10[%dma_wait3A_634] : memref<3200xi32, #tpu.memory_space<vmem>> -> memref<800xi32, #tpu.memory_space<vmem>>
    %dma_wait3A_636 = arith.constant 0 : i32
    %dma_wait3A_637 = tpu.memref_slice %arg5[%dma_wait3A_636] : memref<3200000xi32, #tpu.memory_space<hbm>> -> memref<800xi32, #tpu.memory_space<hbm>>
    tpu.wait_dma2 semaphore(%arg21 : memref<!tpu.dma_semaphore, #tpu.memory_space<semaphore_mem>>) src(%dma_wait3A_637 : memref<800xi32, #tpu.memory_space<hbm>>) dst(%dma_wait3A_635 : memref<800xi32, #tpu.memory_space<vmem>>)
    %dma_wait3A_638 = arith.constant 0 : i32
    %dma_wait3A_639 = tpu.memref_slice %arg6[%dma_wait3A_638] : memref<3200000xi32, #tpu.memory_space<hbm>> -> memref<800xi32, #tpu.memory_space<hbm>>
    %dma_wait3A_640 = arith.constant 0 : i32
    %dma_wait3A_641 = tpu.memref_slice %arg6[%dma_wait3A_640] : memref<3200000xi32, #tpu.memory_space<hbm>> -> memref<800xi32, #tpu.memory_space<hbm>>
    tpu.wait_dma2 semaphore(%arg21 : memref<!tpu.dma_semaphore, #tpu.memory_space<semaphore_mem>>) src(%dma_wait3A_641 : memref<800xi32, #tpu.memory_space<hbm>>) dst(%arg11 : memref<800xi32, #tpu.memory_space<vmem>>)
    %dma_start3A_642 = arith.constant 0 : i32
    %dma_start3A_643 = arith.constant 0 : i32
    %dma_start3A_644 = tpu.memref_slice %arg20[%dma_start3A_642, %dma_start3A_643] : memref<100000x8xf32, #tpu.memory_space<vmem_shared>> -> memref<100000x8xf32, #tpu.memory_space<vmem_shared>>
    tpu.enqueue_indirect_dma source(%dma_start3A_644 : memref<100000x8xf32, #tpu.memory_space<vmem_shared>>) target(%arg13 : memref<3200x8xf32, #tpu.memory_space<vmem>>) offsets(%arg10 : memref<3200xi32, #tpu.memory_space<vmem>>) semaphore(%arg22 : memref<!tpu.dma_semaphore, #tpu.memory_space<semaphore_mem>>)
    %dma_wait3A_645 = arith.constant 0 : i32
    %dma_wait3A_646 = arith.constant 0 : i32
    %dma_wait3A_647 = tpu.memref_slice %arg8[%dma_wait3A_645, %dma_wait3A_646] : memref<456976x8xf32, #tpu.memory_space<hbm>> -> memref<800x8xf32, #tpu.memory_space<hbm>>
    %dma_wait3A_648 = arith.constant 0 : i32
    %dma_wait3A_649 = arith.constant 0 : i32
    %dma_wait3A_650 = tpu.memref_slice %arg8[%dma_wait3A_648, %dma_wait3A_649] : memref<456976x8xf32, #tpu.memory_space<hbm>> -> memref<800x8xf32, #tpu.memory_space<hbm>>
    tpu.wait_dma2 semaphore(%arg23 : memref<!tpu.dma_semaphore, #tpu.memory_space<semaphore_mem>>) src(%dma_wait3A_650 : memref<800x8xf32, #tpu.memory_space<hbm>>) dst(%arg18 : memref<800x8xf32, #tpu.memory_space<vmem>>)
    %scan3A_651 = arith.constant 0 : i32
    %scan3A_652 = arith.constant 50 : i32
    %scan3A_653 = arith.addi %scan3A_651, %scan3A_652 : i32
    %scan3A_654 = arith.constant 1 : i32
    scf.for %scan3A_681 = %scan3A_651 to %scan3A_653 step %scan3A_654  : i32 {
      %mul3A_682 = arith.constant 1 : i32
      %mul3A_683 = arith.muli %scan3A_681, %mul3A_682 : i32
      %add3A_684 = arith.constant 0 : i32
      %add3A_685 = arith.addi %add3A_684, %mul3A_683 : i32
      %mul3A_686 = arith.constant 16 : i32
      %mul3A_687 = arith.muli %add3A_685, %mul3A_686 : i32
      %add3A_688 = vector.broadcast %mul3A_687 : i32 to vector<16xi32>
      %add3A_689 = arith.addi %iota3A, %add3A_688 : vector<16xi32>
      %add3A_690 = arith.constant 800 : i32
      %add3A_691 = vector.broadcast %add3A_690 : i32 to vector<16xi32>
      %add3A_692 = arith.addi %add3A_689, %add3A_691 : vector<16xi32>
      %add3A_693 = arith.constant 1600 : i32
      %add3A_694 = vector.broadcast %add3A_693 : i32 to vector<16xi32>
      %add3A_695 = arith.addi %add3A_689, %add3A_694 : vector<16xi32>
      %add3A_696 = arith.constant 2400 : i32
      %add3A_697 = vector.broadcast %add3A_696 : i32 to vector<16xi32>
      %add3A_698 = arith.addi %add3A_689, %add3A_697 : vector<16xi32>
      %gather3A = tpu.vector_load_idx %arg17[%add3A_689, %broadcast_in_dim3A_3] : memref<3200x8xf32, #tpu.memory_space<vmem>>[vector<16xi32>, vector<16xi32>], vector<16xf32>,
      %gather3A_699 = tpu.vector_load_idx %arg17[%add3A_689, %broadcast_in_dim3A_5] : memref<3200x8xf32, #tpu.memory_space<vmem>>[vector<16xi32>, vector<16xi32>], vector<16xf32>,
      %gather3A_700 = tpu.vector_load_idx %arg17[%add3A_689, %broadcast_in_dim3A_7] : memref<3200x8xf32, #tpu.memory_space<vmem>>[vector<16xi32>, vector<16xi32>], vector<16xf32>,
      %gather3A_701 = tpu.vector_load_idx %arg17[%add3A_692, %broadcast_in_dim3A_3] : memref<3200x8xf32, #tpu.memory_space<vmem>>[vector<16xi32>, vector<16xi32>], vector<16xf32>,
      %gather3A_702 = tpu.vector_load_idx %arg17[%add3A_692, %broadcast_in_dim3A_5] : memref<3200x8xf32, #tpu.memory_space<vmem>>[vector<16xi32>, vector<16xi32>], vector<16xf32>,
      %gather3A_703 = tpu.vector_load_idx %arg17[%add3A_692, %broadcast_in_dim3A_7] : memref<3200x8xf32, #tpu.memory_space<vmem>>[vector<16xi32>, vector<16xi32>], vector<16xf32>,
      %gather3A_704 = tpu.vector_load_idx %arg17[%add3A_695, %broadcast_in_dim3A_3] : memref<3200x8xf32, #tpu.memory_space<vmem>>[vector<16xi32>, vector<16xi32>], vector<16xf32>,
      %gather3A_705 = tpu.vector_load_idx %arg17[%add3A_695, %broadcast_in_dim3A_5] : memref<3200x8xf32, #tpu.memory_space<vmem>>[vector<16xi32>, vector<16xi32>], vector<16xf32>,
      %gather3A_706 = tpu.vector_load_idx %arg17[%add3A_695, %broadcast_in_dim3A_7] : memref<3200x8xf32, #tpu.memory_space<vmem>>[vector<16xi32>, vector<16xi32>], vector<16xf32>,
      %gather3A_707 = tpu.vector_load_idx %arg17[%add3A_698, %broadcast_in_dim3A_3] : memref<3200x8xf32, #tpu.memory_space<vmem>>[vector<16xi32>, vector<16xi32>], vector<16xf32>,
      %gather3A_708 = tpu.vector_load_idx %arg17[%add3A_698, %broadcast_in_dim3A_5] : memref<3200x8xf32, #tpu.memory_space<vmem>>[vector<16xi32>, vector<16xi32>], vector<16xf32>,
      %gather3A_709 = tpu.vector_load_idx %arg17[%add3A_698, %broadcast_in_dim3A_7] : memref<3200x8xf32, #tpu.memory_space<vmem>>[vector<16xi32>, vector<16xi32>], vector<16xf32>,
      %sub3A = arith.subf %gather3A_701, %gather3A : vector<16xf32>
      %sub3A_710 = arith.subf %gather3A_702, %gather3A_699 : vector<16xf32>
      %sub3A_711 = arith.subf %gather3A_703, %gather3A_700 : vector<16xf32>
      %sub3A_712 = arith.subf %gather3A_704, %gather3A_701 : vector<16xf32>
      %sub3A_713 = arith.subf %gather3A_705, %gather3A_702 : vector<16xf32>
      %sub3A_714 = arith.subf %gather3A_706, %gather3A_703 : vector<16xf32>
      %sub3A_715 = arith.subf %gather3A_707, %gather3A_704 : vector<16xf32>
      %sub3A_716 = arith.subf %gather3A_708, %gather3A_705 : vector<16xf32>
      %sub3A_717 = arith.subf %gather3A_709, %gather3A_706 : vector<16xf32>
      %mul3A_718 = arith.mulf %sub3A_710, %sub3A_714 : vector<16xf32>
      %mul3A_719 = arith.mulf %sub3A_711, %sub3A_713 : vector<16xf32>
      %sub3A_720 = arith.subf %mul3A_718, %mul3A_719 : vector<16xf32>
      %mul3A_721 = arith.mulf %sub3A_711, %sub3A_712 : vector<16xf32>
      %mul3A_722 = arith.mulf %sub3A, %sub3A_714 : vector<16xf32>
      %sub3A_723 = arith.subf %mul3A_721, %mul3A_722 : vector<16xf32>
      %mul3A_724 = arith.mulf %sub3A, %sub3A_713 : vector<16xf32>
      %mul3A_725 = arith.mulf %sub3A_710, %sub3A_712 : vector<16xf32>
      %sub3A_726 = arith.subf %mul3A_724, %mul3A_725 : vector<16xf32>
      %mul3A_727 = arith.mulf %sub3A_713, %sub3A_717 : vector<16xf32>
      %mul3A_728 = arith.mulf %sub3A_714, %sub3A_716 : vector<16xf32>
      %sub3A_729 = arith.subf %mul3A_727, %mul3A_728 : vector<16xf32>
      %mul3A_730 = arith.mulf %sub3A_714, %sub3A_715 : vector<16xf32>
      %mul3A_731 = arith.mulf %sub3A_712, %sub3A_717 : vector<16xf32>
      %sub3A_732 = arith.subf %mul3A_730, %mul3A_731 : vector<16xf32>
      %mul3A_733 = arith.mulf %sub3A_712, %sub3A_716 : vector<16xf32>
      %mul3A_734 = arith.mulf %sub3A_713, %sub3A_715 : vector<16xf32>
      %sub3A_735 = arith.subf %mul3A_733, %mul3A_734 : vector<16xf32>
      %mul3A_736 = arith.mulf %sub3A_723, %sub3A_714 : vector<16xf32>
      %mul3A_737 = arith.mulf %sub3A_726, %sub3A_713 : vector<16xf32>
      %sub3A_738 = arith.subf %mul3A_736, %mul3A_737 : vector<16xf32>
      %mul3A_739 = arith.mulf %sub3A_726, %sub3A_712 : vector<16xf32>
      %mul3A_740 = arith.mulf %sub3A_720, %sub3A_714 : vector<16xf32>
      %sub3A_741 = arith.subf %mul3A_739, %mul3A_740 : vector<16xf32>
      %mul3A_742 = arith.mulf %sub3A_720, %sub3A_713 : vector<16xf32>
      %mul3A_743 = arith.mulf %sub3A_723, %sub3A_712 : vector<16xf32>
      %sub3A_744 = arith.subf %mul3A_742, %mul3A_743 : vector<16xf32>
      %mul3A_745 = arith.mulf %sub3A_720, %sub3A_729 : vector<16xf32>
      %mul3A_746 = arith.mulf %sub3A_723, %sub3A_732 : vector<16xf32>
      %add3A_747 = arith.addf %mul3A_745, %mul3A_746 : vector<16xf32>
      %mul3A_748 = arith.mulf %sub3A_726, %sub3A_735 : vector<16xf32>
      %add3A_749 = arith.addf %add3A_747, %mul3A_748 : vector<16xf32>
      %mul3A_750 = arith.mulf %sub3A_738, %sub3A_729 : vector<16xf32>
      %mul3A_751 = arith.mulf %sub3A_741, %sub3A_732 : vector<16xf32>
      %add3A_752 = arith.addf %mul3A_750, %mul3A_751 : vector<16xf32>
      %mul3A_753 = arith.mulf %sub3A_744, %sub3A_735 : vector<16xf32>
      %add3A_754 = arith.addf %add3A_752, %mul3A_753 : vector<16xf32>
      %mul3A_755 = arith.mulf %sub3A_712, %sub3A_712 : vector<16xf32>
      %mul3A_756 = arith.mulf %sub3A_713, %sub3A_713 : vector<16xf32>
      %add3A_757 = arith.addf %mul3A_755, %mul3A_756 : vector<16xf32>
      %mul3A_758 = arith.mulf %sub3A_714, %sub3A_714 : vector<16xf32>
      %add3A_759 = arith.addf %add3A_757, %mul3A_758 : vector<16xf32>
      %max3A = arith.constant 1.000000e-30 : f32
      %max3A_760 = vector.broadcast %max3A : f32 to vector<16xf32>
      %max3A_761 = arith.maximumf %add3A_759, %max3A_760 : vector<16xf32>
      %bitcast3A = vector.bitcast %max3A_761 : vector<16xf32> to vector<16xi32>
      %shift_right_arithmetic3A = arith.constant 1 : i32
      %shift_right_arithmetic3A_762 = vector.broadcast %shift_right_arithmetic3A : i32 to vector<16xi32>
      %shift_right_arithmetic3A_763 = arith.shrsi %bitcast3A, %shift_right_arithmetic3A_762 : vector<16xi32>
      %sub3A_764 = arith.constant 1597463007 : i32
      %sub3A_765 = vector.broadcast %sub3A_764 : i32 to vector<16xi32>
      %sub3A_766 = arith.subi %sub3A_765, %shift_right_arithmetic3A_763 : vector<16xi32>
      %bitcast3A_767 = vector.bitcast %sub3A_766 : vector<16xi32> to vector<16xf32>
      %mul3A_768 = arith.constant 5.000000e-01 : f32
      %mul3A_769 = vector.broadcast %mul3A_768 : f32 to vector<16xf32>
      %mul3A_770 = arith.mulf %max3A_761, %mul3A_769 : vector<16xf32>
      %mul3A_771 = arith.mulf %mul3A_770, %bitcast3A_767 : vector<16xf32>
      %mul3A_772 = arith.mulf %mul3A_771, %bitcast3A_767 : vector<16xf32>
      %sub3A_773 = arith.constant 1.500000e+00 : f32
      %sub3A_774 = vector.broadcast %sub3A_773 : f32 to vector<16xf32>
      %sub3A_775 = arith.subf %sub3A_774, %mul3A_772 : vector<16xf32>
      %mul3A_776 = arith.mulf %bitcast3A_767, %sub3A_775 : vector<16xf32>
      %mul3A_777 = arith.mulf %mul3A_770, %mul3A_776 : vector<16xf32>
      %mul3A_778 = arith.mulf %mul3A_777, %mul3A_776 : vector<16xf32>
      %sub3A_779 = arith.constant 1.500000e+00 : f32
      %sub3A_780 = vector.broadcast %sub3A_779 : f32 to vector<16xf32>
      %sub3A_781 = arith.subf %sub3A_780, %mul3A_778 : vector<16xf32>
      %mul3A_782 = arith.mulf %mul3A_776, %sub3A_781 : vector<16xf32>
      %mul3A_783 = arith.mulf %mul3A_770, %mul3A_782 : vector<16xf32>
      %mul3A_784 = arith.mulf %mul3A_783, %mul3A_782 : vector<16xf32>
      %sub3A_785 = arith.constant 1.500000e+00 : f32
      %sub3A_786 = vector.broadcast %sub3A_785 : f32 to vector<16xf32>
      %sub3A_787 = arith.subf %sub3A_786, %mul3A_784 : vector<16xf32>
      %mul3A_788 = arith.mulf %mul3A_782, %sub3A_787 : vector<16xf32>
      %mul3A_789 = arith.mulf %add3A_754, %mul3A_788 : vector<16xf32>
      %mul3A_790 = arith.mulf %add3A_749, %add3A_749 : vector<16xf32>
      %mul3A_791 = arith.mulf %mul3A_789, %mul3A_789 : vector<16xf32>
      %add3A_792 = arith.addf %mul3A_790, %mul3A_791 : vector<16xf32>
      %max3A_793 = arith.constant 1.000000e-30 : f32
      %max3A_794 = vector.broadcast %max3A_793 : f32 to vector<16xf32>
      %max3A_795 = arith.maximumf %add3A_792, %max3A_794 : vector<16xf32>
      %bitcast3A_796 = vector.bitcast %max3A_795 : vector<16xf32> to vector<16xi32>
      %shift_right_arithmetic3A_797 = arith.constant 1 : i32
      %shift_right_arithmetic3A_798 = vector.broadcast %shift_right_arithmetic3A_797 : i32 to vector<16xi32>
      %shift_right_arithmetic3A_799 = arith.shrsi %bitcast3A_796, %shift_right_arithmetic3A_798 : vector<16xi32>
      %sub3A_800 = arith.constant 1597463007 : i32
      %sub3A_801 = vector.broadcast %sub3A_800 : i32 to vector<16xi32>
      %sub3A_802 = arith.subi %sub3A_801, %shift_right_arithmetic3A_799 : vector<16xi32>
      %bitcast3A_803 = vector.bitcast %sub3A_802 : vector<16xi32> to vector<16xf32>
      %mul3A_804 = arith.constant 5.000000e-01 : f32
      %mul3A_805 = vector.broadcast %mul3A_804 : f32 to vector<16xf32>
      %mul3A_806 = arith.mulf %max3A_795, %mul3A_805 : vector<16xf32>
      %mul3A_807 = arith.mulf %mul3A_806, %bitcast3A_803 : vector<16xf32>
      %mul3A_808 = arith.mulf %mul3A_807, %bitcast3A_803 : vector<16xf32>
      %sub3A_809 = arith.constant 1.500000e+00 : f32
      %sub3A_810 = vector.broadcast %sub3A_809 : f32 to vector<16xf32>
      %sub3A_811 = arith.subf %sub3A_810, %mul3A_808 : vector<16xf32>
      %mul3A_812 = arith.mulf %bitcast3A_803, %sub3A_811 : vector<16xf32>
      %mul3A_813 = arith.mulf %mul3A_806, %mul3A_812 : vector<16xf32>
      %mul3A_814 = arith.mulf %mul3A_813, %mul3A_812 : vector<16xf32>
      %sub3A_815 = arith.constant 1.500000e+00 : f32
      %sub3A_816 = vector.broadcast %sub3A_815 : f32 to vector<16xf32>
      %sub3A_817 = arith.subf %sub3A_816, %mul3A_814 : vector<16xf32>
      %mul3A_818 = arith.mulf %mul3A_812, %sub3A_817 : vector<16xf32>
      %mul3A_819 = arith.mulf %mul3A_806, %mul3A_818 : vector<16xf32>
      %mul3A_820 = arith.mulf %mul3A_819, %mul3A_818 : vector<16xf32>
      %sub3A_821 = arith.constant 1.500000e+00 : f32
      %sub3A_822 = vector.broadcast %sub3A_821 : f32 to vector<16xf32>
      %sub3A_823 = arith.subf %sub3A_822, %mul3A_820 : vector<16xf32>
      %mul3A_824 = arith.mulf %mul3A_818, %sub3A_823 : vector<16xf32>
      %lt3A = arith.constant 1.000000e-30 : f32
      %lt3A_825 = vector.broadcast %lt3A : f32 to vector<16xf32>
      %lt3A_826 = arith.cmpf olt, %add3A_792, %lt3A_825 : vector<16xf32>
      %mul3A_827 = arith.mulf %add3A_749, %mul3A_824 : vector<16xf32>
      %jit3A = arith.constant 1.000000e+00 : f32
      %broadcast_in_dim3A_828 = vector.broadcast %jit3A : f32 to vector<16xf32>
      %select_n3A = arith.select %lt3A_826, %broadcast_in_dim3A_828, %mul3A_827 : vector<16xi1>, vector<16xf32>
      %mul3A_829 = arith.mulf %mul3A_789, %mul3A_824 : vector<16xf32>
      %jit3A_830 = arith.constant 0.000000e+00 : f32
      %broadcast_in_dim3A_831 = vector.broadcast %jit3A_830 : f32 to vector<16xf32>
      %select_n3A_832 = arith.select %lt3A_826, %broadcast_in_dim3A_831, %mul3A_829 : vector<16xi1>, vector<16xf32>
      %mul3A_833 = arith.constant 2.000000e+00 : f32
      %mul3A_834 = vector.broadcast %mul3A_833 : f32 to vector<16xf32>
      %mul3A_835 = arith.mulf %mul3A_834, %select_n3A : vector<16xf32>
      %mul3A_836 = arith.mulf %mul3A_835, %select_n3A : vector<16xf32>
      %sub3A_837 = arith.constant 1.000000e+00 : f32
      %sub3A_838 = vector.broadcast %sub3A_837 : f32 to vector<16xf32>
      %sub3A_839 = arith.subf %mul3A_836, %sub3A_838 : vector<16xf32>
      %mul3A_840 = arith.constant 2.000000e+00 : f32
      %mul3A_841 = vector.broadcast %mul3A_840 : f32 to vector<16xf32>
      %mul3A_842 = arith.mulf %mul3A_841, %select_n3A_832 : vector<16xf32>
      %mul3A_843 = arith.mulf %mul3A_842, %select_n3A : vector<16xf32>
      %mul3A_844 = arith.constant 2.000000e+00 : f32
      %mul3A_845 = vector.broadcast %mul3A_844 : f32 to vector<16xf32>
      %mul3A_846 = arith.mulf %mul3A_845, %select_n3A : vector<16xf32>
      %mul3A_847 = arith.mulf %mul3A_846, %sub3A_839 : vector<16xf32>
      %sub3A_848 = arith.subf %mul3A_847, %select_n3A : vector<16xf32>
      %mul3A_849 = arith.constant 2.000000e+00 : f32
      %mul3A_850 = vector.broadcast %mul3A_849 : f32 to vector<16xf32>
      %mul3A_851 = arith.mulf %mul3A_850, %select_n3A : vector<16xf32>
      %mul3A_852 = arith.mulf %mul3A_851, %mul3A_843 : vector<16xf32>
      %sub3A_853 = arith.subf %mul3A_852, %select_n3A_832 : vector<16xf32>
      %gather3A_854 = tpu.vector_load_idx %arg18[%add3A_689, %broadcast_in_dim3A_3] : memref<800x8xf32, #tpu.memory_space<vmem>>[vector<16xi32>, vector<16xi32>], vector<16xf32>,
      %gather3A_855 = tpu.vector_load_idx %arg18[%add3A_689, %broadcast_in_dim3A_5] : memref<800x8xf32, #tpu.memory_space<vmem>>[vector<16xi32>, vector<16xi32>], vector<16xf32>,
      %gather3A_856 = tpu.vector_load_idx %arg18[%add3A_689, %broadcast_in_dim3A_7] : memref<800x8xf32, #tpu.memory_space<vmem>>[vector<16xi32>, vector<16xi32>], vector<16xf32>,
      %gather3A_857 = tpu.vector_load_idx %arg18[%add3A_689, %broadcast_in_dim3A_9] : memref<800x8xf32, #tpu.memory_space<vmem>>[vector<16xi32>, vector<16xi32>], vector<16xf32>,
      %gather3A_858 = tpu.vector_load_idx %arg18[%add3A_689, %broadcast_in_dim3A_11] : memref<800x8xf32, #tpu.memory_space<vmem>>[vector<16xi32>, vector<16xi32>], vector<16xf32>,
      %gather3A_859 = tpu.vector_load_idx %arg18[%add3A_689, %broadcast_in_dim3A_13] : memref<800x8xf32, #tpu.memory_space<vmem>>[vector<16xi32>, vector<16xi32>], vector<16xf32>,
      %gather3A_860 = tpu.vector_load_idx %arg18[%add3A_689, %broadcast_in_dim3A_15] : memref<800x8xf32, #tpu.memory_space<vmem>>[vector<16xi32>, vector<16xi32>], vector<16xf32>,
      %mul3A_861 = arith.mulf %gather3A_854, %select_n3A : vector<16xf32>
      %mul3A_862 = arith.mulf %gather3A_855, %sub3A_839 : vector<16xf32>
      %add3A_863 = arith.addf %mul3A_861, %mul3A_862 : vector<16xf32>
      %mul3A_864 = arith.mulf %gather3A_856, %sub3A_848 : vector<16xf32>
      %add3A_865 = arith.addf %add3A_863, %mul3A_864 : vector<16xf32>
      %mul3A_866 = arith.mulf %gather3A_857, %select_n3A_832 : vector<16xf32>
      %add3A_867 = arith.addf %add3A_865, %mul3A_866 : vector<16xf32>
      %mul3A_868 = arith.mulf %gather3A_858, %mul3A_843 : vector<16xf32>
      %add3A_869 = arith.addf %add3A_867, %mul3A_868 : vector<16xf32>
      %mul3A_870 = arith.mulf %gather3A_859, %sub3A_853 : vector<16xf32>
      %add3A_871 = arith.addf %add3A_869, %mul3A_870 : vector<16xf32>
      %sub3A_872 = arith.subf %gather3A_860, %add3A_871 : vector<16xf32>
      %mul3A_873 = arith.constant 16 : i32
      %mul3A_874 = arith.muli %add3A_685, %mul3A_873 : i32
      %get3A = arith.index_cast %mul3A_874 : i32 to index
      %get3A_875 = tpu.vector_load %arg15[%get3A] {strides = array<i32>} : memref<800xi32, #tpu.memory_space<vmem>>, vector<16xi32>,
      tpu.vector_store_idx %arg19[%iota3A, %get3A_875], %sub3A_872 {add = true} : memref<16x64xf32, #tpu.memory_space<vmem>>[vector<16xi32>, vector<16xi32>], vector<16xf32>,
    }
    %scan3A_655 = arith.constant 50 : i32
    %dma_wait3A_656 = arith.constant 0 : i32
    %dma_wait3A_657 = arith.constant 0 : i32
    %dma_wait3A_658 = tpu.memref_slice %arg20[%dma_wait3A_656, %dma_wait3A_657] : memref<100000x8xf32, #tpu.memory_space<vmem_shared>> -> memref<3200x8xf32, #tpu.memory_space<vmem_shared>>
    %dma_wait3A_659 = arith.constant 0 : i32
    %dma_wait3A_660 = arith.constant 0 : i32
    %dma_wait3A_661 = tpu.memref_slice %arg20[%dma_wait3A_659, %dma_wait3A_660] : memref<100000x8xf32, #tpu.memory_space<vmem_shared>> -> memref<3200x8xf32, #tpu.memory_space<vmem_shared>>
    tpu.wait_dma2 semaphore(%arg22 : memref<!tpu.dma_semaphore, #tpu.memory_space<semaphore_mem>>) src(%dma_wait3A_661 : memref<3200x8xf32, #tpu.memory_space<vmem_shared>>) dst(%arg13 : memref<3200x8xf32, #tpu.memory_space<vmem>>)
    %scan3A_662 = arith.constant 0 : i32
    %scan3A_663 = arith.constant 50 : i32
    %scan3A_664 = arith.addi %scan3A_662, %scan3A_663 : i32
    %scan3A_665 = arith.constant 1 : i32
    scf.for %scan3A_681 = %scan3A_662 to %scan3A_664 step %scan3A_665  : i32 {
      %mul3A_682 = arith.constant 1 : i32
      %mul3A_683 = arith.muli %scan3A_681, %mul3A_682 : i32
      %add3A_684 = arith.constant 0 : i32
      %add3A_685 = arith.addi %add3A_684, %mul3A_683 : i32
      %mul3A_686 = arith.constant 16 : i32
      %mul3A_687 = arith.muli %add3A_685, %mul3A_686 : i32
      %add3A_688 = vector.broadcast %mul3A_687 : i32 to vector<16xi32>
      %add3A_689 = arith.addi %iota3A, %add3A_688 : vector<16xi32>
      %gather3A = tpu.vector_load_idx %arg13[%add3A_689, %broadcast_in_dim3A_9] : memref<3200x8xf32, #tpu.memory_space<vmem>>[vector<16xi32>, vector<16xi32>], vector<16xf32>,
      %add3A_690 = arith.constant 800 : i32
      %add3A_691 = vector.broadcast %add3A_690 : i32 to vector<16xi32>
      %add3A_692 = arith.addi %add3A_689, %add3A_691 : vector<16xi32>
      %gather3A_693 = tpu.vector_load_idx %arg13[%add3A_692, %broadcast_in_dim3A_9] : memref<3200x8xf32, #tpu.memory_space<vmem>>[vector<16xi32>, vector<16xi32>], vector<16xf32>,
      %add3A_694 = arith.constant 1600 : i32
      %add3A_695 = vector.broadcast %add3A_694 : i32 to vector<16xi32>
      %add3A_696 = arith.addi %add3A_689, %add3A_695 : vector<16xi32>
      %gather3A_697 = tpu.vector_load_idx %arg13[%add3A_696, %broadcast_in_dim3A_9] : memref<3200x8xf32, #tpu.memory_space<vmem>>[vector<16xi32>, vector<16xi32>], vector<16xf32>,
      %add3A_698 = arith.constant 2400 : i32
      %add3A_699 = vector.broadcast %add3A_698 : i32 to vector<16xi32>
      %add3A_700 = arith.addi %add3A_689, %add3A_699 : vector<16xi32>
      %gather3A_701 = tpu.vector_load_idx %arg13[%add3A_700, %broadcast_in_dim3A_9] : memref<3200x8xf32, #tpu.memory_space<vmem>>[vector<16xi32>, vector<16xi32>], vector<16xf32>,
      %mul3A_702 = arith.constant 2.600000e+01 : f32
      %mul3A_703 = vector.broadcast %mul3A_702 : f32 to vector<16xf32>
      %mul3A_704 = arith.mulf %gather3A, %mul3A_703 : vector<16xf32>
      %add3A_705 = arith.addf %mul3A_704, %gather3A_693 : vector<16xf32>
      %mul3A_706 = arith.constant 2.600000e+01 : f32
      %mul3A_707 = vector.broadcast %mul3A_706 : f32 to vector<16xf32>
      %mul3A_708 = arith.mulf %add3A_705, %mul3A_707 : vector<16xf32>
      %add3A_709 = arith.addf %mul3A_708, %gather3A_697 : vector<16xf32>
      %mul3A_710 = arith.constant 2.600000e+01 : f32
      %mul3A_711 = vector.broadcast %mul3A_710 : f32 to vector<16xf32>
      %mul3A_712 = arith.mulf %add3A_709, %mul3A_711 : vector<16xf32>
      %add3A_713 = arith.addf %mul3A_712, %gather3A_701 : vector<16xf32>
      %max3A = arith.constant 0.000000e+00 : f32
      %max3A_714 = vector.broadcast %max3A : f32 to vector<16xf32>
      %max3A_715 = arith.maximumf %add3A_713, %max3A_714 : vector<16xf32>
      %min3A = arith.constant 4.569750e+05 : f32
      %min3A_716 = vector.broadcast %min3A : f32 to vector<16xf32>
      %min3A_717 = arith.minimumf %max3A_715, %min3A_716 : vector<16xf32>
      %convert_element_type3A_718 = arith.fptosi %min3A_717 : vector<16xf32> to vector<16xi32>
      %mul3A_719 = arith.constant 16 : i32
      %mul3A_720 = arith.muli %add3A_685, %mul3A_719 : i32
      %swap3A_721 = arith.index_cast %mul3A_720 : i32 to index
      %swap3A_722 = tpu.vector_load %arg12[%swap3A_721] {strides = array<i32>} : memref<800xi32, #tpu.memory_space<vmem>>, vector<16xi32>,
      tpu.vector_store %arg12[%swap3A_721], %convert_element_type3A_718 {strides = array<i32>} : memref<800xi32, #tpu.memory_space<vmem>>, vector<16xi32>,
    }
    %scan3A_666 = arith.constant 50 : i32
    %dma_start3A_667 = arith.constant 0 : i32
    %dma_start3A_668 = arith.constant 0 : i32
    %dma_start3A_669 = tpu.memref_slice %arg8[%dma_start3A_667, %dma_start3A_668] : memref<456976x8xf32, #tpu.memory_space<hbm>> -> memref<456976x8xf32, #tpu.memory_space<hbm>>
    tpu.enqueue_indirect_dma source(%dma_start3A_669 : memref<456976x8xf32, #tpu.memory_space<hbm>>) target(%arg18 : memref<800x8xf32, #tpu.memory_space<vmem>>) offsets(%arg12 : memref<800xi32, #tpu.memory_space<vmem>>) semaphore(%arg23 : memref<!tpu.dma_semaphore, #tpu.memory_space<semaphore_mem>>)
    %dma_wait3A_670 = arith.constant 0 : i32
    %dma_wait3A_671 = arith.constant 0 : i32
    %dma_wait3A_672 = tpu.memref_slice %arg8[%dma_wait3A_670, %dma_wait3A_671] : memref<456976x8xf32, #tpu.memory_space<hbm>> -> memref<800x8xf32, #tpu.memory_space<hbm>>
    %dma_wait3A_673 = arith.constant 0 : i32
    %dma_wait3A_674 = arith.constant 0 : i32
    %dma_wait3A_675 = tpu.memref_slice %arg8[%dma_wait3A_673, %dma_wait3A_674] : memref<456976x8xf32, #tpu.memory_space<hbm>> -> memref<800x8xf32, #tpu.memory_space<hbm>>
    tpu.wait_dma2 semaphore(%arg23 : memref<!tpu.dma_semaphore, #tpu.memory_space<semaphore_mem>>) src(%dma_wait3A_675 : memref<800x8xf32, #tpu.memory_space<hbm>>) dst(%arg18 : memref<800x8xf32, #tpu.memory_space<vmem>>)
    %scan3A_676 = arith.constant 0 : i32
    %scan3A_677 = arith.constant 50 : i32
    %scan3A_678 = arith.addi %scan3A_676, %scan3A_677 : i32
    %scan3A_679 = arith.constant 1 : i32
    scf.for %scan3A_681 = %scan3A_676 to %scan3A_678 step %scan3A_679  : i32 {
      %mul3A_682 = arith.constant 1 : i32
      %mul3A_683 = arith.muli %scan3A_681, %mul3A_682 : i32
      %add3A_684 = arith.constant 0 : i32
      %add3A_685 = arith.addi %add3A_684, %mul3A_683 : i32
      %mul3A_686 = arith.constant 16 : i32
      %mul3A_687 = arith.muli %add3A_685, %mul3A_686 : i32
      %add3A_688 = vector.broadcast %mul3A_687 : i32 to vector<16xi32>
      %add3A_689 = arith.addi %iota3A, %add3A_688 : vector<16xi32>
      %add3A_690 = arith.constant 800 : i32
      %add3A_691 = vector.broadcast %add3A_690 : i32 to vector<16xi32>
      %add3A_692 = arith.addi %add3A_689, %add3A_691 : vector<16xi32>
      %add3A_693 = arith.constant 1600 : i32
      %add3A_694 = vector.broadcast %add3A_693 : i32 to vector<16xi32>
      %add3A_695 = arith.addi %add3A_689, %add3A_694 : vector<16xi32>
      %add3A_696 = arith.constant 2400 : i32
      %add3A_697 = vector.broadcast %add3A_696 : i32 to vector<16xi32>
      %add3A_698 = arith.addi %add3A_689, %add3A_697 : vector<16xi32>
      %gather3A = tpu.vector_load_idx %arg13[%add3A_689, %broadcast_in_dim3A_3] : memref<3200x8xf32, #tpu.memory_space<vmem>>[vector<16xi32>, vector<16xi32>], vector<16xf32>,
      %gather3A_699 = tpu.vector_load_idx %arg13[%add3A_689, %broadcast_in_dim3A_5] : memref<3200x8xf32, #tpu.memory_space<vmem>>[vector<16xi32>, vector<16xi32>], vector<16xf32>,
      %gather3A_700 = tpu.vector_load_idx %arg13[%add3A_689, %broadcast_in_dim3A_7] : memref<3200x8xf32, #tpu.memory_space<vmem>>[vector<16xi32>, vector<16xi32>], vector<16xf32>,
      %gather3A_701 = tpu.vector_load_idx %arg13[%add3A_692, %broadcast_in_dim3A_3] : memref<3200x8xf32, #tpu.memory_space<vmem>>[vector<16xi32>, vector<16xi32>], vector<16xf32>,
      %gather3A_702 = tpu.vector_load_idx %arg13[%add3A_692, %broadcast_in_dim3A_5] : memref<3200x8xf32, #tpu.memory_space<vmem>>[vector<16xi32>, vector<16xi32>], vector<16xf32>,
      %gather3A_703 = tpu.vector_load_idx %arg13[%add3A_692, %broadcast_in_dim3A_7] : memref<3200x8xf32, #tpu.memory_space<vmem>>[vector<16xi32>, vector<16xi32>], vector<16xf32>,
      %gather3A_704 = tpu.vector_load_idx %arg13[%add3A_695, %broadcast_in_dim3A_3] : memref<3200x8xf32, #tpu.memory_space<vmem>>[vector<16xi32>, vector<16xi32>], vector<16xf32>,
      %gather3A_705 = tpu.vector_load_idx %arg13[%add3A_695, %broadcast_in_dim3A_5] : memref<3200x8xf32, #tpu.memory_space<vmem>>[vector<16xi32>, vector<16xi32>], vector<16xf32>,
      %gather3A_706 = tpu.vector_load_idx %arg13[%add3A_695, %broadcast_in_dim3A_7] : memref<3200x8xf32, #tpu.memory_space<vmem>>[vector<16xi32>, vector<16xi32>], vector<16xf32>,
      %gather3A_707 = tpu.vector_load_idx %arg13[%add3A_698, %broadcast_in_dim3A_3] : memref<3200x8xf32, #tpu.memory_space<vmem>>[vector<16xi32>, vector<16xi32>], vector<16xf32>,
      %gather3A_708 = tpu.vector_load_idx %arg13[%add3A_698, %broadcast_in_dim3A_5] : memref<3200x8xf32, #tpu.memory_space<vmem>>[vector<16xi32>, vector<16xi32>], vector<16xf32>,
      %gather3A_709 = tpu.vector_load_idx %arg13[%add3A_698, %broadcast_in_dim3A_7] : memref<3200x8xf32, #tpu.memory_space<vmem>>[vector<16xi32>, vector<16xi32>], vector<16xf32>,
      %sub3A = arith.subf %gather3A_701, %gather3A : vector<16xf32>
      %sub3A_710 = arith.subf %gather3A_702, %gather3A_699 : vector<16xf32>
      %sub3A_711 = arith.subf %gather3A_703, %gather3A_700 : vector<16xf32>
      %sub3A_712 = arith.subf %gather3A_704, %gather3A_701 : vector<16xf32>
      %sub3A_713 = arith.subf %gather3A_705, %gather3A_702 : vector<16xf32>
      %sub3A_714 = arith.subf %gather3A_706, %gather3A_703 : vector<16xf32>
      %sub3A_715 = arith.subf %gather3A_707, %gather3A_704 : vector<16xf32>
      %sub3A_716 = arith.subf %gather3A_708, %gather3A_705 : vector<16xf32>
      %sub3A_717 = arith.subf %gather3A_709, %gather3A_706 : vector<16xf32>
      %mul3A_718 = arith.mulf %sub3A_710, %sub3A_714 : vector<16xf32>
      %mul3A_719 = arith.mulf %sub3A_711, %sub3A_713 : vector<16xf32>
      %sub3A_720 = arith.subf %mul3A_718, %mul3A_719 : vector<16xf32>
      %mul3A_721 = arith.mulf %sub3A_711, %sub3A_712 : vector<16xf32>
      %mul3A_722 = arith.mulf %sub3A, %sub3A_714 : vector<16xf32>
      %sub3A_723 = arith.subf %mul3A_721, %mul3A_722 : vector<16xf32>
      %mul3A_724 = arith.mulf %sub3A, %sub3A_713 : vector<16xf32>
      %mul3A_725 = arith.mulf %sub3A_710, %sub3A_712 : vector<16xf32>
      %sub3A_726 = arith.subf %mul3A_724, %mul3A_725 : vector<16xf32>
      %mul3A_727 = arith.mulf %sub3A_713, %sub3A_717 : vector<16xf32>
      %mul3A_728 = arith.mulf %sub3A_714, %sub3A_716 : vector<16xf32>
      %sub3A_729 = arith.subf %mul3A_727, %mul3A_728 : vector<16xf32>
      %mul3A_730 = arith.mulf %sub3A_714, %sub3A_715 : vector<16xf32>
      %mul3A_731 = arith.mulf %sub3A_712, %sub3A_717 : vector<16xf32>
      %sub3A_732 = arith.subf %mul3A_730, %mul3A_731 : vector<16xf32>
      %mul3A_733 = arith.mulf %sub3A_712, %sub3A_716 : vector<16xf32>
      %mul3A_734 = arith.mulf %sub3A_713, %sub3A_715 : vector<16xf32>
      %sub3A_735 = arith.subf %mul3A_733, %mul3A_734 : vector<16xf32>
      %mul3A_736 = arith.mulf %sub3A_723, %sub3A_714 : vector<16xf32>
      %mul3A_737 = arith.mulf %sub3A_726, %sub3A_713 : vector<16xf32>
      %sub3A_738 = arith.subf %mul3A_736, %mul3A_737 : vector<16xf32>
      %mul3A_739 = arith.mulf %sub3A_726, %sub3A_712 : vector<16xf32>
      %mul3A_740 = arith.mulf %sub3A_720, %sub3A_714 : vector<16xf32>
      %sub3A_741 = arith.subf %mul3A_739, %mul3A_740 : vector<16xf32>
      %mul3A_742 = arith.mulf %sub3A_720, %sub3A_713 : vector<16xf32>
      %mul3A_743 = arith.mulf %sub3A_723, %sub3A_712 : vector<16xf32>
      %sub3A_744 = arith.subf %mul3A_742, %mul3A_743 : vector<16xf32>
      %mul3A_745 = arith.mulf %sub3A_720, %sub3A_729 : vector<16xf32>
      %mul3A_746 = arith.mulf %sub3A_723, %sub3A_732 : vector<16xf32>
      %add3A_747 = arith.addf %mul3A_745, %mul3A_746 : vector<16xf32>
      %mul3A_748 = arith.mulf %sub3A_726, %sub3A_735 : vector<16xf32>
      %add3A_749 = arith.addf %add3A_747, %mul3A_748 : vector<16xf32>
      %mul3A_750 = arith.mulf %sub3A_738, %sub3A_729 : vector<16xf32>
      %mul3A_751 = arith.mulf %sub3A_741, %sub3A_732 : vector<16xf32>
      %add3A_752 = arith.addf %mul3A_750, %mul3A_751 : vector<16xf32>
      %mul3A_753 = arith.mulf %sub3A_744, %sub3A_735 : vector<16xf32>
      %add3A_754 = arith.addf %add3A_752, %mul3A_753 : vector<16xf32>
      %mul3A_755 = arith.mulf %sub3A_712, %sub3A_712 : vector<16xf32>
      %mul3A_756 = arith.mulf %sub3A_713, %sub3A_713 : vector<16xf32>
      %add3A_757 = arith.addf %mul3A_755, %mul3A_756 : vector<16xf32>
      %mul3A_758 = arith.mulf %sub3A_714, %sub3A_714 : vector<16xf32>
      %add3A_759 = arith.addf %add3A_757, %mul3A_758 : vector<16xf32>
      %max3A = arith.constant 1.000000e-30 : f32
      %max3A_760 = vector.broadcast %max3A : f32 to vector<16xf32>
      %max3A_761 = arith.maximumf %add3A_759, %max3A_760 : vector<16xf32>
      %bitcast3A = vector.bitcast %max3A_761 : vector<16xf32> to vector<16xi32>
      %shift_right_arithmetic3A = arith.constant 1 : i32
      %shift_right_arithmetic3A_762 = vector.broadcast %shift_right_arithmetic3A : i32 to vector<16xi32>
      %shift_right_arithmetic3A_763 = arith.shrsi %bitcast3A, %shift_right_arithmetic3A_762 : vector<16xi32>
      %sub3A_764 = arith.constant 1597463007 : i32
      %sub3A_765 = vector.broadcast %sub3A_764 : i32 to vector<16xi32>
      %sub3A_766 = arith.subi %sub3A_765, %shift_right_arithmetic3A_763 : vector<16xi32>
      %bitcast3A_767 = vector.bitcast %sub3A_766 : vector<16xi32> to vector<16xf32>
      %mul3A_768 = arith.constant 5.000000e-01 : f32
      %mul3A_769 = vector.broadcast %mul3A_768 : f32 to vector<16xf32>
      %mul3A_770 = arith.mulf %max3A_761, %mul3A_769 : vector<16xf32>
      %mul3A_771 = arith.mulf %mul3A_770, %bitcast3A_767 : vector<16xf32>
      %mul3A_772 = arith.mulf %mul3A_771, %bitcast3A_767 : vector<16xf32>
      %sub3A_773 = arith.constant 1.500000e+00 : f32
      %sub3A_774 = vector.broadcast %sub3A_773 : f32 to vector<16xf32>
      %sub3A_775 = arith.subf %sub3A_774, %mul3A_772 : vector<16xf32>
      %mul3A_776 = arith.mulf %bitcast3A_767, %sub3A_775 : vector<16xf32>
      %mul3A_777 = arith.mulf %mul3A_770, %mul3A_776 : vector<16xf32>
      %mul3A_778 = arith.mulf %mul3A_777, %mul3A_776 : vector<16xf32>
      %sub3A_779 = arith.constant 1.500000e+00 : f32
      %sub3A_780 = vector.broadcast %sub3A_779 : f32 to vector<16xf32>
      %sub3A_781 = arith.subf %sub3A_780, %mul3A_778 : vector<16xf32>
      %mul3A_782 = arith.mulf %mul3A_776, %sub3A_781 : vector<16xf32>
      %mul3A_783 = arith.mulf %mul3A_770, %mul3A_782 : vector<16xf32>
      %mul3A_784 = arith.mulf %mul3A_783, %mul3A_782 : vector<16xf32>
      %sub3A_785 = arith.constant 1.500000e+00 : f32
      %sub3A_786 = vector.broadcast %sub3A_785 : f32 to vector<16xf32>
      %sub3A_787 = arith.subf %sub3A_786, %mul3A_784 : vector<16xf32>
      %mul3A_788 = arith.mulf %mul3A_782, %sub3A_787 : vector<16xf32>
      %mul3A_789 = arith.mulf %add3A_754, %mul3A_788 : vector<16xf32>
      %mul3A_790 = arith.mulf %add3A_749, %add3A_749 : vector<16xf32>
      %mul3A_791 = arith.mulf %mul3A_789, %mul3A_789 : vector<16xf32>
      %add3A_792 = arith.addf %mul3A_790, %mul3A_791 : vector<16xf32>
      %max3A_793 = arith.constant 1.000000e-30 : f32
      %max3A_794 = vector.broadcast %max3A_793 : f32 to vector<16xf32>
      %max3A_795 = arith.maximumf %add3A_792, %max3A_794 : vector<16xf32>
      %bitcast3A_796 = vector.bitcast %max3A_795 : vector<16xf32> to vector<16xi32>
      %shift_right_arithmetic3A_797 = arith.constant 1 : i32
      %shift_right_arithmetic3A_798 = vector.broadcast %shift_right_arithmetic3A_797 : i32 to vector<16xi32>
      %shift_right_arithmetic3A_799 = arith.shrsi %bitcast3A_796, %shift_right_arithmetic3A_798 : vector<16xi32>
      %sub3A_800 = arith.constant 1597463007 : i32
      %sub3A_801 = vector.broadcast %sub3A_800 : i32 to vector<16xi32>
      %sub3A_802 = arith.subi %sub3A_801, %shift_right_arithmetic3A_799 : vector<16xi32>
      %bitcast3A_803 = vector.bitcast %sub3A_802 : vector<16xi32> to vector<16xf32>
      %mul3A_804 = arith.constant 5.000000e-01 : f32
      %mul3A_805 = vector.broadcast %mul3A_804 : f32 to vector<16xf32>
      %mul3A_806 = arith.mulf %max3A_795, %mul3A_805 : vector<16xf32>
      %mul3A_807 = arith.mulf %mul3A_806, %bitcast3A_803 : vector<16xf32>
      %mul3A_808 = arith.mulf %mul3A_807, %bitcast3A_803 : vector<16xf32>
      %sub3A_809 = arith.constant 1.500000e+00 : f32
      %sub3A_810 = vector.broadcast %sub3A_809 : f32 to vector<16xf32>
      %sub3A_811 = arith.subf %sub3A_810, %mul3A_808 : vector<16xf32>
      %mul3A_812 = arith.mulf %bitcast3A_803, %sub3A_811 : vector<16xf32>
      %mul3A_813 = arith.mulf %mul3A_806, %mul3A_812 : vector<16xf32>
      %mul3A_814 = arith.mulf %mul3A_813, %mul3A_812 : vector<16xf32>
      %sub3A_815 = arith.constant 1.500000e+00 : f32
      %sub3A_816 = vector.broadcast %sub3A_815 : f32 to vector<16xf32>
      %sub3A_817 = arith.subf %sub3A_816, %mul3A_814 : vector<16xf32>
      %mul3A_818 = arith.mulf %mul3A_812, %sub3A_817 : vector<16xf32>
      %mul3A_819 = arith.mulf %mul3A_806, %mul3A_818 : vector<16xf32>
      %mul3A_820 = arith.mulf %mul3A_819, %mul3A_818 : vector<16xf32>
      %sub3A_821 = arith.constant 1.500000e+00 : f32
      %sub3A_822 = vector.broadcast %sub3A_821 : f32 to vector<16xf32>
      %sub3A_823 = arith.subf %sub3A_822, %mul3A_820 : vector<16xf32>
      %mul3A_824 = arith.mulf %mul3A_818, %sub3A_823 : vector<16xf32>
      %lt3A = arith.constant 1.000000e-30 : f32
      %lt3A_825 = vector.broadcast %lt3A : f32 to vector<16xf32>
      %lt3A_826 = arith.cmpf olt, %add3A_792, %lt3A_825 : vector<16xf32>
      %mul3A_827 = arith.mulf %add3A_749, %mul3A_824 : vector<16xf32>
      %jit3A = arith.constant 1.000000e+00 : f32
      %broadcast_in_dim3A_828 = vector.broadcast %jit3A : f32 to vector<16xf32>
      %select_n3A = arith.select %lt3A_826, %broadcast_in_dim3A_828, %mul3A_827 : vector<16xi1>, vector<16xf32>
      %mul3A_829 = arith.mulf %mul3A_789, %mul3A_824 : vector<16xf32>
      %jit3A_830 = arith.constant 0.000000e+00 : f32
      %broadcast_in_dim3A_831 = vector.broadcast %jit3A_830 : f32 to vector<16xf32>
      %select_n3A_832 = arith.select %lt3A_826, %broadcast_in_dim3A_831, %mul3A_829 : vector<16xi1>, vector<16xf32>
      %mul3A_833 = arith.constant 2.000000e+00 : f32
      %mul3A_834 = vector.broadcast %mul3A_833 : f32 to vector<16xf32>
      %mul3A_835 = arith.mulf %mul3A_834, %select_n3A : vector<16xf32>
      %mul3A_836 = arith.mulf %mul3A_835, %select_n3A : vector<16xf32>
      %sub3A_837 = arith.constant 1.000000e+00 : f32
      %sub3A_838 = vector.broadcast %sub3A_837 : f32 to vector<16xf32>
      %sub3A_839 = arith.subf %mul3A_836, %sub3A_838 : vector<16xf32>
      %mul3A_840 = arith.constant 2.000000e+00 : f32
      %mul3A_841 = vector.broadcast %mul3A_840 : f32 to vector<16xf32>
      %mul3A_842 = arith.mulf %mul3A_841, %select_n3A_832 : vector<16xf32>
      %mul3A_843 = arith.mulf %mul3A_842, %select_n3A : vector<16xf32>
      %mul3A_844 = arith.constant 2.000000e+00 : f32
      %mul3A_845 = vector.broadcast %mul3A_844 : f32 to vector<16xf32>
      %mul3A_846 = arith.mulf %mul3A_845, %select_n3A : vector<16xf32>
      %mul3A_847 = arith.mulf %mul3A_846, %sub3A_839 : vector<16xf32>
      %sub3A_848 = arith.subf %mul3A_847, %select_n3A : vector<16xf32>
      %mul3A_849 = arith.constant 2.000000e+00 : f32
      %mul3A_850 = vector.broadcast %mul3A_849 : f32 to vector<16xf32>
      %mul3A_851 = arith.mulf %mul3A_850, %select_n3A : vector<16xf32>
      %mul3A_852 = arith.mulf %mul3A_851, %mul3A_843 : vector<16xf32>
      %sub3A_853 = arith.subf %mul3A_852, %select_n3A_832 : vector<16xf32>
      %gather3A_854 = tpu.vector_load_idx %arg18[%add3A_689, %broadcast_in_dim3A_3] : memref<800x8xf32, #tpu.memory_space<vmem>>[vector<16xi32>, vector<16xi32>], vector<16xf32>,
      %gather3A_855 = tpu.vector_load_idx %arg18[%add3A_689, %broadcast_in_dim3A_5] : memref<800x8xf32, #tpu.memory_space<vmem>>[vector<16xi32>, vector<16xi32>], vector<16xf32>,
      %gather3A_856 = tpu.vector_load_idx %arg18[%add3A_689, %broadcast_in_dim3A_7] : memref<800x8xf32, #tpu.memory_space<vmem>>[vector<16xi32>, vector<16xi32>], vector<16xf32>,
      %gather3A_857 = tpu.vector_load_idx %arg18[%add3A_689, %broadcast_in_dim3A_9] : memref<800x8xf32, #tpu.memory_space<vmem>>[vector<16xi32>, vector<16xi32>], vector<16xf32>,
      %gather3A_858 = tpu.vector_load_idx %arg18[%add3A_689, %broadcast_in_dim3A_11] : memref<800x8xf32, #tpu.memory_space<vmem>>[vector<16xi32>, vector<16xi32>], vector<16xf32>,
      %gather3A_859 = tpu.vector_load_idx %arg18[%add3A_689, %broadcast_in_dim3A_13] : memref<800x8xf32, #tpu.memory_space<vmem>>[vector<16xi32>, vector<16xi32>], vector<16xf32>,
      %gather3A_860 = tpu.vector_load_idx %arg18[%add3A_689, %broadcast_in_dim3A_15] : memref<800x8xf32, #tpu.memory_space<vmem>>[vector<16xi32>, vector<16xi32>], vector<16xf32>,
      %mul3A_861 = arith.mulf %gather3A_854, %select_n3A : vector<16xf32>
      %mul3A_862 = arith.mulf %gather3A_855, %sub3A_839 : vector<16xf32>
      %add3A_863 = arith.addf %mul3A_861, %mul3A_862 : vector<16xf32>
      %mul3A_864 = arith.mulf %gather3A_856, %sub3A_848 : vector<16xf32>
      %add3A_865 = arith.addf %add3A_863, %mul3A_864 : vector<16xf32>
      %mul3A_866 = arith.mulf %gather3A_857, %select_n3A_832 : vector<16xf32>
      %add3A_867 = arith.addf %add3A_865, %mul3A_866 : vector<16xf32>
      %mul3A_868 = arith.mulf %gather3A_858, %mul3A_843 : vector<16xf32>
      %add3A_869 = arith.addf %add3A_867, %mul3A_868 : vector<16xf32>
      %mul3A_870 = arith.mulf %gather3A_859, %sub3A_853 : vector<16xf32>
      %add3A_871 = arith.addf %add3A_869, %mul3A_870 : vector<16xf32>
      %sub3A_872 = arith.subf %gather3A_860, %add3A_871 : vector<16xf32>
      %mul3A_873 = arith.constant 16 : i32
      %mul3A_874 = arith.muli %add3A_685, %mul3A_873 : i32
      %get3A = arith.index_cast %mul3A_874 : i32 to index
      %get3A_875 = tpu.vector_load %arg11[%get3A] {strides = array<i32>} : memref<800xi32, #tpu.memory_space<vmem>>, vector<16xi32>,
      tpu.vector_store_idx %arg19[%iota3A, %get3A_875], %sub3A_872 {add = true} : memref<16x64xf32, #tpu.memory_space<vmem>>[vector<16xi32>, vector<16xi32>], vector<16xf32>,
    }
    %scan3A_680 = arith.constant 50 : i32
    "tpu.region"() ({
      %run_scoped3A = tpu.sem_alloc : memref<!tpu.dma_semaphore, #tpu.memory_space<semaphore_mem>>
      %dma_start3A_681 = arith.constant 0 : i32
      %dma_start3A_682 = arith.constant 0 : i32
      %dma_start3A_683 = tpu.memref_slice %arg9[%add3A, %dma_start3A_681, %dma_start3A_682] : memref<32x16x64xf32, #tpu.memory_space<hbm>> -> memref<1x16x64xf32, #tpu.memory_space<hbm>>
      %dma_start3A_684 = tpu.memref_squeeze %dma_start3A_683 : memref<1x16x64xf32, #tpu.memory_space<hbm>> -> memref<16x64xf32, #tpu.memory_space<hbm>>
      %dma_start3A_685 = arith.constant 0 : i32
      %dma_start3A_686 = arith.constant 0 : i32
      %dma_start3A_687 = tpu.memref_slice %arg9[%add3A, %dma_start3A_685, %dma_start3A_686] : memref<32x16x64xf32, #tpu.memory_space<hbm>> -> memref<1x16x64xf32, #tpu.memory_space<hbm>>
      %dma_start3A_688 = tpu.memref_squeeze %dma_start3A_687 : memref<1x16x64xf32, #tpu.memory_space<hbm>> -> memref<16x64xf32, #tpu.memory_space<hbm>>
      tpu.enqueue_dma source(%arg19 : memref<16x64xf32, #tpu.memory_space<vmem>>) target(%dma_start3A_688 : memref<16x64xf32, #tpu.memory_space<hbm>>) target_semaphore(%run_scoped3A : memref<!tpu.dma_semaphore, #tpu.memory_space<semaphore_mem>>)
      %dma_wait3A_689 = arith.constant 0 : i32
      %dma_wait3A_690 = arith.constant 0 : i32
      %dma_wait3A_691 = tpu.memref_slice %arg9[%add3A, %dma_wait3A_689, %dma_wait3A_690] : memref<32x16x64xf32, #tpu.memory_space<hbm>> -> memref<1x16x64xf32, #tpu.memory_space<hbm>>
      %dma_wait3A_692 = tpu.memref_squeeze %dma_wait3A_691 : memref<1x16x64xf32, #tpu.memory_space<hbm>> -> memref<16x64xf32, #tpu.memory_space<hbm>>
      %dma_wait3A_693 = arith.constant 0 : i32
      %dma_wait3A_694 = arith.constant 0 : i32
      %dma_wait3A_695 = tpu.memref_slice %arg9[%add3A, %dma_wait3A_693, %dma_wait3A_694] : memref<32x16x64xf32, #tpu.memory_space<hbm>> -> memref<1x16x64xf32, #tpu.memory_space<hbm>>
      %dma_wait3A_696 = tpu.memref_squeeze %dma_wait3A_695 : memref<1x16x64xf32, #tpu.memory_space<hbm>> -> memref<16x64xf32, #tpu.memory_space<hbm>>
      tpu.wait_dma2 semaphore(%run_scoped3A : memref<!tpu.dma_semaphore, #tpu.memory_space<semaphore_mem>>) src(%arg19 : memref<16x64xf32, #tpu.memory_space<vmem>>) dst(%dma_wait3A_696 : memref<16x64xf32, #tpu.memory_space<hbm>>)
      tpu.yield
    }) : () -> ()
    return
  }
}

module attributes {stable_mosaic.version = 14 : i64} {
  func.func @_prep_body(%arg0: i32, %arg1: memref<3x8192xf32, #tpu.memory_space<vmem>>, %arg2: memref<3x8192xf32, #tpu.memory_space<vmem>>, %arg3: memref<3x8192xf32, #tpu.memory_space<vmem>>, %arg4: memref<3x8192xf32, #tpu.memory_space<vmem>>, %arg5: memref<1x8192xf32, #tpu.memory_space<vmem>>) attributes {dimension_semantics = [#tpu.dimension_semantics<arbitrary>], iteration_bounds = array<i64: 56>, scalar_prefetch = 0 : i64, scratch_operands = 0 : i64, tpu.core_type = #tpu.core_type<tc>, window_params = [{transform_indices = @transform_0, window_bounds = array<i64: 3, 8192>}, {transform_indices = @transform_1, window_bounds = array<i64: 3, 8192>}, {transform_indices = @transform_2, window_bounds = array<i64: 3, 8192>}, {transform_indices = @transform_3, window_bounds = array<i64: 3, 8192>}, {transform_indices = @transform_4, window_bounds = array<i64: 1, 8192>}]} {
    %get3A = arith.constant 0 : index
    %get3A_0 = arith.constant 0 : index
    %get3A_1 = vector.load %arg1[%get3A, %get3A_0] : memref<3x8192xf32, #tpu.memory_space<vmem>>, vector<3x8192xf32>
    %get3A_2 = arith.constant 0 : index
    %get3A_3 = arith.constant 0 : index
    %get3A_4 = vector.load %arg2[%get3A_2, %get3A_3] : memref<3x8192xf32, #tpu.memory_space<vmem>>, vector<3x8192xf32>
    %cos3A = math.cos %get3A_1 : vector<3x8192xf32>
    %mul3A = arith.mulf %get3A_4, %cos3A : vector<3x8192xf32>
    %swap3A = arith.constant 0 : index
    %swap3A_5 = arith.constant 0 : index
    %swap3A_6 = vector.load %arg3[%swap3A, %swap3A_5] : memref<3x8192xf32, #tpu.memory_space<vmem>>, vector<3x8192xf32>
    tpu.vector_store %arg3[%swap3A, %swap3A_5], %mul3A {strides = array<i32>} : memref<3x8192xf32, #tpu.memory_space<vmem>>, vector<3x8192xf32>,
    %sin3A = math.sin %get3A_1 : vector<3x8192xf32>
    %mul3A_7 = arith.mulf %get3A_4, %sin3A : vector<3x8192xf32>
    %swap3A_8 = arith.constant 0 : index
    %swap3A_9 = arith.constant 0 : index
    %swap3A_10 = vector.load %arg4[%swap3A_8, %swap3A_9] : memref<3x8192xf32, #tpu.memory_space<vmem>>, vector<3x8192xf32>
    tpu.vector_store %arg4[%swap3A_8, %swap3A_9], %mul3A_7 {strides = array<i32>} : memref<3x8192xf32, #tpu.memory_space<vmem>>, vector<3x8192xf32>,
    %reduce_sum3A = arith.constant dense<0.000000e+00> : vector<8192xf32>
    %reduce_sum3A_11 = vector.multi_reduction <add>, %get3A_4, %reduce_sum3A [0] : vector<3x8192xf32> to vector<8192xf32>
    %broadcast_in_dim3A = vector.shape_cast %reduce_sum3A_11 : vector<8192xf32> to vector<1x8192xf32>
    %swap3A_12 = arith.constant 0 : index
    %swap3A_13 = arith.constant 0 : index
    %swap3A_14 = vector.load %arg5[%swap3A_12, %swap3A_13] : memref<1x8192xf32, #tpu.memory_space<vmem>>, vector<1x8192xf32>
    tpu.vector_store %arg5[%swap3A_12, %swap3A_13], %broadcast_in_dim3A {strides = array<i32>} : memref<1x8192xf32, #tpu.memory_space<vmem>>, vector<1x8192xf32>,
    return
  }
  func.func @transform_0(%arg0: i32) -> (i32, i32) {
    %c0_i32 = arith.constant 0 : i32
    %c0_i32_0 = arith.constant 0 : i32
    return %c0_i32, %arg0 : i32, i32
  }
  func.func @transform_1(%arg0: i32) -> (i32, i32) {
    %c0_i32 = arith.constant 0 : i32
    %c0_i32_0 = arith.constant 0 : i32
    return %c0_i32, %arg0 : i32, i32
  }
  func.func @transform_2(%arg0: i32) -> (i32, i32) {
    %c0_i32 = arith.constant 0 : i32
    %c0_i32_0 = arith.constant 0 : i32
    return %c0_i32, %arg0 : i32, i32
  }
  func.func @transform_3(%arg0: i32) -> (i32, i32) {
    %c0_i32 = arith.constant 0 : i32
    %c0_i32_0 = arith.constant 0 : i32
    return %c0_i32, %arg0 : i32, i32
  }
  func.func @transform_4(%arg0: i32) -> (i32, i32) {
    %c0_i32 = arith.constant 0 : i32
    %c0_i32_0 = arith.constant 0 : i32
    return %c0_i32, %arg0 : i32, i32
  }
}

module attributes {stable_mosaic.version = 14 : i64} {
  func.func @_final_body(%arg0: memref<512x64xf32, #tpu.memory_space<vmem>>, %arg1: memref<1x64xf32, #tpu.memory_space<vmem>>) attributes {dimension_semantics = [], scalar_prefetch = 0 : i64, scratch_operands = 0 : i64, tpu.core_type = #tpu.core_type<tc>} {
    %get3A = arith.constant 0 : index
    %get3A_0 = arith.constant 0 : index
    %get3A_1 = vector.load %arg0[%get3A, %get3A_0] : memref<512x64xf32, #tpu.memory_space<vmem>>, vector<512x64xf32>
    %reduce_sum3A = arith.constant dense<0.000000e+00> : vector<64xf32>
    %reduce_sum3A_2 = vector.multi_reduction <add>, %get3A_1, %reduce_sum3A [0] : vector<512x64xf32> to vector<64xf32>
    %broadcast_in_dim3A = vector.shape_cast %reduce_sum3A_2 : vector<64xf32> to vector<1x64xf32>
    %swap3A = arith.constant 0 : index
    %swap3A_3 = arith.constant 0 : index
    %swap3A_4 = vector.load %arg1[%swap3A, %swap3A_3] : memref<1x64xf32, #tpu.memory_space<vmem>>, vector<1x64xf32>
    tpu.vector_store %arg1[%swap3A, %swap3A_3], %broadcast_in_dim3A {strides = array<i32>} : memref<1x64xf32, #tpu.memory_space<vmem>>, vector<1x64xf32>,
    return
  }
}

</mosaic_0001>

<sc_bundles>
// kernel: kernel.5.cloned.1.call-start
scs
__scs_entry_jumppad:
0x0: {  	(pc) =	sbr.rel $0x88, $3  }
0x1: {  	(tag) =	ssettag $0x0;
	lr =	simm.s32 $0x1  }
0x2: {  	[smem:$0x3F9B] =	sst lr;
	_ =	strace $0xD0000000  }
0x3: {  	_ = 	snop  }
0x4: {  	_ = 	snop  }
0x5: {  	_ = 	snop  }
0x6: {  	_ = 	snop  }
0x7: {  	_ = 	snop  }
__scs_overlays_trampoline_lowered:
0x8: {  	[smem:$0x3FAA] =	sst s0  }
0x9: {  	[smem:$0x3FAB] =	sst s1  }
0xa: {  	[smem:$0x3FAC] =	sst s2  }
0xb: {  	[smem:$0x3FAD] =	sst s3  }
0xc: {  	[smem:$0x3FAE] =	sst s4  }
0xd: {  	[smem:$0x3FAF] =	sst s5  }
0xe: {  	[smem:$0x3FB0] =	sst s6  }
0xf: {  	[smem:$0x3FB1] =	sst s7  }
0x10: {  	[smem:$0x3FB2] =	sst s8  }
0x11: {  	[smem:$0x3FB3] =	sst s9;
	s0 =	simm.s32 @!p0 $0x0  }
0x12: {  	s1 =	sld [smem:$0x3F99];
	s0 =	simm.s32 @p0 $0x1  }
0x13: {  	[smem:$0x3FB4] =	sst s0;
	s0 =	simm.s32 @!p1 $0x0  }
0x14: {  	s2 =	sld [smem:$0x3F98];
	s0 =	simm.s32 @p1 $0x1  }
0x15: {  	[smem:$0x3FB5] =	sst s0;
	s0 =	simm.s32 @!p2 $0x0  }
0x16: {  	s3 =	sld [smem:$0x3FDB];
	s0 =	simm.s32 @p2 $0x1  }
0x17: {  	s4 =	simm.s32 $0x1BF5;
	[smem:$0x3FB7] =	sst s0  }
0x18: {  	s0 =	sld [smem:$0x3F9A];
	_ =	swait.ge [sflag:s4], $0x0  }
0x19: {  	s7 =	sld [smem:$0x3F9B]  }
0x1a: {  	s8 =	sadd.s32 $0xFFFFE003, lr  }
0x1b: {  	s9 =	sadd.s32 $0xFFFFFEF7, lr;
	s5 =	simm.s32 $0xFFFFFFFF;
	p2 =	slt.u32 s8, $0xFFFFF086  }
0x1c: {  	p1 =	slt.u32 s9, $0xF7A;
	s5 =	simm.s32 @!p2 $0x0  }
0x1d: {  	s5 =	simm.s32 @p1 $0x1;
	p0 =	seq.s32 s7, s2  }
0x1e: {  	s7 =	smul.u32 @!p0 $0xF7A, s2;
	p2 =	seq.s32 @!p0 s5, $0x0  }
0x1f: {  	s9 =	smul.u32 $0xF7A, s1;
	s8 =	simm.s32 @!p0 $0x1BF5;
	p2 =	por !p2, p0  }
0x20: {  	[sflag:s8] =	ssyncset.s32 @!p0 $0xFFFFF086;
	s6 =	sadd.s32 @!p0 s3, s7;
	s7 =	simm.s32 @!p0 $0x108  }
0x21: {  	s3 =	sadd.s32 s3, s9;
	s6 =	sadd.s32 @!p0 $0x88, s6;
	s7 =	simm.s32 @p2 $0x1082  }
0x22: {  	[simem:s7], [sflag:s8] =	dma.local @!p0 [hbm:s6], $0xF7A  }
0x23: {  	s9 =	sor.u32 $0xD0000000, s2;
	s6 =	simm.s32 $0x108;
	_ =	swait.ge @!p0 [sflag:s8], $0x0  }
0x24: {  	s3 =	sadd.s32 $0x88, s3;
	s6 =	simm.s32 @!p1 $0x1082;
	[sflag:s4] =	ssyncset.s32 $0xFFFFF086  }
0x25: {  	[simem:s6], [sflag:s4] =	dma.local [hbm:s3], $0xF7A  }
0x26: {  	[smem:$0x3F9B] =	sst s1;
	(tag) =	ssettag s2;
	_ =	strace s9  }
0x27: {  	s1 =	sld [smem:$0x3FAB]  }
0x28: {  	s2 =	sld [smem:$0x3FAC]  }
0x29: {  	s4 =	sld [smem:$0x3FAE]  }
0x2a: {  	p0 =	seq.s32 s5, $0x0;
	s5 =	sld [smem:$0x3FAF]  }
0x2b: {  	s6 =	sld [smem:$0x3FB0]  }
0x2c: {  	s7 =	sld [smem:$0x3FB1]  }
0x2d: {  	s3 =	simm.s32 $0x108;
	s8 =	sld [smem:$0x3FB2]  }
0x2e: {  	s3 =	simm.s32 @!p0 $0x1082;
	s9 =	sld [smem:$0x3FB3]  }
0x2f: {  	lr =	sadd.s32 s0, s3;
	s0 =	sld [smem:$0x3FAA]  }
0x30: {  	s3 =	sld [smem:$0x3FAD]  }
0x31: {  	[smem:$0x3FB6] =	sst s10  }
0x32: {  	s10 =	sld [smem:$0x3FB4];
	_ =	sdelay $0x3  }
0x33: {  	p0 =	seq.s32 s10, $0x1;
	s10 =	sld [smem:$0x3FB6];
	_ =	sdelay $0x3  }
0x34: {  	[smem:$0x3FB6] =	sst s10  }
0x35: {  	s10 =	sld [smem:$0x3FB5];
	_ =	sdelay $0x3  }
0x36: {  	p1 =	seq.s32 s10, $0x1;
	s10 =	sld [smem:$0x3FB6];
	_ =	sdelay $0x3  }
0x37: {  	[smem:$0x3FB6] =	sst s10  }
0x38: {  	s10 =	sld [smem:$0x3FB7]  }
0x39: {  	_ = 	snop;
	(pc) =	sbr.ind lr, $3  }
0x3a: {  	_ = 	snop  }
0x3b: {  	_ = 	snop  }
0x3c: {  	p2 =	seq.s32 s10, $0x1;
	s10 =	sld [smem:$0x3FB6]  }
0x3d: {  	_ =	shalt  }
0x3e: {  	_ =	shalt  }
0x3f: {  	_ =	shalt  }
0x40: {  	_ =	shalt  }
0x41: {  	_ =	shalt  }
0x42: {  	_ =	shalt  }
0x43: {  	_ =	shalt  }
0x44: {  	_ =	shalt  }
0x45: {  	_ =	shalt  }
0x46: {  	_ =	shalt  }
0x47: {  	_ =	shalt  }
0x48: {  	_ =	shalt  }
0x49: {  	_ =	shalt  }
0x4a: {  	_ =	shalt  }
0x4b: {  	_ =	shalt  }
0x4c: {  	_ =	shalt  }
0x4d: {  	_ =	shalt  }
0x4e: {  	_ =	shalt  }
0x4f: {  	_ =	shalt  }
0x50: {  	_ =	shalt  }
0x51: {  	_ =	shalt  }
0x52: {  	_ =	shalt  }
0x53: {  	_ =	shalt  }
0x54: {  	_ =	shalt  }
0x55: {  	_ =	shalt  }
0x56: {  	_ =	shalt  }
0x57: {  	_ =	shalt  }
0x58: {  	_ =	shalt  }
0x59: {  	_ =	shalt  }
0x5a: {  	_ =	shalt  }
0x5b: {  	_ =	shalt  }
0x5c: {  	_ =	shalt  }
0x5d: {  	_ =	shalt  }
0x5e: {  	_ =	shalt  }
0x5f: {  	_ =	shalt  }
0x60: {  	_ =	shalt  }
0x61: {  	_ =	shalt  }
0x62: {  	_ =	shalt  }
0x63: {  	_ =	shalt  }
0x64: {  	_ =	shalt  }
0x65: {  	_ =	shalt  }
0x66: {  	_ =	shalt  }
0x67: {  	_ =	shalt  }
0x68: {  	_ =	shalt  }
0x69: {  	_ =	shalt  }
0x6a: {  	_ =	shalt  }
0x6b: {  	_ =	shalt  }
0x6c: {  	_ =	shalt  }
0x6d: {  	_ =	shalt  }
0x6e: {  	_ =	shalt  }
0x6f: {  	_ =	shalt  }
0x70: {  	_ =	shalt  }
0x71: {  	_ =	shalt  }
0x72: {  	_ =	shalt  }
0x73: {  	_ =	shalt  }
0x74: {  	_ =	shalt  }
0x75: {  	_ =	shalt  }
0x76: {  	_ =	shalt  }
0x77: {  	_ =	shalt  }
0x78: {  	_ =	shalt  }
0x79: {  	_ =	shalt  }
0x7a: {  	_ =	shalt  }
0x7b: {  	_ =	shalt  }
0x7c: {  	_ =	shalt  }
0x7d: {  	_ =	shalt  }
0x7e: {  	_ =	shalt  }
0x7f: {  	_ =	shalt  }
0x80: {  	_ =	shalt  }
0x81: {  	_ =	shalt  }
0x82: {  	_ =	shalt  }
0x83: {  	_ =	shalt  }
0x84: {  	_ =	shalt  }
0x85: {  	_ =	shalt  }
0x86: {  	_ =	shalt  }
0x87: {  	_ =	shalt  }
.Lfunc_end0:
.L_simem_size_0:
called_computation_lowered:
.L_overlay_start_0:
0x88: {  	s2 =	sld [smem:$0x3FD9]  }
0x89: {  	s3 =	sld [smem:$0x3FFE];
	_ =	sdelay $0x1  }
0x8a: {  	s1 =	srdreg.scid  }
0x8b: {  	s0 =	sand.u32 $0x1, s1  }
0x8c: {  	s17 =	sshll.u32 s0, $0xA;
	s2 =	sadd.s32 s3, s2  }
0x8d: {  	s2 =	sadd.s32 s2, s17  }
0x8e: {  	[smem:$0x3FC2] =	sst s2  }
0x8f: {  	_ = 	snop  }
0x90: {  	s2 =	sld [smem:$0x3FC7];
	(tm) =	ssettm $0x1  }
0x91: {  	s18 =	sld [smem:$0x3FFB];
	_ =	sdelay $0x3  }
0x92: {  	_ =	strace s18  }
0x93: {  	s3 =	sld [smem:$0x3FFC];
	_ =	sdelay $0x3  }
0x94: {  	_ =	strace s3  }
0x95: {  	s3 =	sld [smem:$0x3FFD];
	_ =	sdelay $0x3  }
0x96: {  	_ =	strace s3  }
0x97: {  	_ =	strace $0x8FFFFFFF  }
0x98: {  	s19 =	sld [smem:$0x3FDB];
	_ =	sdelay $0x1  }
0x99: {  	s4 =	simm.s32 $_scs_section_size  }
0x9a: {  	s5 =	simm.s32 $_size__tile_overlayer_lowered;
	s6 =	simm.s32 $_tile_overlayer_lowered  }
0x9b: {  	s22 =	simm.s32 $0x1BFF;
	s21 =	sshll.u32 s6, $0x1;
	s3 =	sadd.s32 s4, s19  }
0x9c: {  	s7 =	simm.s32 $0x0;
	s20 =	sshll.u32 s5, $0x1;
	s5 =	sadd.s32 s21, s3  }
0x9d: {  	[timem:s7], [sflag:s22] =	dma.local [hbm:s5], s20  }
0x9e: {  	_ =	swait.ge [sflag:s22], s20  }
0x9f: {  	s4 =	ssub.s32 $0x0, s20;
	[sflag:s22] =	ssyncset.done $0x0  }
0xa0: {  	[sflag:s22] =	ssyncadd.s32 s4;
	_ =	sdelay $0x1  }
0xa1: {  	s23 =	simm.s32 $0x1B8B  }
0xa2: {  	_ =	swait.ge [sflag:s23], $0x1  }
0xa3: {  	[sflag:s23] =	ssyncset.done $0x0  }
0xa4: {  	s25 =	simm.s32 $0x1B8E;
	s24 =	sld [smem:$0x3FFE];
	[sflag:s23] =	ssyncadd.s32 $0xFFFFFFFF  }
0xa5: {  	s26 =	simm.s32 $execute0_lowered;
	[smem:$0x3FD2] =	sst s25  }
0xa6: {  	s5 =	sshll.u32 s26, $0x1;
	_ =	strace $0x80000046;
	[dreg:$0x1] =	wrdreg $0xFFFFFFFF  }
0xa7: {  	s28 =	simm.s32 $_size_execute0_lowered;
	s3 =	sadd.s32 s3, s5;
	[dreg:$0x0] =	wrdreg $0x0  }
0xa8: {  	s5 =	sshll.u32 s28, $0x1;
	[dreg:$0x2] =	wrdreg s3  }
0xa9: {  	[dreg:$0x3] =	wrdreg s5  }
0xaa: {  	[dreg:$0x4] =	wrdreg $0xC0  }
0xab: {  	_ =	task [dreg:s7], $0x5FFFF  }
0xac: {  	[dreg:$0x1] =	wrdreg $0xFFFFFFFF  }
0xad: {  	[dreg:$0x0] =	wrdreg $0x60  }
0xae: {  	[dreg:$0x2] =	wrdreg s24  }
0xaf: {  	[dreg:$0x3] =	wrdreg s2  }
0xb0: {  	[dreg:$0x4] =	wrdreg $0x10A800  }
0xb1: {  	[dreg:$0x5] =	wrdreg $0x9  }
0xb2: {  	_ =	task.clear_ibuf [dreg:s7], $0x6FFFF;
	_ =	strace $0x90000046  }
0xb3: {  	s29 =	simm.s32 $0x9;
	_ =	strace $0x80000048  }
0xb4: {  	_ =	swait.ge [sflag:s29], $0x1  }
0xb5: {  	[sflag:s29] =	ssyncadd.s32 $0xFFFFFFFF  }
0xb6: {  	_ =	strace $0x90000048  }
0xb7: {  	_ =	sfence  }
0xb8: {  	s30 =	sld [smem:$0x0];
	_ =	sdelay $0x2  }
0xb9: {  	s31 =	sshll.u32 s1, $0xD;
	s1 =	sshrl.u32 s1, $0x2  }
0xba: {  	s3 =	sand.u32 $0x4000, s31;
	s1 =	sadd.s32 s1, s30  }
0xbb: {  	s0 =	sor.u32 s3, s0;
	s1 =	sshll.u32 s1, $0x11  }
0xbc: {  	s0 =	sor.u32 s1, s0  }
0xbd: {  	s0 =	sadd.s32 $0x8F2B, s0  }
0xbe: {  	[sflag:s0] =	ssyncadd.remote.s32 $0x1  }
0xbf: {  	_ =	sfence.sel $0xFFFF  }
0xc0: {  	[dreg:$0x0] =	wrdreg $0xFFFFFFFF;
	(pc) =	sbr.abs _section_cstart, $3  }
0xc1: {  	[dreg:$0x1] =	wrdreg $0xFFFFFFFF  }
0xc2: {  	_ =	task.clear_ibuf [dreg:s7], $0x2FFFF;
	_ =	strace $0x9FFFFFFF  }
0xc3: {  	(tm) =	ssettm $0x7FFFFFFF  }
tec
execute0_lowered:
.L_overlay_start_1:
0x0: {  	(tag) =	ssettag $0x1  }
0x1: {  	s0 =	rddreg [dreg:$0x0]  }
0x2: {  	s1 =	rddreg [dreg:$0x1]  }
0x3: {  	s2 =	rddreg [dreg:$0x2];
	s3 =	simm.s32 $0x0;
	s6 =	srdreg.scid  }
0x4: {  	s8 =	stileid.u32;
	s30 =	simm.s32 $0x320;
	s31 =	simm.s32 $0x640  }
0x5: {  	[smem:$0x7FF] =	sst s3;
	s4 =	sadd.s32 $0x126A00, s0;
	s5 =	sadd.s32 $0xC4E00, s0  }
0x6: {  	s9 =	sand.u32 $0x1, s6;
	s10 =	sshll.u32 s8, $0x1;
	s6 =	sadd.s32 $0x63200, s0  }
0x7: {  	s7 =	sadd.s32 $0x1600, s0;
	s11 =	sadd.s32 $0x30F000, s0;
	s10 =	sor.u32 s9, s10  }
0x8: {  	_ =	strace $0x80000047;
	s12 =	smul.u32 $0x186A0, s10;
	s10 =	sshll.u32 s10, $0x7  }
0x9: {  	s28 =	ssub.s32 $0x2, s9;
	s9 =	sadd.s32 $0x6FA800, s0;
	s0 =	sadd.s32 s10, s0  }
0xa: {  	[dreg:$0x4] =	wrdreg s11;
	s29 =	sshrl.u32 s12, $0x3;
	s0 =	sadd.s32 $0x188600, s0  }
0xb: {  	p0 =	sne.s32 s8, $0x0;
	s14 =	sadd.s32 s4, s29;
	[dreg:$0x14] =	wrdreg s0  }
0xc: {  	s8 =	simm.s32 $0xC80;
	s15 =	sadd.s32 s5, s29;
	[dreg:$0x5] =	wrdreg s14  }
0xd: {  	s13 =	sshrl.u32 s28, $0x1;
	s16 =	sadd.s32 s6, s29;
	[dreg:$0x6] =	wrdreg s15  }
0xe: {  	s10 =	ssub.s32 s28, s13;
	s17 =	sadd.s32 s7, s29;
	[dreg:$0x7] =	wrdreg s16  }
0xf: {  	s18 =	sadd.s32 s1, s29;
	s19 =	sadd.s32 $0x64, s29;
	[dreg:$0x8] =	wrdreg s17  }
0x10: {  	s11 =	sadd.s32 $0x3070, s29;
	s29 =	smax.u32 s10, $0x1;
	[dreg:$0x9] =	wrdreg s18  }
0x11: {  	s0 =	simm.s32 $0x960;
	s14 =	sadd.s32 s4, s19;
	[dreg:$0x15] =	wrdreg s29  }
0x12: {  	s10 =	simm.s32 $0x1;
	s20 =	sadd.s32 s5, s19;
	[dreg:$0xa] =	wrdreg s14  }
0x13: {  	s21 =	sadd.s32 s6, s19;
	s22 =	sadd.s32 s7, s19;
	[dreg:$0xb] =	wrdreg s20  }
0x14: {  	s13 =	sadd.s32 s1, s19;
	s23 =	sadd.s32 s4, s11;
	[dreg:$0xc] =	wrdreg s21  }
0x15: {  	s24 =	sadd.s32 s5, s11;
	s25 =	sadd.s32 s6, s11;
	[dreg:$0xd] =	wrdreg s22  }
0x16: {  	s26 =	sadd.s32 s7, s11;
	s28 =	sadd.s32 s1, s11;
	[dreg:$0xe] =	wrdreg s13  }
0x17: {  	s11 =	simm.s32 $0x12C0;
	s16 =	simm.s32 $0x8340;
	[dreg:$0xf] =	wrdreg s23  }
0x18: {  	s17 =	simm.s32 $0x2;
	s18 =	simm.s32 $0xFA0;
	[dreg:$0x10] =	wrdreg s24  }
0x19: {  	v5 =	vlaneseq.u32;
	s19 =	simm.s32 $0xED80;
	s15 =	simm.s32 $0x0;
	[dreg:$0x11] =	wrdreg s25  }
0x1a: {  	v0 =	vmul.u32 $0x8, v5;
	s20 =	sadd.s32 $0x640, s12;
	s21 =	sadd.s32 $0x960, s12;
	[dreg:$0x12] =	wrdreg s26  }
0x1b: {  	v1 =	vimm.f32 $0.0e+00;
	v5 =	vmul.u32 $0x40, v5;
	[dreg:$0x13] =	wrdreg s28;
	s12 =	simm.s32 $0x76C0;
	s22 =	simm.s32 $0x8980  }
0x1c: {  	v2 =	vor.u32 $0x4B00, v0;
	v3 =	vor.u32 $0x3200, v0;
	v4 =	vor.u32 $0x1900, v0;
	s23 =	simm.s32 $0x3;
	s24 =	simm.s32 $0x10680;
	s25 =	simm.s32 $0x8660  }
.LBB2_1:
0x1d: {  	[dreg:$0x16] =	wrdreg s15  }
0x1e: {  	s13 =	sshrl.u32 @!p0 s2, $0x3;
	s14 =	simm.s32 @!p0 $0x1C04;
	s15 =	rddreg [dreg:$0x4]  }
0x1f: {  	[spmem:s13], [sflag:s14] =	dma.local @!p0 [hbm:s15], $0x186A0  }
0x20: {  	s13 =	simm.s32 @!p0 $0x4  }
0x21: {  	_ =	swait.ge @!p0 [sflag:s13], $0x186A0  }
0x22: {  	[sflag:s13] =	ssyncset.done @!p0 $0x0  }
0x23: {  	[sflag:s13] =	ssyncadd.s32 @!p0 $0xFFFE7960  }
0x24: {  	[bflag:$0x0] =	sbarrier.arrive $0xFFFF  }
0x25: {  	[tilespmem:$0x10680] =	vst v1  }
0x26: {  	[tilespmem:$0x10690] =	vst v1  }
0x27: {  	[tilespmem:$0x106A0] =	vst v1  }
0x28: {  	[tilespmem:$0x106B0] =	vst v1  }
0x29: {  	[tilespmem:$0x106C0] =	vst v1  }
0x2a: {  	[tilespmem:$0x106D0] =	vst v1  }
0x2b: {  	[tilespmem:$0x106E0] =	vst v1  }
0x2c: {  	[tilespmem:$0x106F0] =	vst v1  }
0x2d: {  	[tilespmem:$0x10700] =	vst v1  }
0x2e: {  	[tilespmem:$0x10710] =	vst v1  }
0x2f: {  	[tilespmem:$0x10720] =	vst v1  }
0x30: {  	[tilespmem:$0x10730] =	vst v1  }
0x31: {  	[tilespmem:$0x10740] =	vst v1  }
0x32: {  	[tilespmem:$0x10750] =	vst v1  }
0x33: {  	[tilespmem:$0x10760] =	vst v1  }
0x34: {  	[tilespmem:$0x10770] =	vst v1  }
0x35: {  	[tilespmem:$0x10780] =	vst v1  }
0x36: {  	[tilespmem:$0x10790] =	vst v1  }
0x37: {  	[tilespmem:$0x107A0] =	vst v1  }
0x38: {  	[tilespmem:$0x107B0] =	vst v1  }
0x39: {  	[tilespmem:$0x107C0] =	vst v1  }
0x3a: {  	[tilespmem:$0x107D0] =	vst v1  }
0x3b: {  	[tilespmem:$0x107E0] =	vst v1  }
0x3c: {  	[tilespmem:$0x107F0] =	vst v1  }
0x3d: {  	[tilespmem:$0x10800] =	vst v1  }
0x3e: {  	[tilespmem:$0x10810] =	vst v1  }
0x3f: {  	[tilespmem:$0x10820] =	vst v1  }
0x40: {  	[tilespmem:$0x10830] =	vst v1  }
0x41: {  	[tilespmem:$0x10840] =	vst v1  }
0x42: {  	[tilespmem:$0x10850] =	vst v1  }
0x43: {  	[tilespmem:$0x10860] =	vst v1  }
0x44: {  	[tilespmem:$0x10870] =	vst v1  }
0x45: {  	[tilespmem:$0x10880] =	vst v1  }
0x46: {  	[tilespmem:$0x10890] =	vst v1  }
0x47: {  	[tilespmem:$0x108A0] =	vst v1  }
0x48: {  	[tilespmem:$0x108B0] =	vst v1  }
0x49: {  	[tilespmem:$0x108C0] =	vst v1  }
0x4a: {  	[tilespmem:$0x108D0] =	vst v1  }
0x4b: {  	[tilespmem:$0x108E0] =	vst v1  }
0x4c: {  	[tilespmem:$0x108F0] =	vst v1  }
0x4d: {  	[tilespmem:$0x10900] =	vst v1  }
0x4e: {  	[tilespmem:$0x10910] =	vst v1  }
0x4f: {  	[tilespmem:$0x10920] =	vst v1  }
0x50: {  	[tilespmem:$0x10930] =	vst v1  }
0x51: {  	[tilespmem:$0x10940] =	vst v1  }
0x52: {  	[tilespmem:$0x10950] =	vst v1  }
0x53: {  	[tilespmem:$0x10960] =	vst v1  }
0x54: {  	[tilespmem:$0x10970] =	vst v1  }
0x55: {  	[tilespmem:$0x10980] =	vst v1  }
0x56: {  	[tilespmem:$0x10990] =	vst v1  }
0x57: {  	[tilespmem:$0x109A0] =	vst v1  }
0x58: {  	[tilespmem:$0x109B0] =	vst v1  }
0x59: {  	[tilespmem:$0x109C0] =	vst v1  }
0x5a: {  	[tilespmem:$0x109D0] =	vst v1  }
0x5b: {  	[tilespmem:$0x109E0] =	vst v1  }
0x5c: {  	[tilespmem:$0x109F0] =	vst v1  }
0x5d: {  	[tilespmem:$0x10A00] =	vst v1  }
0x5e: {  	[tilespmem:$0x10A10] =	vst v1  }
0x5f: {  	[tilespmem:$0x10A20] =	vst v1  }
0x60: {  	[tilespmem:$0x10A30] =	vst v1  }
0x61: {  	[tilespmem:$0x10A40] =	vst v1  }
0x62: {  	[tilespmem:$0x10A50] =	vst v1  }
0x63: {  	[tilespmem:$0x10A60] =	vst v1  }
0x64: {  	[tilespmem:$0x10A70] =	vst v1;
	s26 =	rddreg [dreg:$0x5]  }
0x65: {  	[tilespmem:s3], [sflag:$0x1] =	stream.linear.gather [hbm4b:s26+s3], $0x320, $0x38;
	[tilespmem:$0x1CDD0] =	vst v63  }
0x66: {  	s28 =	rddreg [dreg:$0x6]  }
0x67: {  	[tilespmem:s30], [sflag:$0x1] =	stream.linear.gather [hbm4b:s28+s3], $0x320, $0x38;
	[tilespmem:$0x1CDD0] =	vst v63  }
0x68: {  	s14 =	rddreg [dreg:$0x7]  }
0x69: {  	[tilespmem:s31], [sflag:$0x1] =	stream.linear.gather [hbm4b:s14+s3], $0x320, $0x38;
	[tilespmem:$0x1CDD0] =	vst v63  }
0x6a: {  	s15 =	rddreg [dreg:$0x8]  }
0x6b: {  	[tilespmem:s0], [sflag:$0x1] =	stream.linear.gather [hbm4b:s15+s3], $0x320, $0x38;
	[tilespmem:$0x1CDD0] =	vst v63  }
0x6c: {  	s26 =	rddreg [dreg:$0x9]  }
0x6d: {  	[tilespmem:s8], [sflag:$0x1] =	stream.linear.gather [hbm4b:s26+s3], $0x320, $0x38;
	[tilespmem:$0x1CDD0] =	vst v63  }
0x6e: {  	_ =	swait.ge [sflag:s10], $0x320  }
0x6f: {  	[sflag:s10] =	ssyncset.done $0x0  }
0x70: {  	[sflag:s10] =	ssyncadd.s32 $0xFFFFFCE0  }
0x71: {  	_ =	swait.ge [sflag:s10], $0x320  }
0x72: {  	[sflag:s10] =	ssyncset.done $0x0  }
0x73: {  	[sflag:s10] =	ssyncadd.s32 $0xFFFFFCE0  }
0x74: {  	_ =	swait.ge [sflag:s10], $0x320  }
0x75: {  	[sflag:s10] =	ssyncset.done $0x0  }
0x76: {  	[sflag:s10] =	ssyncadd.s32 $0xFFFFFCE0  }
0x77: {  	_ =	swait.ge [sflag:s10], $0x320  }
0x78: {  	[sflag:s10] =	ssyncset.done $0x0  }
0x79: {  	[sflag:s10] =	ssyncadd.s32 $0xFFFFFCE0  }
0x7a: {  	_ =	swait.ge [sflag:s10], $0x320  }
0x7b: {  	[sflag:s10] =	ssyncset.done $0x0  }
0x7c: {  	[sflag:s10] =	ssyncadd.s32 $0xFFFFFCE0  }
0x7d: {  	[tilespmem:s11], [sflag:$0x2] =	stream.indirect.gather [spmem:s2], $0x8, s3, s8, $0xb8;
	[tilespmem:$0x1CDD0] =	vst v63  }
0x7e: {  	s28 =	rddreg [dreg:$0xa]  }
0x7f: {  	[tilespmem:s12], [sflag:$0x1] =	stream.linear.gather [hbm4b:s28+s3], $0x320, $0x38;
	[tilespmem:$0x1CDD0] =	vst v63  }
0x80: {  	s15 =	simm.s32 $0x79E0;
	s14 =	rddreg [dreg:$0xb]  }
0x81: {  	[tilespmem:s15], [sflag:$0x1] =	stream.linear.gather [hbm4b:s14+s3], $0x320, $0x38;
	[tilespmem:$0x1CDD0] =	vst v63  }
0x82: {  	s26 =	rddreg [dreg:$0xc];
	s28 =	simm.s32 $0x7D00  }
0x83: {  	[tilespmem:s28], [sflag:$0x1] =	stream.linear.gather [hbm4b:s26+s3], $0x320, $0x38;
	[tilespmem:$0x1CDD0] =	vst v63  }
0x84: {  	s15 =	rddreg [dreg:$0xd];
	s26 =	simm.s32 $0x8020  }
0x85: {  	[tilespmem:s26], [sflag:$0x1] =	stream.linear.gather [hbm4b:s15+s3], $0x320, $0x38;
	[tilespmem:$0x1CDD0] =	vst v63  }
0x86: {  	s29 =	simm.s32 $0x0;
	s28 =	rddreg [dreg:$0xe]  }
0x87: {  	[tilespmem:s16], [sflag:$0x1] =	stream.linear.gather [hbm4b:s28+s3], $0x320, $0x38;
	[tilespmem:$0x1CDD0] =	vst v63  }
.LBB2_2:
0x88: {  	s13 =	simm.s32 $0x0  }
0x89: {  	v6 =	vmov s13  }
0x8a: {  	v6 =	vshll.u32 v6, $0x3  }
0x8b: {  	v7 =	vor.u32 v0, v6  }
0x8c: {  	v7 =	vor.u32 $0x3, v7  }
0x8d: {  	v8 =	vadd.s32 v4, v6  }
0x8e: {  	_ =	swait.ge [sflag:s17], $0x6400;
	v8 =	vor.u32 $0x3, v8  }
0x8f: {  	[sflag:s17] =	ssyncset.done $0x0  }
0x90: {  	[sflag:s17] =	ssyncadd.s32 $0xFFFF9C00  }
0x91: {  	v9 =	vadd.s32 v3, v6;
	v7 =	vld.idx.msk [tilespmem:v7+s11+$0x0], $0xffff  }
0x92: {  	v9 =	vor.u32 $0x3, v9  }
0x93: {  	v8 =	vld.idx.msk [tilespmem:v8+s11+$0x0], $0xffff;
	_ =	sdelay $0x1  }
0x94: {  	v6 =	vadd.s32 v2, v6  }
0x95: {  	v6 =	vor.u32 $0x3, v6;
	v7 =	vmul.f32 $2.600000000e+01, v7  }
0x96: {  	v9 =	vld.idx.msk [tilespmem:v9+s11+$0x0], $0xffff  }
0x97: {  	v7 =	vadd.f32 v8, v7;
	_ =	sdelay $0x1  }
0x98: {  	v7 =	vmul.f32 $2.600000000e+01, v7  }
0x99: {  	v6 =	vld.idx.msk [tilespmem:v6+s11+$0x0], $0xffff  }
0x9a: {  	v7 =	vadd.f32 v7, v9;
	_ =	sdelay $0x1  }
0x9b: {  	v7 =	vmul.f32 $2.600000000e+01, v7  }
0x9c: {  	s28 =	simm.s32 $0x10  }
0x9d: {  	v8 =	vmov s28;
	v6 =	vadd.f32 v7, v6  }
0x9e: {  	v7 =	vshll.u32 v8, $0x3  }
0x9f: {  	v8 =	vor.u32 v0, v7;
	v6 =	vmax.f32 v6, $0.0e+00  }
0xa0: {  	v8 =	vor.u32 $0x3, v8;
	v6 =	vmin.f32 v6, $4.569750000e+05  }
0xa1: {  	v62 =	vadd.s32 v4, v7;
	v6 =	vtrunc.f32 v6  }
0xa2: {  	v9 =	vor.u32 $0x3, v62;
	v6 =	vcvt.f32.s32 v6  }
0xa3: {  	s13 =	simm.s32 $0xFA0  }
0xa4: {  	[tilespmem:s13+$0x0] =	vst v6  }
0xa5: {  	v6 =	vld.idx.msk [tilespmem:v8+s11+$0x0], $0xffff;
	v8 =	vadd.s32 v3, v7  }
0xa6: {  	v8 =	vor.u32 $0x3, v8  }
0xa7: {  	v9 =	vld.idx.msk [tilespmem:v9+s11+$0x0], $0xffff;
	_ =	sdelay $0x1  }
0xa8: {  	v7 =	vadd.s32 v2, v7  }
0xa9: {  	v7 =	vor.u32 $0x3, v7;
	v6 =	vmul.f32 $2.600000000e+01, v6  }
0xaa: {  	v8 =	vld.idx.msk [tilespmem:v8+s11+$0x0], $0xffff  }
0xab: {  	v6 =	vadd.f32 v9, v6;
	_ =	sdelay $0x1  }
0xac: {  	v6 =	vmul.f32 $2.600000000e+01, v6  }
0xad: {  	v63 =	vld.idx.msk [tilespmem:v7+s11+$0x0], $0xffff  }
0xae: {  	v6 =	vadd.f32 v6, v8;
	_ =	sdelay $0x1  }
0xaf: {  	v6 =	vmul.f32 $2.600000000e+01, v6  }
0xb0: {  	s14 =	simm.s32 $0x20  }
0xb1: {  	v7 =	vmov s14;
	s14 =	simm.s32 $0x30;
	v6 =	vadd.f32 v6, v63  }
.LBB2_3:
0xb2: {  	p1 =	sne.s32 s14, $0x310;
	v7 =	vshll.u32 v7, $0x3  }
0xb3: {  	v8 =	vor.u32 v0, v7;
	v6 =	vmax.f32 v6, $0.0e+00  }
0xb4: {  	v8 =	vor.u32 $0x3, v8;
	v6 =	vmin.f32 v6, $4.569750000e+05  }
0xb5: {  	v9 =	vadd.s32 v4, v7;
	v6 =	vtrunc.f32 v6  }
0xb6: {  	v9 =	vor.u32 $0x3, v9;
	v6 =	vcvt.f32.s32 v6  }
0xb7: {  	s13 =	sadd.s32 $0x10, s13  }
0xb8: {  	[tilespmem:s13+$0x0] =	vst v6  }
0xb9: {  	v6 =	vld.idx.msk [tilespmem:v8+s11+$0x0], $0xffff;
	v8 =	vadd.s32 v3, v7  }
0xba: {  	v8 =	vor.u32 $0x3, v8  }
0xbb: {  	v9 =	vld.idx.msk [tilespmem:v9+s11+$0x0], $0xffff;
	_ =	sdelay $0x1  }
0xbc: {  	v7 =	vadd.s32 v2, v7  }
0xbd: {  	v7 =	vor.u32 $0x3, v7  }
0xbe: {  	v6 =	vmul.f32 $2.600000000e+01, v6;
	v8 =	vld.idx.msk [tilespmem:v8+s11+$0x0], $0xffff;
	_ =	sdelay $0x1  }
0xbf: {  	v6 =	vadd.f32 v9, v6;
	_ =	sdelay $0x1  }
0xc0: {  	v6 =	vmul.f32 $2.600000000e+01, v6;
	v9 =	vld.idx.msk [tilespmem:v7+s11+$0x0], $0xffff;
	_ =	sdelay $0x1  }
.Ltmp0:
0xc1: {  	v6 =	vadd.f32 v6, v8;
	(pc) =	sbr.rel @p1 .LBB2_3-.Ltmp0, $3  }
0xc2: {  	_ = 	snop  }
0xc3: {  	v6 =	vmul.f32 $2.600000000e+01, v6;
	_ =	sdelay $0x1  }
0xc4: {  	v7 =	vmov s14;
	s14 =	sadd.s32 $0x10, s14;
	v6 =	vadd.f32 v6, v9  }
0xc5: {  	v7 =	vshll.u32 v7, $0x3  }
0xc6: {  	v8 =	vor.u32 v0, v7;
	v6 =	vmax.f32 v6, $0.0e+00  }
0xc7: {  	v8 =	vor.u32 $0x3, v8;
	v6 =	vmin.f32 v6, $4.569750000e+05  }
0xc8: {  	v9 =	vadd.s32 v4, v7;
	v6 =	vtrunc.f32 v6  }
0xc9: {  	v9 =	vor.u32 $0x3, v9;
	v6 =	vcvt.f32.s32 v6  }
0xca: {  	s13 =	sadd.s32 $0x10, s13  }
0xcb: {  	[tilespmem:s13+$0x0] =	vst v6  }
0xcc: {  	v6 =	vld.idx.msk [tilespmem:v8+s11+$0x0], $0xffff;
	v8 =	vadd.s32 v3, v7  }
0xcd: {  	v8 =	vor.u32 $0x3, v8  }
0xce: {  	v9 =	vld.idx.msk [tilespmem:v9+s11+$0x0], $0xffff;
	_ =	sdelay $0x1  }
0xcf: {  	v7 =	vadd.s32 v2, v7  }
0xd0: {  	v7 =	vor.u32 $0x3, v7;
	v6 =	vmul.f32 $2.600000000e+01, v6  }
0xd1: {  	v8 =	vld.idx.msk [tilespmem:v8+s11+$0x0], $0xffff  }
0xd2: {  	v6 =	vadd.f32 v9, v6;
	_ =	sdelay $0x1  }
0xd3: {  	v6 =	vmul.f32 $2.600000000e+01, v6  }
0xd4: {  	v7 =	vld.idx.msk [tilespmem:v7+s11+$0x0], $0xffff  }
0xd5: {  	v6 =	vadd.f32 v6, v8;
	_ =	sdelay $0x1  }
0xd6: {  	v6 =	vmul.f32 $2.600000000e+01, v6;
	_ =	sdelay $0x1  }
0xd7: {  	v6 =	vadd.f32 v6, v7;
	_ =	sdelay $0x1  }
0xd8: {  	v6 =	vmax.f32 v6, $0.0e+00  }
0xd9: {  	v6 =	vmin.f32 v6, $4.569750000e+05  }
0xda: {  	v6 =	vtrunc.f32 v6  }
0xdb: {  	v6 =	vcvt.f32.s32 v6  }
0xdc: {  	s13 =	sadd.s32 $0x10, s13  }
0xdd: {  	[tilespmem:s13+$0x0] =	vst v6  }
0xde: {  	[tilespmem:s19], [sflag:$0x3] =	stream.indirect.gather [hbm4b:s9+s30], $0x8, s18, s30, $0xb8;
	[tilespmem:$0x1CDD0] =	vst v63  }
0xdf: {  	_ =	swait.ge [sflag:s10], $0x320  }
0xe0: {  	[sflag:s10] =	ssyncset.done $0x0  }
0xe1: {  	[sflag:s10] =	ssyncadd.s32 $0xFFFFFCE0  }
0xe2: {  	_ =	swait.ge [sflag:s10], $0x320  }
0xe3: {  	[sflag:s10] =	ssyncset.done $0x0  }
0xe4: {  	[sflag:s10] =	ssyncadd.s32 $0xFFFFFCE0  }
0xe5: {  	_ =	swait.ge [sflag:s10], $0x320  }
0xe6: {  	[sflag:s10] =	ssyncset.done $0x0  }
0xe7: {  	[sflag:s10] =	ssyncadd.s32 $0xFFFFFCE0  }
0xe8: {  	_ =	swait.ge [sflag:s10], $0x320  }
0xe9: {  	[sflag:s10] =	ssyncset.done $0x0  }
0xea: {  	s26 =	simm.s32 $0x0;
	[sflag:s10] =	ssyncadd.s32 $0xFFFFFCE0  }
0xeb: {  	v6 =	vmov s26;
	_ =	swait.ge [sflag:s10], $0x320  }
0xec: {  	v6 =	vshll.u32 v6, $0x3;
	[sflag:s10] =	ssyncset.done $0x0  }
0xed: {  	s26 =	simm.s32 $0xC80;
	v7 =	vadd.s32 v4, v6;
	[sflag:s10] =	ssyncadd.s32 $0xFFFFFCE0  }
0xee: {  	v8 =	vadd.s32 v3, v6;
	[tilespmem:s22], [sflag:$0x2] =	stream.indirect.gather [spmem:s2], $0x8, s12, s26, $0xb8;
	[tilespmem:$0x1CDD0] =	vst v63  }
0xef: {  	v9 =	vor.u32 $0x1, v7;
	_ =	swait.ge [sflag:s23], $0x1900  }
0xf0: {  	v10 =	vor.u32 $0x1, v8;
	[sflag:s23] =	ssyncset.done $0x0  }
0xf1: {  	v11 =	vor.u32 $0x2, v7;
	[sflag:s23] =	ssyncadd.s32 $0xFFFFE700  }
0xf2: {  	v12 =	vor.u32 $0x2, v8;
	v13 =	vld.idx.msk [tilespmem:v7+s11+$0x0], $0xffff  }
0xf3: {  	v8 =	vld.idx.msk [tilespmem:v8+s11+$0x0], $0xffff  }
0xf4: {  	v9 =	vld.idx.msk [tilespmem:v9+s11+$0x0], $0xffff  }
0xf5: {  	v10 =	vld.idx.msk [tilespmem:v10+s11+$0x0], $0xffff  }
0xf6: {  	v11 =	vld.idx.msk [tilespmem:v11+s11+$0x0], $0xffff  }
0xf7: {  	v12 =	vld.idx.msk [tilespmem:v12+s11+$0x0], $0xffff;
	_ =	sdelay $0x2  }
0xf8: {  	v14 =	vadd.s32 v2, v6;
	v15 =	vsub.f32 v8, v13;
	v16 =	vsub.f32 v10, v9  }
0xf9: {  	v17 =	vor.u32 $0x2, v14  }
0xfa: {  	v18 =	vsub.f32 v12, v11;
	v19 =	vmul.f32 v15, v15;
	v20 =	vmul.f32 v16, v16  }
0xfb: {  	v6 =	vor.u32 v0, v6  }
0xfc: {  	v21 =	vor.u32 $0x1, v6;
	v51 =	vmul.f32 v18, v18;
	v19 =	vadd.f32 v20, v19;
	_ =	sdelay $0x1  }
0xfd: {  	v22 =	vor.u32 $0x1, v14;
	v19 =	vadd.f32 v51, v19  }
0xfe: {  	v17 =	vld.idx.msk [tilespmem:v17+s11+$0x0], $0xffff  }
0xff: {  	v7 =	vor.u32 $0x2, v6;
	v23 =	vld.idx.msk [tilespmem:v6+s11+$0x0], $0xffff;
	v19 =	vmax.f32 v19, $1.000000000e-30  }
0x100: {  	v25 =	vld.idx.msk [tilespmem:v21+s11+$0x0], $0xffff;
	v24 =	vshra.s32 v19, $0x1;
	v19 =	vmul.f32 $5.000000000e-01, v19  }
0x101: {  	v24 =	vsub.s32 $0x5F3759DF, v24  }
0x102: {  	v22 =	vld.idx.msk [tilespmem:v22+s11+$0x0], $0xffff;
	v26 =	vmul.f32 v24, v19;
	_ =	sdelay $0x1  }
0x103: {  	v52 =	vld.idx.msk [tilespmem:v7+s11+$0x0], $0xffff;
	v12 =	vsub.f32 v17, v12;
	v53 =	vmul.f32 v24, v26  }
0x104: {  	v13 =	vsub.f32 v13, v23;
	v9 =	vsub.f32 v9, v25  }
0x105: {  	v14 =	vld.idx.msk [tilespmem:v14+s11+$0x0], $0xffff;
	v55 =	vmul.f32 v12, v15;
	v20 =	vsub.f32 $1.500000000e+00, v53  }
0x106: {  	v10 =	vsub.f32 v22, v10;
	v56 =	vmul.f32 v16, v13;
	v25 =	vmul.f32 v18, v9  }
0x107: {  	v13 =	vmul.f32 v18, v13;
	v20 =	vmul.f32 v24, v20  }
0x108: {  	v57 =	vmul.f32 v10, v15;
	v9 =	vmul.f32 v15, v9;
	v11 =	vsub.f32 v11, v52  }
0x109: {  	v10 =	vmul.f32 v10, v18;
	v58 =	vmul.f32 v20, v19  }
0x10a: {  	v8 =	vsub.f32 v14, v8;
	v12 =	vmul.f32 v12, v16;
	v54 =	vmul.f32 v15, v11  }
0x10b: {  	v9 =	vsub.f32 v56, v9;
	v11 =	vmul.f32 v16, v11;
	v14 =	vmul.f32 v58, v20  }
0x10c: {  	v59 =	vmul.f32 v8, v16;
	v8 =	vmul.f32 v8, v18;
	v13 =	vsub.f32 v54, v13  }
0x10d: {  	v22 =	vmul.f32 v9, v16;
	v11 =	vsub.f32 v25, v11;
	v14 =	vsub.f32 $1.500000000e+00, v14  }
0x10e: {  	v60 =	vmul.f32 v9, v15;
	v17 =	vmul.f32 v13, v18  }
0x10f: {  	v10 =	vsub.f32 v12, v10;
	v27 =	vmul.f32 v11, v18;
	v14 =	vmul.f32 v14, v20  }
0x110: {  	v8 =	vsub.f32 v8, v55;
	v12 =	vmul.f32 v11, v16;
	v17 =	vsub.f32 v17, v22  }
0x111: {  	v15 =	vmul.f32 v13, v15;
	v61 =	vsub.f32 v60, v27;
	v62 =	vmul.f32 v14, v19  }
0x112: {  	v63 =	vsub.f32 v57, v59;
	v17 =	vmul.f32 v10, v17  }
0x113: {  	v12 =	vsub.f32 v12, v15;
	v16 =	vmul.f32 v8, v61;
	v15 =	vmul.f32 v62, v14  }
0x114: {  	v10 =	vmul.f32 v10, v11;
	v8 =	vmul.f32 v8, v13  }
0x115: {  	v12 =	vmul.f32 v63, v12;
	v11 =	vadd.f32 v16, v17;
	v13 =	vsub.f32 $1.500000000e+00, v15  }
0x116: {  	v9 =	vmul.f32 v63, v9  }
0x117: {  	v8 =	vadd.f32 v8, v10;
	v10 =	vadd.f32 v11, v12;
	v11 =	vmul.f32 v13, v14;
	_ =	sdelay $0x1  }
0x118: {  	v8 =	vadd.f32 v8, v9;
	v9 =	vmul.f32 v11, v10;
	_ =	sdelay $0x1  }
0x119: {  	v10 =	vmul.f32 v8, v8;
	v11 =	vmul.f32 v9, v9;
	_ =	sdelay $0x1  }
0x11a: {  	v10 =	vadd.f32 v11, v10;
	_ =	sdelay $0x1  }
0x11b: {  	v11 =	vmax.f32 v10, $1.000000000e-30  }
0x11c: {  	v12 =	vshra.s32 v11, $0x1;
	v11 =	vmul.f32 $5.000000000e-01, v11  }
0x11d: {  	v12 =	vsub.s32 $0x5F3759DF, v12  }
0x11e: {  	v13 =	vmul.f32 v12, v11;
	_ =	sdelay $0x1  }
0x11f: {  	v13 =	vmul.f32 v12, v13;
	_ =	sdelay $0x1  }
0x120: {  	v13 =	vsub.f32 $1.500000000e+00, v13;
	_ =	sdelay $0x1  }
0x121: {  	v12 =	vmul.f32 v12, v13;
	_ =	sdelay $0x1  }
0x122: {  	v13 =	vmul.f32 v12, v11;
	_ =	sdelay $0x1  }
0x123: {  	v13 =	vmul.f32 v13, v12;
	_ =	sdelay $0x1  }
0x124: {  	v13 =	vsub.f32 $1.500000000e+00, v13;
	_ =	sdelay $0x1  }
0x125: {  	v12 =	vmul.f32 v13, v12;
	_ =	sdelay $0x1  }
0x126: {  	v11 =	vmul.f32 v12, v11;
	_ =	sdelay $0x1  }
0x127: {  	v11 =	vmul.f32 v11, v12;
	_ =	sdelay $0x1  }
0x128: {  	v11 =	vsub.f32 $1.500000000e+00, v11;
	_ =	sdelay $0x1  }
0x129: {  	v11 =	vmul.f32 v11, v12;
	_ =	sdelay $0x1  }
0x12a: {  	v8 =	vmul.f32 v11, v8;
	v9 =	vmul.f32 v11, v9  }
0x12b: {  	vm0 =	vlt.f32 v10, $1.000000000e-30  }
0x12c: {  	v13 =	vld.idx.msk [tilespmem:v6+s19+$0x0], $0xffff;
	v11 =	vsel vm0, $0x3F800000, v8;
	v9 =	vsel vm0, $0x0, v9  }
0x12d: {  	s28 =	simm.s32 $0xC80;
	s13 =	simm.s32 $0x10;
	v14 =	vor.u32 $0x3, v6;
	v8 =	vld.idx.msk [tilespmem:v21+s19+$0x0], $0xffff;
	v10 =	vadd.f32 v11, v11;
	v12 =	vadd.f32 v9, v9  }
.LBB2_5:
0x12e: {  	p1 =	sne.s32 s13, $0x310  }
0x12f: {  	v15 =	vmul.f32 v10, v11;
	v16 =	vor.u32 $0x6, v6;
	s26 =	sadd.s32 $0x10, s26;
	s14 =	smov.u32 s13;
	s13 =	sadd.s32 $0x10, s13  }
0x130: {  	v18 =	vor.u32 $0x4, v6;
	v19 =	vor.u32 $0x5, v6;
	v17 =	vmov s14  }
0x131: {  	v13 =	vmul.f32 v11, v13;
	v6 =	vshll.u32 v17, $0x3;
	v15 =	vadd.f32 $-1.000000000e+00, v15;
	v17 =	vld.idx.msk [tilespmem:v7+s19+$0x0], $0xffff  }
0x132: {  	v20 =	vadd.s32 v4, v6;
	v21 =	vadd.s32 v3, v6;
	v22 =	vadd.s32 v2, v6  }
0x133: {  	v23 =	vor.u32 $0x1, v20;
	v24 =	vor.u32 $0x1, v21;
	v25 =	vmul.f32 v15, v10;
	v14 =	vld.idx.msk [tilespmem:v14+s19+$0x0], $0xffff  }
0x134: {  	v6 =	vor.u32 v0, v6;
	v26 =	vor.u32 $0x2, v21;
	v15 =	vmul.f32 v15, v8  }
0x135: {  	v8 =	vor.u32 $0x1, v6;
	v7 =	vor.u32 $0x2, v6;
	v25 =	vsub.f32 v25, v11;
	v18 =	vld.idx.msk [tilespmem:v18+s19+$0x0], $0xffff  }
0x136: {  	v27 =	vor.u32 $0x1, v22;
	v28 =	vor.u32 $0x2, v22;
	v11 =	vmul.f32 v12, v11  }
0x137: {  	v12 =	vor.u32 $0x2, v20;
	v13 =	vadd.f32 v15, v13;
	v19 =	vld.idx.msk [tilespmem:v19+s19+$0x0], $0xffff;
	v15 =	vmul.f32 v25, v17  }
0x138: {  	v10 =	vmul.f32 v11, v10  }
0x139: {  	v14 =	vmul.f32 v9, v14;
	v13 =	vadd.f32 v15, v13;
	v15 =	vld [tilespmem:s28+$0x0];
	s28 =	smov.u32 s26  }
0x13a: {  	v9 =	vsub.f32 v10, v9  }
0x13b: {  	v11 =	vmul.f32 v11, v18;
	v10 =	vld.idx.msk [tilespmem:v16+s19+$0x0], $0xffff;
	v13 =	vadd.f32 v13, v14;
	_ =	sdelay $0x1  }
0x13c: {  	v9 =	vmul.f32 v9, v19;
	v11 =	vadd.f32 v13, v11  }
0x13d: {  	v13 =	vadd.s32 v5, v15  }
0x13e: {  	v9 =	vadd.f32 v11, v9;
	_ =	sdelay $0x1  }
0x13f: {  	v9 =	vsub.f32 v10, v9;
	_ =	sdelay $0x1  }
0x140: {  	[tilespmem:v13+s24+$0x0] =	vst.idx.add.f32.msk $0xffff, v9  }
0x141: {  	v9 =	vld.idx.msk [tilespmem:v28+s11+$0x0], $0xffff  }
0x142: {  	v10 =	vld.idx.msk [tilespmem:v20+s11+$0x0], $0xffff  }
0x143: {  	v11 =	vld.idx.msk [tilespmem:v6+s11+$0x0], $0xffff  }
0x144: {  	v12 =	vld.idx.msk [tilespmem:v12+s11+$0x0], $0xffff  }
0x145: {  	v13 =	vld.idx.msk [tilespmem:v7+s11+$0x0], $0xffff  }
0x146: {  	v14 =	vld.idx.msk [tilespmem:v26+s11+$0x0], $0xffff  }
0x147: {  	v15 =	vld.idx.msk [tilespmem:v21+s11+$0x0], $0xffff  }
0x148: {  	v16 =	vld.idx.msk [tilespmem:v23+s11+$0x0], $0xffff  }
0x149: {  	v17 =	vld.idx.msk [tilespmem:v24+s11+$0x0], $0xffff  }
0x14a: {  	v11 =	vsub.f32 v10, v11;
	v18 =	vld.idx.msk [tilespmem:v8+s11+$0x0], $0xffff  }
0x14b: {  	v19 =	vld.idx.msk [tilespmem:v27+s11+$0x0], $0xffff  }
0x14c: {  	v13 =	vsub.f32 v12, v13;
	v9 =	vsub.f32 v9, v14  }
0x14d: {  	v10 =	vsub.f32 v15, v10;
	_ =	sdelay $0x1  }
0x14e: {  	v12 =	vsub.f32 v14, v12;
	v20 =	vsub.f32 v17, v16;
	v14 =	vmul.f32 v10, v13  }
0x14f: {  	v16 =	vsub.f32 v16, v18;
	v18 =	vmul.f32 v9, v10;
	v21 =	vld.idx.msk [tilespmem:v22+s11+$0x0], $0xffff;
	v22 =	vmul.f32 v10, v10  }
0x150: {  	v17 =	vsub.f32 v19, v17;
	v19 =	vmul.f32 v20, v11;
	v23 =	vmul.f32 v20, v20  }
0x151: {  	v11 =	vmul.f32 v12, v11;
	v24 =	vmul.f32 v12, v16  }
0x152: {  	v25 =	vmul.f32 v17, v10;
	v22 =	vadd.f32 v23, v22;
	v23 =	vmul.f32 v12, v12  }
0x153: {  	v13 =	vmul.f32 v20, v13;
	v11 =	vsub.f32 v14, v11;
	v14 =	vmul.f32 v10, v16  }
0x154: {  	v16 =	vmul.f32 v17, v12;
	v17 =	vadd.f32 v23, v22  }
0x155: {  	v9 =	vmul.f32 v9, v20;
	v14 =	vsub.f32 v19, v14;
	v19 =	vmul.f32 v11, v12  }
0x156: {  	v13 =	vsub.f32 v24, v13;
	v15 =	vsub.f32 v21, v15;
	v17 =	vmax.f32 v17, $1.000000000e-30  }
0x157: {  	v21 =	vmul.f32 v14, v20;
	v22 =	vshra.s32 v17, $0x1;
	v17 =	vmul.f32 $5.000000000e-01, v17  }
0x158: {  	v24 =	vmul.f32 v14, v10;
	v23 =	vmul.f32 v15, v20;
	v22 =	vsub.s32 $0x5F3759DF, v22  }
0x159: {  	v19 =	vsub.f32 v19, v21;
	v21 =	vmul.f32 v13, v12;
	v26 =	vmul.f32 v22, v17  }
0x15a: {  	v9 =	vsub.f32 v9, v16;
	v12 =	vmul.f32 v15, v12;
	v15 =	vmul.f32 v13, v20  }
0x15b: {  	v16 =	vsub.f32 v25, v23;
	v20 =	vsub.f32 v24, v21;
	v21 =	vmul.f32 v22, v26  }
0x15c: {  	v13 =	vmul.f32 v9, v13;
	v12 =	vsub.f32 v12, v18;
	v9 =	vmul.f32 v9, v19  }
0x15d: {  	v10 =	vmul.f32 v11, v10;
	v14 =	vmul.f32 v16, v14;
	v18 =	vsub.f32 $1.500000000e+00, v21  }
0x15e: {  	v11 =	vmul.f32 v12, v11;
	v12 =	vmul.f32 v12, v20  }
0x15f: {  	v18 =	vmul.f32 v22, v18  }
0x160: {  	v11 =	vadd.f32 v11, v13;
	v9 =	vadd.f32 v12, v9  }
0x161: {  	v12 =	vmul.f32 v18, v17;
	_ =	sdelay $0x1  }
0x162: {  	v12 =	vmul.f32 v12, v18;
	_ =	sdelay $0x1  }
0x163: {  	v12 =	vsub.f32 $1.500000000e+00, v12;
	_ =	sdelay $0x1  }
0x164: {  	v12 =	vmul.f32 v12, v18;
	_ =	sdelay $0x1  }
0x165: {  	v13 =	vmul.f32 v12, v17;
	_ =	sdelay $0x1  }
0x166: {  	v10 =	vsub.f32 v15, v10;
	v13 =	vmul.f32 v13, v12;
	_ =	sdelay $0x1  }
0x167: {  	v10 =	vmul.f32 v16, v10;
	v13 =	vsub.f32 $1.500000000e+00, v13;
	_ =	sdelay $0x1  }
0x168: {  	v9 =	vadd.f32 v9, v10;
	v10 =	vmul.f32 v13, v12;
	_ =	sdelay $0x1  }
0x169: {  	v11 =	vadd.f32 v11, v14;
	v9 =	vmul.f32 v10, v9;
	_ =	sdelay $0x1  }
0x16a: {  	v10 =	vmul.f32 v11, v11;
	v12 =	vmul.f32 v9, v9;
	_ =	sdelay $0x1  }
0x16b: {  	v10 =	vadd.f32 v12, v10;
	_ =	sdelay $0x1  }
0x16c: {  	v12 =	vmax.f32 v10, $1.000000000e-30  }
0x16d: {  	v13 =	vshra.s32 v12, $0x1;
	v12 =	vmul.f32 $5.000000000e-01, v12  }
0x16e: {  	v13 =	vsub.s32 $0x5F3759DF, v13  }
0x16f: {  	v14 =	vmul.f32 v13, v12;
	_ =	sdelay $0x1  }
0x170: {  	v14 =	vmul.f32 v13, v14;
	_ =	sdelay $0x1  }
0x171: {  	v14 =	vsub.f32 $1.500000000e+00, v14;
	_ =	sdelay $0x1  }
0x172: {  	v13 =	vmul.f32 v13, v14;
	_ =	sdelay $0x1  }
0x173: {  	v14 =	vmul.f32 v13, v12;
	_ =	sdelay $0x1  }
0x174: {  	v14 =	vmul.f32 v14, v13;
	_ =	sdelay $0x1  }
0x175: {  	v14 =	vsub.f32 $1.500000000e+00, v14;
	_ =	sdelay $0x1  }
0x176: {  	v13 =	vmul.f32 v14, v13;
	_ =	sdelay $0x1  }
0x177: {  	v12 =	vmul.f32 v13, v12;
	_ =	sdelay $0x1  }
0x178: {  	v12 =	vmul.f32 v12, v13;
	_ =	sdelay $0x1  }
0x179: {  	v12 =	vsub.f32 $1.500000000e+00, v12;
	_ =	sdelay $0x1  }
0x17a: {  	v12 =	vmul.f32 v12, v13;
	_ =	sdelay $0x1  }
.Ltmp1:
0x17b: {  	v11 =	vmul.f32 v12, v11;
	v9 =	vmul.f32 v12, v9;
	(pc) =	sbr.rel @p1 .LBB2_5-.Ltmp1, $4  }
0x17c: {  	vm0 =	vlt.f32 v10, $1.000000000e-30;
	v13 =	vld.idx.msk [tilespmem:v6+s19+$0x0], $0xffff  }
0x17d: {  	v11 =	vsel vm0, $0x3F800000, v11;
	v9 =	vsel vm0, $0x0, v9  }
0x17e: {  	v10 =	vadd.f32 v11, v11;
	v12 =	vadd.f32 v9, v9  }
0x17f: {  	v14 =	vor.u32 $0x3, v6;
	v8 =	vld.idx.msk [tilespmem:v8+s19+$0x0], $0xffff  }
0x180: {  	_ = 	snop  }
0x181: {  	v15 =	vmul.f32 v10, v11;
	_ =	sdelay $0x1  }
0x182: {  	v16 =	vor.u32 $0x4, v6;
	v15 =	vadd.f32 $-1.000000000e+00, v15  }
0x183: {  	v7 =	vld.idx.msk [tilespmem:v7+s19+$0x0], $0xffff  }
0x184: {  	v17 =	vor.u32 $0x5, v6;
	v18 =	vmul.f32 v15, v10  }
0x185: {  	v14 =	vld.idx.msk [tilespmem:v14+s19+$0x0], $0xffff  }
0x186: {  	v13 =	vmul.f32 v11, v13;
	v8 =	vmul.f32 v15, v8;
	v54 =	vsub.f32 v18, v11  }
0x187: {  	v6 =	vor.u32 $0x6, v6;
	v16 =	vld.idx.msk [tilespmem:v16+s19+$0x0], $0xffff  }
0x188: {  	v55 =	vmul.f32 v12, v11;
	v8 =	vadd.f32 v8, v13;
	v7 =	vmul.f32 v54, v7  }
0x189: {  	v56 =	vld.idx.msk [tilespmem:v17+s19+$0x0], $0xffff  }
0x18a: {  	v58 =	vld [tilespmem:s28+$0x0];
	v57 =	vmul.f32 v55, v10;
	v7 =	vadd.f32 v7, v8;
	v8 =	vmul.f32 v9, v14;
	_ =	sdelay $0x1  }
0x18b: {  	v59 =	vsub.f32 v57, v9;
	v7 =	vadd.f32 v7, v8;
	v8 =	vmul.f32 v55, v16  }
0x18c: {  	v6 =	vld.idx.msk [tilespmem:v6+s19+$0x0], $0xffff  }
0x18d: {  	v7 =	vadd.f32 v7, v8;
	v8 =	vmul.f32 v59, v56  }
0x18e: {  	v60 =	vadd.s32 v5, v58  }
0x18f: {  	s26 =	smul.u32 $0x640, s29;
	v7 =	vadd.f32 v7, v8;
	_ =	sdelay $0x1  }
0x190: {  	s13 =	sadd.s32 s26, s20;
	v6 =	vsub.f32 v6, v7  }
0x191: {  	s13 =	sshrl.u32 s13, $0x3  }
0x192: {  	s28 =	simm.s32 $0x0;
	s14 =	sadd.s32 s4, s13;
	[tilespmem:v60+s24+$0x0] =	vst.idx.add.f32.msk $0xffff, v6  }
0x193: {  	[tilespmem:s28], [sflag:$0x1] =	stream.linear.gather [hbm4b:s14+s28], $0x320, $0x38;
	[tilespmem:$0x1CDD0] =	vst v63  }
0x194: {  	s15 =	sadd.s32 s5, s13  }
0x195: {  	[tilespmem:s30], [sflag:$0x1] =	stream.linear.gather [hbm4b:s15+s28], $0x320, $0x38;
	[tilespmem:$0x1CDD0] =	vst v63  }
0x196: {  	s15 =	sadd.s32 s6, s13  }
0x197: {  	v6 =	vmov s28;
	[tilespmem:s31], [sflag:$0x1] =	stream.linear.gather [hbm4b:s15+s28], $0x320, $0x38;
	[tilespmem:$0x1CDD0] =	vst v63  }
0x198: {  	v6 =	vshll.u32 v6, $0x3;
	s15 =	sadd.s32 s7, s13  }
0x199: {  	v7 =	vor.u32 v0, v6;
	[tilespmem:s0], [sflag:$0x1] =	stream.linear.gather [hbm4b:s15+s28], $0x320, $0x38;
	[tilespmem:$0x1CDD0] =	vst v63  }
0x19a: {  	v7 =	vor.u32 $0x3, v7;
	s13 =	sadd.s32 s1, s13  }
0x19b: {  	v8 =	vadd.s32 v4, v6;
	[tilespmem:s8], [sflag:$0x1] =	stream.linear.gather [hbm4b:s13+s28], $0x320, $0x38;
	[tilespmem:$0x1CDD0] =	vst v63  }
0x19c: {  	v8 =	vor.u32 $0x3, v8;
	_ =	swait.ge [sflag:s17], $0x6400  }
0x19d: {  	[sflag:s17] =	ssyncset.done $0x0  }
0x19e: {  	[sflag:s17] =	ssyncadd.s32 $0xFFFF9C00  }
0x19f: {  	v61 =	vadd.s32 v3, v6;
	v7 =	vld.idx.msk [tilespmem:v7+s22+$0x0], $0xffff  }
0x1a0: {  	v9 =	vor.u32 $0x3, v61  }
0x1a1: {  	v8 =	vld.idx.msk [tilespmem:v8+s22+$0x0], $0xffff;
	_ =	sdelay $0x1  }
0x1a2: {  	v6 =	vadd.s32 v2, v6  }
0x1a3: {  	v6 =	vor.u32 $0x3, v6;
	v7 =	vmul.f32 $2.600000000e+01, v7  }
0x1a4: {  	v9 =	vld.idx.msk [tilespmem:v9+s22+$0x0], $0xffff  }
0x1a5: {  	v7 =	vadd.f32 v8, v7;
	_ =	sdelay $0x1  }
0x1a6: {  	v7 =	vmul.f32 $2.600000000e+01, v7  }
0x1a7: {  	v6 =	vld.idx.msk [tilespmem:v6+s22+$0x0], $0xffff  }
0x1a8: {  	v7 =	vadd.f32 v7, v9;
	_ =	sdelay $0x1  }
0x1a9: {  	v7 =	vmul.f32 $2.600000000e+01, v7  }
0x1aa: {  	s15 =	simm.s32 $0x10  }
0x1ab: {  	v8 =	vmov s15;
	v6 =	vadd.f32 v7, v6  }
0x1ac: {  	v7 =	vshll.u32 v8, $0x3  }
0x1ad: {  	v8 =	vor.u32 v0, v7;
	v6 =	vmax.f32 v6, $0.0e+00  }
0x1ae: {  	v8 =	vor.u32 $0x3, v8;
	v6 =	vmin.f32 v6, $4.569750000e+05  }
0x1af: {  	v62 =	vadd.s32 v4, v7;
	v6 =	vtrunc.f32 v6  }
0x1b0: {  	v9 =	vor.u32 $0x3, v62;
	v6 =	vcvt.f32.s32 v6  }
0x1b1: {  	s13 =	simm.s32 $0x8660  }
0x1b2: {  	[tilespmem:s13+$0x0] =	vst v6  }
0x1b3: {  	v6 =	vld.idx.msk [tilespmem:v8+s22+$0x0], $0xffff;
	v8 =	vadd.s32 v3, v7  }
0x1b4: {  	v8 =	vor.u32 $0x3, v8  }
0x1b5: {  	v9 =	vld.idx.msk [tilespmem:v9+s22+$0x0], $0xffff;
	_ =	sdelay $0x1  }
0x1b6: {  	v7 =	vadd.s32 v2, v7  }
0x1b7: {  	v7 =	vor.u32 $0x3, v7;
	v6 =	vmul.f32 $2.600000000e+01, v6  }
0x1b8: {  	v8 =	vld.idx.msk [tilespmem:v8+s22+$0x0], $0xffff  }
0x1b9: {  	v6 =	vadd.f32 v9, v6;
	_ =	sdelay $0x1  }
0x1ba: {  	v6 =	vmul.f32 $2.600000000e+01, v6  }
0x1bb: {  	v63 =	vld.idx.msk [tilespmem:v7+s22+$0x0], $0xffff  }
0x1bc: {  	v6 =	vadd.f32 v6, v8;
	_ =	sdelay $0x1  }
0x1bd: {  	v6 =	vmul.f32 $2.600000000e+01, v6  }
0x1be: {  	s28 =	simm.s32 $0x20  }
0x1bf: {  	s14 =	simm.s32 $0x30;
	v7 =	vmov s28;
	v6 =	vadd.f32 v6, v63  }
.LBB2_7:
0x1c0: {  	p1 =	sne.s32 s14, $0x310;
	v7 =	vshll.u32 v7, $0x3  }
0x1c1: {  	v8 =	vor.u32 v0, v7;
	v6 =	vmax.f32 v6, $0.0e+00  }
0x1c2: {  	v8 =	vor.u32 $0x3, v8;
	v6 =	vmin.f32 v6, $4.569750000e+05  }
0x1c3: {  	v9 =	vadd.s32 v4, v7;
	v6 =	vtrunc.f32 v6  }
0x1c4: {  	v9 =	vor.u32 $0x3, v9;
	v6 =	vcvt.f32.s32 v6  }
0x1c5: {  	s13 =	sadd.s32 $0x10, s13  }
0x1c6: {  	[tilespmem:s13+$0x0] =	vst v6  }
0x1c7: {  	v6 =	vld.idx.msk [tilespmem:v8+s22+$0x0], $0xffff;
	v8 =	vadd.s32 v3, v7  }
0x1c8: {  	v8 =	vor.u32 $0x3, v8  }
0x1c9: {  	v9 =	vld.idx.msk [tilespmem:v9+s22+$0x0], $0xffff;
	_ =	sdelay $0x1  }
0x1ca: {  	v7 =	vadd.s32 v2, v7  }
0x1cb: {  	v7 =	vor.u32 $0x3, v7  }
0x1cc: {  	v6 =	vmul.f32 $2.600000000e+01, v6;
	v8 =	vld.idx.msk [tilespmem:v8+s22+$0x0], $0xffff;
	_ =	sdelay $0x1  }
0x1cd: {  	v6 =	vadd.f32 v9, v6;
	_ =	sdelay $0x1  }
0x1ce: {  	v6 =	vmul.f32 $2.600000000e+01, v6;
	v9 =	vld.idx.msk [tilespmem:v7+s22+$0x0], $0xffff;
	_ =	sdelay $0x1  }
.Ltmp2:
0x1cf: {  	v6 =	vadd.f32 v6, v8;
	(pc) =	sbr.rel @p1 .LBB2_7-.Ltmp2, $3  }
0x1d0: {  	_ = 	snop  }
0x1d1: {  	v6 =	vmul.f32 $2.600000000e+01, v6;
	_ =	sdelay $0x1  }
0x1d2: {  	v7 =	vmov s14;
	s14 =	sadd.s32 $0x10, s14;
	v6 =	vadd.f32 v6, v9  }
0x1d3: {  	v7 =	vshll.u32 v7, $0x3  }
0x1d4: {  	v8 =	vor.u32 v0, v7;
	v6 =	vmax.f32 v6, $0.0e+00  }
0x1d5: {  	v8 =	vor.u32 $0x3, v8;
	v6 =	vmin.f32 v6, $4.569750000e+05  }
0x1d6: {  	v9 =	vadd.s32 v4, v7;
	v6 =	vtrunc.f32 v6  }
0x1d7: {  	v9 =	vor.u32 $0x3, v9;
	v6 =	vcvt.f32.s32 v6  }
0x1d8: {  	s13 =	sadd.s32 $0x10, s13  }
0x1d9: {  	[tilespmem:s13+$0x0] =	vst v6  }
0x1da: {  	v6 =	vld.idx.msk [tilespmem:v8+s22+$0x0], $0xffff;
	v8 =	vadd.s32 v3, v7  }
0x1db: {  	v8 =	vor.u32 $0x3, v8  }
0x1dc: {  	v9 =	vld.idx.msk [tilespmem:v9+s22+$0x0], $0xffff;
	_ =	sdelay $0x1  }
0x1dd: {  	v7 =	vadd.s32 v2, v7  }
0x1de: {  	v7 =	vor.u32 $0x3, v7;
	v6 =	vmul.f32 $2.600000000e+01, v6  }
0x1df: {  	v8 =	vld.idx.msk [tilespmem:v8+s22+$0x0], $0xffff  }
0x1e0: {  	v6 =	vadd.f32 v9, v6;
	_ =	sdelay $0x1  }
0x1e1: {  	v6 =	vmul.f32 $2.600000000e+01, v6  }
0x1e2: {  	v7 =	vld.idx.msk [tilespmem:v7+s22+$0x0], $0xffff  }
0x1e3: {  	v6 =	vadd.f32 v6, v8;
	_ =	sdelay $0x1  }
0x1e4: {  	v6 =	vmul.f32 $2.600000000e+01, v6;
	_ =	sdelay $0x1  }
0x1e5: {  	v6 =	vadd.f32 v6, v7;
	_ =	sdelay $0x1  }
0x1e6: {  	v6 =	vmax.f32 v6, $0.0e+00  }
0x1e7: {  	v6 =	vmin.f32 v6, $4.569750000e+05  }
0x1e8: {  	v6 =	vtrunc.f32 v6  }
0x1e9: {  	v6 =	vcvt.f32.s32 v6  }
0x1ea: {  	s13 =	sadd.s32 $0x10, s13  }
0x1eb: {  	[tilespmem:s13+$0x0] =	vst v6  }
0x1ec: {  	[tilespmem:s19], [sflag:$0x3] =	stream.indirect.gather [hbm4b:s9+s30], $0x8, s25, s30, $0xb8;
	[tilespmem:$0x1CDD0] =	vst v63  }
0x1ed: {  	_ =	swait.ge [sflag:s10], $0x320  }
0x1ee: {  	[sflag:s10] =	ssyncset.done $0x0  }
0x1ef: {  	[sflag:s10] =	ssyncadd.s32 $0xFFFFFCE0  }
0x1f0: {  	_ =	swait.ge [sflag:s10], $0x320  }
0x1f1: {  	[sflag:s10] =	ssyncset.done $0x0  }
0x1f2: {  	[sflag:s10] =	ssyncadd.s32 $0xFFFFFCE0  }
0x1f3: {  	_ =	swait.ge [sflag:s10], $0x320  }
0x1f4: {  	[sflag:s10] =	ssyncset.done $0x0  }
0x1f5: {  	[sflag:s10] =	ssyncadd.s32 $0xFFFFFCE0  }
0x1f6: {  	_ =	swait.ge [sflag:s10], $0x320  }
0x1f7: {  	[sflag:s10] =	ssyncset.done $0x0  }
0x1f8: {  	s15 =	simm.s32 $0x0;
	[sflag:s10] =	ssyncadd.s32 $0xFFFFFCE0  }
0x1f9: {  	v6 =	vmov s15;
	_ =	swait.ge [sflag:s10], $0x320  }
0x1fa: {  	v6 =	vshll.u32 v6, $0x3;
	[sflag:s10] =	ssyncset.done $0x0  }
0x1fb: {  	v7 =	vadd.s32 v4, v6;
	[sflag:s10] =	ssyncadd.s32 $0xFFFFFCE0  }
0x1fc: {  	v8 =	vadd.s32 v3, v6;
	[tilespmem:s11], [sflag:$0x2] =	stream.indirect.gather [spmem:s2], $0x8, s15, s8, $0xb8;
	[tilespmem:$0x1CDD0] =	vst v63  }
0x1fd: {  	v9 =	vor.u32 $0x1, v7;
	_ =	swait.ge [sflag:s23], $0x1900  }
0x1fe: {  	v10 =	vor.u32 $0x1, v8;
	[sflag:s23] =	ssyncset.done $0x0  }
0x1ff: {  	v11 =	vor.u32 $0x2, v7;
	[sflag:s23] =	ssyncadd.s32 $0xFFFFE700  }
0x200: {  	v12 =	vor.u32 $0x2, v8;
	v13 =	vld.idx.msk [tilespmem:v7+s22+$0x0], $0xffff  }
0x201: {  	v8 =	vld.idx.msk [tilespmem:v8+s22+$0x0], $0xffff  }
0x202: {  	v9 =	vld.idx.msk [tilespmem:v9+s22+$0x0], $0xffff  }
0x203: {  	v10 =	vld.idx.msk [tilespmem:v10+s22+$0x0], $0xffff  }
0x204: {  	v11 =	vld.idx.msk [tilespmem:v11+s22+$0x0], $0xffff  }
0x205: {  	v12 =	vld.idx.msk [tilespmem:v12+s22+$0x0], $0xffff;
	_ =	sdelay $0x2  }
0x206: {  	v14 =	vadd.s32 v2, v6;
	v15 =	vsub.f32 v8, v13;
	v16 =	vsub.f32 v10, v9  }
0x207: {  	v17 =	vor.u32 $0x2, v14  }
0x208: {  	v18 =	vsub.f32 v12, v11;
	v19 =	vmul.f32 v15, v15;
	v20 =	vmul.f32 v16, v16  }
0x209: {  	v6 =	vor.u32 v0, v6  }
0x20a: {  	v21 =	vor.u32 $0x1, v6;
	v51 =	vmul.f32 v18, v18;
	v19 =	vadd.f32 v20, v19;
	_ =	sdelay $0x1  }
0x20b: {  	v22 =	vor.u32 $0x1, v14;
	v19 =	vadd.f32 v51, v19  }
0x20c: {  	v17 =	vld.idx.msk [tilespmem:v17+s22+$0x0], $0xffff  }
0x20d: {  	v7 =	vor.u32 $0x2, v6;
	v23 =	vld.idx.msk [tilespmem:v6+s22+$0x0], $0xffff;
	v19 =	vmax.f32 v19, $1.000000000e-30  }
0x20e: {  	v25 =	vld.idx.msk [tilespmem:v21+s22+$0x0], $0xffff;
	v24 =	vshra.s32 v19, $0x1;
	v19 =	vmul.f32 $5.000000000e-01, v19  }
0x20f: {  	v24 =	vsub.s32 $0x5F3759DF, v24  }
0x210: {  	v22 =	vld.idx.msk [tilespmem:v22+s22+$0x0], $0xffff;
	v26 =	vmul.f32 v24, v19;
	_ =	sdelay $0x1  }
0x211: {  	v52 =	vld.idx.msk [tilespmem:v7+s22+$0x0], $0xffff;
	v12 =	vsub.f32 v17, v12;
	v53 =	vmul.f32 v24, v26  }
0x212: {  	v13 =	vsub.f32 v13, v23;
	v9 =	vsub.f32 v9, v25  }
0x213: {  	v14 =	vld.idx.msk [tilespmem:v14+s22+$0x0], $0xffff;
	v55 =	vmul.f32 v12, v15;
	v20 =	vsub.f32 $1.500000000e+00, v53  }
0x214: {  	v10 =	vsub.f32 v22, v10;
	v56 =	vmul.f32 v16, v13;
	v25 =	vmul.f32 v18, v9  }
0x215: {  	v13 =	vmul.f32 v18, v13;
	v20 =	vmul.f32 v24, v20  }
0x216: {  	v57 =	vmul.f32 v10, v15;
	v9 =	vmul.f32 v15, v9;
	v11 =	vsub.f32 v11, v52  }
0x217: {  	v10 =	vmul.f32 v10, v18;
	v58 =	vmul.f32 v20, v19  }
0x218: {  	v8 =	vsub.f32 v14, v8;
	v12 =	vmul.f32 v12, v16;
	v54 =	vmul.f32 v15, v11  }
0x219: {  	v9 =	vsub.f32 v56, v9;
	v11 =	vmul.f32 v16, v11;
	v14 =	vmul.f32 v58, v20  }
0x21a: {  	v59 =	vmul.f32 v8, v16;
	v8 =	vmul.f32 v8, v18;
	v13 =	vsub.f32 v54, v13  }
0x21b: {  	v22 =	vmul.f32 v9, v16;
	v11 =	vsub.f32 v25, v11;
	v14 =	vsub.f32 $1.500000000e+00, v14  }
0x21c: {  	v60 =	vmul.f32 v9, v15;
	v17 =	vmul.f32 v13, v18  }
0x21d: {  	v10 =	vsub.f32 v12, v10;
	v27 =	vmul.f32 v11, v18;
	v14 =	vmul.f32 v14, v20  }
0x21e: {  	v8 =	vsub.f32 v8, v55;
	v12 =	vmul.f32 v11, v16;
	v17 =	vsub.f32 v17, v22  }
0x21f: {  	v15 =	vmul.f32 v13, v15;
	v61 =	vsub.f32 v60, v27;
	v62 =	vmul.f32 v14, v19  }
0x220: {  	v63 =	vsub.f32 v57, v59;
	v17 =	vmul.f32 v10, v17  }
0x221: {  	v12 =	vsub.f32 v12, v15;
	v16 =	vmul.f32 v8, v61;
	v15 =	vmul.f32 v62, v14  }
0x222: {  	v10 =	vmul.f32 v10, v11;
	v8 =	vmul.f32 v8, v13  }
0x223: {  	v12 =	vmul.f32 v63, v12;
	v11 =	vadd.f32 v16, v17;
	v13 =	vsub.f32 $1.500000000e+00, v15  }
0x224: {  	v9 =	vmul.f32 v63, v9  }
0x225: {  	v8 =	vadd.f32 v8, v10;
	v10 =	vadd.f32 v11, v12;
	v11 =	vmul.f32 v13, v14;
	_ =	sdelay $0x1  }
0x226: {  	v8 =	vadd.f32 v8, v9;
	v9 =	vmul.f32 v11, v10;
	_ =	sdelay $0x1  }
0x227: {  	v10 =	vmul.f32 v8, v8;
	v11 =	vmul.f32 v9, v9;
	_ =	sdelay $0x1  }
0x228: {  	v10 =	vadd.f32 v11, v10;
	_ =	sdelay $0x1  }
0x229: {  	v11 =	vmax.f32 v10, $1.000000000e-30  }
0x22a: {  	v12 =	vshra.s32 v11, $0x1;
	v11 =	vmul.f32 $5.000000000e-01, v11  }
0x22b: {  	v12 =	vsub.s32 $0x5F3759DF, v12  }
0x22c: {  	v13 =	vmul.f32 v12, v11;
	_ =	sdelay $0x1  }
0x22d: {  	v13 =	vmul.f32 v12, v13;
	_ =	sdelay $0x1  }
0x22e: {  	v13 =	vsub.f32 $1.500000000e+00, v13;
	_ =	sdelay $0x1  }
0x22f: {  	v12 =	vmul.f32 v12, v13;
	_ =	sdelay $0x1  }
0x230: {  	v13 =	vmul.f32 v12, v11;
	_ =	sdelay $0x1  }
0x231: {  	v13 =	vmul.f32 v13, v12;
	_ =	sdelay $0x1  }
0x232: {  	v13 =	vsub.f32 $1.500000000e+00, v13;
	_ =	sdelay $0x1  }
0x233: {  	v12 =	vmul.f32 v13, v12;
	_ =	sdelay $0x1  }
0x234: {  	v11 =	vmul.f32 v12, v11;
	_ =	sdelay $0x1  }
0x235: {  	v11 =	vmul.f32 v11, v12;
	_ =	sdelay $0x1  }
0x236: {  	v11 =	vsub.f32 $1.500000000e+00, v11;
	_ =	sdelay $0x1  }
0x237: {  	v11 =	vmul.f32 v11, v12;
	_ =	sdelay $0x1  }
0x238: {  	v8 =	vmul.f32 v11, v8;
	v9 =	vmul.f32 v11, v9  }
0x239: {  	vm0 =	vlt.f32 v10, $1.000000000e-30  }
0x23a: {  	v13 =	vld.idx.msk [tilespmem:v6+s19+$0x0], $0xffff;
	v11 =	vsel vm0, $0x3F800000, v8;
	v9 =	vsel vm0, $0x0, v9  }
0x23b: {  	s14 =	simm.s32 $0x10;
	s28 =	simm.s32 $0x8340;
	s13 =	simm.s32 $0x8340;
	v14 =	vor.u32 $0x3, v6;
	v8 =	vld.idx.msk [tilespmem:v21+s19+$0x0], $0xffff;
	v10 =	vadd.f32 v11, v11;
	v12 =	vadd.f32 v9, v9  }
.LBB2_9:
0x23c: {  	p1 =	sne.s32 s14, $0x310  }
0x23d: {  	v15 =	vmul.f32 v10, v11;
	v16 =	vor.u32 $0x6, v6;
	s13 =	sadd.s32 $0x10, s13;
	s15 =	smov.u32 s14;
	s14 =	sadd.s32 $0x10, s14  }
0x23e: {  	v18 =	vor.u32 $0x4, v6;
	v19 =	vor.u32 $0x5, v6;
	v17 =	vmov s15  }
0x23f: {  	v13 =	vmul.f32 v11, v13;
	v6 =	vshll.u32 v17, $0x3;
	v15 =	vadd.f32 $-1.000000000e+00, v15;
	v17 =	vld.idx.msk [tilespmem:v7+s19+$0x0], $0xffff  }
0x240: {  	v20 =	vadd.s32 v4, v6;
	v21 =	vadd.s32 v3, v6;
	v22 =	vadd.s32 v2, v6  }
0x241: {  	v23 =	vor.u32 $0x1, v20;
	v24 =	vor.u32 $0x1, v21;
	v25 =	vmul.f32 v15, v10;
	v14 =	vld.idx.msk [tilespmem:v14+s19+$0x0], $0xffff  }
0x242: {  	v6 =	vor.u32 v0, v6;
	v26 =	vor.u32 $0x2, v21;
	v15 =	vmul.f32 v15, v8  }
0x243: {  	v8 =	vor.u32 $0x1, v6;
	v7 =	vor.u32 $0x2, v6;
	v25 =	vsub.f32 v25, v11;
	v18 =	vld.idx.msk [tilespmem:v18+s19+$0x0], $0xffff  }
0x244: {  	v27 =	vor.u32 $0x1, v22;
	v28 =	vor.u32 $0x2, v22;
	v11 =	vmul.f32 v12, v11  }
0x245: {  	v12 =	vor.u32 $0x2, v20;
	v13 =	vadd.f32 v15, v13;
	v19 =	vld.idx.msk [tilespmem:v19+s19+$0x0], $0xffff;
	v15 =	vmul.f32 v25, v17  }
0x246: {  	v10 =	vmul.f32 v11, v10  }
0x247: {  	v14 =	vmul.f32 v9, v14;
	v13 =	vadd.f32 v15, v13;
	v15 =	vld [tilespmem:s28+$0x0];
	s28 =	smov.u32 s13  }
0x248: {  	v9 =	vsub.f32 v10, v9  }
0x249: {  	v11 =	vmul.f32 v11, v18;
	v10 =	vld.idx.msk [tilespmem:v16+s19+$0x0], $0xffff;
	v13 =	vadd.f32 v13, v14;
	_ =	sdelay $0x1  }
0x24a: {  	v9 =	vmul.f32 v9, v19;
	v11 =	vadd.f32 v13, v11  }
0x24b: {  	v13 =	vadd.s32 v5, v15  }
0x24c: {  	v9 =	vadd.f32 v11, v9;
	_ =	sdelay $0x1  }
0x24d: {  	v9 =	vsub.f32 v10, v9;
	_ =	sdelay $0x1  }
0x24e: {  	[tilespmem:v13+s24+$0x0] =	vst.idx.add.f32.msk $0xffff, v9  }
0x24f: {  	v9 =	vld.idx.msk [tilespmem:v28+s22+$0x0], $0xffff  }
0x250: {  	v10 =	vld.idx.msk [tilespmem:v20+s22+$0x0], $0xffff  }
0x251: {  	v11 =	vld.idx.msk [tilespmem:v6+s22+$0x0], $0xffff  }
0x252: {  	v12 =	vld.idx.msk [tilespmem:v12+s22+$0x0], $0xffff  }
0x253: {  	v13 =	vld.idx.msk [tilespmem:v7+s22+$0x0], $0xffff  }
0x254: {  	v14 =	vld.idx.msk [tilespmem:v26+s22+$0x0], $0xffff  }
0x255: {  	v15 =	vld.idx.msk [tilespmem:v21+s22+$0x0], $0xffff  }
0x256: {  	v16 =	vld.idx.msk [tilespmem:v23+s22+$0x0], $0xffff  }
0x257: {  	v17 =	vld.idx.msk [tilespmem:v24+s22+$0x0], $0xffff  }
0x258: {  	v11 =	vsub.f32 v10, v11;
	v18 =	vld.idx.msk [tilespmem:v8+s22+$0x0], $0xffff  }
0x259: {  	v19 =	vld.idx.msk [tilespmem:v27+s22+$0x0], $0xffff  }
0x25a: {  	v13 =	vsub.f32 v12, v13;
	v9 =	vsub.f32 v9, v14  }
0x25b: {  	v10 =	vsub.f32 v15, v10;
	_ =	sdelay $0x1  }
0x25c: {  	v12 =	vsub.f32 v14, v12;
	v20 =	vsub.f32 v17, v16;
	v14 =	vmul.f32 v10, v13  }
0x25d: {  	v16 =	vsub.f32 v16, v18;
	v18 =	vmul.f32 v9, v10;
	v21 =	vld.idx.msk [tilespmem:v22+s22+$0x0], $0xffff;
	v22 =	vmul.f32 v10, v10  }
0x25e: {  	v17 =	vsub.f32 v19, v17;
	v19 =	vmul.f32 v20, v11;
	v23 =	vmul.f32 v20, v20  }
0x25f: {  	v11 =	vmul.f32 v12, v11;
	v24 =	vmul.f32 v12, v16  }
0x260: {  	v25 =	vmul.f32 v17, v10;
	v22 =	vadd.f32 v23, v22;
	v23 =	vmul.f32 v12, v12  }
0x261: {  	v13 =	vmul.f32 v20, v13;
	v11 =	vsub.f32 v14, v11;
	v14 =	vmul.f32 v10, v16  }
0x262: {  	v16 =	vmul.f32 v17, v12;
	v17 =	vadd.f32 v23, v22  }
0x263: {  	v9 =	vmul.f32 v9, v20;
	v14 =	vsub.f32 v19, v14;
	v19 =	vmul.f32 v11, v12  }
0x264: {  	v13 =	vsub.f32 v24, v13;
	v15 =	vsub.f32 v21, v15;
	v17 =	vmax.f32 v17, $1.000000000e-30  }
0x265: {  	v21 =	vmul.f32 v14, v20;
	v22 =	vshra.s32 v17, $0x1;
	v17 =	vmul.f32 $5.000000000e-01, v17  }
0x266: {  	v24 =	vmul.f32 v14, v10;
	v23 =	vmul.f32 v15, v20;
	v22 =	vsub.s32 $0x5F3759DF, v22  }
0x267: {  	v19 =	vsub.f32 v19, v21;
	v21 =	vmul.f32 v13, v12;
	v26 =	vmul.f32 v22, v17  }
0x268: {  	v9 =	vsub.f32 v9, v16;
	v12 =	vmul.f32 v15, v12;
	v15 =	vmul.f32 v13, v20  }
0x269: {  	v16 =	vsub.f32 v25, v23;
	v20 =	vsub.f32 v24, v21;
	v21 =	vmul.f32 v22, v26  }
0x26a: {  	v13 =	vmul.f32 v9, v13;
	v12 =	vsub.f32 v12, v18;
	v9 =	vmul.f32 v9, v19  }
0x26b: {  	v10 =	vmul.f32 v11, v10;
	v14 =	vmul.f32 v16, v14;
	v18 =	vsub.f32 $1.500000000e+00, v21  }
0x26c: {  	v11 =	vmul.f32 v12, v11;
	v12 =	vmul.f32 v12, v20  }
0x26d: {  	v18 =	vmul.f32 v22, v18  }
0x26e: {  	v11 =	vadd.f32 v11, v13;
	v9 =	vadd.f32 v12, v9  }
0x26f: {  	v12 =	vmul.f32 v18, v17;
	_ =	sdelay $0x1  }
0x270: {  	v12 =	vmul.f32 v12, v18;
	_ =	sdelay $0x1  }
0x271: {  	v12 =	vsub.f32 $1.500000000e+00, v12;
	_ =	sdelay $0x1  }
0x272: {  	v12 =	vmul.f32 v12, v18;
	_ =	sdelay $0x1  }
0x273: {  	v13 =	vmul.f32 v12, v17;
	_ =	sdelay $0x1  }
0x274: {  	v10 =	vsub.f32 v15, v10;
	v13 =	vmul.f32 v13, v12;
	_ =	sdelay $0x1  }
0x275: {  	v10 =	vmul.f32 v16, v10;
	v13 =	vsub.f32 $1.500000000e+00, v13;
	_ =	sdelay $0x1  }
0x276: {  	v9 =	vadd.f32 v9, v10;
	v10 =	vmul.f32 v13, v12;
	_ =	sdelay $0x1  }
0x277: {  	v11 =	vadd.f32 v11, v14;
	v9 =	vmul.f32 v10, v9;
	_ =	sdelay $0x1  }
0x278: {  	v10 =	vmul.f32 v11, v11;
	v12 =	vmul.f32 v9, v9;
	_ =	sdelay $0x1  }
0x279: {  	v10 =	vadd.f32 v12, v10;
	_ =	sdelay $0x1  }
0x27a: {  	v12 =	vmax.f32 v10, $1.000000000e-30  }
0x27b: {  	v13 =	vshra.s32 v12, $0x1;
	v12 =	vmul.f32 $5.000000000e-01, v12  }
0x27c: {  	v13 =	vsub.s32 $0x5F3759DF, v13  }
0x27d: {  	v14 =	vmul.f32 v13, v12;
	_ =	sdelay $0x1  }
0x27e: {  	v14 =	vmul.f32 v13, v14;
	_ =	sdelay $0x1  }
0x27f: {  	v14 =	vsub.f32 $1.500000000e+00, v14;
	_ =	sdelay $0x1  }
0x280: {  	v13 =	vmul.f32 v13, v14;
	_ =	sdelay $0x1  }
0x281: {  	v14 =	vmul.f32 v13, v12;
	_ =	sdelay $0x1  }
0x282: {  	v14 =	vmul.f32 v14, v13;
	_ =	sdelay $0x1  }
0x283: {  	v14 =	vsub.f32 $1.500000000e+00, v14;
	_ =	sdelay $0x1  }
0x284: {  	v13 =	vmul.f32 v14, v13;
	_ =	sdelay $0x1  }
0x285: {  	v12 =	vmul.f32 v13, v12;
	_ =	sdelay $0x1  }
0x286: {  	v12 =	vmul.f32 v12, v13;
	_ =	sdelay $0x1  }
0x287: {  	v12 =	vsub.f32 $1.500000000e+00, v12;
	_ =	sdelay $0x1  }
0x288: {  	v12 =	vmul.f32 v12, v13;
	_ =	sdelay $0x1  }
.Ltmp3:
0x289: {  	v11 =	vmul.f32 v12, v11;
	v9 =	vmul.f32 v12, v9;
	(pc) =	sbr.rel @p1 .LBB2_9-.Ltmp3, $4  }
0x28a: {  	vm0 =	vlt.f32 v10, $1.000000000e-30;
	v13 =	vld.idx.msk [tilespmem:v6+s19+$0x0], $0xffff  }
0x28b: {  	v11 =	vsel vm0, $0x3F800000, v11;
	v9 =	vsel vm0, $0x0, v9  }
0x28c: {  	v10 =	vadd.f32 v11, v11;
	v12 =	vadd.f32 v9, v9  }
0x28d: {  	v14 =	vor.u32 $0x3, v6;
	v8 =	vld.idx.msk [tilespmem:v8+s19+$0x0], $0xffff  }
0x28e: {  	_ = 	snop  }
0x28f: {  	v15 =	vmul.f32 v10, v11;
	_ =	sdelay $0x1  }
0x290: {  	v16 =	vor.u32 $0x4, v6;
	v15 =	vadd.f32 $-1.000000000e+00, v15  }
0x291: {  	v7 =	vld.idx.msk [tilespmem:v7+s19+$0x0], $0xffff  }
0x292: {  	v17 =	vor.u32 $0x5, v6;
	v18 =	vmul.f32 v15, v10  }
0x293: {  	v14 =	vld.idx.msk [tilespmem:v14+s19+$0x0], $0xffff  }
0x294: {  	v13 =	vmul.f32 v11, v13;
	v8 =	vmul.f32 v15, v8;
	v54 =	vsub.f32 v18, v11  }
0x295: {  	v6 =	vor.u32 $0x6, v6;
	v16 =	vld.idx.msk [tilespmem:v16+s19+$0x0], $0xffff  }
0x296: {  	v55 =	vmul.f32 v12, v11;
	v8 =	vadd.f32 v8, v13;
	v7 =	vmul.f32 v54, v7  }
0x297: {  	v56 =	vld.idx.msk [tilespmem:v17+s19+$0x0], $0xffff  }
0x298: {  	v59 =	vld [tilespmem:s28+$0x0];
	v57 =	vmul.f32 v55, v10;
	v58 =	vmul.f32 v9, v14;
	v7 =	vadd.f32 v7, v8;
	_ =	sdelay $0x1  }
0x299: {  	v60 =	vsub.f32 v57, v9;
	v61 =	vmul.f32 v55, v16;
	v7 =	vadd.f32 v7, v58  }
0x29a: {  	v6 =	vld.idx.msk [tilespmem:v6+s19+$0x0], $0xffff  }
0x29b: {  	v62 =	vmul.f32 v60, v56;
	v7 =	vadd.f32 v7, v61  }
0x29c: {  	v63 =	vadd.s32 v5, v59  }
0x29d: {  	v7 =	vadd.f32 v7, v62;
	_ =	sdelay $0x1  }
0x29e: {  	s13 =	sadd.s32 s26, s21;
	v6 =	vsub.f32 v6, v7  }
0x29f: {  	s13 =	sshrl.u32 s13, $0x3  }
0x2a0: {  	s14 =	sadd.s32 s4, s13;
	[tilespmem:v63+s24+$0x0] =	vst.idx.add.f32.msk $0xffff, v6  }
0x2a1: {  	[tilespmem:s12], [sflag:$0x1] =	stream.linear.gather [hbm4b:s14+s3], $0x320, $0x38;
	[tilespmem:$0x1CDD0] =	vst v63  }
0x2a2: {  	s15 =	simm.s32 $0x79E0;
	s29 =	sadd.s32 $0x1, s29;
	s28 =	sadd.s32 s5, s13  }
0x2a3: {  	[tilespmem:s15], [sflag:$0x1] =	stream.linear.gather [hbm4b:s28+s3], $0x320, $0x38;
	[tilespmem:$0x1CDD0] =	vst v63  }
0x2a4: {  	p1 =	sne.s32 s29, $0x3D;
	s26 =	sadd.s32 s6, s13;
	s28 =	simm.s32 $0x7D00  }
0x2a5: {  	[tilespmem:s28], [sflag:$0x1] =	stream.linear.gather [hbm4b:s26+s3], $0x320, $0x38;
	[tilespmem:$0x1CDD0] =	vst v63  }
.Ltmp4:
0x2a6: {  	_ = 	snop;
	(pc) =	sbr.rel @p1 .LBB2_2-.Ltmp4, $4  }
0x2a7: {  	s26 =	sadd.s32 s7, s13;
	s28 =	simm.s32 $0x8020  }
0x2a8: {  	[tilespmem:s28], [sflag:$0x1] =	stream.linear.gather [hbm4b:s26+s3], $0x320, $0x38;
	[tilespmem:$0x1CDD0] =	vst v63  }
0x2a9: {  	s13 =	sadd.s32 s1, s13  }
0x2aa: {  	[tilespmem:s16], [sflag:$0x1] =	stream.linear.gather [hbm4b:s13+s3], $0x320, $0x38;
	[tilespmem:$0x1CDD0] =	vst v63  }
0x2ab: {  	s13 =	simm.s32 $0x0  }
0x2ac: {  	v6 =	vmov s13  }
0x2ad: {  	v6 =	vshll.u32 v6, $0x3  }
0x2ae: {  	v7 =	vor.u32 v0, v6  }
0x2af: {  	v7 =	vor.u32 $0x3, v7  }
0x2b0: {  	v8 =	vadd.s32 v4, v6  }
0x2b1: {  	_ =	swait.ge [sflag:s17], $0x6400;
	v8 =	vor.u32 $0x3, v8  }
0x2b2: {  	[sflag:s17] =	ssyncset.done $0x0  }
0x2b3: {  	[sflag:s17] =	ssyncadd.s32 $0xFFFF9C00  }
0x2b4: {  	v9 =	vadd.s32 v3, v6;
	v7 =	vld.idx.msk [tilespmem:v7+s11+$0x0], $0xffff  }
0x2b5: {  	v9 =	vor.u32 $0x3, v9  }
0x2b6: {  	v8 =	vld.idx.msk [tilespmem:v8+s11+$0x0], $0xffff;
	_ =	sdelay $0x1  }
0x2b7: {  	v6 =	vadd.s32 v2, v6  }
0x2b8: {  	v6 =	vor.u32 $0x3, v6;
	v7 =	vmul.f32 $2.600000000e+01, v7  }
0x2b9: {  	v9 =	vld.idx.msk [tilespmem:v9+s11+$0x0], $0xffff  }
0x2ba: {  	v7 =	vadd.f32 v8, v7;
	_ =	sdelay $0x1  }
0x2bb: {  	v7 =	vmul.f32 $2.600000000e+01, v7  }
0x2bc: {  	v6 =	vld.idx.msk [tilespmem:v6+s11+$0x0], $0xffff  }
0x2bd: {  	v7 =	vadd.f32 v7, v9;
	_ =	sdelay $0x1  }
0x2be: {  	v7 =	vmul.f32 $2.600000000e+01, v7  }
0x2bf: {  	s29 =	simm.s32 $0x10  }
0x2c0: {  	v8 =	vmov s29;
	v6 =	vadd.f32 v7, v6  }
0x2c1: {  	v7 =	vshll.u32 v8, $0x3  }
0x2c2: {  	v8 =	vor.u32 v0, v7;
	v6 =	vmax.f32 v6, $0.0e+00  }
0x2c3: {  	v8 =	vor.u32 $0x3, v8;
	v6 =	vmin.f32 v6, $4.569750000e+05  }
0x2c4: {  	v62 =	vadd.s32 v4, v7;
	v6 =	vtrunc.f32 v6  }
0x2c5: {  	v9 =	vor.u32 $0x3, v62;
	v6 =	vcvt.f32.s32 v6  }
0x2c6: {  	s13 =	simm.s32 $0xFA0  }
0x2c7: {  	[tilespmem:s13+$0x0] =	vst v6  }
0x2c8: {  	v6 =	vld.idx.msk [tilespmem:v8+s11+$0x0], $0xffff;
	v8 =	vadd.s32 v3, v7  }
0x2c9: {  	v8 =	vor.u32 $0x3, v8  }
0x2ca: {  	v9 =	vld.idx.msk [tilespmem:v9+s11+$0x0], $0xffff;
	_ =	sdelay $0x1  }
0x2cb: {  	v7 =	vadd.s32 v2, v7  }
0x2cc: {  	v7 =	vor.u32 $0x3, v7;
	v6 =	vmul.f32 $2.600000000e+01, v6  }
0x2cd: {  	v8 =	vld.idx.msk [tilespmem:v8+s11+$0x0], $0xffff  }
0x2ce: {  	v6 =	vadd.f32 v9, v6;
	_ =	sdelay $0x1  }
0x2cf: {  	v6 =	vmul.f32 $2.600000000e+01, v6  }
0x2d0: {  	v63 =	vld.idx.msk [tilespmem:v7+s11+$0x0], $0xffff  }
0x2d1: {  	v6 =	vadd.f32 v6, v8;
	_ =	sdelay $0x1  }
0x2d2: {  	v6 =	vmul.f32 $2.600000000e+01, v6  }
0x2d3: {  	s14 =	simm.s32 $0x20  }
0x2d4: {  	v7 =	vmov s14;
	s14 =	simm.s32 $0x30;
	v6 =	vadd.f32 v6, v63  }
.LBB2_12:
0x2d5: {  	p1 =	sne.s32 s14, $0x310;
	v7 =	vshll.u32 v7, $0x3  }
0x2d6: {  	v8 =	vor.u32 v0, v7;
	v6 =	vmax.f32 v6, $0.0e+00  }
0x2d7: {  	v8 =	vor.u32 $0x3, v8;
	v6 =	vmin.f32 v6, $4.569750000e+05  }
0x2d8: {  	v9 =	vadd.s32 v4, v7;
	v6 =	vtrunc.f32 v6  }
0x2d9: {  	v9 =	vor.u32 $0x3, v9;
	v6 =	vcvt.f32.s32 v6  }
0x2da: {  	s13 =	sadd.s32 $0x10, s13  }
0x2db: {  	[tilespmem:s13+$0x0] =	vst v6  }
0x2dc: {  	v6 =	vld.idx.msk [tilespmem:v8+s11+$0x0], $0xffff;
	v8 =	vadd.s32 v3, v7  }
0x2dd: {  	v8 =	vor.u32 $0x3, v8  }
0x2de: {  	v9 =	vld.idx.msk [tilespmem:v9+s11+$0x0], $0xffff;
	_ =	sdelay $0x1  }
0x2df: {  	v7 =	vadd.s32 v2, v7  }
0x2e0: {  	v7 =	vor.u32 $0x3, v7  }
0x2e1: {  	v6 =	vmul.f32 $2.600000000e+01, v6;
	v8 =	vld.idx.msk [tilespmem:v8+s11+$0x0], $0xffff;
	_ =	sdelay $0x1  }
0x2e2: {  	v6 =	vadd.f32 v9, v6;
	_ =	sdelay $0x1  }
0x2e3: {  	v6 =	vmul.f32 $2.600000000e+01, v6;
	v9 =	vld.idx.msk [tilespmem:v7+s11+$0x0], $0xffff;
	_ =	sdelay $0x1  }
.Ltmp5:
0x2e4: {  	v6 =	vadd.f32 v6, v8;
	(pc) =	sbr.rel @p1 .LBB2_12-.Ltmp5, $3  }
0x2e5: {  	_ = 	snop  }
0x2e6: {  	v6 =	vmul.f32 $2.600000000e+01, v6;
	_ =	sdelay $0x1  }
0x2e7: {  	v7 =	vmov s14;
	s14 =	sadd.s32 $0x10, s14;
	v6 =	vadd.f32 v6, v9  }
0x2e8: {  	v7 =	vshll.u32 v7, $0x3  }
0x2e9: {  	v8 =	vor.u32 v0, v7;
	v6 =	vmax.f32 v6, $0.0e+00  }
0x2ea: {  	v8 =	vor.u32 $0x3, v8;
	v6 =	vmin.f32 v6, $4.569750000e+05  }
0x2eb: {  	v9 =	vadd.s32 v4, v7;
	v6 =	vtrunc.f32 v6  }
0x2ec: {  	v9 =	vor.u32 $0x3, v9;
	v6 =	vcvt.f32.s32 v6  }
0x2ed: {  	s13 =	sadd.s32 $0x10, s13  }
0x2ee: {  	[tilespmem:s13+$0x0] =	vst v6  }
0x2ef: {  	v6 =	vld.idx.msk [tilespmem:v8+s11+$0x0], $0xffff;
	v8 =	vadd.s32 v3, v7  }
0x2f0: {  	v8 =	vor.u32 $0x3, v8  }
0x2f1: {  	v9 =	vld.idx.msk [tilespmem:v9+s11+$0x0], $0xffff;
	_ =	sdelay $0x1  }
0x2f2: {  	v7 =	vadd.s32 v2, v7  }
0x2f3: {  	v7 =	vor.u32 $0x3, v7;
	v6 =	vmul.f32 $2.600000000e+01, v6  }
0x2f4: {  	v8 =	vld.idx.msk [tilespmem:v8+s11+$0x0], $0xffff  }
0x2f5: {  	v6 =	vadd.f32 v9, v6;
	_ =	sdelay $0x1  }
0x2f6: {  	v6 =	vmul.f32 $2.600000000e+01, v6  }
0x2f7: {  	v7 =	vld.idx.msk [tilespmem:v7+s11+$0x0], $0xffff  }
0x2f8: {  	v6 =	vadd.f32 v6, v8;
	_ =	sdelay $0x1  }
0x2f9: {  	v6 =	vmul.f32 $2.600000000e+01, v6;
	_ =	sdelay $0x1  }
0x2fa: {  	v6 =	vadd.f32 v6, v7;
	_ =	sdelay $0x1  }
0x2fb: {  	v6 =	vmax.f32 v6, $0.0e+00  }
0x2fc: {  	v6 =	vmin.f32 v6, $4.569750000e+05  }
0x2fd: {  	v6 =	vtrunc.f32 v6  }
0x2fe: {  	v6 =	vcvt.f32.s32 v6  }
0x2ff: {  	s13 =	sadd.s32 $0x10, s13  }
0x300: {  	[tilespmem:s13+$0x0] =	vst v6  }
0x301: {  	[tilespmem:s19], [sflag:$0x3] =	stream.indirect.gather [hbm4b:s9+s30], $0x8, s18, s30, $0xb8;
	[tilespmem:$0x1CDD0] =	vst v63  }
0x302: {  	_ =	swait.ge [sflag:s10], $0x320  }
0x303: {  	[sflag:s10] =	ssyncset.done $0x0  }
0x304: {  	[sflag:s10] =	ssyncadd.s32 $0xFFFFFCE0  }
0x305: {  	_ =	swait.ge [sflag:s10], $0x320  }
0x306: {  	[sflag:s10] =	ssyncset.done $0x0  }
0x307: {  	[sflag:s10] =	ssyncadd.s32 $0xFFFFFCE0  }
0x308: {  	_ =	swait.ge [sflag:s10], $0x320  }
0x309: {  	[sflag:s10] =	ssyncset.done $0x0  }
0x30a: {  	[sflag:s10] =	ssyncadd.s32 $0xFFFFFCE0  }
0x30b: {  	_ =	swait.ge [sflag:s10], $0x320  }
0x30c: {  	[sflag:s10] =	ssyncset.done $0x0  }
0x30d: {  	s29 =	simm.s32 $0x0;
	[sflag:s10] =	ssyncadd.s32 $0xFFFFFCE0  }
0x30e: {  	v6 =	vmov s29;
	_ =	swait.ge [sflag:s10], $0x320  }
0x30f: {  	v6 =	vshll.u32 v6, $0x3;
	[sflag:s10] =	ssyncset.done $0x0  }
0x310: {  	s26 =	simm.s32 $0xC80;
	v7 =	vadd.s32 v4, v6;
	[sflag:s10] =	ssyncadd.s32 $0xFFFFFCE0  }
0x311: {  	v8 =	vadd.s32 v3, v6;
	[tilespmem:s22], [sflag:$0x2] =	stream.indirect.gather [spmem:s2], $0x8, s12, s26, $0xb8;
	[tilespmem:$0x1CDD0] =	vst v63  }
0x312: {  	v9 =	vor.u32 $0x1, v7;
	_ =	swait.ge [sflag:s23], $0x1900  }
0x313: {  	v10 =	vor.u32 $0x1, v8;
	[sflag:s23] =	ssyncset.done $0x0  }
0x314: {  	v11 =	vor.u32 $0x2, v7;
	[sflag:s23] =	ssyncadd.s32 $0xFFFFE700  }
0x315: {  	v12 =	vor.u32 $0x2, v8;
	v13 =	vld.idx.msk [tilespmem:v7+s11+$0x0], $0xffff  }
0x316: {  	v8 =	vld.idx.msk [tilespmem:v8+s11+$0x0], $0xffff  }
0x317: {  	v9 =	vld.idx.msk [tilespmem:v9+s11+$0x0], $0xffff  }
0x318: {  	v10 =	vld.idx.msk [tilespmem:v10+s11+$0x0], $0xffff  }
0x319: {  	v11 =	vld.idx.msk [tilespmem:v11+s11+$0x0], $0xffff  }
0x31a: {  	v12 =	vld.idx.msk [tilespmem:v12+s11+$0x0], $0xffff;
	_ =	sdelay $0x2  }
0x31b: {  	v14 =	vadd.s32 v2, v6;
	v15 =	vsub.f32 v8, v13;
	v16 =	vsub.f32 v10, v9  }
0x31c: {  	v17 =	vor.u32 $0x2, v14  }
0x31d: {  	v18 =	vsub.f32 v12, v11;
	v19 =	vmul.f32 v15, v15;
	v20 =	vmul.f32 v16, v16  }
0x31e: {  	v6 =	vor.u32 v0, v6  }
0x31f: {  	v21 =	vor.u32 $0x1, v6;
	v51 =	vmul.f32 v18, v18;
	v19 =	vadd.f32 v20, v19;
	_ =	sdelay $0x1  }
0x320: {  	v22 =	vor.u32 $0x1, v14;
	v19 =	vadd.f32 v51, v19  }
0x321: {  	v17 =	vld.idx.msk [tilespmem:v17+s11+$0x0], $0xffff  }
0x322: {  	v7 =	vor.u32 $0x2, v6;
	v23 =	vld.idx.msk [tilespmem:v6+s11+$0x0], $0xffff;
	v19 =	vmax.f32 v19, $1.000000000e-30  }
0x323: {  	v25 =	vld.idx.msk [tilespmem:v21+s11+$0x0], $0xffff;
	v24 =	vshra.s32 v19, $0x1;
	v19 =	vmul.f32 $5.000000000e-01, v19  }
0x324: {  	v24 =	vsub.s32 $0x5F3759DF, v24  }
0x325: {  	v22 =	vld.idx.msk [tilespmem:v22+s11+$0x0], $0xffff;
	v26 =	vmul.f32 v24, v19;
	_ =	sdelay $0x1  }
0x326: {  	v52 =	vld.idx.msk [tilespmem:v7+s11+$0x0], $0xffff;
	v12 =	vsub.f32 v17, v12;
	v53 =	vmul.f32 v24, v26  }
0x327: {  	v13 =	vsub.f32 v13, v23;
	v9 =	vsub.f32 v9, v25  }
0x328: {  	v14 =	vld.idx.msk [tilespmem:v14+s11+$0x0], $0xffff;
	v55 =	vmul.f32 v12, v15;
	v20 =	vsub.f32 $1.500000000e+00, v53  }
0x329: {  	v10 =	vsub.f32 v22, v10;
	v56 =	vmul.f32 v16, v13;
	v25 =	vmul.f32 v18, v9  }
0x32a: {  	v13 =	vmul.f32 v18, v13;
	v20 =	vmul.f32 v24, v20  }
0x32b: {  	v57 =	vmul.f32 v10, v15;
	v9 =	vmul.f32 v15, v9;
	v11 =	vsub.f32 v11, v52  }
0x32c: {  	v10 =	vmul.f32 v10, v18;
	v58 =	vmul.f32 v20, v19  }
0x32d: {  	v8 =	vsub.f32 v14, v8;
	v12 =	vmul.f32 v12, v16;
	v54 =	vmul.f32 v15, v11  }
0x32e: {  	v9 =	vsub.f32 v56, v9;
	v11 =	vmul.f32 v16, v11;
	v14 =	vmul.f32 v58, v20  }
0x32f: {  	v59 =	vmul.f32 v8, v16;
	v8 =	vmul.f32 v8, v18;
	v13 =	vsub.f32 v54, v13  }
0x330: {  	v22 =	vmul.f32 v9, v16;
	v11 =	vsub.f32 v25, v11;
	v14 =	vsub.f32 $1.500000000e+00, v14  }
0x331: {  	v60 =	vmul.f32 v9, v15;
	v17 =	vmul.f32 v13, v18  }
0x332: {  	v10 =	vsub.f32 v12, v10;
	v27 =	vmul.f32 v11, v18;
	v14 =	vmul.f32 v14, v20  }
0x333: {  	v8 =	vsub.f32 v8, v55;
	v12 =	vmul.f32 v11, v16;
	v17 =	vsub.f32 v17, v22  }
0x334: {  	v15 =	vmul.f32 v13, v15;
	v61 =	vsub.f32 v60, v27;
	v62 =	vmul.f32 v14, v19  }
0x335: {  	v63 =	vsub.f32 v57, v59;
	v17 =	vmul.f32 v10, v17  }
0x336: {  	v12 =	vsub.f32 v12, v15;
	v16 =	vmul.f32 v8, v61;
	v15 =	vmul.f32 v62, v14  }
0x337: {  	v10 =	vmul.f32 v10, v11;
	v8 =	vmul.f32 v8, v13  }
0x338: {  	v12 =	vmul.f32 v63, v12;
	v11 =	vadd.f32 v16, v17;
	v13 =	vsub.f32 $1.500000000e+00, v15  }
0x339: {  	v9 =	vmul.f32 v63, v9  }
0x33a: {  	v8 =	vadd.f32 v8, v10;
	v10 =	vadd.f32 v11, v12;
	v11 =	vmul.f32 v13, v14;
	_ =	sdelay $0x1  }
0x33b: {  	v8 =	vadd.f32 v8, v9;
	v9 =	vmul.f32 v11, v10;
	_ =	sdelay $0x1  }
0x33c: {  	v10 =	vmul.f32 v8, v8;
	v11 =	vmul.f32 v9, v9;
	_ =	sdelay $0x1  }
0x33d: {  	v10 =	vadd.f32 v11, v10;
	_ =	sdelay $0x1  }
0x33e: {  	v11 =	vmax.f32 v10, $1.000000000e-30  }
0x33f: {  	v12 =	vshra.s32 v11, $0x1;
	v11 =	vmul.f32 $5.000000000e-01, v11  }
0x340: {  	v12 =	vsub.s32 $0x5F3759DF, v12  }
0x341: {  	v13 =	vmul.f32 v12, v11;
	_ =	sdelay $0x1  }
0x342: {  	v13 =	vmul.f32 v12, v13;
	_ =	sdelay $0x1  }
0x343: {  	v13 =	vsub.f32 $1.500000000e+00, v13;
	_ =	sdelay $0x1  }
0x344: {  	v12 =	vmul.f32 v12, v13;
	_ =	sdelay $0x1  }
0x345: {  	v13 =	vmul.f32 v12, v11;
	_ =	sdelay $0x1  }
0x346: {  	v13 =	vmul.f32 v13, v12;
	_ =	sdelay $0x1  }
0x347: {  	v13 =	vsub.f32 $1.500000000e+00, v13;
	_ =	sdelay $0x1  }
0x348: {  	v12 =	vmul.f32 v13, v12;
	_ =	sdelay $0x1  }
0x349: {  	v11 =	vmul.f32 v12, v11;
	_ =	sdelay $0x1  }
0x34a: {  	v11 =	vmul.f32 v11, v12;
	_ =	sdelay $0x1  }
0x34b: {  	v11 =	vsub.f32 $1.500000000e+00, v11;
	_ =	sdelay $0x1  }
0x34c: {  	v11 =	vmul.f32 v11, v12;
	_ =	sdelay $0x1  }
0x34d: {  	v8 =	vmul.f32 v11, v8;
	v9 =	vmul.f32 v11, v9  }
0x34e: {  	vm0 =	vlt.f32 v10, $1.000000000e-30  }
0x34f: {  	v13 =	vld.idx.msk [tilespmem:v6+s19+$0x0], $0xffff;
	v11 =	vsel vm0, $0x3F800000, v8;
	v9 =	vsel vm0, $0x0, v9  }
0x350: {  	s28 =	simm.s32 $0xC80;
	s13 =	simm.s32 $0x10;
	v14 =	vor.u32 $0x3, v6;
	v8 =	vld.idx.msk [tilespmem:v21+s19+$0x0], $0xffff;
	v10 =	vadd.f32 v11, v11;
	v12 =	vadd.f32 v9, v9  }
.LBB2_14:
0x351: {  	p1 =	sne.s32 s13, $0x310  }
0x352: {  	v15 =	vmul.f32 v10, v11;
	v16 =	vor.u32 $0x6, v6;
	s26 =	sadd.s32 $0x10, s26;
	s14 =	smov.u32 s13;
	s13 =	sadd.s32 $0x10, s13  }
0x353: {  	v18 =	vor.u32 $0x4, v6;
	v19 =	vor.u32 $0x5, v6;
	v17 =	vmov s14  }
0x354: {  	v13 =	vmul.f32 v11, v13;
	v6 =	vshll.u32 v17, $0x3;
	v15 =	vadd.f32 $-1.000000000e+00, v15;
	v17 =	vld.idx.msk [tilespmem:v7+s19+$0x0], $0xffff  }
0x355: {  	v20 =	vadd.s32 v4, v6;
	v21 =	vadd.s32 v3, v6;
	v22 =	vadd.s32 v2, v6  }
0x356: {  	v23 =	vor.u32 $0x1, v20;
	v24 =	vor.u32 $0x1, v21;
	v25 =	vmul.f32 v15, v10;
	v14 =	vld.idx.msk [tilespmem:v14+s19+$0x0], $0xffff  }
0x357: {  	v6 =	vor.u32 v0, v6;
	v26 =	vor.u32 $0x2, v21;
	v15 =	vmul.f32 v15, v8  }
0x358: {  	v8 =	vor.u32 $0x1, v6;
	v7 =	vor.u32 $0x2, v6;
	v25 =	vsub.f32 v25, v11;
	v18 =	vld.idx.msk [tilespmem:v18+s19+$0x0], $0xffff  }
0x359: {  	v27 =	vor.u32 $0x1, v22;
	v28 =	vor.u32 $0x2, v22;
	v11 =	vmul.f32 v12, v11  }
0x35a: {  	v12 =	vor.u32 $0x2, v20;
	v13 =	vadd.f32 v15, v13;
	v19 =	vld.idx.msk [tilespmem:v19+s19+$0x0], $0xffff;
	v15 =	vmul.f32 v25, v17  }
0x35b: {  	v10 =	vmul.f32 v11, v10  }
0x35c: {  	v14 =	vmul.f32 v9, v14;
	v13 =	vadd.f32 v15, v13;
	v15 =	vld [tilespmem:s28+$0x0];
	s28 =	smov.u32 s26  }
0x35d: {  	v9 =	vsub.f32 v10, v9  }
0x35e: {  	v11 =	vmul.f32 v11, v18;
	v10 =	vld.idx.msk [tilespmem:v16+s19+$0x0], $0xffff;
	v13 =	vadd.f32 v13, v14;
	_ =	sdelay $0x1  }
0x35f: {  	v9 =	vmul.f32 v9, v19;
	v11 =	vadd.f32 v13, v11  }
0x360: {  	v13 =	vadd.s32 v5, v15  }
0x361: {  	v9 =	vadd.f32 v11, v9;
	_ =	sdelay $0x1  }
0x362: {  	v9 =	vsub.f32 v10, v9;
	_ =	sdelay $0x1  }
0x363: {  	[tilespmem:v13+s24+$0x0] =	vst.idx.add.f32.msk $0xffff, v9  }
0x364: {  	v9 =	vld.idx.msk [tilespmem:v28+s11+$0x0], $0xffff  }
0x365: {  	v10 =	vld.idx.msk [tilespmem:v20+s11+$0x0], $0xffff  }
0x366: {  	v11 =	vld.idx.msk [tilespmem:v6+s11+$0x0], $0xffff  }
0x367: {  	v12 =	vld.idx.msk [tilespmem:v12+s11+$0x0], $0xffff  }
0x368: {  	v13 =	vld.idx.msk [tilespmem:v7+s11+$0x0], $0xffff  }
0x369: {  	v14 =	vld.idx.msk [tilespmem:v26+s11+$0x0], $0xffff  }
0x36a: {  	v15 =	vld.idx.msk [tilespmem:v21+s11+$0x0], $0xffff  }
0x36b: {  	v16 =	vld.idx.msk [tilespmem:v23+s11+$0x0], $0xffff  }
0x36c: {  	v17 =	vld.idx.msk [tilespmem:v24+s11+$0x0], $0xffff  }
0x36d: {  	v11 =	vsub.f32 v10, v11;
	v18 =	vld.idx.msk [tilespmem:v8+s11+$0x0], $0xffff  }
0x36e: {  	v19 =	vld.idx.msk [tilespmem:v27+s11+$0x0], $0xffff  }
0x36f: {  	v13 =	vsub.f32 v12, v13;
	v9 =	vsub.f32 v9, v14  }
0x370: {  	v10 =	vsub.f32 v15, v10;
	_ =	sdelay $0x1  }
0x371: {  	v12 =	vsub.f32 v14, v12;
	v20 =	vsub.f32 v17, v16;
	v14 =	vmul.f32 v10, v13  }
0x372: {  	v16 =	vsub.f32 v16, v18;
	v18 =	vmul.f32 v9, v10;
	v21 =	vld.idx.msk [tilespmem:v22+s11+$0x0], $0xffff;
	v22 =	vmul.f32 v10, v10  }
0x373: {  	v17 =	vsub.f32 v19, v17;
	v19 =	vmul.f32 v20, v11;
	v23 =	vmul.f32 v20, v20  }
0x374: {  	v11 =	vmul.f32 v12, v11;
	v24 =	vmul.f32 v12, v16  }
0x375: {  	v25 =	vmul.f32 v17, v10;
	v22 =	vadd.f32 v23, v22;
	v23 =	vmul.f32 v12, v12  }
0x376: {  	v13 =	vmul.f32 v20, v13;
	v11 =	vsub.f32 v14, v11;
	v14 =	vmul.f32 v10, v16  }
0x377: {  	v16 =	vmul.f32 v17, v12;
	v17 =	vadd.f32 v23, v22  }
0x378: {  	v9 =	vmul.f32 v9, v20;
	v14 =	vsub.f32 v19, v14;
	v19 =	vmul.f32 v11, v12  }
0x379: {  	v13 =	vsub.f32 v24, v13;
	v15 =	vsub.f32 v21, v15;
	v17 =	vmax.f32 v17, $1.000000000e-30  }
0x37a: {  	v21 =	vmul.f32 v14, v20;
	v22 =	vshra.s32 v17, $0x1;
	v17 =	vmul.f32 $5.000000000e-01, v17  }
0x37b: {  	v24 =	vmul.f32 v14, v10;
	v23 =	vmul.f32 v15, v20;
	v22 =	vsub.s32 $0x5F3759DF, v22  }
0x37c: {  	v19 =	vsub.f32 v19, v21;
	v21 =	vmul.f32 v13, v12;
	v26 =	vmul.f32 v22, v17  }
0x37d: {  	v9 =	vsub.f32 v9, v16;
	v12 =	vmul.f32 v15, v12;
	v15 =	vmul.f32 v13, v20  }
0x37e: {  	v16 =	vsub.f32 v25, v23;
	v20 =	vsub.f32 v24, v21;
	v21 =	vmul.f32 v22, v26  }
0x37f: {  	v13 =	vmul.f32 v9, v13;
	v12 =	vsub.f32 v12, v18;
	v9 =	vmul.f32 v9, v19  }
0x380: {  	v10 =	vmul.f32 v11, v10;
	v14 =	vmul.f32 v16, v14;
	v18 =	vsub.f32 $1.500000000e+00, v21  }
0x381: {  	v11 =	vmul.f32 v12, v11;
	v12 =	vmul.f32 v12, v20  }
0x382: {  	v18 =	vmul.f32 v22, v18  }
0x383: {  	v11 =	vadd.f32 v11, v13;
	v9 =	vadd.f32 v12, v9  }
0x384: {  	v12 =	vmul.f32 v18, v17;
	_ =	sdelay $0x1  }
0x385: {  	v12 =	vmul.f32 v12, v18;
	_ =	sdelay $0x1  }
0x386: {  	v12 =	vsub.f32 $1.500000000e+00, v12;
	_ =	sdelay $0x1  }
0x387: {  	v12 =	vmul.f32 v12, v18;
	_ =	sdelay $0x1  }
0x388: {  	v13 =	vmul.f32 v12, v17;
	_ =	sdelay $0x1  }
0x389: {  	v10 =	vsub.f32 v15, v10;
	v13 =	vmul.f32 v13, v12;
	_ =	sdelay $0x1  }
0x38a: {  	v10 =	vmul.f32 v16, v10;
	v13 =	vsub.f32 $1.500000000e+00, v13;
	_ =	sdelay $0x1  }
0x38b: {  	v9 =	vadd.f32 v9, v10;
	v10 =	vmul.f32 v13, v12;
	_ =	sdelay $0x1  }
0x38c: {  	v11 =	vadd.f32 v11, v14;
	v9 =	vmul.f32 v10, v9;
	_ =	sdelay $0x1  }
0x38d: {  	v10 =	vmul.f32 v11, v11;
	v12 =	vmul.f32 v9, v9;
	_ =	sdelay $0x1  }
0x38e: {  	v10 =	vadd.f32 v12, v10;
	_ =	sdelay $0x1  }
0x38f: {  	v12 =	vmax.f32 v10, $1.000000000e-30  }
0x390: {  	v13 =	vshra.s32 v12, $0x1;
	v12 =	vmul.f32 $5.000000000e-01, v12  }
0x391: {  	v13 =	vsub.s32 $0x5F3759DF, v13  }
0x392: {  	v14 =	vmul.f32 v13, v12;
	_ =	sdelay $0x1  }
0x393: {  	v14 =	vmul.f32 v13, v14;
	_ =	sdelay $0x1  }
0x394: {  	v14 =	vsub.f32 $1.500000000e+00, v14;
	_ =	sdelay $0x1  }
0x395: {  	v13 =	vmul.f32 v13, v14;
	_ =	sdelay $0x1  }
0x396: {  	v14 =	vmul.f32 v13, v12;
	_ =	sdelay $0x1  }
0x397: {  	v14 =	vmul.f32 v14, v13;
	_ =	sdelay $0x1  }
0x398: {  	v14 =	vsub.f32 $1.500000000e+00, v14;
	_ =	sdelay $0x1  }
0x399: {  	v13 =	vmul.f32 v14, v13;
	_ =	sdelay $0x1  }
0x39a: {  	v12 =	vmul.f32 v13, v12;
	_ =	sdelay $0x1  }
0x39b: {  	v12 =	vmul.f32 v12, v13;
	_ =	sdelay $0x1  }
0x39c: {  	v12 =	vsub.f32 $1.500000000e+00, v12;
	_ =	sdelay $0x1  }
0x39d: {  	v12 =	vmul.f32 v12, v13;
	_ =	sdelay $0x1  }
.Ltmp6:
0x39e: {  	v11 =	vmul.f32 v12, v11;
	v9 =	vmul.f32 v12, v9;
	(pc) =	sbr.rel @p1 .LBB2_14-.Ltmp6, $4  }
0x39f: {  	vm0 =	vlt.f32 v10, $1.000000000e-30;
	v13 =	vld.idx.msk [tilespmem:v6+s19+$0x0], $0xffff  }
0x3a0: {  	v11 =	vsel vm0, $0x3F800000, v11;
	v9 =	vsel vm0, $0x0, v9  }
0x3a1: {  	v10 =	vadd.f32 v11, v11;
	v12 =	vadd.f32 v9, v9  }
0x3a2: {  	v14 =	vor.u32 $0x3, v6;
	v8 =	vld.idx.msk [tilespmem:v8+s19+$0x0], $0xffff  }
0x3a3: {  	_ = 	snop  }
0x3a4: {  	v15 =	vmul.f32 v10, v11;
	_ =	sdelay $0x1  }
0x3a5: {  	v16 =	vor.u32 $0x4, v6;
	v15 =	vadd.f32 $-1.000000000e+00, v15  }
0x3a6: {  	v7 =	vld.idx.msk [tilespmem:v7+s19+$0x0], $0xffff  }
0x3a7: {  	v17 =	vor.u32 $0x5, v6;
	v18 =	vmul.f32 v15, v10  }
0x3a8: {  	v14 =	vld.idx.msk [tilespmem:v14+s19+$0x0], $0xffff  }
0x3a9: {  	v13 =	vmul.f32 v11, v13;
	v8 =	vmul.f32 v15, v8;
	v54 =	vsub.f32 v18, v11  }
0x3aa: {  	v6 =	vor.u32 $0x6, v6;
	v16 =	vld.idx.msk [tilespmem:v16+s19+$0x0], $0xffff  }
0x3ab: {  	v55 =	vmul.f32 v12, v11;
	v8 =	vadd.f32 v8, v13;
	v7 =	vmul.f32 v54, v7  }
0x3ac: {  	v56 =	vld.idx.msk [tilespmem:v17+s19+$0x0], $0xffff  }
0x3ad: {  	v58 =	vld [tilespmem:s28+$0x0];
	v57 =	vmul.f32 v55, v10;
	v7 =	vadd.f32 v7, v8;
	v8 =	vmul.f32 v9, v14;
	_ =	sdelay $0x1  }
0x3ae: {  	v59 =	vsub.f32 v57, v9;
	v7 =	vadd.f32 v7, v8;
	v8 =	vmul.f32 v55, v16  }
0x3af: {  	v6 =	vld.idx.msk [tilespmem:v6+s19+$0x0], $0xffff  }
0x3b0: {  	v7 =	vadd.f32 v7, v8;
	v8 =	vmul.f32 v59, v56  }
0x3b1: {  	v60 =	vadd.s32 v5, v58  }
0x3b2: {  	v7 =	vadd.f32 v7, v8;
	_ =	sdelay $0x1  }
0x3b3: {  	v6 =	vsub.f32 v6, v7;
	_ =	sdelay $0x1  }
0x3b4: {  	s13 =	simm.s32 $0x0;
	s14 =	rddreg [dreg:$0xf];
	[tilespmem:v60+s24+$0x0] =	vst.idx.add.f32.msk $0xffff, v6  }
0x3b5: {  	[tilespmem:s13], [sflag:$0x1] =	stream.linear.gather [hbm4b:s14+s13], $0x320, $0x38;
	[tilespmem:$0x1CDD0] =	vst v63  }
0x3b6: {  	s28 =	rddreg [dreg:$0x10]  }
0x3b7: {  	[tilespmem:s30], [sflag:$0x1] =	stream.linear.gather [hbm4b:s28+s13], $0x320, $0x38;
	[tilespmem:$0x1CDD0] =	vst v63  }
0x3b8: {  	s29 =	rddreg [dreg:$0x11]  }
0x3b9: {  	v6 =	vmov s13;
	[tilespmem:s31], [sflag:$0x1] =	stream.linear.gather [hbm4b:s29+s13], $0x320, $0x38;
	[tilespmem:$0x1CDD0] =	vst v63  }
0x3ba: {  	s15 =	rddreg [dreg:$0x12];
	v6 =	vshll.u32 v6, $0x3  }
0x3bb: {  	v7 =	vor.u32 v0, v6;
	[tilespmem:s0], [sflag:$0x1] =	stream.linear.gather [hbm4b:s15+s13], $0x320, $0x38;
	[tilespmem:$0x1CDD0] =	vst v63  }
0x3bc: {  	s26 =	rddreg [dreg:$0x13];
	v7 =	vor.u32 $0x3, v7  }
0x3bd: {  	v8 =	vadd.s32 v4, v6;
	[tilespmem:s8], [sflag:$0x1] =	stream.linear.gather [hbm4b:s26+s13], $0x320, $0x38;
	[tilespmem:$0x1CDD0] =	vst v63  }
0x3be: {  	v8 =	vor.u32 $0x3, v8;
	_ =	swait.ge [sflag:s17], $0x6400  }
0x3bf: {  	[sflag:s17] =	ssyncset.done $0x0  }
0x3c0: {  	[sflag:s17] =	ssyncadd.s32 $0xFFFF9C00  }
0x3c1: {  	v61 =	vadd.s32 v3, v6;
	v7 =	vld.idx.msk [tilespmem:v7+s22+$0x0], $0xffff  }
0x3c2: {  	v9 =	vor.u32 $0x3, v61  }
0x3c3: {  	v8 =	vld.idx.msk [tilespmem:v8+s22+$0x0], $0xffff;
	_ =	sdelay $0x1  }
0x3c4: {  	v6 =	vadd.s32 v2, v6  }
0x3c5: {  	v6 =	vor.u32 $0x3, v6;
	v7 =	vmul.f32 $2.600000000e+01, v7  }
0x3c6: {  	v9 =	vld.idx.msk [tilespmem:v9+s22+$0x0], $0xffff  }
0x3c7: {  	v7 =	vadd.f32 v8, v7;
	_ =	sdelay $0x1  }
0x3c8: {  	v7 =	vmul.f32 $2.600000000e+01, v7  }
0x3c9: {  	v6 =	vld.idx.msk [tilespmem:v6+s22+$0x0], $0xffff  }
0x3ca: {  	v7 =	vadd.f32 v7, v9;
	_ =	sdelay $0x1  }
0x3cb: {  	v7 =	vmul.f32 $2.600000000e+01, v7  }
0x3cc: {  	s28 =	simm.s32 $0x10  }
0x3cd: {  	v8 =	vmov s28;
	v6 =	vadd.f32 v7, v6  }
0x3ce: {  	v7 =	vshll.u32 v8, $0x3  }
0x3cf: {  	v8 =	vor.u32 v0, v7;
	v6 =	vmax.f32 v6, $0.0e+00  }
0x3d0: {  	v8 =	vor.u32 $0x3, v8;
	v6 =	vmin.f32 v6, $4.569750000e+05  }
0x3d1: {  	v62 =	vadd.s32 v4, v7;
	v6 =	vtrunc.f32 v6  }
0x3d2: {  	v9 =	vor.u32 $0x3, v62;
	v6 =	vcvt.f32.s32 v6  }
0x3d3: {  	s13 =	simm.s32 $0x8660  }
0x3d4: {  	[tilespmem:s13+$0x0] =	vst v6  }
0x3d5: {  	v6 =	vld.idx.msk [tilespmem:v8+s22+$0x0], $0xffff;
	v8 =	vadd.s32 v3, v7  }
0x3d6: {  	v8 =	vor.u32 $0x3, v8  }
0x3d7: {  	v9 =	vld.idx.msk [tilespmem:v9+s22+$0x0], $0xffff;
	_ =	sdelay $0x1  }
0x3d8: {  	v7 =	vadd.s32 v2, v7  }
0x3d9: {  	v7 =	vor.u32 $0x3, v7;
	v6 =	vmul.f32 $2.600000000e+01, v6  }
0x3da: {  	v8 =	vld.idx.msk [tilespmem:v8+s22+$0x0], $0xffff  }
0x3db: {  	v6 =	vadd.f32 v9, v6;
	_ =	sdelay $0x1  }
0x3dc: {  	v6 =	vmul.f32 $2.600000000e+01, v6  }
0x3dd: {  	v63 =	vld.idx.msk [tilespmem:v7+s22+$0x0], $0xffff  }
0x3de: {  	v6 =	vadd.f32 v6, v8;
	_ =	sdelay $0x1  }
0x3df: {  	v6 =	vmul.f32 $2.600000000e+01, v6  }
0x3e0: {  	s29 =	simm.s32 $0x20  }
0x3e1: {  	s14 =	simm.s32 $0x30;
	v7 =	vmov s29;
	v6 =	vadd.f32 v6, v63  }
.LBB2_16:
0x3e2: {  	p1 =	sne.s32 s14, $0x310;
	v7 =	vshll.u32 v7, $0x3  }
0x3e3: {  	v8 =	vor.u32 v0, v7;
	v6 =	vmax.f32 v6, $0.0e+00  }
0x3e4: {  	v8 =	vor.u32 $0x3, v8;
	v6 =	vmin.f32 v6, $4.569750000e+05  }
0x3e5: {  	v9 =	vadd.s32 v4, v7;
	v6 =	vtrunc.f32 v6  }
0x3e6: {  	v9 =	vor.u32 $0x3, v9;
	v6 =	vcvt.f32.s32 v6  }
0x3e7: {  	s13 =	sadd.s32 $0x10, s13  }
0x3e8: {  	[tilespmem:s13+$0x0] =	vst v6  }
0x3e9: {  	v6 =	vld.idx.msk [tilespmem:v8+s22+$0x0], $0xffff;
	v8 =	vadd.s32 v3, v7  }
0x3ea: {  	v8 =	vor.u32 $0x3, v8  }
0x3eb: {  	v9 =	vld.idx.msk [tilespmem:v9+s22+$0x0], $0xffff;
	_ =	sdelay $0x1  }
0x3ec: {  	v7 =	vadd.s32 v2, v7  }
0x3ed: {  	v7 =	vor.u32 $0x3, v7  }
0x3ee: {  	v6 =	vmul.f32 $2.600000000e+01, v6;
	v8 =	vld.idx.msk [tilespmem:v8+s22+$0x0], $0xffff;
	_ =	sdelay $0x1  }
0x3ef: {  	v6 =	vadd.f32 v9, v6;
	_ =	sdelay $0x1  }
0x3f0: {  	v6 =	vmul.f32 $2.600000000e+01, v6;
	v9 =	vld.idx.msk [tilespmem:v7+s22+$0x0], $0xffff;
	_ =	sdelay $0x1  }
.Ltmp7:
0x3f1: {  	v6 =	vadd.f32 v6, v8;
	(pc) =	sbr.rel @p1 .LBB2_16-.Ltmp7, $3  }
0x3f2: {  	_ = 	snop  }
0x3f3: {  	v6 =	vmul.f32 $2.600000000e+01, v6;
	_ =	sdelay $0x1  }
0x3f4: {  	v7 =	vmov s14;
	s14 =	sadd.s32 $0x10, s14;
	v6 =	vadd.f32 v6, v9  }
0x3f5: {  	v7 =	vshll.u32 v7, $0x3  }
0x3f6: {  	v8 =	vor.u32 v0, v7;
	v6 =	vmax.f32 v6, $0.0e+00  }
0x3f7: {  	v8 =	vor.u32 $0x3, v8;
	v6 =	vmin.f32 v6, $4.569750000e+05  }
0x3f8: {  	v9 =	vadd.s32 v4, v7;
	v6 =	vtrunc.f32 v6  }
0x3f9: {  	v9 =	vor.u32 $0x3, v9;
	v6 =	vcvt.f32.s32 v6  }
0x3fa: {  	s13 =	sadd.s32 $0x10, s13  }
0x3fb: {  	[tilespmem:s13+$0x0] =	vst v6  }
0x3fc: {  	v6 =	vld.idx.msk [tilespmem:v8+s22+$0x0], $0xffff;
	v8 =	vadd.s32 v3, v7  }
0x3fd: {  	v8 =	vor.u32 $0x3, v8  }
0x3fe: {  	v9 =	vld.idx.msk [tilespmem:v9+s22+$0x0], $0xffff;
	_ =	sdelay $0x1  }
0x3ff: {  	v7 =	vadd.s32 v2, v7  }
0x400: {  	v7 =	vor.u32 $0x3, v7;
	v6 =	vmul.f32 $2.600000000e+01, v6  }
0x401: {  	v8 =	vld.idx.msk [tilespmem:v8+s22+$0x0], $0xffff  }
0x402: {  	v6 =	vadd.f32 v9, v6;
	_ =	sdelay $0x1  }
0x403: {  	v6 =	vmul.f32 $2.600000000e+01, v6  }
0x404: {  	v7 =	vld.idx.msk [tilespmem:v7+s22+$0x0], $0xffff  }
0x405: {  	v6 =	vadd.f32 v6, v8;
	_ =	sdelay $0x1  }
0x406: {  	v6 =	vmul.f32 $2.600000000e+01, v6;
	_ =	sdelay $0x1  }
0x407: {  	v6 =	vadd.f32 v6, v7;
	_ =	sdelay $0x1  }
0x408: {  	v6 =	vmax.f32 v6, $0.0e+00  }
0x409: {  	v6 =	vmin.f32 v6, $4.569750000e+05  }
0x40a: {  	v6 =	vtrunc.f32 v6  }
0x40b: {  	v6 =	vcvt.f32.s32 v6  }
0x40c: {  	s13 =	sadd.s32 $0x10, s13  }
0x40d: {  	[tilespmem:s13+$0x0] =	vst v6  }
0x40e: {  	[tilespmem:s19], [sflag:$0x3] =	stream.indirect.gather [hbm4b:s9+s30], $0x8, s25, s30, $0xb8;
	[tilespmem:$0x1CDD0] =	vst v63  }
0x40f: {  	_ =	swait.ge [sflag:s10], $0x320  }
0x410: {  	[sflag:s10] =	ssyncset.done $0x0  }
0x411: {  	[sflag:s10] =	ssyncadd.s32 $0xFFFFFCE0  }
0x412: {  	_ =	swait.ge [sflag:s10], $0x320  }
0x413: {  	[sflag:s10] =	ssyncset.done $0x0  }
0x414: {  	[sflag:s10] =	ssyncadd.s32 $0xFFFFFCE0  }
0x415: {  	_ =	swait.ge [sflag:s10], $0x320  }
0x416: {  	[sflag:s10] =	ssyncset.done $0x0  }
0x417: {  	[sflag:s10] =	ssyncadd.s32 $0xFFFFFCE0  }
0x418: {  	_ =	swait.ge [sflag:s10], $0x320  }
0x419: {  	[sflag:s10] =	ssyncset.done $0x0  }
0x41a: {  	s29 =	simm.s32 $0x0;
	[sflag:s10] =	ssyncadd.s32 $0xFFFFFCE0  }
0x41b: {  	v6 =	vmov s29;
	_ =	swait.ge [sflag:s10], $0x320  }
0x41c: {  	v6 =	vshll.u32 v6, $0x3;
	[sflag:s10] =	ssyncset.done $0x0  }
0x41d: {  	v7 =	vadd.s32 v4, v6;
	[sflag:s10] =	ssyncadd.s32 $0xFFFFFCE0  }
0x41e: {  	v8 =	vadd.s32 v3, v6;
	[tilespmem:s11], [sflag:$0x2] =	stream.indirect.gather [spmem:s2], $0x8, s29, s8, $0xb8;
	[tilespmem:$0x1CDD0] =	vst v63  }
0x41f: {  	v9 =	vor.u32 $0x1, v7;
	_ =	swait.ge [sflag:s23], $0x1900  }
0x420: {  	v10 =	vor.u32 $0x1, v8;
	[sflag:s23] =	ssyncset.done $0x0  }
0x421: {  	v11 =	vor.u32 $0x2, v7;
	[sflag:s23] =	ssyncadd.s32 $0xFFFFE700  }
0x422: {  	v12 =	vor.u32 $0x2, v8;
	v13 =	vld.idx.msk [tilespmem:v7+s22+$0x0], $0xffff  }
0x423: {  	v8 =	vld.idx.msk [tilespmem:v8+s22+$0x0], $0xffff  }
0x424: {  	v9 =	vld.idx.msk [tilespmem:v9+s22+$0x0], $0xffff  }
0x425: {  	v10 =	vld.idx.msk [tilespmem:v10+s22+$0x0], $0xffff  }
0x426: {  	v11 =	vld.idx.msk [tilespmem:v11+s22+$0x0], $0xffff  }
0x427: {  	v12 =	vld.idx.msk [tilespmem:v12+s22+$0x0], $0xffff;
	_ =	sdelay $0x2  }
0x428: {  	v14 =	vadd.s32 v2, v6;
	v15 =	vsub.f32 v8, v13;
	v16 =	vsub.f32 v10, v9  }
0x429: {  	v17 =	vor.u32 $0x2, v14  }
0x42a: {  	v18 =	vsub.f32 v12, v11;
	v19 =	vmul.f32 v15, v15;
	v20 =	vmul.f32 v16, v16  }
0x42b: {  	v6 =	vor.u32 v0, v6  }
0x42c: {  	v21 =	vor.u32 $0x1, v6;
	v51 =	vmul.f32 v18, v18;
	v19 =	vadd.f32 v20, v19;
	_ =	sdelay $0x1  }
0x42d: {  	v22 =	vor.u32 $0x1, v14;
	v19 =	vadd.f32 v51, v19  }
0x42e: {  	v17 =	vld.idx.msk [tilespmem:v17+s22+$0x0], $0xffff  }
0x42f: {  	v7 =	vor.u32 $0x2, v6;
	v23 =	vld.idx.msk [tilespmem:v6+s22+$0x0], $0xffff;
	v19 =	vmax.f32 v19, $1.000000000e-30  }
0x430: {  	v25 =	vld.idx.msk [tilespmem:v21+s22+$0x0], $0xffff;
	v24 =	vshra.s32 v19, $0x1;
	v19 =	vmul.f32 $5.000000000e-01, v19  }
0x431: {  	v24 =	vsub.s32 $0x5F3759DF, v24  }
0x432: {  	v22 =	vld.idx.msk [tilespmem:v22+s22+$0x0], $0xffff;
	v26 =	vmul.f32 v24, v19;
	_ =	sdelay $0x1  }
0x433: {  	v52 =	vld.idx.msk [tilespmem:v7+s22+$0x0], $0xffff;
	v12 =	vsub.f32 v17, v12;
	v53 =	vmul.f32 v24, v26  }
0x434: {  	v13 =	vsub.f32 v13, v23;
	v9 =	vsub.f32 v9, v25  }
0x435: {  	v14 =	vld.idx.msk [tilespmem:v14+s22+$0x0], $0xffff;
	v55 =	vmul.f32 v12, v15;
	v20 =	vsub.f32 $1.500000000e+00, v53  }
0x436: {  	v10 =	vsub.f32 v22, v10;
	v56 =	vmul.f32 v16, v13;
	v25 =	vmul.f32 v18, v9  }
0x437: {  	v13 =	vmul.f32 v18, v13;
	v20 =	vmul.f32 v24, v20  }
0x438: {  	v57 =	vmul.f32 v10, v15;
	v9 =	vmul.f32 v15, v9;
	v11 =	vsub.f32 v11, v52  }
0x439: {  	v10 =	vmul.f32 v10, v18;
	v58 =	vmul.f32 v20, v19  }
0x43a: {  	v8 =	vsub.f32 v14, v8;
	v12 =	vmul.f32 v12, v16;
	v54 =	vmul.f32 v15, v11  }
0x43b: {  	v9 =	vsub.f32 v56, v9;
	v11 =	vmul.f32 v16, v11;
	v14 =	vmul.f32 v58, v20  }
0x43c: {  	v59 =	vmul.f32 v8, v16;
	v8 =	vmul.f32 v8, v18;
	v13 =	vsub.f32 v54, v13  }
0x43d: {  	v22 =	vmul.f32 v9, v16;
	v11 =	vsub.f32 v25, v11;
	v14 =	vsub.f32 $1.500000000e+00, v14  }
0x43e: {  	v60 =	vmul.f32 v9, v15;
	v17 =	vmul.f32 v13, v18  }
0x43f: {  	v10 =	vsub.f32 v12, v10;
	v27 =	vmul.f32 v11, v18;
	v14 =	vmul.f32 v14, v20  }
0x440: {  	v8 =	vsub.f32 v8, v55;
	v12 =	vmul.f32 v11, v16;
	v17 =	vsub.f32 v17, v22  }
0x441: {  	v15 =	vmul.f32 v13, v15;
	v61 =	vsub.f32 v60, v27;
	v62 =	vmul.f32 v14, v19  }
0x442: {  	v63 =	vsub.f32 v57, v59;
	v17 =	vmul.f32 v10, v17  }
0x443: {  	v12 =	vsub.f32 v12, v15;
	v16 =	vmul.f32 v8, v61;
	v15 =	vmul.f32 v62, v14  }
0x444: {  	v10 =	vmul.f32 v10, v11;
	v8 =	vmul.f32 v8, v13  }
0x445: {  	v12 =	vmul.f32 v63, v12;
	v11 =	vadd.f32 v16, v17;
	v13 =	vsub.f32 $1.500000000e+00, v15  }
0x446: {  	v9 =	vmul.f32 v63, v9  }
0x447: {  	v8 =	vadd.f32 v8, v10;
	v10 =	vadd.f32 v11, v12;
	v11 =	vmul.f32 v13, v14;
	_ =	sdelay $0x1  }
0x448: {  	v8 =	vadd.f32 v8, v9;
	v9 =	vmul.f32 v11, v10;
	_ =	sdelay $0x1  }
0x449: {  	v10 =	vmul.f32 v8, v8;
	v11 =	vmul.f32 v9, v9;
	_ =	sdelay $0x1  }
0x44a: {  	v10 =	vadd.f32 v11, v10;
	_ =	sdelay $0x1  }
0x44b: {  	v11 =	vmax.f32 v10, $1.000000000e-30  }
0x44c: {  	v12 =	vshra.s32 v11, $0x1;
	v11 =	vmul.f32 $5.000000000e-01, v11  }
0x44d: {  	v12 =	vsub.s32 $0x5F3759DF, v12  }
0x44e: {  	v13 =	vmul.f32 v12, v11;
	_ =	sdelay $0x1  }
0x44f: {  	v13 =	vmul.f32 v12, v13;
	_ =	sdelay $0x1  }
0x450: {  	v13 =	vsub.f32 $1.500000000e+00, v13;
	_ =	sdelay $0x1  }
0x451: {  	v12 =	vmul.f32 v12, v13;
	_ =	sdelay $0x1  }
0x452: {  	v13 =	vmul.f32 v12, v11;
	_ =	sdelay $0x1  }
0x453: {  	v13 =	vmul.f32 v13, v12;
	_ =	sdelay $0x1  }
0x454: {  	v13 =	vsub.f32 $1.500000000e+00, v13;
	_ =	sdelay $0x1  }
0x455: {  	v12 =	vmul.f32 v13, v12;
	_ =	sdelay $0x1  }
0x456: {  	v11 =	vmul.f32 v12, v11;
	_ =	sdelay $0x1  }
0x457: {  	v11 =	vmul.f32 v11, v12;
	_ =	sdelay $0x1  }
0x458: {  	v11 =	vsub.f32 $1.500000000e+00, v11;
	_ =	sdelay $0x1  }
0x459: {  	v11 =	vmul.f32 v11, v12;
	_ =	sdelay $0x1  }
0x45a: {  	v8 =	vmul.f32 v11, v8;
	v9 =	vmul.f32 v11, v9  }
0x45b: {  	vm0 =	vlt.f32 v10, $1.000000000e-30  }
0x45c: {  	v13 =	vld.idx.msk [tilespmem:v6+s19+$0x0], $0xffff;
	v11 =	vsel vm0, $0x3F800000, v8;
	v9 =	vsel vm0, $0x0, v9  }
0x45d: {  	s14 =	simm.s32 $0x10;
	s26 =	simm.s32 $0x8340;
	s13 =	simm.s32 $0x8340;
	v14 =	vor.u32 $0x3, v6;
	v8 =	vld.idx.msk [tilespmem:v21+s19+$0x0], $0xffff;
	v10 =	vadd.f32 v11, v11;
	v12 =	vadd.f32 v9, v9  }
.LBB2_18:
0x45e: {  	p1 =	sne.s32 s14, $0x310  }
0x45f: {  	v15 =	vmul.f32 v10, v11;
	v16 =	vor.u32 $0x6, v6;
	s13 =	sadd.s32 $0x10, s13;
	s15 =	smov.u32 s14;
	s14 =	sadd.s32 $0x10, s14  }
0x460: {  	v18 =	vor.u32 $0x4, v6;
	v19 =	vor.u32 $0x5, v6;
	v17 =	vmov s15  }
0x461: {  	v13 =	vmul.f32 v11, v13;
	v6 =	vshll.u32 v17, $0x3;
	v15 =	vadd.f32 $-1.000000000e+00, v15;
	v17 =	vld.idx.msk [tilespmem:v7+s19+$0x0], $0xffff  }
0x462: {  	v20 =	vadd.s32 v4, v6;
	v21 =	vadd.s32 v3, v6;
	v22 =	vadd.s32 v2, v6  }
0x463: {  	v23 =	vor.u32 $0x1, v20;
	v24 =	vor.u32 $0x1, v21;
	v25 =	vmul.f32 v15, v10;
	v14 =	vld.idx.msk [tilespmem:v14+s19+$0x0], $0xffff  }
0x464: {  	v6 =	vor.u32 v0, v6;
	v26 =	vor.u32 $0x2, v21;
	v15 =	vmul.f32 v15, v8  }
0x465: {  	v8 =	vor.u32 $0x1, v6;
	v7 =	vor.u32 $0x2, v6;
	v25 =	vsub.f32 v25, v11;
	v18 =	vld.idx.msk [tilespmem:v18+s19+$0x0], $0xffff  }
0x466: {  	v27 =	vor.u32 $0x1, v22;
	v28 =	vor.u32 $0x2, v22;
	v11 =	vmul.f32 v12, v11  }
0x467: {  	v12 =	vor.u32 $0x2, v20;
	v13 =	vadd.f32 v15, v13;
	v19 =	vld.idx.msk [tilespmem:v19+s19+$0x0], $0xffff;
	v15 =	vmul.f32 v25, v17  }
0x468: {  	v10 =	vmul.f32 v11, v10  }
0x469: {  	v14 =	vmul.f32 v9, v14;
	v13 =	vadd.f32 v15, v13;
	v15 =	vld [tilespmem:s26+$0x0];
	s26 =	smov.u32 s13  }
0x46a: {  	v9 =	vsub.f32 v10, v9  }
0x46b: {  	v11 =	vmul.f32 v11, v18;
	v10 =	vld.idx.msk [tilespmem:v16+s19+$0x0], $0xffff;
	v13 =	vadd.f32 v13, v14;
	_ =	sdelay $0x1  }
0x46c: {  	v9 =	vmul.f32 v9, v19;
	v11 =	vadd.f32 v13, v11  }
0x46d: {  	v13 =	vadd.s32 v5, v15  }
0x46e: {  	v9 =	vadd.f32 v11, v9;
	_ =	sdelay $0x1  }
0x46f: {  	v9 =	vsub.f32 v10, v9;
	_ =	sdelay $0x1  }
0x470: {  	[tilespmem:v13+s24+$0x0] =	vst.idx.add.f32.msk $0xffff, v9  }
0x471: {  	v9 =	vld.idx.msk [tilespmem:v28+s22+$0x0], $0xffff  }
0x472: {  	v10 =	vld.idx.msk [tilespmem:v20+s22+$0x0], $0xffff  }
0x473: {  	v11 =	vld.idx.msk [tilespmem:v6+s22+$0x0], $0xffff  }
0x474: {  	v12 =	vld.idx.msk [tilespmem:v12+s22+$0x0], $0xffff  }
0x475: {  	v13 =	vld.idx.msk [tilespmem:v7+s22+$0x0], $0xffff  }
0x476: {  	v14 =	vld.idx.msk [tilespmem:v26+s22+$0x0], $0xffff  }
0x477: {  	v15 =	vld.idx.msk [tilespmem:v21+s22+$0x0], $0xffff  }
0x478: {  	v16 =	vld.idx.msk [tilespmem:v23+s22+$0x0], $0xffff  }
0x479: {  	v17 =	vld.idx.msk [tilespmem:v24+s22+$0x0], $0xffff  }
0x47a: {  	v11 =	vsub.f32 v10, v11;
	v18 =	vld.idx.msk [tilespmem:v8+s22+$0x0], $0xffff  }
0x47b: {  	v19 =	vld.idx.msk [tilespmem:v27+s22+$0x0], $0xffff  }
0x47c: {  	v13 =	vsub.f32 v12, v13;
	v9 =	vsub.f32 v9, v14  }
0x47d: {  	v10 =	vsub.f32 v15, v10;
	_ =	sdelay $0x1  }
0x47e: {  	v12 =	vsub.f32 v14, v12;
	v20 =	vsub.f32 v17, v16;
	v14 =	vmul.f32 v10, v13  }
0x47f: {  	v16 =	vsub.f32 v16, v18;
	v18 =	vmul.f32 v9, v10;
	v21 =	vld.idx.msk [tilespmem:v22+s22+$0x0], $0xffff;
	v22 =	vmul.f32 v10, v10  }
0x480: {  	v17 =	vsub.f32 v19, v17;
	v19 =	vmul.f32 v20, v11;
	v23 =	vmul.f32 v20, v20  }
0x481: {  	v11 =	vmul.f32 v12, v11;
	v24 =	vmul.f32 v12, v16  }
0x482: {  	v25 =	vmul.f32 v17, v10;
	v22 =	vadd.f32 v23, v22;
	v23 =	vmul.f32 v12, v12  }
0x483: {  	v13 =	vmul.f32 v20, v13;
	v11 =	vsub.f32 v14, v11;
	v14 =	vmul.f32 v10, v16  }
0x484: {  	v16 =	vmul.f32 v17, v12;
	v17 =	vadd.f32 v23, v22  }
0x485: {  	v9 =	vmul.f32 v9, v20;
	v14 =	vsub.f32 v19, v14;
	v19 =	vmul.f32 v11, v12  }
0x486: {  	v13 =	vsub.f32 v24, v13;
	v15 =	vsub.f32 v21, v15;
	v17 =	vmax.f32 v17, $1.000000000e-30  }
0x487: {  	v21 =	vmul.f32 v14, v20;
	v22 =	vshra.s32 v17, $0x1;
	v17 =	vmul.f32 $5.000000000e-01, v17  }
0x488: {  	v24 =	vmul.f32 v14, v10;
	v23 =	vmul.f32 v15, v20;
	v22 =	vsub.s32 $0x5F3759DF, v22  }
0x489: {  	v19 =	vsub.f32 v19, v21;
	v21 =	vmul.f32 v13, v12;
	v26 =	vmul.f32 v22, v17  }
0x48a: {  	v9 =	vsub.f32 v9, v16;
	v12 =	vmul.f32 v15, v12;
	v15 =	vmul.f32 v13, v20  }
0x48b: {  	v16 =	vsub.f32 v25, v23;
	v20 =	vsub.f32 v24, v21;
	v21 =	vmul.f32 v22, v26  }
0x48c: {  	v13 =	vmul.f32 v9, v13;
	v12 =	vsub.f32 v12, v18;
	v9 =	vmul.f32 v9, v19  }
0x48d: {  	v10 =	vmul.f32 v11, v10;
	v14 =	vmul.f32 v16, v14;
	v18 =	vsub.f32 $1.500000000e+00, v21  }
0x48e: {  	v11 =	vmul.f32 v12, v11;
	v12 =	vmul.f32 v12, v20  }
0x48f: {  	v18 =	vmul.f32 v22, v18  }
0x490: {  	v11 =	vadd.f32 v11, v13;
	v9 =	vadd.f32 v12, v9  }
0x491: {  	v12 =	vmul.f32 v18, v17;
	_ =	sdelay $0x1  }
0x492: {  	v12 =	vmul.f32 v12, v18;
	_ =	sdelay $0x1  }
0x493: {  	v12 =	vsub.f32 $1.500000000e+00, v12;
	_ =	sdelay $0x1  }
0x494: {  	v12 =	vmul.f32 v12, v18;
	_ =	sdelay $0x1  }
0x495: {  	v13 =	vmul.f32 v12, v17;
	_ =	sdelay $0x1  }
0x496: {  	v10 =	vsub.f32 v15, v10;
	v13 =	vmul.f32 v13, v12;
	_ =	sdelay $0x1  }
0x497: {  	v10 =	vmul.f32 v16, v10;
	v13 =	vsub.f32 $1.500000000e+00, v13;
	_ =	sdelay $0x1  }
0x498: {  	v9 =	vadd.f32 v9, v10;
	v10 =	vmul.f32 v13, v12;
	_ =	sdelay $0x1  }
0x499: {  	v11 =	vadd.f32 v11, v14;
	v9 =	vmul.f32 v10, v9;
	_ =	sdelay $0x1  }
0x49a: {  	v10 =	vmul.f32 v11, v11;
	v12 =	vmul.f32 v9, v9;
	_ =	sdelay $0x1  }
0x49b: {  	v10 =	vadd.f32 v12, v10;
	_ =	sdelay $0x1  }
0x49c: {  	v12 =	vmax.f32 v10, $1.000000000e-30  }
0x49d: {  	v13 =	vshra.s32 v12, $0x1;
	v12 =	vmul.f32 $5.000000000e-01, v12  }
0x49e: {  	v13 =	vsub.s32 $0x5F3759DF, v13  }
0x49f: {  	v14 =	vmul.f32 v13, v12;
	_ =	sdelay $0x1  }
0x4a0: {  	v14 =	vmul.f32 v13, v14;
	_ =	sdelay $0x1  }
0x4a1: {  	v14 =	vsub.f32 $1.500000000e+00, v14;
	_ =	sdelay $0x1  }
0x4a2: {  	v13 =	vmul.f32 v13, v14;
	_ =	sdelay $0x1  }
0x4a3: {  	v14 =	vmul.f32 v13, v12;
	_ =	sdelay $0x1  }
0x4a4: {  	v14 =	vmul.f32 v14, v13;
	_ =	sdelay $0x1  }
0x4a5: {  	v14 =	vsub.f32 $1.500000000e+00, v14;
	_ =	sdelay $0x1  }
0x4a6: {  	v13 =	vmul.f32 v14, v13;
	_ =	sdelay $0x1  }
0x4a7: {  	v12 =	vmul.f32 v13, v12;
	_ =	sdelay $0x1  }
0x4a8: {  	v12 =	vmul.f32 v12, v13;
	_ =	sdelay $0x1  }
0x4a9: {  	v12 =	vsub.f32 $1.500000000e+00, v12;
	_ =	sdelay $0x1  }
0x4aa: {  	v12 =	vmul.f32 v12, v13;
	_ =	sdelay $0x1  }
.Ltmp8:
0x4ab: {  	v11 =	vmul.f32 v12, v11;
	v9 =	vmul.f32 v12, v9;
	(pc) =	sbr.rel @p1 .LBB2_18-.Ltmp8, $4  }
0x4ac: {  	vm0 =	vlt.f32 v10, $1.000000000e-30;
	v13 =	vld.idx.msk [tilespmem:v6+s19+$0x0], $0xffff  }
0x4ad: {  	v11 =	vsel vm0, $0x3F800000, v11;
	v9 =	vsel vm0, $0x0, v9  }
0x4ae: {  	v10 =	vadd.f32 v11, v11;
	v12 =	vadd.f32 v9, v9  }
0x4af: {  	v14 =	vor.u32 $0x3, v6;
	v8 =	vld.idx.msk [tilespmem:v8+s19+$0x0], $0xffff  }
0x4b0: {  	_ = 	snop  }
0x4b1: {  	v15 =	vmul.f32 v10, v11;
	_ =	sdelay $0x1  }
0x4b2: {  	v16 =	vor.u32 $0x4, v6;
	v15 =	vadd.f32 $-1.000000000e+00, v15  }
0x4b3: {  	v7 =	vld.idx.msk [tilespmem:v7+s19+$0x0], $0xffff  }
0x4b4: {  	v17 =	vor.u32 $0x5, v6;
	v18 =	vmul.f32 v15, v10  }
0x4b5: {  	v14 =	vld.idx.msk [tilespmem:v14+s19+$0x0], $0xffff  }
0x4b6: {  	v13 =	vmul.f32 v11, v13;
	v8 =	vmul.f32 v15, v8;
	v54 =	vsub.f32 v18, v11  }
0x4b7: {  	v6 =	vor.u32 $0x6, v6;
	v16 =	vld.idx.msk [tilespmem:v16+s19+$0x0], $0xffff  }
0x4b8: {  	v55 =	vmul.f32 v12, v11;
	v8 =	vadd.f32 v8, v13;
	v7 =	vmul.f32 v54, v7  }
0x4b9: {  	v56 =	vld.idx.msk [tilespmem:v17+s19+$0x0], $0xffff  }
0x4ba: {  	v58 =	vld [tilespmem:s26+$0x0];
	v57 =	vmul.f32 v55, v10;
	v7 =	vadd.f32 v7, v8;
	v8 =	vmul.f32 v9, v14;
	_ =	sdelay $0x1  }
0x4bb: {  	v59 =	vsub.f32 v57, v9;
	v7 =	vadd.f32 v7, v8;
	v8 =	vmul.f32 v55, v16  }
0x4bc: {  	v6 =	vld.idx.msk [tilespmem:v6+s19+$0x0], $0xffff  }
0x4bd: {  	v7 =	vadd.f32 v7, v8;
	v8 =	vmul.f32 v59, v56  }
0x4be: {  	s13 =	simm.s32 $0x0;
	v60 =	vadd.s32 v5, v58  }
0x4bf: {  	v7 =	vadd.f32 v7, v8;
	v8 =	vmov s13  }
0x4c0: {  	v8 =	vshll.u32 v8, $0x3  }
0x4c1: {  	v6 =	vsub.f32 v6, v7;
	v7 =	vor.u32 v0, v8  }
0x4c2: {  	v7 =	vor.u32 $0x3, v7  }
0x4c3: {  	[tilespmem:v60+s24+$0x0] =	vst.idx.add.f32.msk $0xffff, v6;
	v6 =	vadd.s32 v4, v8  }
0x4c4: {  	_ =	swait.ge [sflag:s17], $0x6400;
	v6 =	vor.u32 $0x3, v6  }
0x4c5: {  	[sflag:s17] =	ssyncset.done $0x0  }
0x4c6: {  	[sflag:s17] =	ssyncadd.s32 $0xFFFF9C00  }
0x4c7: {  	v61 =	vadd.s32 v3, v8;
	v7 =	vld.idx.msk [tilespmem:v7+s11+$0x0], $0xffff  }
0x4c8: {  	v9 =	vor.u32 $0x3, v61  }
0x4c9: {  	v6 =	vld.idx.msk [tilespmem:v6+s11+$0x0], $0xffff;
	_ =	sdelay $0x1  }
0x4ca: {  	v8 =	vadd.s32 v2, v8  }
0x4cb: {  	v8 =	vor.u32 $0x3, v8;
	v7 =	vmul.f32 $2.600000000e+01, v7  }
0x4cc: {  	v9 =	vld.idx.msk [tilespmem:v9+s11+$0x0], $0xffff  }
0x4cd: {  	v6 =	vadd.f32 v6, v7;
	_ =	sdelay $0x1  }
0x4ce: {  	v6 =	vmul.f32 $2.600000000e+01, v6  }
0x4cf: {  	v7 =	vld.idx.msk [tilespmem:v8+s11+$0x0], $0xffff  }
0x4d0: {  	v6 =	vadd.f32 v6, v9;
	_ =	sdelay $0x1  }
0x4d1: {  	v6 =	vmul.f32 $2.600000000e+01, v6  }
0x4d2: {  	s29 =	simm.s32 $0x10  }
0x4d3: {  	v8 =	vmov s29;
	v6 =	vadd.f32 v6, v7  }
0x4d4: {  	v7 =	vshll.u32 v8, $0x3  }
0x4d5: {  	v8 =	vor.u32 v0, v7;
	v6 =	vmax.f32 v6, $0.0e+00  }
0x4d6: {  	v8 =	vor.u32 $0x3, v8;
	v6 =	vmin.f32 v6, $4.569750000e+05  }
0x4d7: {  	v62 =	vadd.s32 v4, v7;
	v6 =	vtrunc.f32 v6  }
0x4d8: {  	v9 =	vor.u32 $0x3, v62;
	v6 =	vcvt.f32.s32 v6  }
0x4d9: {  	s13 =	simm.s32 $0xFA0  }
0x4da: {  	[tilespmem:s13+$0x0] =	vst v6  }
0x4db: {  	v6 =	vld.idx.msk [tilespmem:v8+s11+$0x0], $0xffff;
	v8 =	vadd.s32 v3, v7  }
0x4dc: {  	v8 =	vor.u32 $0x3, v8  }
0x4dd: {  	v9 =	vld.idx.msk [tilespmem:v9+s11+$0x0], $0xffff;
	_ =	sdelay $0x1  }
0x4de: {  	v7 =	vadd.s32 v2, v7  }
0x4df: {  	v7 =	vor.u32 $0x3, v7;
	v6 =	vmul.f32 $2.600000000e+01, v6  }
0x4e0: {  	v8 =	vld.idx.msk [tilespmem:v8+s11+$0x0], $0xffff  }
0x4e1: {  	v6 =	vadd.f32 v9, v6;
	_ =	sdelay $0x1  }
0x4e2: {  	v6 =	vmul.f32 $2.600000000e+01, v6  }
0x4e3: {  	v63 =	vld.idx.msk [tilespmem:v7+s11+$0x0], $0xffff  }
0x4e4: {  	v6 =	vadd.f32 v6, v8;
	_ =	sdelay $0x1  }
0x4e5: {  	v6 =	vmul.f32 $2.600000000e+01, v6  }
0x4e6: {  	s14 =	simm.s32 $0x20  }
0x4e7: {  	v7 =	vmov s14;
	s14 =	simm.s32 $0x30;
	v6 =	vadd.f32 v6, v63  }
.LBB2_20:
0x4e8: {  	p1 =	sne.s32 s14, $0x310;
	v7 =	vshll.u32 v7, $0x3  }
0x4e9: {  	v8 =	vor.u32 v0, v7;
	v6 =	vmax.f32 v6, $0.0e+00  }
0x4ea: {  	v8 =	vor.u32 $0x3, v8;
	v6 =	vmin.f32 v6, $4.569750000e+05  }
0x4eb: {  	v9 =	vadd.s32 v4, v7;
	v6 =	vtrunc.f32 v6  }
0x4ec: {  	v9 =	vor.u32 $0x3, v9;
	v6 =	vcvt.f32.s32 v6  }
0x4ed: {  	s13 =	sadd.s32 $0x10, s13  }
0x4ee: {  	[tilespmem:s13+$0x0] =	vst v6  }
0x4ef: {  	v6 =	vld.idx.msk [tilespmem:v8+s11+$0x0], $0xffff;
	v8 =	vadd.s32 v3, v7  }
0x4f0: {  	v8 =	vor.u32 $0x3, v8  }
0x4f1: {  	v9 =	vld.idx.msk [tilespmem:v9+s11+$0x0], $0xffff;
	_ =	sdelay $0x1  }
0x4f2: {  	v7 =	vadd.s32 v2, v7  }
0x4f3: {  	v7 =	vor.u32 $0x3, v7  }
0x4f4: {  	v6 =	vmul.f32 $2.600000000e+01, v6;
	v8 =	vld.idx.msk [tilespmem:v8+s11+$0x0], $0xffff;
	_ =	sdelay $0x1  }
0x4f5: {  	v6 =	vadd.f32 v9, v6;
	_ =	sdelay $0x1  }
0x4f6: {  	v6 =	vmul.f32 $2.600000000e+01, v6;
	v9 =	vld.idx.msk [tilespmem:v7+s11+$0x0], $0xffff;
	_ =	sdelay $0x1  }
.Ltmp9:
0x4f7: {  	v6 =	vadd.f32 v6, v8;
	(pc) =	sbr.rel @p1 .LBB2_20-.Ltmp9, $3  }
0x4f8: {  	_ = 	snop  }
0x4f9: {  	v6 =	vmul.f32 $2.600000000e+01, v6;
	_ =	sdelay $0x1  }
0x4fa: {  	v7 =	vmov s14;
	s14 =	sadd.s32 $0x10, s14;
	v6 =	vadd.f32 v6, v9  }
0x4fb: {  	v7 =	vshll.u32 v7, $0x3  }
0x4fc: {  	v8 =	vor.u32 v0, v7;
	v6 =	vmax.f32 v6, $0.0e+00  }
0x4fd: {  	v8 =	vor.u32 $0x3, v8;
	v6 =	vmin.f32 v6, $4.569750000e+05  }
0x4fe: {  	v9 =	vadd.s32 v4, v7;
	v6 =	vtrunc.f32 v6  }
0x4ff: {  	v9 =	vor.u32 $0x3, v9;
	v6 =	vcvt.f32.s32 v6  }
0x500: {  	s13 =	sadd.s32 $0x10, s13  }
0x501: {  	[tilespmem:s13+$0x0] =	vst v6  }
0x502: {  	v6 =	vld.idx.msk [tilespmem:v8+s11+$0x0], $0xffff;
	v8 =	vadd.s32 v3, v7  }
0x503: {  	v8 =	vor.u32 $0x3, v8  }
0x504: {  	v9 =	vld.idx.msk [tilespmem:v9+s11+$0x0], $0xffff;
	_ =	sdelay $0x1  }
0x505: {  	v7 =	vadd.s32 v2, v7  }
0x506: {  	v7 =	vor.u32 $0x3, v7;
	v6 =	vmul.f32 $2.600000000e+01, v6  }
0x507: {  	v8 =	vld.idx.msk [tilespmem:v8+s11+$0x0], $0xffff  }
0x508: {  	v6 =	vadd.f32 v9, v6;
	_ =	sdelay $0x1  }
0x509: {  	v6 =	vmul.f32 $2.600000000e+01, v6  }
0x50a: {  	v7 =	vld.idx.msk [tilespmem:v7+s11+$0x0], $0xffff  }
0x50b: {  	v6 =	vadd.f32 v6, v8;
	_ =	sdelay $0x1  }
0x50c: {  	v6 =	vmul.f32 $2.600000000e+01, v6;
	_ =	sdelay $0x1  }
0x50d: {  	v6 =	vadd.f32 v6, v7;
	_ =	sdelay $0x1  }
0x50e: {  	v6 =	vmax.f32 v6, $0.0e+00  }
0x50f: {  	v6 =	vmin.f32 v6, $4.569750000e+05  }
0x510: {  	s14 =	simm.s32 $0x0;
	v6 =	vtrunc.f32 v6  }
0x511: {  	v7 =	vmov s14;
	v6 =	vcvt.f32.s32 v6  }
0x512: {  	s13 =	sadd.s32 $0x10, s13;
	v7 =	vshll.u32 v7, $0x3  }
0x513: {  	[tilespmem:s13+$0x0] =	vst v6;
	v6 =	vadd.s32 v4, v7  }
0x514: {  	v8 =	vadd.s32 v3, v7;
	[tilespmem:s19], [sflag:$0x3] =	stream.indirect.gather [hbm4b:s9+s30], $0x8, s18, s30, $0xb8;
	[tilespmem:$0x1CDD0] =	vst v63  }
0x515: {  	v10 =	vor.u32 $0x1, v8;
	_ =	swait.ge [sflag:s23], $0x1900  }
0x516: {  	v9 =	vor.u32 $0x1, v6;
	[sflag:s23] =	ssyncset.done $0x0  }
0x517: {  	v12 =	vor.u32 $0x2, v8;
	[sflag:s23] =	ssyncadd.s32 $0xFFFFE700  }
0x518: {  	v11 =	vor.u32 $0x2, v6;
	v13 =	vld.idx.msk [tilespmem:v6+s11+$0x0], $0xffff  }
0x519: {  	v8 =	vld.idx.msk [tilespmem:v8+s11+$0x0], $0xffff  }
0x51a: {  	v10 =	vld.idx.msk [tilespmem:v10+s11+$0x0], $0xffff  }
0x51b: {  	v9 =	vld.idx.msk [tilespmem:v9+s11+$0x0], $0xffff  }
0x51c: {  	v12 =	vld.idx.msk [tilespmem:v12+s11+$0x0], $0xffff  }
0x51d: {  	v11 =	vld.idx.msk [tilespmem:v11+s11+$0x0], $0xffff;
	_ =	sdelay $0x2  }
0x51e: {  	v15 =	vsub.f32 v8, v13;
	v16 =	vsub.f32 v10, v9  }
0x51f: {  	v14 =	vadd.s32 v2, v7  }
0x520: {  	v18 =	vsub.f32 v12, v11;
	v19 =	vmul.f32 v15, v15;
	v20 =	vmul.f32 v16, v16  }
0x521: {  	v17 =	vor.u32 $0x2, v14  }
0x522: {  	v22 =	vor.u32 $0x1, v14;
	v51 =	vmul.f32 v18, v18;
	v19 =	vadd.f32 v20, v19;
	_ =	sdelay $0x1  }
0x523: {  	v6 =	vor.u32 v0, v7;
	v19 =	vadd.f32 v51, v19  }
0x524: {  	v7 =	vor.u32 $0x2, v6  }
0x525: {  	v17 =	vld.idx.msk [tilespmem:v17+s11+$0x0], $0xffff;
	v21 =	vor.u32 $0x1, v6;
	v19 =	vmax.f32 v19, $1.000000000e-30  }
0x526: {  	v22 =	vld.idx.msk [tilespmem:v22+s11+$0x0], $0xffff;
	v24 =	vshra.s32 v19, $0x1;
	v19 =	vmul.f32 $5.000000000e-01, v19  }
0x527: {  	v24 =	vsub.s32 $0x5F3759DF, v24  }
0x528: {  	v23 =	vld.idx.msk [tilespmem:v6+s11+$0x0], $0xffff;
	v26 =	vmul.f32 v24, v19  }
0x529: {  	v52 =	vld.idx.msk [tilespmem:v7+s11+$0x0], $0xffff  }
0x52a: {  	v25 =	vld.idx.msk [tilespmem:v21+s11+$0x0], $0xffff;
	v12 =	vsub.f32 v17, v12;
	v53 =	vmul.f32 v24, v26  }
0x52b: {  	v10 =	vsub.f32 v22, v10  }
0x52c: {  	v14 =	vld.idx.msk [tilespmem:v14+s11+$0x0], $0xffff;
	v55 =	vmul.f32 v12, v15;
	v20 =	vsub.f32 $1.500000000e+00, v53  }
0x52d: {  	v57 =	vmul.f32 v10, v15;
	v10 =	vmul.f32 v10, v18;
	v13 =	vsub.f32 v13, v23  }
0x52e: {  	v12 =	vmul.f32 v12, v16;
	v11 =	vsub.f32 v11, v52;
	v20 =	vmul.f32 v24, v20  }
0x52f: {  	v9 =	vsub.f32 v9, v25;
	v56 =	vmul.f32 v16, v13;
	v13 =	vmul.f32 v18, v13  }
0x530: {  	v54 =	vmul.f32 v15, v11;
	v58 =	vmul.f32 v20, v19  }
0x531: {  	v8 =	vsub.f32 v14, v8;
	v25 =	vmul.f32 v18, v9;
	v9 =	vmul.f32 v15, v9  }
0x532: {  	v11 =	vmul.f32 v16, v11;
	v13 =	vsub.f32 v54, v13;
	v14 =	vmul.f32 v58, v20  }
0x533: {  	v59 =	vmul.f32 v8, v16;
	v8 =	vmul.f32 v8, v18;
	v9 =	vsub.f32 v56, v9  }
0x534: {  	v11 =	vsub.f32 v25, v11;
	v17 =	vmul.f32 v13, v18;
	v14 =	vsub.f32 $1.500000000e+00, v14  }
0x535: {  	v22 =	vmul.f32 v9, v16;
	v60 =	vmul.f32 v9, v15  }
0x536: {  	v10 =	vsub.f32 v12, v10;
	v27 =	vmul.f32 v11, v18;
	v14 =	vmul.f32 v14, v20  }
0x537: {  	v8 =	vsub.f32 v8, v55;
	v12 =	vmul.f32 v11, v16;
	v17 =	vsub.f32 v17, v22  }
0x538: {  	v15 =	vmul.f32 v13, v15;
	v61 =	vsub.f32 v60, v27;
	v62 =	vmul.f32 v14, v19  }
0x539: {  	v63 =	vsub.f32 v57, v59;
	v17 =	vmul.f32 v10, v17  }
0x53a: {  	v12 =	vsub.f32 v12, v15;
	v16 =	vmul.f32 v8, v61;
	v15 =	vmul.f32 v62, v14  }
0x53b: {  	v10 =	vmul.f32 v10, v11;
	v8 =	vmul.f32 v8, v13  }
0x53c: {  	v12 =	vmul.f32 v63, v12;
	v11 =	vadd.f32 v16, v17;
	v13 =	vsub.f32 $1.500000000e+00, v15  }
0x53d: {  	v9 =	vmul.f32 v63, v9  }
0x53e: {  	v8 =	vadd.f32 v8, v10;
	v10 =	vadd.f32 v11, v12;
	v11 =	vmul.f32 v13, v14;
	_ =	sdelay $0x1  }
0x53f: {  	v8 =	vadd.f32 v8, v9;
	v9 =	vmul.f32 v11, v10;
	_ =	sdelay $0x1  }
0x540: {  	v10 =	vmul.f32 v8, v8;
	v11 =	vmul.f32 v9, v9;
	_ =	sdelay $0x1  }
0x541: {  	v10 =	vadd.f32 v11, v10;
	_ =	sdelay $0x1  }
0x542: {  	v11 =	vmax.f32 v10, $1.000000000e-30  }
0x543: {  	v12 =	vshra.s32 v11, $0x1;
	v11 =	vmul.f32 $5.000000000e-01, v11  }
0x544: {  	v12 =	vsub.s32 $0x5F3759DF, v12  }
0x545: {  	v13 =	vmul.f32 v12, v11;
	_ =	sdelay $0x1  }
0x546: {  	v13 =	vmul.f32 v12, v13;
	_ =	sdelay $0x1  }
0x547: {  	v13 =	vsub.f32 $1.500000000e+00, v13;
	_ =	sdelay $0x1  }
0x548: {  	v12 =	vmul.f32 v12, v13;
	_ =	sdelay $0x1  }
0x549: {  	v13 =	vmul.f32 v12, v11;
	_ =	sdelay $0x1  }
0x54a: {  	v13 =	vmul.f32 v13, v12;
	_ =	sdelay $0x1  }
0x54b: {  	v13 =	vsub.f32 $1.500000000e+00, v13;
	_ =	sdelay $0x1  }
0x54c: {  	v12 =	vmul.f32 v13, v12;
	_ =	sdelay $0x1  }
0x54d: {  	v11 =	vmul.f32 v12, v11;
	_ =	sdelay $0x1  }
0x54e: {  	v11 =	vmul.f32 v11, v12;
	_ =	sdelay $0x1  }
0x54f: {  	v11 =	vsub.f32 $1.500000000e+00, v11;
	_ =	sdelay $0x1  }
0x550: {  	v11 =	vmul.f32 v11, v12;
	_ =	sdelay $0x1  }
0x551: {  	v8 =	vmul.f32 v11, v8;
	v9 =	vmul.f32 v11, v9  }
0x552: {  	vm0 =	vlt.f32 v10, $1.000000000e-30  }
0x553: {  	v13 =	vld.idx.msk [tilespmem:v6+s19+$0x0], $0xffff;
	v11 =	vsel vm0, $0x3F800000, v8;
	v9 =	vsel vm0, $0x0, v9  }
0x554: {  	s26 =	simm.s32 $0xC80;
	s14 =	simm.s32 $0x10;
	s13 =	simm.s32 $0xC80;
	v14 =	vor.u32 $0x3, v6;
	v8 =	vld.idx.msk [tilespmem:v21+s19+$0x0], $0xffff;
	v10 =	vadd.f32 v11, v11;
	v12 =	vadd.f32 v9, v9  }
.LBB2_22:
0x555: {  	p1 =	sne.s32 s14, $0x310  }
0x556: {  	v15 =	vmul.f32 v10, v11;
	v16 =	vor.u32 $0x6, v6;
	s13 =	sadd.s32 $0x10, s13;
	s15 =	smov.u32 s14;
	s14 =	sadd.s32 $0x10, s14  }
0x557: {  	v18 =	vor.u32 $0x4, v6;
	v19 =	vor.u32 $0x5, v6;
	v17 =	vmov s15  }
0x558: {  	v13 =	vmul.f32 v11, v13;
	v6 =	vshll.u32 v17, $0x3;
	v15 =	vadd.f32 $-1.000000000e+00, v15;
	v17 =	vld.idx.msk [tilespmem:v7+s19+$0x0], $0xffff  }
0x559: {  	v20 =	vadd.s32 v4, v6;
	v21 =	vadd.s32 v3, v6;
	v22 =	vadd.s32 v2, v6  }
0x55a: {  	v23 =	vor.u32 $0x1, v20;
	v24 =	vor.u32 $0x1, v21;
	v25 =	vmul.f32 v15, v10;
	v14 =	vld.idx.msk [tilespmem:v14+s19+$0x0], $0xffff  }
0x55b: {  	v6 =	vor.u32 v0, v6;
	v26 =	vor.u32 $0x2, v21;
	v15 =	vmul.f32 v15, v8  }
0x55c: {  	v8 =	vor.u32 $0x1, v6;
	v7 =	vor.u32 $0x2, v6;
	v25 =	vsub.f32 v25, v11;
	v18 =	vld.idx.msk [tilespmem:v18+s19+$0x0], $0xffff  }
0x55d: {  	v27 =	vor.u32 $0x1, v22;
	v28 =	vor.u32 $0x2, v22;
	v11 =	vmul.f32 v12, v11  }
0x55e: {  	v12 =	vor.u32 $0x2, v20;
	v13 =	vadd.f32 v15, v13;
	v19 =	vld.idx.msk [tilespmem:v19+s19+$0x0], $0xffff;
	v15 =	vmul.f32 v25, v17  }
0x55f: {  	v10 =	vmul.f32 v11, v10  }
0x560: {  	v14 =	vmul.f32 v9, v14;
	v13 =	vadd.f32 v15, v13;
	v15 =	vld [tilespmem:s26+$0x0];
	s26 =	smov.u32 s13  }
0x561: {  	v9 =	vsub.f32 v10, v9  }
0x562: {  	v11 =	vmul.f32 v11, v18;
	v10 =	vld.idx.msk [tilespmem:v16+s19+$0x0], $0xffff;
	v13 =	vadd.f32 v13, v14;
	_ =	sdelay $0x1  }
0x563: {  	v9 =	vmul.f32 v9, v19;
	v11 =	vadd.f32 v13, v11  }
0x564: {  	v13 =	vadd.s32 v5, v15  }
0x565: {  	v9 =	vadd.f32 v11, v9;
	_ =	sdelay $0x1  }
0x566: {  	v9 =	vsub.f32 v10, v9;
	_ =	sdelay $0x1  }
0x567: {  	[tilespmem:v13+s24+$0x0] =	vst.idx.add.f32.msk $0xffff, v9  }
0x568: {  	v9 =	vld.idx.msk [tilespmem:v28+s11+$0x0], $0xffff  }
0x569: {  	v10 =	vld.idx.msk [tilespmem:v20+s11+$0x0], $0xffff  }
0x56a: {  	v11 =	vld.idx.msk [tilespmem:v6+s11+$0x0], $0xffff  }
0x56b: {  	v12 =	vld.idx.msk [tilespmem:v12+s11+$0x0], $0xffff  }
0x56c: {  	v13 =	vld.idx.msk [tilespmem:v7+s11+$0x0], $0xffff  }
0x56d: {  	v14 =	vld.idx.msk [tilespmem:v26+s11+$0x0], $0xffff  }
0x56e: {  	v15 =	vld.idx.msk [tilespmem:v21+s11+$0x0], $0xffff  }
0x56f: {  	v16 =	vld.idx.msk [tilespmem:v23+s11+$0x0], $0xffff  }
0x570: {  	v17 =	vld.idx.msk [tilespmem:v24+s11+$0x0], $0xffff  }
0x571: {  	v11 =	vsub.f32 v10, v11;
	v18 =	vld.idx.msk [tilespmem:v8+s11+$0x0], $0xffff  }
0x572: {  	v19 =	vld.idx.msk [tilespmem:v27+s11+$0x0], $0xffff  }
0x573: {  	v13 =	vsub.f32 v12, v13;
	v9 =	vsub.f32 v9, v14  }
0x574: {  	v10 =	vsub.f32 v15, v10;
	_ =	sdelay $0x1  }
0x575: {  	v12 =	vsub.f32 v14, v12;
	v20 =	vsub.f32 v17, v16;
	v14 =	vmul.f32 v10, v13  }
0x576: {  	v16 =	vsub.f32 v16, v18;
	v18 =	vmul.f32 v9, v10;
	v21 =	vld.idx.msk [tilespmem:v22+s11+$0x0], $0xffff;
	v22 =	vmul.f32 v10, v10  }
0x577: {  	v17 =	vsub.f32 v19, v17;
	v19 =	vmul.f32 v20, v11;
	v23 =	vmul.f32 v20, v20  }
0x578: {  	v11 =	vmul.f32 v12, v11;
	v24 =	vmul.f32 v12, v16  }
0x579: {  	v25 =	vmul.f32 v17, v10;
	v22 =	vadd.f32 v23, v22;
	v23 =	vmul.f32 v12, v12  }
0x57a: {  	v13 =	vmul.f32 v20, v13;
	v11 =	vsub.f32 v14, v11;
	v14 =	vmul.f32 v10, v16  }
0x57b: {  	v16 =	vmul.f32 v17, v12;
	v17 =	vadd.f32 v23, v22  }
0x57c: {  	v9 =	vmul.f32 v9, v20;
	v14 =	vsub.f32 v19, v14;
	v19 =	vmul.f32 v11, v12  }
0x57d: {  	v13 =	vsub.f32 v24, v13;
	v15 =	vsub.f32 v21, v15;
	v17 =	vmax.f32 v17, $1.000000000e-30  }
0x57e: {  	v21 =	vmul.f32 v14, v20;
	v22 =	vshra.s32 v17, $0x1;
	v17 =	vmul.f32 $5.000000000e-01, v17  }
0x57f: {  	v24 =	vmul.f32 v14, v10;
	v23 =	vmul.f32 v15, v20;
	v22 =	vsub.s32 $0x5F3759DF, v22  }
0x580: {  	v19 =	vsub.f32 v19, v21;
	v21 =	vmul.f32 v13, v12;
	v26 =	vmul.f32 v22, v17  }
0x581: {  	v9 =	vsub.f32 v9, v16;
	v12 =	vmul.f32 v15, v12;
	v15 =	vmul.f32 v13, v20  }
0x582: {  	v16 =	vsub.f32 v25, v23;
	v20 =	vsub.f32 v24, v21;
	v21 =	vmul.f32 v22, v26  }
0x583: {  	v13 =	vmul.f32 v9, v13;
	v12 =	vsub.f32 v12, v18;
	v9 =	vmul.f32 v9, v19  }
0x584: {  	v10 =	vmul.f32 v11, v10;
	v14 =	vmul.f32 v16, v14;
	v18 =	vsub.f32 $1.500000000e+00, v21  }
0x585: {  	v11 =	vmul.f32 v12, v11;
	v12 =	vmul.f32 v12, v20  }
0x586: {  	v18 =	vmul.f32 v22, v18  }
0x587: {  	v11 =	vadd.f32 v11, v13;
	v9 =	vadd.f32 v12, v9  }
0x588: {  	v12 =	vmul.f32 v18, v17;
	_ =	sdelay $0x1  }
0x589: {  	v12 =	vmul.f32 v12, v18;
	_ =	sdelay $0x1  }
0x58a: {  	v12 =	vsub.f32 $1.500000000e+00, v12;
	_ =	sdelay $0x1  }
0x58b: {  	v12 =	vmul.f32 v12, v18;
	_ =	sdelay $0x1  }
0x58c: {  	v13 =	vmul.f32 v12, v17;
	_ =	sdelay $0x1  }
0x58d: {  	v10 =	vsub.f32 v15, v10;
	v13 =	vmul.f32 v13, v12;
	_ =	sdelay $0x1  }
0x58e: {  	v10 =	vmul.f32 v16, v10;
	v13 =	vsub.f32 $1.500000000e+00, v13;
	_ =	sdelay $0x1  }
0x58f: {  	v9 =	vadd.f32 v9, v10;
	v10 =	vmul.f32 v13, v12;
	_ =	sdelay $0x1  }
0x590: {  	v11 =	vadd.f32 v11, v14;
	v9 =	vmul.f32 v10, v9;
	_ =	sdelay $0x1  }
0x591: {  	v10 =	vmul.f32 v11, v11;
	v12 =	vmul.f32 v9, v9;
	_ =	sdelay $0x1  }
0x592: {  	v10 =	vadd.f32 v12, v10;
	_ =	sdelay $0x1  }
0x593: {  	v12 =	vmax.f32 v10, $1.000000000e-30  }
0x594: {  	v13 =	vshra.s32 v12, $0x1;
	v12 =	vmul.f32 $5.000000000e-01, v12  }
0x595: {  	v13 =	vsub.s32 $0x5F3759DF, v13  }
0x596: {  	v14 =	vmul.f32 v13, v12;
	_ =	sdelay $0x1  }
0x597: {  	v14 =	vmul.f32 v13, v14;
	_ =	sdelay $0x1  }
0x598: {  	v14 =	vsub.f32 $1.500000000e+00, v14;
	_ =	sdelay $0x1  }
0x599: {  	v13 =	vmul.f32 v13, v14;
	_ =	sdelay $0x1  }
0x59a: {  	v14 =	vmul.f32 v13, v12;
	_ =	sdelay $0x1  }
0x59b: {  	v14 =	vmul.f32 v14, v13;
	_ =	sdelay $0x1  }
0x59c: {  	v14 =	vsub.f32 $1.500000000e+00, v14;
	_ =	sdelay $0x1  }
0x59d: {  	v13 =	vmul.f32 v14, v13;
	_ =	sdelay $0x1  }
0x59e: {  	v12 =	vmul.f32 v13, v12;
	_ =	sdelay $0x1  }
0x59f: {  	v12 =	vmul.f32 v12, v13;
	_ =	sdelay $0x1  }
0x5a0: {  	v12 =	vsub.f32 $1.500000000e+00, v12;
	_ =	sdelay $0x1  }
0x5a1: {  	v12 =	vmul.f32 v12, v13;
	_ =	sdelay $0x1  }
.Ltmp10:
0x5a2: {  	v11 =	vmul.f32 v12, v11;
	v9 =	vmul.f32 v12, v9;
	(pc) =	sbr.rel @p1 .LBB2_22-.Ltmp10, $4  }
0x5a3: {  	vm0 =	vlt.f32 v10, $1.000000000e-30;
	v13 =	vld.idx.msk [tilespmem:v6+s19+$0x0], $0xffff  }
0x5a4: {  	v11 =	vsel vm0, $0x3F800000, v11;
	v9 =	vsel vm0, $0x0, v9  }
0x5a5: {  	v10 =	vadd.f32 v11, v11;
	v12 =	vadd.f32 v9, v9  }
0x5a6: {  	v14 =	vor.u32 $0x3, v6;
	v8 =	vld.idx.msk [tilespmem:v8+s19+$0x0], $0xffff  }
0x5a7: {  	_ = 	snop  }
0x5a8: {  	v15 =	vmul.f32 v10, v11;
	_ =	sdelay $0x1  }
0x5a9: {  	v16 =	vor.u32 $0x4, v6;
	v15 =	vadd.f32 $-1.000000000e+00, v15  }
0x5aa: {  	v7 =	vld.idx.msk [tilespmem:v7+s19+$0x0], $0xffff  }
0x5ab: {  	v17 =	vor.u32 $0x5, v6;
	v18 =	vmul.f32 v15, v10  }
0x5ac: {  	v14 =	vld.idx.msk [tilespmem:v14+s19+$0x0], $0xffff  }
0x5ad: {  	v13 =	vmul.f32 v11, v13;
	v8 =	vmul.f32 v15, v8;
	v54 =	vsub.f32 v18, v11  }
0x5ae: {  	v6 =	vor.u32 $0x6, v6;
	v16 =	vld.idx.msk [tilespmem:v16+s19+$0x0], $0xffff  }
0x5af: {  	v55 =	vmul.f32 v12, v11;
	v8 =	vadd.f32 v8, v13;
	v7 =	vmul.f32 v54, v7  }
0x5b0: {  	v56 =	vld.idx.msk [tilespmem:v17+s19+$0x0], $0xffff  }
0x5b1: {  	v59 =	vld [tilespmem:s26+$0x0];
	v57 =	vmul.f32 v55, v10;
	v58 =	vmul.f32 v9, v14;
	v7 =	vadd.f32 v7, v8;
	_ =	sdelay $0x1  }
0x5b2: {  	v60 =	vsub.f32 v57, v9;
	v61 =	vmul.f32 v55, v16;
	v7 =	vadd.f32 v7, v58  }
0x5b3: {  	v6 =	vld.idx.msk [tilespmem:v6+s19+$0x0], $0xffff  }
0x5b4: {  	v62 =	vmul.f32 v60, v56;
	v7 =	vadd.f32 v7, v61  }
0x5b5: {  	v63 =	vadd.s32 v5, v59  }
0x5b6: {  	v7 =	vadd.f32 v7, v62;
	_ =	sdelay $0x1  }
0x5b7: {  	v6 =	vsub.f32 v6, v7;
	_ =	sdelay $0x1  }
0x5b8: {  	s13 =	rddreg [dreg:$0x14];
	s14 =	simm.s32 $0x4;
	[tilespmem:v63+s24+$0x0] =	vst.idx.add.f32.msk $0xffff, v6  }
0x5b9: {  	[hbm4b:s13+s3] =	stream.linear.scatter [tilespmem:s24], [sflag:$0x4], $0x400, $0x38;
	[tilespmem:$0x1CDD0] =	vst v63  }
0x5ba: {  	_ =	swait.ge [sflag:s14], $0x400  }
0x5bb: {  	s15 =	rddreg [dreg:$0x16]  }
0x5bc: {  	s29 =	rddreg [dreg:$0x15];
	s15 =	sadd.s32 $0x1, s15  }
0x5bd: {  	p1 =	sne.s32 s15, s29  }
.Ltmp11:
0x5be: {  	_ = 	snop;
	(pc) =	sbr.rel @p1 .LBB2_1-.Ltmp11, $3  }
0x5bf: {  	_ =	sdelay $0x1  }
0x5c0: {  	[sflag:s14] =	ssyncset.done $0x0  }
0x5c1: {  	[sflag:s14] =	ssyncadd.s32 $0xFFFFFC00  }
0x5c2: {  	_ =	sfence.sel $0x180000  }
0x5c3: {  	[bflag:$0x0] =	sbarrier.arrive $0xFFFF  }
0x5c4: {  	_ =	strace $0x90000047  }
0x5c5: {  	[bflag:$0x2] =	sbarrier.arrive $0xFFFF  }
0x5c6: {  	s0 =	rddreg [dreg:$0x3]  }
0x5c7: {  	s0 =	sadd.s32 @!p0 $0x100000, s0  }
0x5c8: {  	[sflag:s0] =	ssyncadd.tile.s32 @!p0 $0x1;
	_ =	shalt  }
.Lfunc_end2:
_tile_overlayer_lowered:
.L_overlay_start_2:
0x5c9: {  	(tag) =	ssettag $0x2  }
0x5ca: {  	s0 =	rddreg [dreg:$0x0];
	s2 =	stileid.u32  }
0x5cb: {  	s1 =	rddreg [dreg:$0x1];
	p0 =	sne.s32 s2, $0x0  }
0x5cc: {  	s3 =	rddreg [dreg:$0x2];
	[bflag:$0x3] =	sbarrier.arrive $0xFFFF;
	s2 =	simm.s32 @!p0 $0x1C04  }
0x5cd: {  	[timem:s3], [sflag:s2] =	dma.local @!p0 [hbm:s0], s1  }
0x5ce: {  	s0 =	simm.s32 @!p0 $0x4  }
0x5cf: {  	_ =	swait.ge @!p0 [sflag:s0], s1  }
0x5d0: {  	s1 =	ssub.s32 @!p0 $0x0, s1;
	[sflag:s0] =	ssyncset.done @!p0 $0x0  }
0x5d1: {  	[sflag:s0] =	ssyncadd.s32 @!p0 s1  }
0x5d2: {  	[bflag:$0x3] =	sbarrier.arrive $0xFFFF  }
0x5d3: {  	_ =	shalt  }

</sc_bundles>
